<compile_context>
chip_gen: v7x
topology: tpu7x:2x2x1
jax: 0.10.2.dev20260603
libtpu: 0.0.44.dev20260713+nightly
codegen_flags: <defaults>
</compile_context>

<pallas_src>
import functools

import jax
import jax.numpy as jnp
from jax import lax
from jax.experimental import pallas as pl
from jax.experimental.pallas import tpu as pltpu
from jax.experimental.pallas import tpu_sc as plsc

EMB = 64
SEQ = 50

_info = plsc.get_sparse_core_info()
_NC = _info.num_cores
_NS = _info.num_subcores
_NW = _NC * _NS

CHUNK = 128
NBUF = 4
TPAD = 128


def _sc_gather_t(idx2, table, n_cols):
    n_blocks = idx2.shape[0]
    assert n_blocks % _NW == 0
    blocks_per_w = n_blocks // _NW
    assert blocks_per_w % NBUF == 0
    n_outer = blocks_per_w // NBUF
    cpr = n_cols // CHUNK

    mesh = plsc.VectorSubcoreMesh(core_axis_name="c", subcore_axis_name="s")

    scratch = (
        [pltpu.VMEM((blocks_per_w, CHUNK), jnp.int32)]
        + [pltpu.VMEM((CHUNK, EMB), jnp.float32) for _ in range(NBUF)]
        + [pltpu.VMEM((EMB, CHUNK + 1), jnp.float32) for _ in range(NBUF)]
        + [pltpu.SemaphoreType.DMA for _ in range(2 * NBUF)]
    )

    @functools.partial(
        pl.kernel,
        mesh=mesh,
        out_type=jax.ShapeDtypeStruct(
            (SEQ * (EMB // 8) * cpr, 8, CHUNK), jnp.float32
        ),
        compiler_params=pltpu.CompilerParams(
            use_tc_tiling_on_sc=False, needs_layout_passes=False
        ),
        scratch_types=scratch,
    )
    def k(idx_hbm, table_hbm, out_hbm, idx_v, *bufs_and_sems):
        m_bufs = bufs_and_sems[:NBUF]
        t_bufs = bufs_and_sems[NBUF : 2 * NBUF]
        gsem = bufs_and_sems[2 * NBUF : 3 * NBUF]
        osem = bufs_and_sems[3 * NBUF : 4 * NBUF]

        wid = lax.axis_index("s") * _NC + lax.axis_index("c")
        base_blk = wid * blocks_per_w
        pltpu.sync_copy(idx_hbm.at[pl.ds(base_blk, blocks_per_w)], idx_v)

        lanes = jnp.arange(16, dtype=jnp.int32)
        jvecs = [lanes + 16 * jc for jc in range(CHUNK // 16)]

        def gather_start(t, b):
            pltpu.async_copy(table_hbm.at[idx_v.at[t]], m_bufs[b], gsem[b])

        def gather_wait(t, b):
            pltpu.make_async_copy(
                table_hbm.at[idx_v.at[t]], m_bufs[b], gsem[b]
            ).wait()

        def write_start(t, b):
            blk = base_blk + t
            s = blk // cpr
            c = blk % cpr
            for eb in range(EMB // 8):
                tile = (s * (EMB // 8) + eb) * cpr + c
                pltpu.async_copy(
                    t_bufs[b].at[pl.ds(8 * eb, 8), pl.ds(0, CHUNK)],
                    out_hbm.at[tile],
                    osem[b],
                )

        def write_wait(t, b):
            blk = base_blk + t
            s = blk // cpr
            c = blk % cpr
            for eb in range(EMB // 8):
                tile = (s * (EMB // 8) + eb) * cpr + c
                pltpu.make_async_copy(
                    t_bufs[b].at[pl.ds(8 * eb, 8), pl.ds(0, CHUNK)],
                    out_hbm.at[tile],
                    osem[b],
                ).wait()

        evecs = [lanes + 16 * ec for ec in range(EMB // 16)]

        def transpose(b):
            m = m_bufs[b]
            mt = t_bufs[b]

            def jrow(j2, carry):
                jss = []
                vals = []
                for ju in range(4):
                    j = j2 * 4 + ju
                    jss.append(jnp.full((16,), 0, jnp.int32) + j)
                    for ec in range(EMB // 16):
                        vals.append(m[j, pl.ds(ec * 16, 16)])
                k = 0
                for ju in range(4):
                    for ec in range(EMB // 16):
                        plsc.store_scatter(mt, [evecs[ec], jss[ju]], vals[k])
                        k += 1
                return carry

            lax.fori_loop(0, CHUNK // 4, jrow, 0)

        for b in range(NBUF):
            gather_start(b, b)

        def outer(o, carry):
            for b in range(NBUF):
                t = o * NBUF + b

                gather_wait(t, b)

                @pl.when(o > 0)
                def _retire():
                    write_wait(t - NBUF, b)

                transpose(b)
                write_start(t, b)

                @pl.when(o < n_outer - 1)
                def _refill():
                    gather_start(t + NBUF, b)

            return carry

        lax.fori_loop(0, n_outer, outer, 0)

        for b in range(NBUF):
            write_wait((n_outer - 1) * NBUF + b, b)

    return k(idx2, table)


def kernel(indices, table):
    batch, seq = indices.shape
    idx2 = indices.T.reshape(seq * batch // CHUNK, CHUNK).astype(jnp.int32)
    table = jnp.pad(table, ((0, 0), (0, TPAD - EMB)))
    table = table.reshape(table.shape[0] * (TPAD // EMB), EMB)
    idx2 = idx2 * (TPAD // EMB)
    cpr = batch // CHUNK
    out_t = _sc_gather_t(idx2, table, batch)
    out6 = out_t.reshape(seq, EMB // 8, cpr, 8, CHUNK)
    return out6.transpose(2, 4, 0, 1, 3).reshape(batch, seq, EMB)

# --- scband reference (transcript-rebuilt; emitter-appended) ---
"""Pipeline reference for scband-lookup-embeddings-22170621182350 (READ-ONLY COPY).

The authoritative reference and input builder live on the scoring server;
editing this copy changes nothing except your own understanding.
"""

import jax, jax.numpy as jnp
import numpy as np

VOCAB = 1000000
EMB = 64
BATCH = 16384
SEQ = 50

def setup_inputs(seed: int = 0) -> dict:
    key = jax.random.key(seed)
    k_idx, k_tab = jax.random.split(key)
    indices = jax.random.randint(k_idx, (BATCH, SEQ), 0, VOCAB, dtype=jnp.int64 if jax.config.jax_enable_x64 else jnp.int32)
    table = jax.random.normal(k_tab, (VOCAB, EMB), dtype=jnp.float32) * 0.02
    return {"indices": indices, "table": table}

def reference(indices, table):
    # LookupEmbeddings.forward_batched_2d: each token index is looked up in the
    # nn.Embedding table (no fixed-embedder fallback since embedder is None).
    # Equivalent to a plain embedding gather over the flattened token lists,
    # reshaped back to [batch, seq, emb].
    return jnp.take(table, indices, axis=0)

if __name__ == "__main__":
    import jax
    _d = setup_inputs()
    print(jax.jit(kernel)(*tuple(_d.values())))

</pallas_src>

<mosaic_0001>
#map = affine_map<(d0, d1) -> (0, 0)>
#map1 = affine_map<(d0, d1) -> (0, 0, 0)>
module attributes {stable_mosaic.version = 14 : i64} {
  func.func @k(%arg0: i32, %arg1: i32, %arg2: memref<6400x128xi32, #tpu.memory_space<hbm>>, %arg3: memref<2000000x64xf32, #tpu.memory_space<hbm>>, %arg4: memref<51200x8x128xf32, #tpu.memory_space<hbm>>, %arg5: memref<200x128xi32, #tpu.memory_space<vmem>>, %arg6: memref<128x64xf32, #tpu.memory_space<vmem>>, %arg7: memref<128x64xf32, #tpu.memory_space<vmem>>, %arg8: memref<128x64xf32, #tpu.memory_space<vmem>>, %arg9: memref<128x64xf32, #tpu.memory_space<vmem>>, %arg10: memref<64x129xf32, #tpu.memory_space<vmem>>, %arg11: memref<64x129xf32, #tpu.memory_space<vmem>>, %arg12: memref<64x129xf32, #tpu.memory_space<vmem>>, %arg13: memref<64x129xf32, #tpu.memory_space<vmem>>, %arg14: memref<!tpu.dma_semaphore, #tpu.memory_space<semaphore_mem>>, %arg15: memref<!tpu.dma_semaphore, #tpu.memory_space<semaphore_mem>>, %arg16: memref<!tpu.dma_semaphore, #tpu.memory_space<semaphore_mem>>, %arg17: memref<!tpu.dma_semaphore, #tpu.memory_space<semaphore_mem>>, %arg18: memref<!tpu.dma_semaphore, #tpu.memory_space<semaphore_mem>>, %arg19: memref<!tpu.dma_semaphore, #tpu.memory_space<semaphore_mem>>, %arg20: memref<!tpu.dma_semaphore, #tpu.memory_space<semaphore_mem>>, %arg21: memref<!tpu.dma_semaphore, #tpu.memory_space<semaphore_mem>>) attributes {dimension_semantics = [#tpu.dimension_semantics<core_parallel>, #tpu.dimension_semantics<subcore_parallel>], iteration_bounds = array<i64: 2, 16>, scalar_prefetch = 0 : i64, scratch_operands = 17 : i64, tpu.core_type = #tpu.core_type<sc_vector_subcore>, window_params = [{transform_indices = #map}, {transform_indices = #map}, {transform_indices = #map1}]} {
    %mul3A = arith.constant 2 : i32
    %mul3A_0 = arith.muli %arg1, %mul3A : i32
    %add3A = arith.addi %mul3A_0, %arg0 : i32
    %mul3A_1 = arith.constant 200 : i32
    %mul3A_2 = arith.muli %add3A, %mul3A_1 : i32
    "tpu.region"() ({
      %run_scoped3A = tpu.sem_alloc : memref<!tpu.dma_semaphore, #tpu.memory_space<semaphore_mem>>
      %dma_start3A_900 = arith.constant 0 : i32
      %dma_start3A_901 = tpu.memref_slice %arg2[%mul3A_2, %dma_start3A_900] : memref<6400x128xi32, #tpu.memory_space<hbm>> -> memref<200x128xi32, #tpu.memory_space<hbm>>
      %dma_start3A_902 = arith.constant 0 : i32
      %dma_start3A_903 = tpu.memref_slice %arg2[%mul3A_2, %dma_start3A_902] : memref<6400x128xi32, #tpu.memory_space<hbm>> -> memref<200x128xi32, #tpu.memory_space<hbm>>
      tpu.enqueue_dma source(%dma_start3A_903 : memref<200x128xi32, #tpu.memory_space<hbm>>) target(%arg5 : memref<200x128xi32, #tpu.memory_space<vmem>>) target_semaphore(%run_scoped3A : memref<!tpu.dma_semaphore, #tpu.memory_space<semaphore_mem>>)
      %dma_wait3A_904 = arith.constant 0 : i32
      %dma_wait3A_905 = tpu.memref_slice %arg2[%mul3A_2, %dma_wait3A_904] : memref<6400x128xi32, #tpu.memory_space<hbm>> -> memref<200x128xi32, #tpu.memory_space<hbm>>
      %dma_wait3A_906 = arith.constant 0 : i32
      %dma_wait3A_907 = tpu.memref_slice %arg2[%mul3A_2, %dma_wait3A_906] : memref<6400x128xi32, #tpu.memory_space<hbm>> -> memref<200x128xi32, #tpu.memory_space<hbm>>
      tpu.wait_dma2 semaphore(%run_scoped3A : memref<!tpu.dma_semaphore, #tpu.memory_space<semaphore_mem>>) src(%dma_wait3A_907 : memref<200x128xi32, #tpu.memory_space<hbm>>) dst(%arg5 : memref<200x128xi32, #tpu.memory_space<vmem>>)
      tpu.yield
    }) : () -> ()
    %iota3A = tpu.iota {dimensions = array<i32: 0>} : vector<16xi32>
    %add3A_3 = arith.constant 0 : i32
    %add3A_4 = vector.broadcast %add3A_3 : i32 to vector<16xi32>
    %add3A_5 = arith.addi %iota3A, %add3A_4 : vector<16xi32>
    %add3A_6 = arith.constant 16 : i32
    %add3A_7 = vector.broadcast %add3A_6 : i32 to vector<16xi32>
    %add3A_8 = arith.addi %iota3A, %add3A_7 : vector<16xi32>
    %add3A_9 = arith.constant 32 : i32
    %add3A_10 = vector.broadcast %add3A_9 : i32 to vector<16xi32>
    %add3A_11 = arith.addi %iota3A, %add3A_10 : vector<16xi32>
    %add3A_12 = arith.constant 48 : i32
    %add3A_13 = vector.broadcast %add3A_12 : i32 to vector<16xi32>
    %add3A_14 = arith.addi %iota3A, %add3A_13 : vector<16xi32>
    %add3A_15 = arith.constant 64 : i32
    %add3A_16 = vector.broadcast %add3A_15 : i32 to vector<16xi32>
    %add3A_17 = arith.addi %iota3A, %add3A_16 : vector<16xi32>
    %add3A_18 = arith.constant 80 : i32
    %add3A_19 = vector.broadcast %add3A_18 : i32 to vector<16xi32>
    %add3A_20 = arith.addi %iota3A, %add3A_19 : vector<16xi32>
    %add3A_21 = arith.constant 96 : i32
    %add3A_22 = vector.broadcast %add3A_21 : i32 to vector<16xi32>
    %add3A_23 = arith.addi %iota3A, %add3A_22 : vector<16xi32>
    %add3A_24 = arith.constant 112 : i32
    %add3A_25 = vector.broadcast %add3A_24 : i32 to vector<16xi32>
    %add3A_26 = arith.addi %iota3A, %add3A_25 : vector<16xi32>
    %add3A_27 = arith.constant 0 : i32
    %add3A_28 = vector.broadcast %add3A_27 : i32 to vector<16xi32>
    %add3A_29 = arith.addi %iota3A, %add3A_28 : vector<16xi32>
    %add3A_30 = arith.constant 16 : i32
    %add3A_31 = vector.broadcast %add3A_30 : i32 to vector<16xi32>
    %add3A_32 = arith.addi %iota3A, %add3A_31 : vector<16xi32>
    %add3A_33 = arith.constant 32 : i32
    %add3A_34 = vector.broadcast %add3A_33 : i32 to vector<16xi32>
    %add3A_35 = arith.addi %iota3A, %add3A_34 : vector<16xi32>
    %add3A_36 = arith.constant 48 : i32
    %add3A_37 = vector.broadcast %add3A_36 : i32 to vector<16xi32>
    %add3A_38 = arith.addi %iota3A, %add3A_37 : vector<16xi32>
    %dma_start3A = arith.constant 0 : i32
    %dma_start3A_39 = arith.constant 0 : i32
    %dma_start3A_40 = tpu.memref_slice %arg5[%dma_start3A, %dma_start3A_39] : memref<200x128xi32, #tpu.memory_space<vmem>> -> memref<1x128xi32, #tpu.memory_space<vmem>>
    %dma_start3A_41 = tpu.memref_squeeze %dma_start3A_40 : memref<1x128xi32, #tpu.memory_space<vmem>> -> memref<128xi32, #tpu.memory_space<vmem>>
    %dma_start3A_42 = arith.constant 0 : i32
    %dma_start3A_43 = arith.constant 0 : i32
    %dma_start3A_44 = tpu.memref_slice %arg3[%dma_start3A_42, %dma_start3A_43] : memref<2000000x64xf32, #tpu.memory_space<hbm>> -> memref<2000000x64xf32, #tpu.memory_space<hbm>>
    tpu.enqueue_indirect_dma source(%dma_start3A_44 : memref<2000000x64xf32, #tpu.memory_space<hbm>>) target(%arg6 : memref<128x64xf32, #tpu.memory_space<vmem>>) offsets(%dma_start3A_41 : memref<128xi32, #tpu.memory_space<vmem>>) semaphore(%arg14 : memref<!tpu.dma_semaphore, #tpu.memory_space<semaphore_mem>>)
    %dma_start3A_45 = arith.constant 1 : i32
    %dma_start3A_46 = arith.constant 0 : i32
    %dma_start3A_47 = tpu.memref_slice %arg5[%dma_start3A_45, %dma_start3A_46] : memref<200x128xi32, #tpu.memory_space<vmem>> -> memref<1x128xi32, #tpu.memory_space<vmem>>
    %dma_start3A_48 = tpu.memref_squeeze %dma_start3A_47 : memref<1x128xi32, #tpu.memory_space<vmem>> -> memref<128xi32, #tpu.memory_space<vmem>>
    %dma_start3A_49 = arith.constant 0 : i32
    %dma_start3A_50 = arith.constant 0 : i32
    %dma_start3A_51 = tpu.memref_slice %arg3[%dma_start3A_49, %dma_start3A_50] : memref<2000000x64xf32, #tpu.memory_space<hbm>> -> memref<2000000x64xf32, #tpu.memory_space<hbm>>
    tpu.enqueue_indirect_dma source(%dma_start3A_51 : memref<2000000x64xf32, #tpu.memory_space<hbm>>) target(%arg7 : memref<128x64xf32, #tpu.memory_space<vmem>>) offsets(%dma_start3A_48 : memref<128xi32, #tpu.memory_space<vmem>>) semaphore(%arg15 : memref<!tpu.dma_semaphore, #tpu.memory_space<semaphore_mem>>)
    %dma_start3A_52 = arith.constant 2 : i32
    %dma_start3A_53 = arith.constant 0 : i32
    %dma_start3A_54 = tpu.memref_slice %arg5[%dma_start3A_52, %dma_start3A_53] : memref<200x128xi32, #tpu.memory_space<vmem>> -> memref<1x128xi32, #tpu.memory_space<vmem>>
    %dma_start3A_55 = tpu.memref_squeeze %dma_start3A_54 : memref<1x128xi32, #tpu.memory_space<vmem>> -> memref<128xi32, #tpu.memory_space<vmem>>
    %dma_start3A_56 = arith.constant 0 : i32
    %dma_start3A_57 = arith.constant 0 : i32
    %dma_start3A_58 = tpu.memref_slice %arg3[%dma_start3A_56, %dma_start3A_57] : memref<2000000x64xf32, #tpu.memory_space<hbm>> -> memref<2000000x64xf32, #tpu.memory_space<hbm>>
    tpu.enqueue_indirect_dma source(%dma_start3A_58 : memref<2000000x64xf32, #tpu.memory_space<hbm>>) target(%arg8 : memref<128x64xf32, #tpu.memory_space<vmem>>) offsets(%dma_start3A_55 : memref<128xi32, #tpu.memory_space<vmem>>) semaphore(%arg16 : memref<!tpu.dma_semaphore, #tpu.memory_space<semaphore_mem>>)
    %dma_start3A_59 = arith.constant 3 : i32
    %dma_start3A_60 = arith.constant 0 : i32
    %dma_start3A_61 = tpu.memref_slice %arg5[%dma_start3A_59, %dma_start3A_60] : memref<200x128xi32, #tpu.memory_space<vmem>> -> memref<1x128xi32, #tpu.memory_space<vmem>>
    %dma_start3A_62 = tpu.memref_squeeze %dma_start3A_61 : memref<1x128xi32, #tpu.memory_space<vmem>> -> memref<128xi32, #tpu.memory_space<vmem>>
    %dma_start3A_63 = arith.constant 0 : i32
    %dma_start3A_64 = arith.constant 0 : i32
    %dma_start3A_65 = tpu.memref_slice %arg3[%dma_start3A_63, %dma_start3A_64] : memref<2000000x64xf32, #tpu.memory_space<hbm>> -> memref<2000000x64xf32, #tpu.memory_space<hbm>>
    tpu.enqueue_indirect_dma source(%dma_start3A_65 : memref<2000000x64xf32, #tpu.memory_space<hbm>>) target(%arg9 : memref<128x64xf32, #tpu.memory_space<vmem>>) offsets(%dma_start3A_62 : memref<128xi32, #tpu.memory_space<vmem>>) semaphore(%arg17 : memref<!tpu.dma_semaphore, #tpu.memory_space<semaphore_mem>>)
    %scan3A = arith.constant 0 : i32
    %scan3A_66 = arith.constant 0 : i32
    %scan3A_67 = arith.constant 50 : i32
    %scan3A_68 = arith.addi %scan3A_66, %scan3A_67 : i32
    %scan3A_69 = arith.constant 1 : i32
    scf.for %scan3A_900 = %scan3A_66 to %scan3A_68 step %scan3A_69  : i32 {
      %mul3A_901 = arith.constant 4 : i32
      %mul3A_902 = arith.muli %scan3A_900, %mul3A_901 : i32
      %add3A_903 = arith.constant 0 : i32
      %add3A_904 = arith.addi %mul3A_902, %add3A_903 : i32
      %dma_wait3A_905 = arith.constant 0 : i32
      %dma_wait3A_906 = tpu.memref_slice %arg5[%add3A_904, %dma_wait3A_905] : memref<200x128xi32, #tpu.memory_space<vmem>> -> memref<1x128xi32, #tpu.memory_space<vmem>>
      %dma_wait3A_907 = tpu.memref_squeeze %dma_wait3A_906 : memref<1x128xi32, #tpu.memory_space<vmem>> -> memref<128xi32, #tpu.memory_space<vmem>>
      %dma_wait3A_908 = arith.constant 0 : i32
      %dma_wait3A_909 = arith.constant 0 : i32
      %dma_wait3A_910 = tpu.memref_slice %arg3[%dma_wait3A_908, %dma_wait3A_909] : memref<2000000x64xf32, #tpu.memory_space<hbm>> -> memref<2000000x64xf32, #tpu.memory_space<hbm>>
      tpu.wait_indirect_dma semaphore(%arg14 : memref<!tpu.dma_semaphore, #tpu.memory_space<semaphore_mem>>) src(%dma_wait3A_910 : memref<2000000x64xf32, #tpu.memory_space<hbm>>) dst(%arg6 : memref<128x64xf32, #tpu.memory_space<vmem>>)
      %gt3A = arith.constant 0 : i32
      %gt3A_911 = arith.cmpi sgt, %scan3A_900, %gt3A : i32
      %convert_element_type3A = arith.extui %gt3A_911 : i1 to i32
      %cond3A = arith.constant 0 : i32
      %cond3A_912 = arith.cmpi ne, %convert_element_type3A, %cond3A : i32
      scf.if %cond3A_912 {
        %sub3A_1838 = arith.constant 4 : i32
        %sub3A_1839 = arith.subi %add3A_904, %sub3A_1838 : i32
        %add3A_1840 = arith.addi %mul3A_2, %sub3A_1839 : i32
        %jit3A_1841 = arith.constant 128 : i32
        %div3A_1842 = arith.divsi %add3A_1840, %jit3A_1841 : i32
        %sign3A_1843 = arith.constant 0 : i32
        %sign3A_1844 = arith.cmpi sgt, %add3A_1840, %sign3A_1843 : i32
        %sign3A_1845 = arith.extui %sign3A_1844 : i1 to i32
        %sign3A_1846 = arith.constant 0 : i32
        %sign3A_1847 = arith.cmpi slt, %add3A_1840, %sign3A_1846 : i32
        %sign3A_1848 = arith.extui %sign3A_1847 : i1 to i32
        %sign3A_1849 = arith.subi %sign3A_1845, %sign3A_1848 : i32
        %sign3A_1850 = arith.constant 0 : i32
        %sign3A_1851 = arith.cmpi sgt, %jit3A_1841, %sign3A_1850 : i32
        %sign3A_1852 = arith.extui %sign3A_1851 : i1 to i32
        %sign3A_1853 = arith.constant 0 : i32
        %sign3A_1854 = arith.cmpi slt, %jit3A_1841, %sign3A_1853 : i32
        %sign3A_1855 = arith.extui %sign3A_1854 : i1 to i32
        %sign3A_1856 = arith.subi %sign3A_1852, %sign3A_1855 : i32
        %ne3A_1857 = arith.cmpi ne, %sign3A_1849, %sign3A_1856 : i32
        %rem3A_1858 = arith.remsi %add3A_1840, %jit3A_1841 : i32
        %ne3A_1859 = arith.constant 0 : i32
        %ne3A_1860 = arith.cmpi ne, %rem3A_1858, %ne3A_1859 : i32
        %and3A_1861 = arith.andi %ne3A_1857, %ne3A_1860 : i1
        %sub3A_1862 = arith.constant 1 : i32
        %sub3A_1863 = arith.subi %div3A_1842, %sub3A_1862 : i32
        %select_n3A_1864 = arith.select %and3A_1861, %sub3A_1863, %div3A_1842 : i32
        %jit3A_1865 = arith.constant 128 : i32
        %eq3A_1866 = arith.constant 0 : i32
        %eq3A_1867 = arith.cmpi eq, %jit3A_1865, %eq3A_1866 : i32
        %jit3A_1868 = arith.constant 1 : i32
        %select_n3A_1869 = arith.select %eq3A_1867, %jit3A_1868, %jit3A_1865 : i32
        %rem3A_1870 = arith.remsi %add3A_1840, %select_n3A_1869 : i32
        %ne3A_1871 = arith.constant 0 : i32
        %ne3A_1872 = arith.cmpi ne, %rem3A_1870, %ne3A_1871 : i32
        %lt3A_1873 = arith.constant 0 : i32
        %lt3A_1874 = arith.cmpi slt, %rem3A_1870, %lt3A_1873 : i32
        %lt3A_1875 = arith.constant 0 : i32
        %lt3A_1876 = arith.cmpi slt, %select_n3A_1869, %lt3A_1875 : i32
        %ne3A_1877 = arith.xori %lt3A_1874, %lt3A_1876 : i1
        %and3A_1878 = arith.andi %ne3A_1877, %ne3A_1872 : i1
        %add3A_1879 = arith.addi %rem3A_1870, %select_n3A_1869 : i32
        %select_n3A_1880 = arith.select %and3A_1878, %add3A_1879, %rem3A_1870 : i32
        %mul3A_1881 = arith.constant 8 : i32
        %mul3A_1882 = arith.muli %select_n3A_1864, %mul3A_1881 : i32
        %add3A_1883 = arith.constant 0 : i32
        %add3A_1884 = arith.addi %mul3A_1882, %add3A_1883 : i32
        %mul3A_1885 = arith.constant 128 : i32
        %mul3A_1886 = arith.muli %add3A_1884, %mul3A_1885 : i32
        %add3A_1887 = arith.addi %mul3A_1886, %select_n3A_1880 : i32
        %dma_wait3A_1888 = arith.constant 0 : i32
        %dma_wait3A_1889 = arith.constant 0 : i32
        %dma_wait3A_1890 = tpu.memref_slice %arg10[%dma_wait3A_1888, %dma_wait3A_1889] : memref<64x129xf32, #tpu.memory_space<vmem>> -> memref<8x128xf32, #tpu.memory_space<vmem>>
        %dma_wait3A_1891 = arith.constant 0 : i32
        %dma_wait3A_1892 = arith.constant 0 : i32
        %dma_wait3A_1893 = tpu.memref_slice %arg4[%add3A_1887, %dma_wait3A_1891, %dma_wait3A_1892] : memref<51200x8x128xf32, #tpu.memory_space<hbm>> -> memref<1x8x128xf32, #tpu.memory_space<hbm>>
        %dma_wait3A_1894 = tpu.memref_squeeze %dma_wait3A_1893 : memref<1x8x128xf32, #tpu.memory_space<hbm>> -> memref<8x128xf32, #tpu.memory_space<hbm>>
        %dma_wait3A_1895 = arith.constant 0 : i32
        %dma_wait3A_1896 = arith.constant 0 : i32
        %dma_wait3A_1897 = tpu.memref_slice %arg4[%add3A_1887, %dma_wait3A_1895, %dma_wait3A_1896] : memref<51200x8x128xf32, #tpu.memory_space<hbm>> -> memref<1x8x128xf32, #tpu.memory_space<hbm>>
        %dma_wait3A_1898 = tpu.memref_squeeze %dma_wait3A_1897 : memref<1x8x128xf32, #tpu.memory_space<hbm>> -> memref<8x128xf32, #tpu.memory_space<hbm>>
        %dma_wait3A_1899 = arith.constant 0 : i32
        %dma_wait3A_1900 = arith.constant 0 : i32
        %dma_wait3A_1901 = tpu.memref_slice %arg10[%dma_wait3A_1899, %dma_wait3A_1900] : memref<64x129xf32, #tpu.memory_space<vmem>> -> memref<8x128xf32, #tpu.memory_space<vmem>>
        tpu.wait_dma2 semaphore(%arg18 : memref<!tpu.dma_semaphore, #tpu.memory_space<semaphore_mem>>) src(%dma_wait3A_1901 : memref<8x128xf32, #tpu.memory_space<vmem>>) dst(%dma_wait3A_1898 : memref<8x128xf32, #tpu.memory_space<hbm>>)
        %mul3A_1902 = arith.constant 8 : i32
        %mul3A_1903 = arith.muli %select_n3A_1864, %mul3A_1902 : i32
        %add3A_1904 = arith.constant 1 : i32
        %add3A_1905 = arith.addi %mul3A_1903, %add3A_1904 : i32
        %mul3A_1906 = arith.constant 128 : i32
        %mul3A_1907 = arith.muli %add3A_1905, %mul3A_1906 : i32
        %add3A_1908 = arith.addi %mul3A_1907, %select_n3A_1880 : i32
        %dma_wait3A_1909 = arith.constant 8 : i32
        %dma_wait3A_1910 = arith.constant 0 : i32
        %dma_wait3A_1911 = tpu.memref_slice %arg10[%dma_wait3A_1909, %dma_wait3A_1910] : memref<64x129xf32, #tpu.memory_space<vmem>> -> memref<8x128xf32, #tpu.memory_space<vmem>>
        %dma_wait3A_1912 = arith.constant 0 : i32
        %dma_wait3A_1913 = arith.constant 0 : i32
        %dma_wait3A_1914 = tpu.memref_slice %arg4[%add3A_1908, %dma_wait3A_1912, %dma_wait3A_1913] : memref<51200x8x128xf32, #tpu.memory_space<hbm>> -> memref<1x8x128xf32, #tpu.memory_space<hbm>>
        %dma_wait3A_1915 = tpu.memref_squeeze %dma_wait3A_1914 : memref<1x8x128xf32, #tpu.memory_space<hbm>> -> memref<8x128xf32, #tpu.memory_space<hbm>>
        %dma_wait3A_1916 = arith.constant 0 : i32
        %dma_wait3A_1917 = arith.constant 0 : i32
        %dma_wait3A_1918 = tpu.memref_slice %arg4[%add3A_1908, %dma_wait3A_1916, %dma_wait3A_1917] : memref<51200x8x128xf32, #tpu.memory_space<hbm>> -> memref<1x8x128xf32, #tpu.memory_space<hbm>>
        %dma_wait3A_1919 = tpu.memref_squeeze %dma_wait3A_1918 : memref<1x8x128xf32, #tpu.memory_space<hbm>> -> memref<8x128xf32, #tpu.memory_space<hbm>>
        %dma_wait3A_1920 = arith.constant 8 : i32
        %dma_wait3A_1921 = arith.constant 0 : i32
        %dma_wait3A_1922 = tpu.memref_slice %arg10[%dma_wait3A_1920, %dma_wait3A_1921] : memref<64x129xf32, #tpu.memory_space<vmem>> -> memref<8x128xf32, #tpu.memory_space<vmem>>
        tpu.wait_dma2 semaphore(%arg18 : memref<!tpu.dma_semaphore, #tpu.memory_space<semaphore_mem>>) src(%dma_wait3A_1922 : memref<8x128xf32, #tpu.memory_space<vmem>>) dst(%dma_wait3A_1919 : memref<8x128xf32, #tpu.memory_space<hbm>>)
        %mul3A_1923 = arith.constant 8 : i32
        %mul3A_1924 = arith.muli %select_n3A_1864, %mul3A_1923 : i32
        %add3A_1925 = arith.constant 2 : i32
        %add3A_1926 = arith.addi %mul3A_1924, %add3A_1925 : i32
        %mul3A_1927 = arith.constant 128 : i32
        %mul3A_1928 = arith.muli %add3A_1926, %mul3A_1927 : i32
        %add3A_1929 = arith.addi %mul3A_1928, %select_n3A_1880 : i32
        %dma_wait3A_1930 = arith.constant 16 : i32
        %dma_wait3A_1931 = arith.constant 0 : i32
        %dma_wait3A_1932 = tpu.memref_slice %arg10[%dma_wait3A_1930, %dma_wait3A_1931] : memref<64x129xf32, #tpu.memory_space<vmem>> -> memref<8x128xf32, #tpu.memory_space<vmem>>
        %dma_wait3A_1933 = arith.constant 0 : i32
        %dma_wait3A_1934 = arith.constant 0 : i32
        %dma_wait3A_1935 = tpu.memref_slice %arg4[%add3A_1929, %dma_wait3A_1933, %dma_wait3A_1934] : memref<51200x8x128xf32, #tpu.memory_space<hbm>> -> memref<1x8x128xf32, #tpu.memory_space<hbm>>
        %dma_wait3A_1936 = tpu.memref_squeeze %dma_wait3A_1935 : memref<1x8x128xf32, #tpu.memory_space<hbm>> -> memref<8x128xf32, #tpu.memory_space<hbm>>
        %dma_wait3A_1937 = arith.constant 0 : i32
        %dma_wait3A_1938 = arith.constant 0 : i32
        %dma_wait3A_1939 = tpu.memref_slice %arg4[%add3A_1929, %dma_wait3A_1937, %dma_wait3A_1938] : memref<51200x8x128xf32, #tpu.memory_space<hbm>> -> memref<1x8x128xf32, #tpu.memory_space<hbm>>
        %dma_wait3A_1940 = tpu.memref_squeeze %dma_wait3A_1939 : memref<1x8x128xf32, #tpu.memory_space<hbm>> -> memref<8x128xf32, #tpu.memory_space<hbm>>
        %dma_wait3A_1941 = arith.constant 16 : i32
        %dma_wait3A_1942 = arith.constant 0 : i32
        %dma_wait3A_1943 = tpu.memref_slice %arg10[%dma_wait3A_1941, %dma_wait3A_1942] : memref<64x129xf32, #tpu.memory_space<vmem>> -> memref<8x128xf32, #tpu.memory_space<vmem>>
        tpu.wait_dma2 semaphore(%arg18 : memref<!tpu.dma_semaphore, #tpu.memory_space<semaphore_mem>>) src(%dma_wait3A_1943 : memref<8x128xf32, #tpu.memory_space<vmem>>) dst(%dma_wait3A_1940 : memref<8x128xf32, #tpu.memory_space<hbm>>)
        %mul3A_1944 = arith.constant 8 : i32
        %mul3A_1945 = arith.muli %select_n3A_1864, %mul3A_1944 : i32
        %add3A_1946 = arith.constant 3 : i32
        %add3A_1947 = arith.addi %mul3A_1945, %add3A_1946 : i32
        %mul3A_1948 = arith.constant 128 : i32
        %mul3A_1949 = arith.muli %add3A_1947, %mul3A_1948 : i32
        %add3A_1950 = arith.addi %mul3A_1949, %select_n3A_1880 : i32
        %dma_wait3A_1951 = arith.constant 24 : i32
        %dma_wait3A_1952 = arith.constant 0 : i32
        %dma_wait3A_1953 = tpu.memref_slice %arg10[%dma_wait3A_1951, %dma_wait3A_1952] : memref<64x129xf32, #tpu.memory_space<vmem>> -> memref<8x128xf32, #tpu.memory_space<vmem>>
        %dma_wait3A_1954 = arith.constant 0 : i32
        %dma_wait3A_1955 = arith.constant 0 : i32
        %dma_wait3A_1956 = tpu.memref_slice %arg4[%add3A_1950, %dma_wait3A_1954, %dma_wait3A_1955] : memref<51200x8x128xf32, #tpu.memory_space<hbm>> -> memref<1x8x128xf32, #tpu.memory_space<hbm>>
        %dma_wait3A_1957 = tpu.memref_squeeze %dma_wait3A_1956 : memref<1x8x128xf32, #tpu.memory_space<hbm>> -> memref<8x128xf32, #tpu.memory_space<hbm>>
        %dma_wait3A_1958 = arith.constant 0 : i32
        %dma_wait3A_1959 = arith.constant 0 : i32
        %dma_wait3A_1960 = tpu.memref_slice %arg4[%add3A_1950, %dma_wait3A_1958, %dma_wait3A_1959] : memref<51200x8x128xf32, #tpu.memory_space<hbm>> -> memref<1x8x128xf32, #tpu.memory_space<hbm>>
        %dma_wait3A_1961 = tpu.memref_squeeze %dma_wait3A_1960 : memref<1x8x128xf32, #tpu.memory_space<hbm>> -> memref<8x128xf32, #tpu.memory_space<hbm>>
        %dma_wait3A_1962 = arith.constant 24 : i32
        %dma_wait3A_1963 = arith.constant 0 : i32
        %dma_wait3A_1964 = tpu.memref_slice %arg10[%dma_wait3A_1962, %dma_wait3A_1963] : memref<64x129xf32, #tpu.memory_space<vmem>> -> memref<8x128xf32, #tpu.memory_space<vmem>>
        tpu.wait_dma2 semaphore(%arg18 : memref<!tpu.dma_semaphore, #tpu.memory_space<semaphore_mem>>) src(%dma_wait3A_1964 : memref<8x128xf32, #tpu.memory_space<vmem>>) dst(%dma_wait3A_1961 : memref<8x128xf32, #tpu.memory_space<hbm>>)
        %mul3A_1965 = arith.constant 8 : i32
        %mul3A_1966 = arith.muli %select_n3A_1864, %mul3A_1965 : i32
        %add3A_1967 = arith.constant 4 : i32
        %add3A_1968 = arith.addi %mul3A_1966, %add3A_1967 : i32
        %mul3A_1969 = arith.constant 128 : i32
        %mul3A_1970 = arith.muli %add3A_1968, %mul3A_1969 : i32
        %add3A_1971 = arith.addi %mul3A_1970, %select_n3A_1880 : i32
        %dma_wait3A_1972 = arith.constant 32 : i32
        %dma_wait3A_1973 = arith.constant 0 : i32
        %dma_wait3A_1974 = tpu.memref_slice %arg10[%dma_wait3A_1972, %dma_wait3A_1973] : memref<64x129xf32, #tpu.memory_space<vmem>> -> memref<8x128xf32, #tpu.memory_space<vmem>>
        %dma_wait3A_1975 = arith.constant 0 : i32
        %dma_wait3A_1976 = arith.constant 0 : i32
        %dma_wait3A_1977 = tpu.memref_slice %arg4[%add3A_1971, %dma_wait3A_1975, %dma_wait3A_1976] : memref<51200x8x128xf32, #tpu.memory_space<hbm>> -> memref<1x8x128xf32, #tpu.memory_space<hbm>>
        %dma_wait3A_1978 = tpu.memref_squeeze %dma_wait3A_1977 : memref<1x8x128xf32, #tpu.memory_space<hbm>> -> memref<8x128xf32, #tpu.memory_space<hbm>>
        %dma_wait3A_1979 = arith.constant 0 : i32
        %dma_wait3A_1980 = arith.constant 0 : i32
        %dma_wait3A_1981 = tpu.memref_slice %arg4[%add3A_1971, %dma_wait3A_1979, %dma_wait3A_1980] : memref<51200x8x128xf32, #tpu.memory_space<hbm>> -> memref<1x8x128xf32, #tpu.memory_space<hbm>>
        %dma_wait3A_1982 = tpu.memref_squeeze %dma_wait3A_1981 : memref<1x8x128xf32, #tpu.memory_space<hbm>> -> memref<8x128xf32, #tpu.memory_space<hbm>>
        %dma_wait3A_1983 = arith.constant 32 : i32
        %dma_wait3A_1984 = arith.constant 0 : i32
        %dma_wait3A_1985 = tpu.memref_slice %arg10[%dma_wait3A_1983, %dma_wait3A_1984] : memref<64x129xf32, #tpu.memory_space<vmem>> -> memref<8x128xf32, #tpu.memory_space<vmem>>
        tpu.wait_dma2 semaphore(%arg18 : memref<!tpu.dma_semaphore, #tpu.memory_space<semaphore_mem>>) src(%dma_wait3A_1985 : memref<8x128xf32, #tpu.memory_space<vmem>>) dst(%dma_wait3A_1982 : memref<8x128xf32, #tpu.memory_space<hbm>>)
        %mul3A_1986 = arith.constant 8 : i32
        %mul3A_1987 = arith.muli %select_n3A_1864, %mul3A_1986 : i32
        %add3A_1988 = arith.constant 5 : i32
        %add3A_1989 = arith.addi %mul3A_1987, %add3A_1988 : i32
        %mul3A_1990 = arith.constant 128 : i32
        %mul3A_1991 = arith.muli %add3A_1989, %mul3A_1990 : i32
        %add3A_1992 = arith.addi %mul3A_1991, %select_n3A_1880 : i32
        %dma_wait3A_1993 = arith.constant 40 : i32
        %dma_wait3A_1994 = arith.constant 0 : i32
        %dma_wait3A_1995 = tpu.memref_slice %arg10[%dma_wait3A_1993, %dma_wait3A_1994] : memref<64x129xf32, #tpu.memory_space<vmem>> -> memref<8x128xf32, #tpu.memory_space<vmem>>
        %dma_wait3A_1996 = arith.constant 0 : i32
        %dma_wait3A_1997 = arith.constant 0 : i32
        %dma_wait3A_1998 = tpu.memref_slice %arg4[%add3A_1992, %dma_wait3A_1996, %dma_wait3A_1997] : memref<51200x8x128xf32, #tpu.memory_space<hbm>> -> memref<1x8x128xf32, #tpu.memory_space<hbm>>
        %dma_wait3A_1999 = tpu.memref_squeeze %dma_wait3A_1998 : memref<1x8x128xf32, #tpu.memory_space<hbm>> -> memref<8x128xf32, #tpu.memory_space<hbm>>
        %dma_wait3A_2000 = arith.constant 0 : i32
        %dma_wait3A_2001 = arith.constant 0 : i32
        %dma_wait3A_2002 = tpu.memref_slice %arg4[%add3A_1992, %dma_wait3A_2000, %dma_wait3A_2001] : memref<51200x8x128xf32, #tpu.memory_space<hbm>> -> memref<1x8x128xf32, #tpu.memory_space<hbm>>
        %dma_wait3A_2003 = tpu.memref_squeeze %dma_wait3A_2002 : memref<1x8x128xf32, #tpu.memory_space<hbm>> -> memref<8x128xf32, #tpu.memory_space<hbm>>
        %dma_wait3A_2004 = arith.constant 40 : i32
        %dma_wait3A_2005 = arith.constant 0 : i32
        %dma_wait3A_2006 = tpu.memref_slice %arg10[%dma_wait3A_2004, %dma_wait3A_2005] : memref<64x129xf32, #tpu.memory_space<vmem>> -> memref<8x128xf32, #tpu.memory_space<vmem>>
        tpu.wait_dma2 semaphore(%arg18 : memref<!tpu.dma_semaphore, #tpu.memory_space<semaphore_mem>>) src(%dma_wait3A_2006 : memref<8x128xf32, #tpu.memory_space<vmem>>) dst(%dma_wait3A_2003 : memref<8x128xf32, #tpu.memory_space<hbm>>)
        %mul3A_2007 = arith.constant 8 : i32
        %mul3A_2008 = arith.muli %select_n3A_1864, %mul3A_2007 : i32
        %add3A_2009 = arith.constant 6 : i32
        %add3A_2010 = arith.addi %mul3A_2008, %add3A_2009 : i32
        %mul3A_2011 = arith.constant 128 : i32
        %mul3A_2012 = arith.muli %add3A_2010, %mul3A_2011 : i32
        %add3A_2013 = arith.addi %mul3A_2012, %select_n3A_1880 : i32
        %dma_wait3A_2014 = arith.constant 48 : i32
        %dma_wait3A_2015 = arith.constant 0 : i32
        %dma_wait3A_2016 = tpu.memref_slice %arg10[%dma_wait3A_2014, %dma_wait3A_2015] : memref<64x129xf32, #tpu.memory_space<vmem>> -> memref<8x128xf32, #tpu.memory_space<vmem>>
        %dma_wait3A_2017 = arith.constant 0 : i32
        %dma_wait3A_2018 = arith.constant 0 : i32
        %dma_wait3A_2019 = tpu.memref_slice %arg4[%add3A_2013, %dma_wait3A_2017, %dma_wait3A_2018] : memref<51200x8x128xf32, #tpu.memory_space<hbm>> -> memref<1x8x128xf32, #tpu.memory_space<hbm>>
        %dma_wait3A_2020 = tpu.memref_squeeze %dma_wait3A_2019 : memref<1x8x128xf32, #tpu.memory_space<hbm>> -> memref<8x128xf32, #tpu.memory_space<hbm>>
        %dma_wait3A_2021 = arith.constant 0 : i32
        %dma_wait3A_2022 = arith.constant 0 : i32
        %dma_wait3A_2023 = tpu.memref_slice %arg4[%add3A_2013, %dma_wait3A_2021, %dma_wait3A_2022] : memref<51200x8x128xf32, #tpu.memory_space<hbm>> -> memref<1x8x128xf32, #tpu.memory_space<hbm>>
        %dma_wait3A_2024 = tpu.memref_squeeze %dma_wait3A_2023 : memref<1x8x128xf32, #tpu.memory_space<hbm>> -> memref<8x128xf32, #tpu.memory_space<hbm>>
        %dma_wait3A_2025 = arith.constant 48 : i32
        %dma_wait3A_2026 = arith.constant 0 : i32
        %dma_wait3A_2027 = tpu.memref_slice %arg10[%dma_wait3A_2025, %dma_wait3A_2026] : memref<64x129xf32, #tpu.memory_space<vmem>> -> memref<8x128xf32, #tpu.memory_space<vmem>>
        tpu.wait_dma2 semaphore(%arg18 : memref<!tpu.dma_semaphore, #tpu.memory_space<semaphore_mem>>) src(%dma_wait3A_2027 : memref<8x128xf32, #tpu.memory_space<vmem>>) dst(%dma_wait3A_2024 : memref<8x128xf32, #tpu.memory_space<hbm>>)
        %mul3A_2028 = arith.constant 8 : i32
        %mul3A_2029 = arith.muli %select_n3A_1864, %mul3A_2028 : i32
        %add3A_2030 = arith.constant 7 : i32
        %add3A_2031 = arith.addi %mul3A_2029, %add3A_2030 : i32
        %mul3A_2032 = arith.constant 128 : i32
        %mul3A_2033 = arith.muli %add3A_2031, %mul3A_2032 : i32
        %add3A_2034 = arith.addi %mul3A_2033, %select_n3A_1880 : i32
        %dma_wait3A_2035 = arith.constant 56 : i32
        %dma_wait3A_2036 = arith.constant 0 : i32
        %dma_wait3A_2037 = tpu.memref_slice %arg10[%dma_wait3A_2035, %dma_wait3A_2036] : memref<64x129xf32, #tpu.memory_space<vmem>> -> memref<8x128xf32, #tpu.memory_space<vmem>>
        %dma_wait3A_2038 = arith.constant 0 : i32
        %dma_wait3A_2039 = arith.constant 0 : i32
        %dma_wait3A_2040 = tpu.memref_slice %arg4[%add3A_2034, %dma_wait3A_2038, %dma_wait3A_2039] : memref<51200x8x128xf32, #tpu.memory_space<hbm>> -> memref<1x8x128xf32, #tpu.memory_space<hbm>>
        %dma_wait3A_2041 = tpu.memref_squeeze %dma_wait3A_2040 : memref<1x8x128xf32, #tpu.memory_space<hbm>> -> memref<8x128xf32, #tpu.memory_space<hbm>>
        %dma_wait3A_2042 = arith.constant 0 : i32
        %dma_wait3A_2043 = arith.constant 0 : i32
        %dma_wait3A_2044 = tpu.memref_slice %arg4[%add3A_2034, %dma_wait3A_2042, %dma_wait3A_2043] : memref<51200x8x128xf32, #tpu.memory_space<hbm>> -> memref<1x8x128xf32, #tpu.memory_space<hbm>>
        %dma_wait3A_2045 = tpu.memref_squeeze %dma_wait3A_2044 : memref<1x8x128xf32, #tpu.memory_space<hbm>> -> memref<8x128xf32, #tpu.memory_space<hbm>>
        %dma_wait3A_2046 = arith.constant 56 : i32
        %dma_wait3A_2047 = arith.constant 0 : i32
        %dma_wait3A_2048 = tpu.memref_slice %arg10[%dma_wait3A_2046, %dma_wait3A_2047] : memref<64x129xf32, #tpu.memory_space<vmem>> -> memref<8x128xf32, #tpu.memory_space<vmem>>
        tpu.wait_dma2 semaphore(%arg18 : memref<!tpu.dma_semaphore, #tpu.memory_space<semaphore_mem>>) src(%dma_wait3A_2048 : memref<8x128xf32, #tpu.memory_space<vmem>>) dst(%dma_wait3A_2045 : memref<8x128xf32, #tpu.memory_space<hbm>>)
      } else {
      }
      %scan3A_913 = arith.constant 0 : i32
      %scan3A_914 = arith.constant 0 : i32
      %scan3A_915 = arith.constant 32 : i32
      %scan3A_916 = arith.addi %scan3A_914, %scan3A_915 : i32
      %scan3A_917 = arith.constant 1 : i32
      scf.for %scan3A_1838 = %scan3A_914 to %scan3A_916 step %scan3A_917  : i32 {
        %mul3A_1839 = arith.constant 4 : i32
        %mul3A_1840 = arith.muli %scan3A_1838, %mul3A_1839 : i32
        %add3A_1841 = arith.constant 0 : i32
        %add3A_1842 = arith.addi %mul3A_1840, %add3A_1841 : i32
        %broadcast_in_dim3A = arith.constant 0 : i32
        %broadcast_in_dim3A_1843 = vector.broadcast %broadcast_in_dim3A : i32 to vector<16xi32>
        %add3A_1844 = vector.broadcast %add3A_1842 : i32 to vector<16xi32>
        %add3A_1845 = arith.addi %broadcast_in_dim3A_1843, %add3A_1844 : vector<16xi32>
        %get3A = arith.index_cast %add3A_1842 : i32 to index
        %get3A_1846 = arith.constant 0 : index
        %get3A_1847 = tpu.vector_load %arg6[%get3A, %get3A_1846] {strides = array<i32>} : memref<128x64xf32, #tpu.memory_space<vmem>>, vector<16xf32>,
        %get3A_1848 = arith.index_cast %add3A_1842 : i32 to index
        %get3A_1849 = arith.constant 16 : index
        %get3A_1850 = tpu.vector_load %arg6[%get3A_1848, %get3A_1849] {strides = array<i32>} : memref<128x64xf32, #tpu.memory_space<vmem>>, vector<16xf32>,
        %get3A_1851 = arith.index_cast %add3A_1842 : i32 to index
        %get3A_1852 = arith.constant 32 : index
        %get3A_1853 = tpu.vector_load %arg6[%get3A_1851, %get3A_1852] {strides = array<i32>} : memref<128x64xf32, #tpu.memory_space<vmem>>, vector<16xf32>,
        %get3A_1854 = arith.index_cast %add3A_1842 : i32 to index
        %get3A_1855 = arith.constant 48 : index
        %get3A_1856 = tpu.vector_load %arg6[%get3A_1854, %get3A_1855] {strides = array<i32>} : memref<128x64xf32, #tpu.memory_space<vmem>>, vector<16xf32>,
        %mul3A_1857 = arith.constant 4 : i32
        %mul3A_1858 = arith.muli %scan3A_1838, %mul3A_1857 : i32
        %add3A_1859 = arith.constant 1 : i32
        %add3A_1860 = arith.addi %mul3A_1858, %add3A_1859 : i32
        %broadcast_in_dim3A_1861 = arith.constant 0 : i32
        %broadcast_in_dim3A_1862 = vector.broadcast %broadcast_in_dim3A_1861 : i32 to vector<16xi32>
        %add3A_1863 = vector.broadcast %add3A_1860 : i32 to vector<16xi32>
        %add3A_1864 = arith.addi %broadcast_in_dim3A_1862, %add3A_1863 : vector<16xi32>
        %get3A_1865 = arith.index_cast %add3A_1860 : i32 to index
        %get3A_1866 = arith.constant 0 : index
        %get3A_1867 = tpu.vector_load %arg6[%get3A_1865, %get3A_1866] {strides = array<i32>} : memref<128x64xf32, #tpu.memory_space<vmem>>, vector<16xf32>,
        %get3A_1868 = arith.index_cast %add3A_1860 : i32 to index
        %get3A_1869 = arith.constant 16 : index
        %get3A_1870 = tpu.vector_load %arg6[%get3A_1868, %get3A_1869] {strides = array<i32>} : memref<128x64xf32, #tpu.memory_space<vmem>>, vector<16xf32>,
        %get3A_1871 = arith.index_cast %add3A_1860 : i32 to index
        %get3A_1872 = arith.constant 32 : index
        %get3A_1873 = tpu.vector_load %arg6[%get3A_1871, %get3A_1872] {strides = array<i32>} : memref<128x64xf32, #tpu.memory_space<vmem>>, vector<16xf32>,
        %get3A_1874 = arith.index_cast %add3A_1860 : i32 to index
        %get3A_1875 = arith.constant 48 : index
        %get3A_1876 = tpu.vector_load %arg6[%get3A_1874, %get3A_1875] {strides = array<i32>} : memref<128x64xf32, #tpu.memory_space<vmem>>, vector<16xf32>,
        %mul3A_1877 = arith.constant 4 : i32
        %mul3A_1878 = arith.muli %scan3A_1838, %mul3A_1877 : i32
        %add3A_1879 = arith.constant 2 : i32
        %add3A_1880 = arith.addi %mul3A_1878, %add3A_1879 : i32
        %broadcast_in_dim3A_1881 = arith.constant 0 : i32
        %broadcast_in_dim3A_1882 = vector.broadcast %broadcast_in_dim3A_1881 : i32 to vector<16xi32>
        %add3A_1883 = vector.broadcast %add3A_1880 : i32 to vector<16xi32>
        %add3A_1884 = arith.addi %broadcast_in_dim3A_1882, %add3A_1883 : vector<16xi32>
        %get3A_1885 = arith.index_cast %add3A_1880 : i32 to index
        %get3A_1886 = arith.constant 0 : index
        %get3A_1887 = tpu.vector_load %arg6[%get3A_1885, %get3A_1886] {strides = array<i32>} : memref<128x64xf32, #tpu.memory_space<vmem>>, vector<16xf32>,
        %get3A_1888 = arith.index_cast %add3A_1880 : i32 to index
        %get3A_1889 = arith.constant 16 : index
        %get3A_1890 = tpu.vector_load %arg6[%get3A_1888, %get3A_1889] {strides = array<i32>} : memref<128x64xf32, #tpu.memory_space<vmem>>, vector<16xf32>,
        %get3A_1891 = arith.index_cast %add3A_1880 : i32 to index
        %get3A_1892 = arith.constant 32 : index
        %get3A_1893 = tpu.vector_load %arg6[%get3A_1891, %get3A_1892] {strides = array<i32>} : memref<128x64xf32, #tpu.memory_space<vmem>>, vector<16xf32>,
        %get3A_1894 = arith.index_cast %add3A_1880 : i32 to index
        %get3A_1895 = arith.constant 48 : index
        %get3A_1896 = tpu.vector_load %arg6[%get3A_1894, %get3A_1895] {strides = array<i32>} : memref<128x64xf32, #tpu.memory_space<vmem>>, vector<16xf32>,
        %mul3A_1897 = arith.constant 4 : i32
        %mul3A_1898 = arith.muli %scan3A_1838, %mul3A_1897 : i32
        %add3A_1899 = arith.constant 3 : i32
        %add3A_1900 = arith.addi %mul3A_1898, %add3A_1899 : i32
        %broadcast_in_dim3A_1901 = arith.constant 0 : i32
        %broadcast_in_dim3A_1902 = vector.broadcast %broadcast_in_dim3A_1901 : i32 to vector<16xi32>
        %add3A_1903 = vector.broadcast %add3A_1900 : i32 to vector<16xi32>
        %add3A_1904 = arith.addi %broadcast_in_dim3A_1902, %add3A_1903 : vector<16xi32>
        %get3A_1905 = arith.index_cast %add3A_1900 : i32 to index
        %get3A_1906 = arith.constant 0 : index
        %get3A_1907 = tpu.vector_load %arg6[%get3A_1905, %get3A_1906] {strides = array<i32>} : memref<128x64xf32, #tpu.memory_space<vmem>>, vector<16xf32>,
        %get3A_1908 = arith.index_cast %add3A_1900 : i32 to index
        %get3A_1909 = arith.constant 16 : index
        %get3A_1910 = tpu.vector_load %arg6[%get3A_1908, %get3A_1909] {strides = array<i32>} : memref<128x64xf32, #tpu.memory_space<vmem>>, vector<16xf32>,
        %get3A_1911 = arith.index_cast %add3A_1900 : i32 to index
        %get3A_1912 = arith.constant 32 : index
        %get3A_1913 = tpu.vector_load %arg6[%get3A_1911, %get3A_1912] {strides = array<i32>} : memref<128x64xf32, #tpu.memory_space<vmem>>, vector<16xf32>,
        %get3A_1914 = arith.index_cast %add3A_1900 : i32 to index
        %get3A_1915 = arith.constant 48 : index
        %get3A_1916 = tpu.vector_load %arg6[%get3A_1914, %get3A_1915] {strides = array<i32>} : memref<128x64xf32, #tpu.memory_space<vmem>>, vector<16xf32>,
        tpu.vector_store_idx %arg10[%add3A_29, %add3A_1845], %get3A_1847 : memref<64x129xf32, #tpu.memory_space<vmem>>[vector<16xi32>, vector<16xi32>], vector<16xf32>,
        tpu.vector_store_idx %arg10[%add3A_32, %add3A_1845], %get3A_1850 : memref<64x129xf32, #tpu.memory_space<vmem>>[vector<16xi32>, vector<16xi32>], vector<16xf32>,
        tpu.vector_store_idx %arg10[%add3A_35, %add3A_1845], %get3A_1853 : memref<64x129xf32, #tpu.memory_space<vmem>>[vector<16xi32>, vector<16xi32>], vector<16xf32>,
        tpu.vector_store_idx %arg10[%add3A_38, %add3A_1845], %get3A_1856 : memref<64x129xf32, #tpu.memory_space<vmem>>[vector<16xi32>, vector<16xi32>], vector<16xf32>,
        tpu.vector_store_idx %arg10[%add3A_29, %add3A_1864], %get3A_1867 : memref<64x129xf32, #tpu.memory_space<vmem>>[vector<16xi32>, vector<16xi32>], vector<16xf32>,
        tpu.vector_store_idx %arg10[%add3A_32, %add3A_1864], %get3A_1870 : memref<64x129xf32, #tpu.memory_space<vmem>>[vector<16xi32>, vector<16xi32>], vector<16xf32>,
        tpu.vector_store_idx %arg10[%add3A_35, %add3A_1864], %get3A_1873 : memref<64x129xf32, #tpu.memory_space<vmem>>[vector<16xi32>, vector<16xi32>], vector<16xf32>,
        tpu.vector_store_idx %arg10[%add3A_38, %add3A_1864], %get3A_1876 : memref<64x129xf32, #tpu.memory_space<vmem>>[vector<16xi32>, vector<16xi32>], vector<16xf32>,
        tpu.vector_store_idx %arg10[%add3A_29, %add3A_1884], %get3A_1887 : memref<64x129xf32, #tpu.memory_space<vmem>>[vector<16xi32>, vector<16xi32>], vector<16xf32>,
        tpu.vector_store_idx %arg10[%add3A_32, %add3A_1884], %get3A_1890 : memref<64x129xf32, #tpu.memory_space<vmem>>[vector<16xi32>, vector<16xi32>], vector<16xf32>,
        tpu.vector_store_idx %arg10[%add3A_35, %add3A_1884], %get3A_1893 : memref<64x129xf32, #tpu.memory_space<vmem>>[vector<16xi32>, vector<16xi32>], vector<16xf32>,
        tpu.vector_store_idx %arg10[%add3A_38, %add3A_1884], %get3A_1896 : memref<64x129xf32, #tpu.memory_space<vmem>>[vector<16xi32>, vector<16xi32>], vector<16xf32>,
        tpu.vector_store_idx %arg10[%add3A_29, %add3A_1904], %get3A_1907 : memref<64x129xf32, #tpu.memory_space<vmem>>[vector<16xi32>, vector<16xi32>], vector<16xf32>,
        tpu.vector_store_idx %arg10[%add3A_32, %add3A_1904], %get3A_1910 : memref<64x129xf32, #tpu.memory_space<vmem>>[vector<16xi32>, vector<16xi32>], vector<16xf32>,
        tpu.vector_store_idx %arg10[%add3A_35, %add3A_1904], %get3A_1913 : memref<64x129xf32, #tpu.memory_space<vmem>>[vector<16xi32>, vector<16xi32>], vector<16xf32>,
        tpu.vector_store_idx %arg10[%add3A_38, %add3A_1904], %get3A_1916 : memref<64x129xf32, #tpu.memory_space<vmem>>[vector<16xi32>, vector<16xi32>], vector<16xf32>,
      }
      %scan3A_918 = arith.constant 32 : i32
      %add3A_919 = arith.addi %mul3A_2, %add3A_904 : i32
      %jit3A_920 = arith.constant 128 : i32
      %div3A_921 = arith.divsi %add3A_919, %jit3A_920 : i32
      %sign3A_922 = arith.constant 0 : i32
      %sign3A_923 = arith.cmpi sgt, %add3A_919, %sign3A_922 : i32
      %sign3A_924 = arith.extui %sign3A_923 : i1 to i32
      %sign3A_925 = arith.constant 0 : i32
      %sign3A_926 = arith.cmpi slt, %add3A_919, %sign3A_925 : i32
      %sign3A_927 = arith.extui %sign3A_926 : i1 to i32
      %sign3A_928 = arith.subi %sign3A_924, %sign3A_927 : i32
      %sign3A_929 = arith.constant 0 : i32
      %sign3A_930 = arith.cmpi sgt, %jit3A_920, %sign3A_929 : i32
      %sign3A_931 = arith.extui %sign3A_930 : i1 to i32
      %sign3A_932 = arith.constant 0 : i32
      %sign3A_933 = arith.cmpi slt, %jit3A_920, %sign3A_932 : i32
      %sign3A_934 = arith.extui %sign3A_933 : i1 to i32
      %sign3A_935 = arith.subi %sign3A_931, %sign3A_934 : i32
      %ne3A_936 = arith.cmpi ne, %sign3A_928, %sign3A_935 : i32
      %rem3A_937 = arith.remsi %add3A_919, %jit3A_920 : i32
      %ne3A_938 = arith.constant 0 : i32
      %ne3A_939 = arith.cmpi ne, %rem3A_937, %ne3A_938 : i32
      %and3A_940 = arith.andi %ne3A_936, %ne3A_939 : i1
      %sub3A_941 = arith.constant 1 : i32
      %sub3A_942 = arith.subi %div3A_921, %sub3A_941 : i32
      %select_n3A_943 = arith.select %and3A_940, %sub3A_942, %div3A_921 : i32
      %jit3A_944 = arith.constant 128 : i32
      %eq3A_945 = arith.constant 0 : i32
      %eq3A_946 = arith.cmpi eq, %jit3A_944, %eq3A_945 : i32
      %jit3A_947 = arith.constant 1 : i32
      %select_n3A_948 = arith.select %eq3A_946, %jit3A_947, %jit3A_944 : i32
      %rem3A_949 = arith.remsi %add3A_919, %select_n3A_948 : i32
      %ne3A_950 = arith.constant 0 : i32
      %ne3A_951 = arith.cmpi ne, %rem3A_949, %ne3A_950 : i32
      %lt3A_952 = arith.constant 0 : i32
      %lt3A_953 = arith.cmpi slt, %rem3A_949, %lt3A_952 : i32
      %lt3A_954 = arith.constant 0 : i32
      %lt3A_955 = arith.cmpi slt, %select_n3A_948, %lt3A_954 : i32
      %ne3A_956 = arith.xori %lt3A_953, %lt3A_955 : i1
      %and3A_957 = arith.andi %ne3A_956, %ne3A_951 : i1
      %add3A_958 = arith.addi %rem3A_949, %select_n3A_948 : i32
      %select_n3A_959 = arith.select %and3A_957, %add3A_958, %rem3A_949 : i32
      %mul3A_960 = arith.constant 8 : i32
      %mul3A_961 = arith.muli %select_n3A_943, %mul3A_960 : i32
      %add3A_962 = arith.constant 0 : i32
      %add3A_963 = arith.addi %mul3A_961, %add3A_962 : i32
      %mul3A_964 = arith.constant 128 : i32
      %mul3A_965 = arith.muli %add3A_963, %mul3A_964 : i32
      %add3A_966 = arith.addi %mul3A_965, %select_n3A_959 : i32
      %dma_start3A_967 = arith.constant 0 : i32
      %dma_start3A_968 = arith.constant 0 : i32
      %dma_start3A_969 = tpu.memref_slice %arg10[%dma_start3A_967, %dma_start3A_968] : memref<64x129xf32, #tpu.memory_space<vmem>> -> memref<8x128xf32, #tpu.memory_space<vmem>>
      %dma_start3A_970 = arith.constant 0 : i32
      %dma_start3A_971 = arith.constant 0 : i32
      %dma_start3A_972 = tpu.memref_slice %arg4[%add3A_966, %dma_start3A_970, %dma_start3A_971] : memref<51200x8x128xf32, #tpu.memory_space<hbm>> -> memref<1x8x128xf32, #tpu.memory_space<hbm>>
      %dma_start3A_973 = tpu.memref_squeeze %dma_start3A_972 : memref<1x8x128xf32, #tpu.memory_space<hbm>> -> memref<8x128xf32, #tpu.memory_space<hbm>>
      %dma_start3A_974 = arith.constant 0 : i32
      %dma_start3A_975 = arith.constant 0 : i32
      %dma_start3A_976 = tpu.memref_slice %arg4[%add3A_966, %dma_start3A_974, %dma_start3A_975] : memref<51200x8x128xf32, #tpu.memory_space<hbm>> -> memref<1x8x128xf32, #tpu.memory_space<hbm>>
      %dma_start3A_977 = tpu.memref_squeeze %dma_start3A_976 : memref<1x8x128xf32, #tpu.memory_space<hbm>> -> memref<8x128xf32, #tpu.memory_space<hbm>>
      %dma_start3A_978 = arith.constant 0 : i32
      %dma_start3A_979 = arith.constant 0 : i32
      %dma_start3A_980 = tpu.memref_slice %arg10[%dma_start3A_978, %dma_start3A_979] : memref<64x129xf32, #tpu.memory_space<vmem>> -> memref<8x128xf32, #tpu.memory_space<vmem>>
      tpu.enqueue_dma source(%dma_start3A_980 : memref<8x128xf32, #tpu.memory_space<vmem>>) target(%dma_start3A_977 : memref<8x128xf32, #tpu.memory_space<hbm>>) target_semaphore(%arg18 : memref<!tpu.dma_semaphore, #tpu.memory_space<semaphore_mem>>)
      %mul3A_981 = arith.constant 8 : i32
      %mul3A_982 = arith.muli %select_n3A_943, %mul3A_981 : i32
      %add3A_983 = arith.constant 1 : i32
      %add3A_984 = arith.addi %mul3A_982, %add3A_983 : i32
      %mul3A_985 = arith.constant 128 : i32
      %mul3A_986 = arith.muli %add3A_984, %mul3A_985 : i32
      %add3A_987 = arith.addi %mul3A_986, %select_n3A_959 : i32
      %dma_start3A_988 = arith.constant 8 : i32
      %dma_start3A_989 = arith.constant 0 : i32
      %dma_start3A_990 = tpu.memref_slice %arg10[%dma_start3A_988, %dma_start3A_989] : memref<64x129xf32, #tpu.memory_space<vmem>> -> memref<8x128xf32, #tpu.memory_space<vmem>>
      %dma_start3A_991 = arith.constant 0 : i32
      %dma_start3A_992 = arith.constant 0 : i32
      %dma_start3A_993 = tpu.memref_slice %arg4[%add3A_987, %dma_start3A_991, %dma_start3A_992] : memref<51200x8x128xf32, #tpu.memory_space<hbm>> -> memref<1x8x128xf32, #tpu.memory_space<hbm>>
      %dma_start3A_994 = tpu.memref_squeeze %dma_start3A_993 : memref<1x8x128xf32, #tpu.memory_space<hbm>> -> memref<8x128xf32, #tpu.memory_space<hbm>>
      %dma_start3A_995 = arith.constant 0 : i32
      %dma_start3A_996 = arith.constant 0 : i32
      %dma_start3A_997 = tpu.memref_slice %arg4[%add3A_987, %dma_start3A_995, %dma_start3A_996] : memref<51200x8x128xf32, #tpu.memory_space<hbm>> -> memref<1x8x128xf32, #tpu.memory_space<hbm>>
      %dma_start3A_998 = tpu.memref_squeeze %dma_start3A_997 : memref<1x8x128xf32, #tpu.memory_space<hbm>> -> memref<8x128xf32, #tpu.memory_space<hbm>>
      %dma_start3A_999 = arith.constant 8 : i32
      %dma_start3A_1000 = arith.constant 0 : i32
      %dma_start3A_1001 = tpu.memref_slice %arg10[%dma_start3A_999, %dma_start3A_1000] : memref<64x129xf32, #tpu.memory_space<vmem>> -> memref<8x128xf32, #tpu.memory_space<vmem>>
      tpu.enqueue_dma source(%dma_start3A_1001 : memref<8x128xf32, #tpu.memory_space<vmem>>) target(%dma_start3A_998 : memref<8x128xf32, #tpu.memory_space<hbm>>) target_semaphore(%arg18 : memref<!tpu.dma_semaphore, #tpu.memory_space<semaphore_mem>>)
      %mul3A_1002 = arith.constant 8 : i32
      %mul3A_1003 = arith.muli %select_n3A_943, %mul3A_1002 : i32
      %add3A_1004 = arith.constant 2 : i32
      %add3A_1005 = arith.addi %mul3A_1003, %add3A_1004 : i32
      %mul3A_1006 = arith.constant 128 : i32
      %mul3A_1007 = arith.muli %add3A_1005, %mul3A_1006 : i32
      %add3A_1008 = arith.addi %mul3A_1007, %select_n3A_959 : i32
      %dma_start3A_1009 = arith.constant 16 : i32
      %dma_start3A_1010 = arith.constant 0 : i32
      %dma_start3A_1011 = tpu.memref_slice %arg10[%dma_start3A_1009, %dma_start3A_1010] : memref<64x129xf32, #tpu.memory_space<vmem>> -> memref<8x128xf32, #tpu.memory_space<vmem>>
      %dma_start3A_1012 = arith.constant 0 : i32
      %dma_start3A_1013 = arith.constant 0 : i32
      %dma_start3A_1014 = tpu.memref_slice %arg4[%add3A_1008, %dma_start3A_1012, %dma_start3A_1013] : memref<51200x8x128xf32, #tpu.memory_space<hbm>> -> memref<1x8x128xf32, #tpu.memory_space<hbm>>
      %dma_start3A_1015 = tpu.memref_squeeze %dma_start3A_1014 : memref<1x8x128xf32, #tpu.memory_space<hbm>> -> memref<8x128xf32, #tpu.memory_space<hbm>>
      %dma_start3A_1016 = arith.constant 0 : i32
      %dma_start3A_1017 = arith.constant 0 : i32
      %dma_start3A_1018 = tpu.memref_slice %arg4[%add3A_1008, %dma_start3A_1016, %dma_start3A_1017] : memref<51200x8x128xf32, #tpu.memory_space<hbm>> -> memref<1x8x128xf32, #tpu.memory_space<hbm>>
      %dma_start3A_1019 = tpu.memref_squeeze %dma_start3A_1018 : memref<1x8x128xf32, #tpu.memory_space<hbm>> -> memref<8x128xf32, #tpu.memory_space<hbm>>
      %dma_start3A_1020 = arith.constant 16 : i32
      %dma_start3A_1021 = arith.constant 0 : i32
      %dma_start3A_1022 = tpu.memref_slice %arg10[%dma_start3A_1020, %dma_start3A_1021] : memref<64x129xf32, #tpu.memory_space<vmem>> -> memref<8x128xf32, #tpu.memory_space<vmem>>
      tpu.enqueue_dma source(%dma_start3A_1022 : memref<8x128xf32, #tpu.memory_space<vmem>>) target(%dma_start3A_1019 : memref<8x128xf32, #tpu.memory_space<hbm>>) target_semaphore(%arg18 : memref<!tpu.dma_semaphore, #tpu.memory_space<semaphore_mem>>)
      %mul3A_1023 = arith.constant 8 : i32
      %mul3A_1024 = arith.muli %select_n3A_943, %mul3A_1023 : i32
      %add3A_1025 = arith.constant 3 : i32
      %add3A_1026 = arith.addi %mul3A_1024, %add3A_1025 : i32
      %mul3A_1027 = arith.constant 128 : i32
      %mul3A_1028 = arith.muli %add3A_1026, %mul3A_1027 : i32
      %add3A_1029 = arith.addi %mul3A_1028, %select_n3A_959 : i32
      %dma_start3A_1030 = arith.constant 24 : i32
      %dma_start3A_1031 = arith.constant 0 : i32
      %dma_start3A_1032 = tpu.memref_slice %arg10[%dma_start3A_1030, %dma_start3A_1031] : memref<64x129xf32, #tpu.memory_space<vmem>> -> memref<8x128xf32, #tpu.memory_space<vmem>>
      %dma_start3A_1033 = arith.constant 0 : i32
      %dma_start3A_1034 = arith.constant 0 : i32
      %dma_start3A_1035 = tpu.memref_slice %arg4[%add3A_1029, %dma_start3A_1033, %dma_start3A_1034] : memref<51200x8x128xf32, #tpu.memory_space<hbm>> -> memref<1x8x128xf32, #tpu.memory_space<hbm>>
      %dma_start3A_1036 = tpu.memref_squeeze %dma_start3A_1035 : memref<1x8x128xf32, #tpu.memory_space<hbm>> -> memref<8x128xf32, #tpu.memory_space<hbm>>
      %dma_start3A_1037 = arith.constant 0 : i32
      %dma_start3A_1038 = arith.constant 0 : i32
      %dma_start3A_1039 = tpu.memref_slice %arg4[%add3A_1029, %dma_start3A_1037, %dma_start3A_1038] : memref<51200x8x128xf32, #tpu.memory_space<hbm>> -> memref<1x8x128xf32, #tpu.memory_space<hbm>>
      %dma_start3A_1040 = tpu.memref_squeeze %dma_start3A_1039 : memref<1x8x128xf32, #tpu.memory_space<hbm>> -> memref<8x128xf32, #tpu.memory_space<hbm>>
      %dma_start3A_1041 = arith.constant 24 : i32
      %dma_start3A_1042 = arith.constant 0 : i32
      %dma_start3A_1043 = tpu.memref_slice %arg10[%dma_start3A_1041, %dma_start3A_1042] : memref<64x129xf32, #tpu.memory_space<vmem>> -> memref<8x128xf32, #tpu.memory_space<vmem>>
      tpu.enqueue_dma source(%dma_start3A_1043 : memref<8x128xf32, #tpu.memory_space<vmem>>) target(%dma_start3A_1040 : memref<8x128xf32, #tpu.memory_space<hbm>>) target_semaphore(%arg18 : memref<!tpu.dma_semaphore, #tpu.memory_space<semaphore_mem>>)
      %mul3A_1044 = arith.constant 8 : i32
      %mul3A_1045 = arith.muli %select_n3A_943, %mul3A_1044 : i32
      %add3A_1046 = arith.constant 4 : i32
      %add3A_1047 = arith.addi %mul3A_1045, %add3A_1046 : i32
      %mul3A_1048 = arith.constant 128 : i32
      %mul3A_1049 = arith.muli %add3A_1047, %mul3A_1048 : i32
      %add3A_1050 = arith.addi %mul3A_1049, %select_n3A_959 : i32
      %dma_start3A_1051 = arith.constant 32 : i32
      %dma_start3A_1052 = arith.constant 0 : i32
      %dma_start3A_1053 = tpu.memref_slice %arg10[%dma_start3A_1051, %dma_start3A_1052] : memref<64x129xf32, #tpu.memory_space<vmem>> -> memref<8x128xf32, #tpu.memory_space<vmem>>
      %dma_start3A_1054 = arith.constant 0 : i32
      %dma_start3A_1055 = arith.constant 0 : i32
      %dma_start3A_1056 = tpu.memref_slice %arg4[%add3A_1050, %dma_start3A_1054, %dma_start3A_1055] : memref<51200x8x128xf32, #tpu.memory_space<hbm>> -> memref<1x8x128xf32, #tpu.memory_space<hbm>>
      %dma_start3A_1057 = tpu.memref_squeeze %dma_start3A_1056 : memref<1x8x128xf32, #tpu.memory_space<hbm>> -> memref<8x128xf32, #tpu.memory_space<hbm>>
      %dma_start3A_1058 = arith.constant 0 : i32
      %dma_start3A_1059 = arith.constant 0 : i32
      %dma_start3A_1060 = tpu.memref_slice %arg4[%add3A_1050, %dma_start3A_1058, %dma_start3A_1059] : memref<51200x8x128xf32, #tpu.memory_space<hbm>> -> memref<1x8x128xf32, #tpu.memory_space<hbm>>
      %dma_start3A_1061 = tpu.memref_squeeze %dma_start3A_1060 : memref<1x8x128xf32, #tpu.memory_space<hbm>> -> memref<8x128xf32, #tpu.memory_space<hbm>>
      %dma_start3A_1062 = arith.constant 32 : i32
      %dma_start3A_1063 = arith.constant 0 : i32
      %dma_start3A_1064 = tpu.memref_slice %arg10[%dma_start3A_1062, %dma_start3A_1063] : memref<64x129xf32, #tpu.memory_space<vmem>> -> memref<8x128xf32, #tpu.memory_space<vmem>>
      tpu.enqueue_dma source(%dma_start3A_1064 : memref<8x128xf32, #tpu.memory_space<vmem>>) target(%dma_start3A_1061 : memref<8x128xf32, #tpu.memory_space<hbm>>) target_semaphore(%arg18 : memref<!tpu.dma_semaphore, #tpu.memory_space<semaphore_mem>>)
      %mul3A_1065 = arith.constant 8 : i32
      %mul3A_1066 = arith.muli %select_n3A_943, %mul3A_1065 : i32
      %add3A_1067 = arith.constant 5 : i32
      %add3A_1068 = arith.addi %mul3A_1066, %add3A_1067 : i32
      %mul3A_1069 = arith.constant 128 : i32
      %mul3A_1070 = arith.muli %add3A_1068, %mul3A_1069 : i32
      %add3A_1071 = arith.addi %mul3A_1070, %select_n3A_959 : i32
      %dma_start3A_1072 = arith.constant 40 : i32
      %dma_start3A_1073 = arith.constant 0 : i32
      %dma_start3A_1074 = tpu.memref_slice %arg10[%dma_start3A_1072, %dma_start3A_1073] : memref<64x129xf32, #tpu.memory_space<vmem>> -> memref<8x128xf32, #tpu.memory_space<vmem>>
      %dma_start3A_1075 = arith.constant 0 : i32
      %dma_start3A_1076 = arith.constant 0 : i32
      %dma_start3A_1077 = tpu.memref_slice %arg4[%add3A_1071, %dma_start3A_1075, %dma_start3A_1076] : memref<51200x8x128xf32, #tpu.memory_space<hbm>> -> memref<1x8x128xf32, #tpu.memory_space<hbm>>
      %dma_start3A_1078 = tpu.memref_squeeze %dma_start3A_1077 : memref<1x8x128xf32, #tpu.memory_space<hbm>> -> memref<8x128xf32, #tpu.memory_space<hbm>>
      %dma_start3A_1079 = arith.constant 0 : i32
      %dma_start3A_1080 = arith.constant 0 : i32
      %dma_start3A_1081 = tpu.memref_slice %arg4[%add3A_1071, %dma_start3A_1079, %dma_start3A_1080] : memref<51200x8x128xf32, #tpu.memory_space<hbm>> -> memref<1x8x128xf32, #tpu.memory_space<hbm>>
      %dma_start3A_1082 = tpu.memref_squeeze %dma_start3A_1081 : memref<1x8x128xf32, #tpu.memory_space<hbm>> -> memref<8x128xf32, #tpu.memory_space<hbm>>
      %dma_start3A_1083 = arith.constant 40 : i32
      %dma_start3A_1084 = arith.constant 0 : i32
      %dma_start3A_1085 = tpu.memref_slice %arg10[%dma_start3A_1083, %dma_start3A_1084] : memref<64x129xf32, #tpu.memory_space<vmem>> -> memref<8x128xf32, #tpu.memory_space<vmem>>
      tpu.enqueue_dma source(%dma_start3A_1085 : memref<8x128xf32, #tpu.memory_space<vmem>>) target(%dma_start3A_1082 : memref<8x128xf32, #tpu.memory_space<hbm>>) target_semaphore(%arg18 : memref<!tpu.dma_semaphore, #tpu.memory_space<semaphore_mem>>)
      %mul3A_1086 = arith.constant 8 : i32
      %mul3A_1087 = arith.muli %select_n3A_943, %mul3A_1086 : i32
      %add3A_1088 = arith.constant 6 : i32
      %add3A_1089 = arith.addi %mul3A_1087, %add3A_1088 : i32
      %mul3A_1090 = arith.constant 128 : i32
      %mul3A_1091 = arith.muli %add3A_1089, %mul3A_1090 : i32
      %add3A_1092 = arith.addi %mul3A_1091, %select_n3A_959 : i32
      %dma_start3A_1093 = arith.constant 48 : i32
      %dma_start3A_1094 = arith.constant 0 : i32
      %dma_start3A_1095 = tpu.memref_slice %arg10[%dma_start3A_1093, %dma_start3A_1094] : memref<64x129xf32, #tpu.memory_space<vmem>> -> memref<8x128xf32, #tpu.memory_space<vmem>>
      %dma_start3A_1096 = arith.constant 0 : i32
      %dma_start3A_1097 = arith.constant 0 : i32
      %dma_start3A_1098 = tpu.memref_slice %arg4[%add3A_1092, %dma_start3A_1096, %dma_start3A_1097] : memref<51200x8x128xf32, #tpu.memory_space<hbm>> -> memref<1x8x128xf32, #tpu.memory_space<hbm>>
      %dma_start3A_1099 = tpu.memref_squeeze %dma_start3A_1098 : memref<1x8x128xf32, #tpu.memory_space<hbm>> -> memref<8x128xf32, #tpu.memory_space<hbm>>
      %dma_start3A_1100 = arith.constant 0 : i32
      %dma_start3A_1101 = arith.constant 0 : i32
      %dma_start3A_1102 = tpu.memref_slice %arg4[%add3A_1092, %dma_start3A_1100, %dma_start3A_1101] : memref<51200x8x128xf32, #tpu.memory_space<hbm>> -> memref<1x8x128xf32, #tpu.memory_space<hbm>>
      %dma_start3A_1103 = tpu.memref_squeeze %dma_start3A_1102 : memref<1x8x128xf32, #tpu.memory_space<hbm>> -> memref<8x128xf32, #tpu.memory_space<hbm>>
      %dma_start3A_1104 = arith.constant 48 : i32
      %dma_start3A_1105 = arith.constant 0 : i32
      %dma_start3A_1106 = tpu.memref_slice %arg10[%dma_start3A_1104, %dma_start3A_1105] : memref<64x129xf32, #tpu.memory_space<vmem>> -> memref<8x128xf32, #tpu.memory_space<vmem>>
      tpu.enqueue_dma source(%dma_start3A_1106 : memref<8x128xf32, #tpu.memory_space<vmem>>) target(%dma_start3A_1103 : memref<8x128xf32, #tpu.memory_space<hbm>>) target_semaphore(%arg18 : memref<!tpu.dma_semaphore, #tpu.memory_space<semaphore_mem>>)
      %mul3A_1107 = arith.constant 8 : i32
      %mul3A_1108 = arith.muli %select_n3A_943, %mul3A_1107 : i32
      %add3A_1109 = arith.constant 7 : i32
      %add3A_1110 = arith.addi %mul3A_1108, %add3A_1109 : i32
      %mul3A_1111 = arith.constant 128 : i32
      %mul3A_1112 = arith.muli %add3A_1110, %mul3A_1111 : i32
      %add3A_1113 = arith.addi %mul3A_1112, %select_n3A_959 : i32
      %dma_start3A_1114 = arith.constant 56 : i32
      %dma_start3A_1115 = arith.constant 0 : i32
      %dma_start3A_1116 = tpu.memref_slice %arg10[%dma_start3A_1114, %dma_start3A_1115] : memref<64x129xf32, #tpu.memory_space<vmem>> -> memref<8x128xf32, #tpu.memory_space<vmem>>
      %dma_start3A_1117 = arith.constant 0 : i32
      %dma_start3A_1118 = arith.constant 0 : i32
      %dma_start3A_1119 = tpu.memref_slice %arg4[%add3A_1113, %dma_start3A_1117, %dma_start3A_1118] : memref<51200x8x128xf32, #tpu.memory_space<hbm>> -> memref<1x8x128xf32, #tpu.memory_space<hbm>>
      %dma_start3A_1120 = tpu.memref_squeeze %dma_start3A_1119 : memref<1x8x128xf32, #tpu.memory_space<hbm>> -> memref<8x128xf32, #tpu.memory_space<hbm>>
      %dma_start3A_1121 = arith.constant 0 : i32
      %dma_start3A_1122 = arith.constant 0 : i32
      %dma_start3A_1123 = tpu.memref_slice %arg4[%add3A_1113, %dma_start3A_1121, %dma_start3A_1122] : memref<51200x8x128xf32, #tpu.memory_space<hbm>> -> memref<1x8x128xf32, #tpu.memory_space<hbm>>
      %dma_start3A_1124 = tpu.memref_squeeze %dma_start3A_1123 : memref<1x8x128xf32, #tpu.memory_space<hbm>> -> memref<8x128xf32, #tpu.memory_space<hbm>>
      %dma_start3A_1125 = arith.constant 56 : i32
      %dma_start3A_1126 = arith.constant 0 : i32
      %dma_start3A_1127 = tpu.memref_slice %arg10[%dma_start3A_1125, %dma_start3A_1126] : memref<64x129xf32, #tpu.memory_space<vmem>> -> memref<8x128xf32, #tpu.memory_space<vmem>>
      tpu.enqueue_dma source(%dma_start3A_1127 : memref<8x128xf32, #tpu.memory_space<vmem>>) target(%dma_start3A_1124 : memref<8x128xf32, #tpu.memory_space<hbm>>) target_semaphore(%arg18 : memref<!tpu.dma_semaphore, #tpu.memory_space<semaphore_mem>>)
      %lt3A_1128 = arith.constant 49 : i32
      %lt3A_1129 = arith.cmpi slt, %scan3A_900, %lt3A_1128 : i32
      %convert_element_type3A_1130 = arith.extui %lt3A_1129 : i1 to i32
      %cond3A_1131 = arith.constant 0 : i32
      %cond3A_1132 = arith.cmpi ne, %convert_element_type3A_1130, %cond3A_1131 : i32
      scf.if %cond3A_1132 {
        %add3A_1838 = arith.constant 4 : i32
        %add3A_1839 = arith.addi %add3A_904, %add3A_1838 : i32
        %dma_start3A_1840 = arith.constant 0 : i32
        %dma_start3A_1841 = tpu.memref_slice %arg5[%add3A_1839, %dma_start3A_1840] : memref<200x128xi32, #tpu.memory_space<vmem>> -> memref<1x128xi32, #tpu.memory_space<vmem>>
        %dma_start3A_1842 = tpu.memref_squeeze %dma_start3A_1841 : memref<1x128xi32, #tpu.memory_space<vmem>> -> memref<128xi32, #tpu.memory_space<vmem>>
        %dma_start3A_1843 = arith.constant 0 : i32
        %dma_start3A_1844 = arith.constant 0 : i32
        %dma_start3A_1845 = tpu.memref_slice %arg3[%dma_start3A_1843, %dma_start3A_1844] : memref<2000000x64xf32, #tpu.memory_space<hbm>> -> memref<2000000x64xf32, #tpu.memory_space<hbm>>
        tpu.enqueue_indirect_dma source(%dma_start3A_1845 : memref<2000000x64xf32, #tpu.memory_space<hbm>>) target(%arg6 : memref<128x64xf32, #tpu.memory_space<vmem>>) offsets(%dma_start3A_1842 : memref<128xi32, #tpu.memory_space<vmem>>) semaphore(%arg14 : memref<!tpu.dma_semaphore, #tpu.memory_space<semaphore_mem>>)
      } else {
      }
      %mul3A_1133 = arith.constant 4 : i32
      %mul3A_1134 = arith.muli %scan3A_900, %mul3A_1133 : i32
      %add3A_1135 = arith.constant 1 : i32
      %add3A_1136 = arith.addi %mul3A_1134, %add3A_1135 : i32
      %dma_wait3A_1137 = arith.constant 0 : i32
      %dma_wait3A_1138 = tpu.memref_slice %arg5[%add3A_1136, %dma_wait3A_1137] : memref<200x128xi32, #tpu.memory_space<vmem>> -> memref<1x128xi32, #tpu.memory_space<vmem>>
      %dma_wait3A_1139 = tpu.memref_squeeze %dma_wait3A_1138 : memref<1x128xi32, #tpu.memory_space<vmem>> -> memref<128xi32, #tpu.memory_space<vmem>>
      %dma_wait3A_1140 = arith.constant 0 : i32
      %dma_wait3A_1141 = arith.constant 0 : i32
      %dma_wait3A_1142 = tpu.memref_slice %arg3[%dma_wait3A_1140, %dma_wait3A_1141] : memref<2000000x64xf32, #tpu.memory_space<hbm>> -> memref<2000000x64xf32, #tpu.memory_space<hbm>>
      tpu.wait_indirect_dma semaphore(%arg15 : memref<!tpu.dma_semaphore, #tpu.memory_space<semaphore_mem>>) src(%dma_wait3A_1142 : memref<2000000x64xf32, #tpu.memory_space<hbm>>) dst(%arg7 : memref<128x64xf32, #tpu.memory_space<vmem>>)
      %gt3A_1143 = arith.constant 0 : i32
      %gt3A_1144 = arith.cmpi sgt, %scan3A_900, %gt3A_1143 : i32
      %convert_element_type3A_1145 = arith.extui %gt3A_1144 : i1 to i32
      %cond3A_1146 = arith.constant 0 : i32
      %cond3A_1147 = arith.cmpi ne, %convert_element_type3A_1145, %cond3A_1146 : i32
      scf.if %cond3A_1147 {
        %sub3A_1838 = arith.constant 4 : i32
        %sub3A_1839 = arith.subi %add3A_1136, %sub3A_1838 : i32
        %add3A_1840 = arith.addi %mul3A_2, %sub3A_1839 : i32
        %jit3A_1841 = arith.constant 128 : i32
        %div3A_1842 = arith.divsi %add3A_1840, %jit3A_1841 : i32
        %sign3A_1843 = arith.constant 0 : i32
        %sign3A_1844 = arith.cmpi sgt, %add3A_1840, %sign3A_1843 : i32
        %sign3A_1845 = arith.extui %sign3A_1844 : i1 to i32
        %sign3A_1846 = arith.constant 0 : i32
        %sign3A_1847 = arith.cmpi slt, %add3A_1840, %sign3A_1846 : i32
        %sign3A_1848 = arith.extui %sign3A_1847 : i1 to i32
        %sign3A_1849 = arith.subi %sign3A_1845, %sign3A_1848 : i32
        %sign3A_1850 = arith.constant 0 : i32
        %sign3A_1851 = arith.cmpi sgt, %jit3A_1841, %sign3A_1850 : i32
        %sign3A_1852 = arith.extui %sign3A_1851 : i1 to i32
        %sign3A_1853 = arith.constant 0 : i32
        %sign3A_1854 = arith.cmpi slt, %jit3A_1841, %sign3A_1853 : i32
        %sign3A_1855 = arith.extui %sign3A_1854 : i1 to i32
        %sign3A_1856 = arith.subi %sign3A_1852, %sign3A_1855 : i32
        %ne3A_1857 = arith.cmpi ne, %sign3A_1849, %sign3A_1856 : i32
        %rem3A_1858 = arith.remsi %add3A_1840, %jit3A_1841 : i32
        %ne3A_1859 = arith.constant 0 : i32
        %ne3A_1860 = arith.cmpi ne, %rem3A_1858, %ne3A_1859 : i32
        %and3A_1861 = arith.andi %ne3A_1857, %ne3A_1860 : i1
        %sub3A_1862 = arith.constant 1 : i32
        %sub3A_1863 = arith.subi %div3A_1842, %sub3A_1862 : i32
        %select_n3A_1864 = arith.select %and3A_1861, %sub3A_1863, %div3A_1842 : i32
        %jit3A_1865 = arith.constant 128 : i32
        %eq3A_1866 = arith.constant 0 : i32
        %eq3A_1867 = arith.cmpi eq, %jit3A_1865, %eq3A_1866 : i32
        %jit3A_1868 = arith.constant 1 : i32
        %select_n3A_1869 = arith.select %eq3A_1867, %jit3A_1868, %jit3A_1865 : i32
        %rem3A_1870 = arith.remsi %add3A_1840, %select_n3A_1869 : i32
        %ne3A_1871 = arith.constant 0 : i32
        %ne3A_1872 = arith.cmpi ne, %rem3A_1870, %ne3A_1871 : i32
        %lt3A_1873 = arith.constant 0 : i32
        %lt3A_1874 = arith.cmpi slt, %rem3A_1870, %lt3A_1873 : i32
        %lt3A_1875 = arith.constant 0 : i32
        %lt3A_1876 = arith.cmpi slt, %select_n3A_1869, %lt3A_1875 : i32
        %ne3A_1877 = arith.xori %lt3A_1874, %lt3A_1876 : i1
        %and3A_1878 = arith.andi %ne3A_1877, %ne3A_1872 : i1
        %add3A_1879 = arith.addi %rem3A_1870, %select_n3A_1869 : i32
        %select_n3A_1880 = arith.select %and3A_1878, %add3A_1879, %rem3A_1870 : i32
        %mul3A_1881 = arith.constant 8 : i32
        %mul3A_1882 = arith.muli %select_n3A_1864, %mul3A_1881 : i32
        %add3A_1883 = arith.constant 0 : i32
        %add3A_1884 = arith.addi %mul3A_1882, %add3A_1883 : i32
        %mul3A_1885 = arith.constant 128 : i32
        %mul3A_1886 = arith.muli %add3A_1884, %mul3A_1885 : i32
        %add3A_1887 = arith.addi %mul3A_1886, %select_n3A_1880 : i32
        %dma_wait3A_1888 = arith.constant 0 : i32
        %dma_wait3A_1889 = arith.constant 0 : i32
        %dma_wait3A_1890 = tpu.memref_slice %arg11[%dma_wait3A_1888, %dma_wait3A_1889] : memref<64x129xf32, #tpu.memory_space<vmem>> -> memref<8x128xf32, #tpu.memory_space<vmem>>
        %dma_wait3A_1891 = arith.constant 0 : i32
        %dma_wait3A_1892 = arith.constant 0 : i32
        %dma_wait3A_1893 = tpu.memref_slice %arg4[%add3A_1887, %dma_wait3A_1891, %dma_wait3A_1892] : memref<51200x8x128xf32, #tpu.memory_space<hbm>> -> memref<1x8x128xf32, #tpu.memory_space<hbm>>
        %dma_wait3A_1894 = tpu.memref_squeeze %dma_wait3A_1893 : memref<1x8x128xf32, #tpu.memory_space<hbm>> -> memref<8x128xf32, #tpu.memory_space<hbm>>
        %dma_wait3A_1895 = arith.constant 0 : i32
        %dma_wait3A_1896 = arith.constant 0 : i32
        %dma_wait3A_1897 = tpu.memref_slice %arg4[%add3A_1887, %dma_wait3A_1895, %dma_wait3A_1896] : memref<51200x8x128xf32, #tpu.memory_space<hbm>> -> memref<1x8x128xf32, #tpu.memory_space<hbm>>
        %dma_wait3A_1898 = tpu.memref_squeeze %dma_wait3A_1897 : memref<1x8x128xf32, #tpu.memory_space<hbm>> -> memref<8x128xf32, #tpu.memory_space<hbm>>
        %dma_wait3A_1899 = arith.constant 0 : i32
        %dma_wait3A_1900 = arith.constant 0 : i32
        %dma_wait3A_1901 = tpu.memref_slice %arg11[%dma_wait3A_1899, %dma_wait3A_1900] : memref<64x129xf32, #tpu.memory_space<vmem>> -> memref<8x128xf32, #tpu.memory_space<vmem>>
        tpu.wait_dma2 semaphore(%arg19 : memref<!tpu.dma_semaphore, #tpu.memory_space<semaphore_mem>>) src(%dma_wait3A_1901 : memref<8x128xf32, #tpu.memory_space<vmem>>) dst(%dma_wait3A_1898 : memref<8x128xf32, #tpu.memory_space<hbm>>)
        %mul3A_1902 = arith.constant 8 : i32
        %mul3A_1903 = arith.muli %select_n3A_1864, %mul3A_1902 : i32
        %add3A_1904 = arith.constant 1 : i32
        %add3A_1905 = arith.addi %mul3A_1903, %add3A_1904 : i32
        %mul3A_1906 = arith.constant 128 : i32
        %mul3A_1907 = arith.muli %add3A_1905, %mul3A_1906 : i32
        %add3A_1908 = arith.addi %mul3A_1907, %select_n3A_1880 : i32
        %dma_wait3A_1909 = arith.constant 8 : i32
        %dma_wait3A_1910 = arith.constant 0 : i32
        %dma_wait3A_1911 = tpu.memref_slice %arg11[%dma_wait3A_1909, %dma_wait3A_1910] : memref<64x129xf32, #tpu.memory_space<vmem>> -> memref<8x128xf32, #tpu.memory_space<vmem>>
        %dma_wait3A_1912 = arith.constant 0 : i32
        %dma_wait3A_1913 = arith.constant 0 : i32
        %dma_wait3A_1914 = tpu.memref_slice %arg4[%add3A_1908, %dma_wait3A_1912, %dma_wait3A_1913] : memref<51200x8x128xf32, #tpu.memory_space<hbm>> -> memref<1x8x128xf32, #tpu.memory_space<hbm>>
        %dma_wait3A_1915 = tpu.memref_squeeze %dma_wait3A_1914 : memref<1x8x128xf32, #tpu.memory_space<hbm>> -> memref<8x128xf32, #tpu.memory_space<hbm>>
        %dma_wait3A_1916 = arith.constant 0 : i32
        %dma_wait3A_1917 = arith.constant 0 : i32
        %dma_wait3A_1918 = tpu.memref_slice %arg4[%add3A_1908, %dma_wait3A_1916, %dma_wait3A_1917] : memref<51200x8x128xf32, #tpu.memory_space<hbm>> -> memref<1x8x128xf32, #tpu.memory_space<hbm>>
        %dma_wait3A_1919 = tpu.memref_squeeze %dma_wait3A_1918 : memref<1x8x128xf32, #tpu.memory_space<hbm>> -> memref<8x128xf32, #tpu.memory_space<hbm>>
        %dma_wait3A_1920 = arith.constant 8 : i32
        %dma_wait3A_1921 = arith.constant 0 : i32
        %dma_wait3A_1922 = tpu.memref_slice %arg11[%dma_wait3A_1920, %dma_wait3A_1921] : memref<64x129xf32, #tpu.memory_space<vmem>> -> memref<8x128xf32, #tpu.memory_space<vmem>>
        tpu.wait_dma2 semaphore(%arg19 : memref<!tpu.dma_semaphore, #tpu.memory_space<semaphore_mem>>) src(%dma_wait3A_1922 : memref<8x128xf32, #tpu.memory_space<vmem>>) dst(%dma_wait3A_1919 : memref<8x128xf32, #tpu.memory_space<hbm>>)
        %mul3A_1923 = arith.constant 8 : i32
        %mul3A_1924 = arith.muli %select_n3A_1864, %mul3A_1923 : i32
        %add3A_1925 = arith.constant 2 : i32
        %add3A_1926 = arith.addi %mul3A_1924, %add3A_1925 : i32
        %mul3A_1927 = arith.constant 128 : i32
        %mul3A_1928 = arith.muli %add3A_1926, %mul3A_1927 : i32
        %add3A_1929 = arith.addi %mul3A_1928, %select_n3A_1880 : i32
        %dma_wait3A_1930 = arith.constant 16 : i32
        %dma_wait3A_1931 = arith.constant 0 : i32
        %dma_wait3A_1932 = tpu.memref_slice %arg11[%dma_wait3A_1930, %dma_wait3A_1931] : memref<64x129xf32, #tpu.memory_space<vmem>> -> memref<8x128xf32, #tpu.memory_space<vmem>>
        %dma_wait3A_1933 = arith.constant 0 : i32
        %dma_wait3A_1934 = arith.constant 0 : i32
        %dma_wait3A_1935 = tpu.memref_slice %arg4[%add3A_1929, %dma_wait3A_1933, %dma_wait3A_1934] : memref<51200x8x128xf32, #tpu.memory_space<hbm>> -> memref<1x8x128xf32, #tpu.memory_space<hbm>>
        %dma_wait3A_1936 = tpu.memref_squeeze %dma_wait3A_1935 : memref<1x8x128xf32, #tpu.memory_space<hbm>> -> memref<8x128xf32, #tpu.memory_space<hbm>>
        %dma_wait3A_1937 = arith.constant 0 : i32
        %dma_wait3A_1938 = arith.constant 0 : i32
        %dma_wait3A_1939 = tpu.memref_slice %arg4[%add3A_1929, %dma_wait3A_1937, %dma_wait3A_1938] : memref<51200x8x128xf32, #tpu.memory_space<hbm>> -> memref<1x8x128xf32, #tpu.memory_space<hbm>>
        %dma_wait3A_1940 = tpu.memref_squeeze %dma_wait3A_1939 : memref<1x8x128xf32, #tpu.memory_space<hbm>> -> memref<8x128xf32, #tpu.memory_space<hbm>>
        %dma_wait3A_1941 = arith.constant 16 : i32
        %dma_wait3A_1942 = arith.constant 0 : i32
        %dma_wait3A_1943 = tpu.memref_slice %arg11[%dma_wait3A_1941, %dma_wait3A_1942] : memref<64x129xf32, #tpu.memory_space<vmem>> -> memref<8x128xf32, #tpu.memory_space<vmem>>
        tpu.wait_dma2 semaphore(%arg19 : memref<!tpu.dma_semaphore, #tpu.memory_space<semaphore_mem>>) src(%dma_wait3A_1943 : memref<8x128xf32, #tpu.memory_space<vmem>>) dst(%dma_wait3A_1940 : memref<8x128xf32, #tpu.memory_space<hbm>>)
        %mul3A_1944 = arith.constant 8 : i32
        %mul3A_1945 = arith.muli %select_n3A_1864, %mul3A_1944 : i32
        %add3A_1946 = arith.constant 3 : i32
        %add3A_1947 = arith.addi %mul3A_1945, %add3A_1946 : i32
        %mul3A_1948 = arith.constant 128 : i32
        %mul3A_1949 = arith.muli %add3A_1947, %mul3A_1948 : i32
        %add3A_1950 = arith.addi %mul3A_1949, %select_n3A_1880 : i32
        %dma_wait3A_1951 = arith.constant 24 : i32
        %dma_wait3A_1952 = arith.constant 0 : i32
        %dma_wait3A_1953 = tpu.memref_slice %arg11[%dma_wait3A_1951, %dma_wait3A_1952] : memref<64x129xf32, #tpu.memory_space<vmem>> -> memref<8x128xf32, #tpu.memory_space<vmem>>
        %dma_wait3A_1954 = arith.constant 0 : i32
        %dma_wait3A_1955 = arith.constant 0 : i32
        %dma_wait3A_1956 = tpu.memref_slice %arg4[%add3A_1950, %dma_wait3A_1954, %dma_wait3A_1955] : memref<51200x8x128xf32, #tpu.memory_space<hbm>> -> memref<1x8x128xf32, #tpu.memory_space<hbm>>
        %dma_wait3A_1957 = tpu.memref_squeeze %dma_wait3A_1956 : memref<1x8x128xf32, #tpu.memory_space<hbm>> -> memref<8x128xf32, #tpu.memory_space<hbm>>
        %dma_wait3A_1958 = arith.constant 0 : i32
        %dma_wait3A_1959 = arith.constant 0 : i32
        %dma_wait3A_1960 = tpu.memref_slice %arg4[%add3A_1950, %dma_wait3A_1958, %dma_wait3A_1959] : memref<51200x8x128xf32, #tpu.memory_space<hbm>> -> memref<1x8x128xf32, #tpu.memory_space<hbm>>
        %dma_wait3A_1961 = tpu.memref_squeeze %dma_wait3A_1960 : memref<1x8x128xf32, #tpu.memory_space<hbm>> -> memref<8x128xf32, #tpu.memory_space<hbm>>
        %dma_wait3A_1962 = arith.constant 24 : i32
        %dma_wait3A_1963 = arith.constant 0 : i32
        %dma_wait3A_1964 = tpu.memref_slice %arg11[%dma_wait3A_1962, %dma_wait3A_1963] : memref<64x129xf32, #tpu.memory_space<vmem>> -> memref<8x128xf32, #tpu.memory_space<vmem>>
        tpu.wait_dma2 semaphore(%arg19 : memref<!tpu.dma_semaphore, #tpu.memory_space<semaphore_mem>>) src(%dma_wait3A_1964 : memref<8x128xf32, #tpu.memory_space<vmem>>) dst(%dma_wait3A_1961 : memref<8x128xf32, #tpu.memory_space<hbm>>)
        %mul3A_1965 = arith.constant 8 : i32
        %mul3A_1966 = arith.muli %select_n3A_1864, %mul3A_1965 : i32
        %add3A_1967 = arith.constant 4 : i32
        %add3A_1968 = arith.addi %mul3A_1966, %add3A_1967 : i32
        %mul3A_1969 = arith.constant 128 : i32
        %mul3A_1970 = arith.muli %add3A_1968, %mul3A_1969 : i32
        %add3A_1971 = arith.addi %mul3A_1970, %select_n3A_1880 : i32
        %dma_wait3A_1972 = arith.constant 32 : i32
        %dma_wait3A_1973 = arith.constant 0 : i32
        %dma_wait3A_1974 = tpu.memref_slice %arg11[%dma_wait3A_1972, %dma_wait3A_1973] : memref<64x129xf32, #tpu.memory_space<vmem>> -> memref<8x128xf32, #tpu.memory_space<vmem>>
        %dma_wait3A_1975 = arith.constant 0 : i32
        %dma_wait3A_1976 = arith.constant 0 : i32
        %dma_wait3A_1977 = tpu.memref_slice %arg4[%add3A_1971, %dma_wait3A_1975, %dma_wait3A_1976] : memref<51200x8x128xf32, #tpu.memory_space<hbm>> -> memref<1x8x128xf32, #tpu.memory_space<hbm>>
        %dma_wait3A_1978 = tpu.memref_squeeze %dma_wait3A_1977 : memref<1x8x128xf32, #tpu.memory_space<hbm>> -> memref<8x128xf32, #tpu.memory_space<hbm>>
        %dma_wait3A_1979 = arith.constant 0 : i32
        %dma_wait3A_1980 = arith.constant 0 : i32
        %dma_wait3A_1981 = tpu.memref_slice %arg4[%add3A_1971, %dma_wait3A_1979, %dma_wait3A_1980] : memref<51200x8x128xf32, #tpu.memory_space<hbm>> -> memref<1x8x128xf32, #tpu.memory_space<hbm>>
        %dma_wait3A_1982 = tpu.memref_squeeze %dma_wait3A_1981 : memref<1x8x128xf32, #tpu.memory_space<hbm>> -> memref<8x128xf32, #tpu.memory_space<hbm>>
        %dma_wait3A_1983 = arith.constant 32 : i32
        %dma_wait3A_1984 = arith.constant 0 : i32
        %dma_wait3A_1985 = tpu.memref_slice %arg11[%dma_wait3A_1983, %dma_wait3A_1984] : memref<64x129xf32, #tpu.memory_space<vmem>> -> memref<8x128xf32, #tpu.memory_space<vmem>>
        tpu.wait_dma2 semaphore(%arg19 : memref<!tpu.dma_semaphore, #tpu.memory_space<semaphore_mem>>) src(%dma_wait3A_1985 : memref<8x128xf32, #tpu.memory_space<vmem>>) dst(%dma_wait3A_1982 : memref<8x128xf32, #tpu.memory_space<hbm>>)
        %mul3A_1986 = arith.constant 8 : i32
        %mul3A_1987 = arith.muli %select_n3A_1864, %mul3A_1986 : i32
        %add3A_1988 = arith.constant 5 : i32
        %add3A_1989 = arith.addi %mul3A_1987, %add3A_1988 : i32
        %mul3A_1990 = arith.constant 128 : i32
        %mul3A_1991 = arith.muli %add3A_1989, %mul3A_1990 : i32
        %add3A_1992 = arith.addi %mul3A_1991, %select_n3A_1880 : i32
        %dma_wait3A_1993 = arith.constant 40 : i32
        %dma_wait3A_1994 = arith.constant 0 : i32
        %dma_wait3A_1995 = tpu.memref_slice %arg11[%dma_wait3A_1993, %dma_wait3A_1994] : memref<64x129xf32, #tpu.memory_space<vmem>> -> memref<8x128xf32, #tpu.memory_space<vmem>>
        %dma_wait3A_1996 = arith.constant 0 : i32
        %dma_wait3A_1997 = arith.constant 0 : i32
        %dma_wait3A_1998 = tpu.memref_slice %arg4[%add3A_1992, %dma_wait3A_1996, %dma_wait3A_1997] : memref<51200x8x128xf32, #tpu.memory_space<hbm>> -> memref<1x8x128xf32, #tpu.memory_space<hbm>>
        %dma_wait3A_1999 = tpu.memref_squeeze %dma_wait3A_1998 : memref<1x8x128xf32, #tpu.memory_space<hbm>> -> memref<8x128xf32, #tpu.memory_space<hbm>>
        %dma_wait3A_2000 = arith.constant 0 : i32
        %dma_wait3A_2001 = arith.constant 0 : i32
        %dma_wait3A_2002 = tpu.memref_slice %arg4[%add3A_1992, %dma_wait3A_2000, %dma_wait3A_2001] : memref<51200x8x128xf32, #tpu.memory_space<hbm>> -> memref<1x8x128xf32, #tpu.memory_space<hbm>>
        %dma_wait3A_2003 = tpu.memref_squeeze %dma_wait3A_2002 : memref<1x8x128xf32, #tpu.memory_space<hbm>> -> memref<8x128xf32, #tpu.memory_space<hbm>>
        %dma_wait3A_2004 = arith.constant 40 : i32
        %dma_wait3A_2005 = arith.constant 0 : i32
        %dma_wait3A_2006 = tpu.memref_slice %arg11[%dma_wait3A_2004, %dma_wait3A_2005] : memref<64x129xf32, #tpu.memory_space<vmem>> -> memref<8x128xf32, #tpu.memory_space<vmem>>
        tpu.wait_dma2 semaphore(%arg19 : memref<!tpu.dma_semaphore, #tpu.memory_space<semaphore_mem>>) src(%dma_wait3A_2006 : memref<8x128xf32, #tpu.memory_space<vmem>>) dst(%dma_wait3A_2003 : memref<8x128xf32, #tpu.memory_space<hbm>>)
        %mul3A_2007 = arith.constant 8 : i32
        %mul3A_2008 = arith.muli %select_n3A_1864, %mul3A_2007 : i32
        %add3A_2009 = arith.constant 6 : i32
        %add3A_2010 = arith.addi %mul3A_2008, %add3A_2009 : i32
        %mul3A_2011 = arith.constant 128 : i32
        %mul3A_2012 = arith.muli %add3A_2010, %mul3A_2011 : i32
        %add3A_2013 = arith.addi %mul3A_2012, %select_n3A_1880 : i32
        %dma_wait3A_2014 = arith.constant 48 : i32
        %dma_wait3A_2015 = arith.constant 0 : i32
        %dma_wait3A_2016 = tpu.memref_slice %arg11[%dma_wait3A_2014, %dma_wait3A_2015] : memref<64x129xf32, #tpu.memory_space<vmem>> -> memref<8x128xf32, #tpu.memory_space<vmem>>
        %dma_wait3A_2017 = arith.constant 0 : i32
        %dma_wait3A_2018 = arith.constant 0 : i32
        %dma_wait3A_2019 = tpu.memref_slice %arg4[%add3A_2013, %dma_wait3A_2017, %dma_wait3A_2018] : memref<51200x8x128xf32, #tpu.memory_space<hbm>> -> memref<1x8x128xf32, #tpu.memory_space<hbm>>
        %dma_wait3A_2020 = tpu.memref_squeeze %dma_wait3A_2019 : memref<1x8x128xf32, #tpu.memory_space<hbm>> -> memref<8x128xf32, #tpu.memory_space<hbm>>
        %dma_wait3A_2021 = arith.constant 0 : i32
        %dma_wait3A_2022 = arith.constant 0 : i32
        %dma_wait3A_2023 = tpu.memref_slice %arg4[%add3A_2013, %dma_wait3A_2021, %dma_wait3A_2022] : memref<51200x8x128xf32, #tpu.memory_space<hbm>> -> memref<1x8x128xf32, #tpu.memory_space<hbm>>
        %dma_wait3A_2024 = tpu.memref_squeeze %dma_wait3A_2023 : memref<1x8x128xf32, #tpu.memory_space<hbm>> -> memref<8x128xf32, #tpu.memory_space<hbm>>
        %dma_wait3A_2025 = arith.constant 48 : i32
        %dma_wait3A_2026 = arith.constant 0 : i32
        %dma_wait3A_2027 = tpu.memref_slice %arg11[%dma_wait3A_2025, %dma_wait3A_2026] : memref<64x129xf32, #tpu.memory_space<vmem>> -> memref<8x128xf32, #tpu.memory_space<vmem>>
        tpu.wait_dma2 semaphore(%arg19 : memref<!tpu.dma_semaphore, #tpu.memory_space<semaphore_mem>>) src(%dma_wait3A_2027 : memref<8x128xf32, #tpu.memory_space<vmem>>) dst(%dma_wait3A_2024 : memref<8x128xf32, #tpu.memory_space<hbm>>)
        %mul3A_2028 = arith.constant 8 : i32
        %mul3A_2029 = arith.muli %select_n3A_1864, %mul3A_2028 : i32
        %add3A_2030 = arith.constant 7 : i32
        %add3A_2031 = arith.addi %mul3A_2029, %add3A_2030 : i32
        %mul3A_2032 = arith.constant 128 : i32
        %mul3A_2033 = arith.muli %add3A_2031, %mul3A_2032 : i32
        %add3A_2034 = arith.addi %mul3A_2033, %select_n3A_1880 : i32
        %dma_wait3A_2035 = arith.constant 56 : i32
        %dma_wait3A_2036 = arith.constant 0 : i32
        %dma_wait3A_2037 = tpu.memref_slice %arg11[%dma_wait3A_2035, %dma_wait3A_2036] : memref<64x129xf32, #tpu.memory_space<vmem>> -> memref<8x128xf32, #tpu.memory_space<vmem>>
        %dma_wait3A_2038 = arith.constant 0 : i32
        %dma_wait3A_2039 = arith.constant 0 : i32
        %dma_wait3A_2040 = tpu.memref_slice %arg4[%add3A_2034, %dma_wait3A_2038, %dma_wait3A_2039] : memref<51200x8x128xf32, #tpu.memory_space<hbm>> -> memref<1x8x128xf32, #tpu.memory_space<hbm>>
        %dma_wait3A_2041 = tpu.memref_squeeze %dma_wait3A_2040 : memref<1x8x128xf32, #tpu.memory_space<hbm>> -> memref<8x128xf32, #tpu.memory_space<hbm>>
        %dma_wait3A_2042 = arith.constant 0 : i32
        %dma_wait3A_2043 = arith.constant 0 : i32
        %dma_wait3A_2044 = tpu.memref_slice %arg4[%add3A_2034, %dma_wait3A_2042, %dma_wait3A_2043] : memref<51200x8x128xf32, #tpu.memory_space<hbm>> -> memref<1x8x128xf32, #tpu.memory_space<hbm>>
        %dma_wait3A_2045 = tpu.memref_squeeze %dma_wait3A_2044 : memref<1x8x128xf32, #tpu.memory_space<hbm>> -> memref<8x128xf32, #tpu.memory_space<hbm>>
        %dma_wait3A_2046 = arith.constant 56 : i32
        %dma_wait3A_2047 = arith.constant 0 : i32
        %dma_wait3A_2048 = tpu.memref_slice %arg11[%dma_wait3A_2046, %dma_wait3A_2047] : memref<64x129xf32, #tpu.memory_space<vmem>> -> memref<8x128xf32, #tpu.memory_space<vmem>>
        tpu.wait_dma2 semaphore(%arg19 : memref<!tpu.dma_semaphore, #tpu.memory_space<semaphore_mem>>) src(%dma_wait3A_2048 : memref<8x128xf32, #tpu.memory_space<vmem>>) dst(%dma_wait3A_2045 : memref<8x128xf32, #tpu.memory_space<hbm>>)
      } else {
      }
      %scan3A_1148 = arith.constant 0 : i32
      %scan3A_1149 = arith.constant 0 : i32
      %scan3A_1150 = arith.constant 32 : i32
      %scan3A_1151 = arith.addi %scan3A_1149, %scan3A_1150 : i32
      %scan3A_1152 = arith.constant 1 : i32
      scf.for %scan3A_1838 = %scan3A_1149 to %scan3A_1151 step %scan3A_1152  : i32 {
        %mul3A_1839 = arith.constant 4 : i32
        %mul3A_1840 = arith.muli %scan3A_1838, %mul3A_1839 : i32
        %add3A_1841 = arith.constant 0 : i32
        %add3A_1842 = arith.addi %mul3A_1840, %add3A_1841 : i32
        %broadcast_in_dim3A = arith.constant 0 : i32
        %broadcast_in_dim3A_1843 = vector.broadcast %broadcast_in_dim3A : i32 to vector<16xi32>
        %add3A_1844 = vector.broadcast %add3A_1842 : i32 to vector<16xi32>
        %add3A_1845 = arith.addi %broadcast_in_dim3A_1843, %add3A_1844 : vector<16xi32>
        %get3A = arith.index_cast %add3A_1842 : i32 to index
        %get3A_1846 = arith.constant 0 : index
        %get3A_1847 = tpu.vector_load %arg7[%get3A, %get3A_1846] {strides = array<i32>} : memref<128x64xf32, #tpu.memory_space<vmem>>, vector<16xf32>,
        %get3A_1848 = arith.index_cast %add3A_1842 : i32 to index
        %get3A_1849 = arith.constant 16 : index
        %get3A_1850 = tpu.vector_load %arg7[%get3A_1848, %get3A_1849] {strides = array<i32>} : memref<128x64xf32, #tpu.memory_space<vmem>>, vector<16xf32>,
        %get3A_1851 = arith.index_cast %add3A_1842 : i32 to index
        %get3A_1852 = arith.constant 32 : index
        %get3A_1853 = tpu.vector_load %arg7[%get3A_1851, %get3A_1852] {strides = array<i32>} : memref<128x64xf32, #tpu.memory_space<vmem>>, vector<16xf32>,
        %get3A_1854 = arith.index_cast %add3A_1842 : i32 to index
        %get3A_1855 = arith.constant 48 : index
        %get3A_1856 = tpu.vector_load %arg7[%get3A_1854, %get3A_1855] {strides = array<i32>} : memref<128x64xf32, #tpu.memory_space<vmem>>, vector<16xf32>,
        %mul3A_1857 = arith.constant 4 : i32
        %mul3A_1858 = arith.muli %scan3A_1838, %mul3A_1857 : i32
        %add3A_1859 = arith.constant 1 : i32
        %add3A_1860 = arith.addi %mul3A_1858, %add3A_1859 : i32
        %broadcast_in_dim3A_1861 = arith.constant 0 : i32
        %broadcast_in_dim3A_1862 = vector.broadcast %broadcast_in_dim3A_1861 : i32 to vector<16xi32>
        %add3A_1863 = vector.broadcast %add3A_1860 : i32 to vector<16xi32>
        %add3A_1864 = arith.addi %broadcast_in_dim3A_1862, %add3A_1863 : vector<16xi32>
        %get3A_1865 = arith.index_cast %add3A_1860 : i32 to index
        %get3A_1866 = arith.constant 0 : index
        %get3A_1867 = tpu.vector_load %arg7[%get3A_1865, %get3A_1866] {strides = array<i32>} : memref<128x64xf32, #tpu.memory_space<vmem>>, vector<16xf32>,
        %get3A_1868 = arith.index_cast %add3A_1860 : i32 to index
        %get3A_1869 = arith.constant 16 : index
        %get3A_1870 = tpu.vector_load %arg7[%get3A_1868, %get3A_1869] {strides = array<i32>} : memref<128x64xf32, #tpu.memory_space<vmem>>, vector<16xf32>,
        %get3A_1871 = arith.index_cast %add3A_1860 : i32 to index
        %get3A_1872 = arith.constant 32 : index
        %get3A_1873 = tpu.vector_load %arg7[%get3A_1871, %get3A_1872] {strides = array<i32>} : memref<128x64xf32, #tpu.memory_space<vmem>>, vector<16xf32>,
        %get3A_1874 = arith.index_cast %add3A_1860 : i32 to index
        %get3A_1875 = arith.constant 48 : index
        %get3A_1876 = tpu.vector_load %arg7[%get3A_1874, %get3A_1875] {strides = array<i32>} : memref<128x64xf32, #tpu.memory_space<vmem>>, vector<16xf32>,
        %mul3A_1877 = arith.constant 4 : i32
        %mul3A_1878 = arith.muli %scan3A_1838, %mul3A_1877 : i32
        %add3A_1879 = arith.constant 2 : i32
        %add3A_1880 = arith.addi %mul3A_1878, %add3A_1879 : i32
        %broadcast_in_dim3A_1881 = arith.constant 0 : i32
        %broadcast_in_dim3A_1882 = vector.broadcast %broadcast_in_dim3A_1881 : i32 to vector<16xi32>
        %add3A_1883 = vector.broadcast %add3A_1880 : i32 to vector<16xi32>
        %add3A_1884 = arith.addi %broadcast_in_dim3A_1882, %add3A_1883 : vector<16xi32>
        %get3A_1885 = arith.index_cast %add3A_1880 : i32 to index
        %get3A_1886 = arith.constant 0 : index
        %get3A_1887 = tpu.vector_load %arg7[%get3A_1885, %get3A_1886] {strides = array<i32>} : memref<128x64xf32, #tpu.memory_space<vmem>>, vector<16xf32>,
        %get3A_1888 = arith.index_cast %add3A_1880 : i32 to index
        %get3A_1889 = arith.constant 16 : index
        %get3A_1890 = tpu.vector_load %arg7[%get3A_1888, %get3A_1889] {strides = array<i32>} : memref<128x64xf32, #tpu.memory_space<vmem>>, vector<16xf32>,
        %get3A_1891 = arith.index_cast %add3A_1880 : i32 to index
        %get3A_1892 = arith.constant 32 : index
        %get3A_1893 = tpu.vector_load %arg7[%get3A_1891, %get3A_1892] {strides = array<i32>} : memref<128x64xf32, #tpu.memory_space<vmem>>, vector<16xf32>,
        %get3A_1894 = arith.index_cast %add3A_1880 : i32 to index
        %get3A_1895 = arith.constant 48 : index
        %get3A_1896 = tpu.vector_load %arg7[%get3A_1894, %get3A_1895] {strides = array<i32>} : memref<128x64xf32, #tpu.memory_space<vmem>>, vector<16xf32>,
        %mul3A_1897 = arith.constant 4 : i32
        %mul3A_1898 = arith.muli %scan3A_1838, %mul3A_1897 : i32
        %add3A_1899 = arith.constant 3 : i32
        %add3A_1900 = arith.addi %mul3A_1898, %add3A_1899 : i32
        %broadcast_in_dim3A_1901 = arith.constant 0 : i32
        %broadcast_in_dim3A_1902 = vector.broadcast %broadcast_in_dim3A_1901 : i32 to vector<16xi32>
        %add3A_1903 = vector.broadcast %add3A_1900 : i32 to vector<16xi32>
        %add3A_1904 = arith.addi %broadcast_in_dim3A_1902, %add3A_1903 : vector<16xi32>
        %get3A_1905 = arith.index_cast %add3A_1900 : i32 to index
        %get3A_1906 = arith.constant 0 : index
        %get3A_1907 = tpu.vector_load %arg7[%get3A_1905, %get3A_1906] {strides = array<i32>} : memref<128x64xf32, #tpu.memory_space<vmem>>, vector<16xf32>,
        %get3A_1908 = arith.index_cast %add3A_1900 : i32 to index
        %get3A_1909 = arith.constant 16 : index
        %get3A_1910 = tpu.vector_load %arg7[%get3A_1908, %get3A_1909] {strides = array<i32>} : memref<128x64xf32, #tpu.memory_space<vmem>>, vector<16xf32>,
        %get3A_1911 = arith.index_cast %add3A_1900 : i32 to index
        %get3A_1912 = arith.constant 32 : index
        %get3A_1913 = tpu.vector_load %arg7[%get3A_1911, %get3A_1912] {strides = array<i32>} : memref<128x64xf32, #tpu.memory_space<vmem>>, vector<16xf32>,
        %get3A_1914 = arith.index_cast %add3A_1900 : i32 to index
        %get3A_1915 = arith.constant 48 : index
        %get3A_1916 = tpu.vector_load %arg7[%get3A_1914, %get3A_1915] {strides = array<i32>} : memref<128x64xf32, #tpu.memory_space<vmem>>, vector<16xf32>,
        tpu.vector_store_idx %arg11[%add3A_29, %add3A_1845], %get3A_1847 : memref<64x129xf32, #tpu.memory_space<vmem>>[vector<16xi32>, vector<16xi32>], vector<16xf32>,
        tpu.vector_store_idx %arg11[%add3A_32, %add3A_1845], %get3A_1850 : memref<64x129xf32, #tpu.memory_space<vmem>>[vector<16xi32>, vector<16xi32>], vector<16xf32>,
        tpu.vector_store_idx %arg11[%add3A_35, %add3A_1845], %get3A_1853 : memref<64x129xf32, #tpu.memory_space<vmem>>[vector<16xi32>, vector<16xi32>], vector<16xf32>,
        tpu.vector_store_idx %arg11[%add3A_38, %add3A_1845], %get3A_1856 : memref<64x129xf32, #tpu.memory_space<vmem>>[vector<16xi32>, vector<16xi32>], vector<16xf32>,
        tpu.vector_store_idx %arg11[%add3A_29, %add3A_1864], %get3A_1867 : memref<64x129xf32, #tpu.memory_space<vmem>>[vector<16xi32>, vector<16xi32>], vector<16xf32>,
        tpu.vector_store_idx %arg11[%add3A_32, %add3A_1864], %get3A_1870 : memref<64x129xf32, #tpu.memory_space<vmem>>[vector<16xi32>, vector<16xi32>], vector<16xf32>,
        tpu.vector_store_idx %arg11[%add3A_35, %add3A_1864], %get3A_1873 : memref<64x129xf32, #tpu.memory_space<vmem>>[vector<16xi32>, vector<16xi32>], vector<16xf32>,
        tpu.vector_store_idx %arg11[%add3A_38, %add3A_1864], %get3A_1876 : memref<64x129xf32, #tpu.memory_space<vmem>>[vector<16xi32>, vector<16xi32>], vector<16xf32>,
        tpu.vector_store_idx %arg11[%add3A_29, %add3A_1884], %get3A_1887 : memref<64x129xf32, #tpu.memory_space<vmem>>[vector<16xi32>, vector<16xi32>], vector<16xf32>,
        tpu.vector_store_idx %arg11[%add3A_32, %add3A_1884], %get3A_1890 : memref<64x129xf32, #tpu.memory_space<vmem>>[vector<16xi32>, vector<16xi32>], vector<16xf32>,
        tpu.vector_store_idx %arg11[%add3A_35, %add3A_1884], %get3A_1893 : memref<64x129xf32, #tpu.memory_space<vmem>>[vector<16xi32>, vector<16xi32>], vector<16xf32>,
        tpu.vector_store_idx %arg11[%add3A_38, %add3A_1884], %get3A_1896 : memref<64x129xf32, #tpu.memory_space<vmem>>[vector<16xi32>, vector<16xi32>], vector<16xf32>,
        tpu.vector_store_idx %arg11[%add3A_29, %add3A_1904], %get3A_1907 : memref<64x129xf32, #tpu.memory_space<vmem>>[vector<16xi32>, vector<16xi32>], vector<16xf32>,
        tpu.vector_store_idx %arg11[%add3A_32, %add3A_1904], %get3A_1910 : memref<64x129xf32, #tpu.memory_space<vmem>>[vector<16xi32>, vector<16xi32>], vector<16xf32>,
        tpu.vector_store_idx %arg11[%add3A_35, %add3A_1904], %get3A_1913 : memref<64x129xf32, #tpu.memory_space<vmem>>[vector<16xi32>, vector<16xi32>], vector<16xf32>,
        tpu.vector_store_idx %arg11[%add3A_38, %add3A_1904], %get3A_1916 : memref<64x129xf32, #tpu.memory_space<vmem>>[vector<16xi32>, vector<16xi32>], vector<16xf32>,
      }
      %scan3A_1153 = arith.constant 32 : i32
      %add3A_1154 = arith.addi %mul3A_2, %add3A_1136 : i32
      %jit3A_1155 = arith.constant 128 : i32
      %div3A_1156 = arith.divsi %add3A_1154, %jit3A_1155 : i32
      %sign3A_1157 = arith.constant 0 : i32
      %sign3A_1158 = arith.cmpi sgt, %add3A_1154, %sign3A_1157 : i32
      %sign3A_1159 = arith.extui %sign3A_1158 : i1 to i32
      %sign3A_1160 = arith.constant 0 : i32
      %sign3A_1161 = arith.cmpi slt, %add3A_1154, %sign3A_1160 : i32
      %sign3A_1162 = arith.extui %sign3A_1161 : i1 to i32
      %sign3A_1163 = arith.subi %sign3A_1159, %sign3A_1162 : i32
      %sign3A_1164 = arith.constant 0 : i32
      %sign3A_1165 = arith.cmpi sgt, %jit3A_1155, %sign3A_1164 : i32
      %sign3A_1166 = arith.extui %sign3A_1165 : i1 to i32
      %sign3A_1167 = arith.constant 0 : i32
      %sign3A_1168 = arith.cmpi slt, %jit3A_1155, %sign3A_1167 : i32
      %sign3A_1169 = arith.extui %sign3A_1168 : i1 to i32
      %sign3A_1170 = arith.subi %sign3A_1166, %sign3A_1169 : i32
      %ne3A_1171 = arith.cmpi ne, %sign3A_1163, %sign3A_1170 : i32
      %rem3A_1172 = arith.remsi %add3A_1154, %jit3A_1155 : i32
      %ne3A_1173 = arith.constant 0 : i32
      %ne3A_1174 = arith.cmpi ne, %rem3A_1172, %ne3A_1173 : i32
      %and3A_1175 = arith.andi %ne3A_1171, %ne3A_1174 : i1
      %sub3A_1176 = arith.constant 1 : i32
      %sub3A_1177 = arith.subi %div3A_1156, %sub3A_1176 : i32
      %select_n3A_1178 = arith.select %and3A_1175, %sub3A_1177, %div3A_1156 : i32
      %jit3A_1179 = arith.constant 128 : i32
      %eq3A_1180 = arith.constant 0 : i32
      %eq3A_1181 = arith.cmpi eq, %jit3A_1179, %eq3A_1180 : i32
      %jit3A_1182 = arith.constant 1 : i32
      %select_n3A_1183 = arith.select %eq3A_1181, %jit3A_1182, %jit3A_1179 : i32
      %rem3A_1184 = arith.remsi %add3A_1154, %select_n3A_1183 : i32
      %ne3A_1185 = arith.constant 0 : i32
      %ne3A_1186 = arith.cmpi ne, %rem3A_1184, %ne3A_1185 : i32
      %lt3A_1187 = arith.constant 0 : i32
      %lt3A_1188 = arith.cmpi slt, %rem3A_1184, %lt3A_1187 : i32
      %lt3A_1189 = arith.constant 0 : i32
      %lt3A_1190 = arith.cmpi slt, %select_n3A_1183, %lt3A_1189 : i32
      %ne3A_1191 = arith.xori %lt3A_1188, %lt3A_1190 : i1
      %and3A_1192 = arith.andi %ne3A_1191, %ne3A_1186 : i1
      %add3A_1193 = arith.addi %rem3A_1184, %select_n3A_1183 : i32
      %select_n3A_1194 = arith.select %and3A_1192, %add3A_1193, %rem3A_1184 : i32
      %mul3A_1195 = arith.constant 8 : i32
      %mul3A_1196 = arith.muli %select_n3A_1178, %mul3A_1195 : i32
      %add3A_1197 = arith.constant 0 : i32
      %add3A_1198 = arith.addi %mul3A_1196, %add3A_1197 : i32
      %mul3A_1199 = arith.constant 128 : i32
      %mul3A_1200 = arith.muli %add3A_1198, %mul3A_1199 : i32
      %add3A_1201 = arith.addi %mul3A_1200, %select_n3A_1194 : i32
      %dma_start3A_1202 = arith.constant 0 : i32
      %dma_start3A_1203 = arith.constant 0 : i32
      %dma_start3A_1204 = tpu.memref_slice %arg11[%dma_start3A_1202, %dma_start3A_1203] : memref<64x129xf32, #tpu.memory_space<vmem>> -> memref<8x128xf32, #tpu.memory_space<vmem>>
      %dma_start3A_1205 = arith.constant 0 : i32
      %dma_start3A_1206 = arith.constant 0 : i32
      %dma_start3A_1207 = tpu.memref_slice %arg4[%add3A_1201, %dma_start3A_1205, %dma_start3A_1206] : memref<51200x8x128xf32, #tpu.memory_space<hbm>> -> memref<1x8x128xf32, #tpu.memory_space<hbm>>
      %dma_start3A_1208 = tpu.memref_squeeze %dma_start3A_1207 : memref<1x8x128xf32, #tpu.memory_space<hbm>> -> memref<8x128xf32, #tpu.memory_space<hbm>>
      %dma_start3A_1209 = arith.constant 0 : i32
      %dma_start3A_1210 = arith.constant 0 : i32
      %dma_start3A_1211 = tpu.memref_slice %arg4[%add3A_1201, %dma_start3A_1209, %dma_start3A_1210] : memref<51200x8x128xf32, #tpu.memory_space<hbm>> -> memref<1x8x128xf32, #tpu.memory_space<hbm>>
      %dma_start3A_1212 = tpu.memref_squeeze %dma_start3A_1211 : memref<1x8x128xf32, #tpu.memory_space<hbm>> -> memref<8x128xf32, #tpu.memory_space<hbm>>
      %dma_start3A_1213 = arith.constant 0 : i32
      %dma_start3A_1214 = arith.constant 0 : i32
      %dma_start3A_1215 = tpu.memref_slice %arg11[%dma_start3A_1213, %dma_start3A_1214] : memref<64x129xf32, #tpu.memory_space<vmem>> -> memref<8x128xf32, #tpu.memory_space<vmem>>
      tpu.enqueue_dma source(%dma_start3A_1215 : memref<8x128xf32, #tpu.memory_space<vmem>>) target(%dma_start3A_1212 : memref<8x128xf32, #tpu.memory_space<hbm>>) target_semaphore(%arg19 : memref<!tpu.dma_semaphore, #tpu.memory_space<semaphore_mem>>)
      %mul3A_1216 = arith.constant 8 : i32
      %mul3A_1217 = arith.muli %select_n3A_1178, %mul3A_1216 : i32
      %add3A_1218 = arith.constant 1 : i32
      %add3A_1219 = arith.addi %mul3A_1217, %add3A_1218 : i32
      %mul3A_1220 = arith.constant 128 : i32
      %mul3A_1221 = arith.muli %add3A_1219, %mul3A_1220 : i32
      %add3A_1222 = arith.addi %mul3A_1221, %select_n3A_1194 : i32
      %dma_start3A_1223 = arith.constant 8 : i32
      %dma_start3A_1224 = arith.constant 0 : i32
      %dma_start3A_1225 = tpu.memref_slice %arg11[%dma_start3A_1223, %dma_start3A_1224] : memref<64x129xf32, #tpu.memory_space<vmem>> -> memref<8x128xf32, #tpu.memory_space<vmem>>
      %dma_start3A_1226 = arith.constant 0 : i32
      %dma_start3A_1227 = arith.constant 0 : i32
      %dma_start3A_1228 = tpu.memref_slice %arg4[%add3A_1222, %dma_start3A_1226, %dma_start3A_1227] : memref<51200x8x128xf32, #tpu.memory_space<hbm>> -> memref<1x8x128xf32, #tpu.memory_space<hbm>>
      %dma_start3A_1229 = tpu.memref_squeeze %dma_start3A_1228 : memref<1x8x128xf32, #tpu.memory_space<hbm>> -> memref<8x128xf32, #tpu.memory_space<hbm>>
      %dma_start3A_1230 = arith.constant 0 : i32
      %dma_start3A_1231 = arith.constant 0 : i32
      %dma_start3A_1232 = tpu.memref_slice %arg4[%add3A_1222, %dma_start3A_1230, %dma_start3A_1231] : memref<51200x8x128xf32, #tpu.memory_space<hbm>> -> memref<1x8x128xf32, #tpu.memory_space<hbm>>
      %dma_start3A_1233 = tpu.memref_squeeze %dma_start3A_1232 : memref<1x8x128xf32, #tpu.memory_space<hbm>> -> memref<8x128xf32, #tpu.memory_space<hbm>>
      %dma_start3A_1234 = arith.constant 8 : i32
      %dma_start3A_1235 = arith.constant 0 : i32
      %dma_start3A_1236 = tpu.memref_slice %arg11[%dma_start3A_1234, %dma_start3A_1235] : memref<64x129xf32, #tpu.memory_space<vmem>> -> memref<8x128xf32, #tpu.memory_space<vmem>>
      tpu.enqueue_dma source(%dma_start3A_1236 : memref<8x128xf32, #tpu.memory_space<vmem>>) target(%dma_start3A_1233 : memref<8x128xf32, #tpu.memory_space<hbm>>) target_semaphore(%arg19 : memref<!tpu.dma_semaphore, #tpu.memory_space<semaphore_mem>>)
      %mul3A_1237 = arith.constant 8 : i32
      %mul3A_1238 = arith.muli %select_n3A_1178, %mul3A_1237 : i32
      %add3A_1239 = arith.constant 2 : i32
      %add3A_1240 = arith.addi %mul3A_1238, %add3A_1239 : i32
      %mul3A_1241 = arith.constant 128 : i32
      %mul3A_1242 = arith.muli %add3A_1240, %mul3A_1241 : i32
      %add3A_1243 = arith.addi %mul3A_1242, %select_n3A_1194 : i32
      %dma_start3A_1244 = arith.constant 16 : i32
      %dma_start3A_1245 = arith.constant 0 : i32
      %dma_start3A_1246 = tpu.memref_slice %arg11[%dma_start3A_1244, %dma_start3A_1245] : memref<64x129xf32, #tpu.memory_space<vmem>> -> memref<8x128xf32, #tpu.memory_space<vmem>>
      %dma_start3A_1247 = arith.constant 0 : i32
      %dma_start3A_1248 = arith.constant 0 : i32
      %dma_start3A_1249 = tpu.memref_slice %arg4[%add3A_1243, %dma_start3A_1247, %dma_start3A_1248] : memref<51200x8x128xf32, #tpu.memory_space<hbm>> -> memref<1x8x128xf32, #tpu.memory_space<hbm>>
      %dma_start3A_1250 = tpu.memref_squeeze %dma_start3A_1249 : memref<1x8x128xf32, #tpu.memory_space<hbm>> -> memref<8x128xf32, #tpu.memory_space<hbm>>
      %dma_start3A_1251 = arith.constant 0 : i32
      %dma_start3A_1252 = arith.constant 0 : i32
      %dma_start3A_1253 = tpu.memref_slice %arg4[%add3A_1243, %dma_start3A_1251, %dma_start3A_1252] : memref<51200x8x128xf32, #tpu.memory_space<hbm>> -> memref<1x8x128xf32, #tpu.memory_space<hbm>>
      %dma_start3A_1254 = tpu.memref_squeeze %dma_start3A_1253 : memref<1x8x128xf32, #tpu.memory_space<hbm>> -> memref<8x128xf32, #tpu.memory_space<hbm>>
      %dma_start3A_1255 = arith.constant 16 : i32
      %dma_start3A_1256 = arith.constant 0 : i32
      %dma_start3A_1257 = tpu.memref_slice %arg11[%dma_start3A_1255, %dma_start3A_1256] : memref<64x129xf32, #tpu.memory_space<vmem>> -> memref<8x128xf32, #tpu.memory_space<vmem>>
      tpu.enqueue_dma source(%dma_start3A_1257 : memref<8x128xf32, #tpu.memory_space<vmem>>) target(%dma_start3A_1254 : memref<8x128xf32, #tpu.memory_space<hbm>>) target_semaphore(%arg19 : memref<!tpu.dma_semaphore, #tpu.memory_space<semaphore_mem>>)
      %mul3A_1258 = arith.constant 8 : i32
      %mul3A_1259 = arith.muli %select_n3A_1178, %mul3A_1258 : i32
      %add3A_1260 = arith.constant 3 : i32
      %add3A_1261 = arith.addi %mul3A_1259, %add3A_1260 : i32
      %mul3A_1262 = arith.constant 128 : i32
      %mul3A_1263 = arith.muli %add3A_1261, %mul3A_1262 : i32
      %add3A_1264 = arith.addi %mul3A_1263, %select_n3A_1194 : i32
      %dma_start3A_1265 = arith.constant 24 : i32
      %dma_start3A_1266 = arith.constant 0 : i32
      %dma_start3A_1267 = tpu.memref_slice %arg11[%dma_start3A_1265, %dma_start3A_1266] : memref<64x129xf32, #tpu.memory_space<vmem>> -> memref<8x128xf32, #tpu.memory_space<vmem>>
      %dma_start3A_1268 = arith.constant 0 : i32
      %dma_start3A_1269 = arith.constant 0 : i32
      %dma_start3A_1270 = tpu.memref_slice %arg4[%add3A_1264, %dma_start3A_1268, %dma_start3A_1269] : memref<51200x8x128xf32, #tpu.memory_space<hbm>> -> memref<1x8x128xf32, #tpu.memory_space<hbm>>
      %dma_start3A_1271 = tpu.memref_squeeze %dma_start3A_1270 : memref<1x8x128xf32, #tpu.memory_space<hbm>> -> memref<8x128xf32, #tpu.memory_space<hbm>>
      %dma_start3A_1272 = arith.constant 0 : i32
      %dma_start3A_1273 = arith.constant 0 : i32
      %dma_start3A_1274 = tpu.memref_slice %arg4[%add3A_1264, %dma_start3A_1272, %dma_start3A_1273] : memref<51200x8x128xf32, #tpu.memory_space<hbm>> -> memref<1x8x128xf32, #tpu.memory_space<hbm>>
      %dma_start3A_1275 = tpu.memref_squeeze %dma_start3A_1274 : memref<1x8x128xf32, #tpu.memory_space<hbm>> -> memref<8x128xf32, #tpu.memory_space<hbm>>
      %dma_start3A_1276 = arith.constant 24 : i32
      %dma_start3A_1277 = arith.constant 0 : i32
      %dma_start3A_1278 = tpu.memref_slice %arg11[%dma_start3A_1276, %dma_start3A_1277] : memref<64x129xf32, #tpu.memory_space<vmem>> -> memref<8x128xf32, #tpu.memory_space<vmem>>
      tpu.enqueue_dma source(%dma_start3A_1278 : memref<8x128xf32, #tpu.memory_space<vmem>>) target(%dma_start3A_1275 : memref<8x128xf32, #tpu.memory_space<hbm>>) target_semaphore(%arg19 : memref<!tpu.dma_semaphore, #tpu.memory_space<semaphore_mem>>)
      %mul3A_1279 = arith.constant 8 : i32
      %mul3A_1280 = arith.muli %select_n3A_1178, %mul3A_1279 : i32
      %add3A_1281 = arith.constant 4 : i32
      %add3A_1282 = arith.addi %mul3A_1280, %add3A_1281 : i32
      %mul3A_1283 = arith.constant 128 : i32
      %mul3A_1284 = arith.muli %add3A_1282, %mul3A_1283 : i32
      %add3A_1285 = arith.addi %mul3A_1284, %select_n3A_1194 : i32
      %dma_start3A_1286 = arith.constant 32 : i32
      %dma_start3A_1287 = arith.constant 0 : i32
      %dma_start3A_1288 = tpu.memref_slice %arg11[%dma_start3A_1286, %dma_start3A_1287] : memref<64x129xf32, #tpu.memory_space<vmem>> -> memref<8x128xf32, #tpu.memory_space<vmem>>
      %dma_start3A_1289 = arith.constant 0 : i32
      %dma_start3A_1290 = arith.constant 0 : i32
      %dma_start3A_1291 = tpu.memref_slice %arg4[%add3A_1285, %dma_start3A_1289, %dma_start3A_1290] : memref<51200x8x128xf32, #tpu.memory_space<hbm>> -> memref<1x8x128xf32, #tpu.memory_space<hbm>>
      %dma_start3A_1292 = tpu.memref_squeeze %dma_start3A_1291 : memref<1x8x128xf32, #tpu.memory_space<hbm>> -> memref<8x128xf32, #tpu.memory_space<hbm>>
      %dma_start3A_1293 = arith.constant 0 : i32
      %dma_start3A_1294 = arith.constant 0 : i32
      %dma_start3A_1295 = tpu.memref_slice %arg4[%add3A_1285, %dma_start3A_1293, %dma_start3A_1294] : memref<51200x8x128xf32, #tpu.memory_space<hbm>> -> memref<1x8x128xf32, #tpu.memory_space<hbm>>
      %dma_start3A_1296 = tpu.memref_squeeze %dma_start3A_1295 : memref<1x8x128xf32, #tpu.memory_space<hbm>> -> memref<8x128xf32, #tpu.memory_space<hbm>>
      %dma_start3A_1297 = arith.constant 32 : i32
      %dma_start3A_1298 = arith.constant 0 : i32
      %dma_start3A_1299 = tpu.memref_slice %arg11[%dma_start3A_1297, %dma_start3A_1298] : memref<64x129xf32, #tpu.memory_space<vmem>> -> memref<8x128xf32, #tpu.memory_space<vmem>>
      tpu.enqueue_dma source(%dma_start3A_1299 : memref<8x128xf32, #tpu.memory_space<vmem>>) target(%dma_start3A_1296 : memref<8x128xf32, #tpu.memory_space<hbm>>) target_semaphore(%arg19 : memref<!tpu.dma_semaphore, #tpu.memory_space<semaphore_mem>>)
      %mul3A_1300 = arith.constant 8 : i32
      %mul3A_1301 = arith.muli %select_n3A_1178, %mul3A_1300 : i32
      %add3A_1302 = arith.constant 5 : i32
      %add3A_1303 = arith.addi %mul3A_1301, %add3A_1302 : i32
      %mul3A_1304 = arith.constant 128 : i32
      %mul3A_1305 = arith.muli %add3A_1303, %mul3A_1304 : i32
      %add3A_1306 = arith.addi %mul3A_1305, %select_n3A_1194 : i32
      %dma_start3A_1307 = arith.constant 40 : i32
      %dma_start3A_1308 = arith.constant 0 : i32
      %dma_start3A_1309 = tpu.memref_slice %arg11[%dma_start3A_1307, %dma_start3A_1308] : memref<64x129xf32, #tpu.memory_space<vmem>> -> memref<8x128xf32, #tpu.memory_space<vmem>>
      %dma_start3A_1310 = arith.constant 0 : i32
      %dma_start3A_1311 = arith.constant 0 : i32
      %dma_start3A_1312 = tpu.memref_slice %arg4[%add3A_1306, %dma_start3A_1310, %dma_start3A_1311] : memref<51200x8x128xf32, #tpu.memory_space<hbm>> -> memref<1x8x128xf32, #tpu.memory_space<hbm>>
      %dma_start3A_1313 = tpu.memref_squeeze %dma_start3A_1312 : memref<1x8x128xf32, #tpu.memory_space<hbm>> -> memref<8x128xf32, #tpu.memory_space<hbm>>
      %dma_start3A_1314 = arith.constant 0 : i32
      %dma_start3A_1315 = arith.constant 0 : i32
      %dma_start3A_1316 = tpu.memref_slice %arg4[%add3A_1306, %dma_start3A_1314, %dma_start3A_1315] : memref<51200x8x128xf32, #tpu.memory_space<hbm>> -> memref<1x8x128xf32, #tpu.memory_space<hbm>>
      %dma_start3A_1317 = tpu.memref_squeeze %dma_start3A_1316 : memref<1x8x128xf32, #tpu.memory_space<hbm>> -> memref<8x128xf32, #tpu.memory_space<hbm>>
      %dma_start3A_1318 = arith.constant 40 : i32
      %dma_start3A_1319 = arith.constant 0 : i32
      %dma_start3A_1320 = tpu.memref_slice %arg11[%dma_start3A_1318, %dma_start3A_1319] : memref<64x129xf32, #tpu.memory_space<vmem>> -> memref<8x128xf32, #tpu.memory_space<vmem>>
      tpu.enqueue_dma source(%dma_start3A_1320 : memref<8x128xf32, #tpu.memory_space<vmem>>) target(%dma_start3A_1317 : memref<8x128xf32, #tpu.memory_space<hbm>>) target_semaphore(%arg19 : memref<!tpu.dma_semaphore, #tpu.memory_space<semaphore_mem>>)
      %mul3A_1321 = arith.constant 8 : i32
      %mul3A_1322 = arith.muli %select_n3A_1178, %mul3A_1321 : i32
      %add3A_1323 = arith.constant 6 : i32
      %add3A_1324 = arith.addi %mul3A_1322, %add3A_1323 : i32
      %mul3A_1325 = arith.constant 128 : i32
      %mul3A_1326 = arith.muli %add3A_1324, %mul3A_1325 : i32
      %add3A_1327 = arith.addi %mul3A_1326, %select_n3A_1194 : i32
      %dma_start3A_1328 = arith.constant 48 : i32
      %dma_start3A_1329 = arith.constant 0 : i32
      %dma_start3A_1330 = tpu.memref_slice %arg11[%dma_start3A_1328, %dma_start3A_1329] : memref<64x129xf32, #tpu.memory_space<vmem>> -> memref<8x128xf32, #tpu.memory_space<vmem>>
      %dma_start3A_1331 = arith.constant 0 : i32
      %dma_start3A_1332 = arith.constant 0 : i32
      %dma_start3A_1333 = tpu.memref_slice %arg4[%add3A_1327, %dma_start3A_1331, %dma_start3A_1332] : memref<51200x8x128xf32, #tpu.memory_space<hbm>> -> memref<1x8x128xf32, #tpu.memory_space<hbm>>
      %dma_start3A_1334 = tpu.memref_squeeze %dma_start3A_1333 : memref<1x8x128xf32, #tpu.memory_space<hbm>> -> memref<8x128xf32, #tpu.memory_space<hbm>>
      %dma_start3A_1335 = arith.constant 0 : i32
      %dma_start3A_1336 = arith.constant 0 : i32
      %dma_start3A_1337 = tpu.memref_slice %arg4[%add3A_1327, %dma_start3A_1335, %dma_start3A_1336] : memref<51200x8x128xf32, #tpu.memory_space<hbm>> -> memref<1x8x128xf32, #tpu.memory_space<hbm>>
      %dma_start3A_1338 = tpu.memref_squeeze %dma_start3A_1337 : memref<1x8x128xf32, #tpu.memory_space<hbm>> -> memref<8x128xf32, #tpu.memory_space<hbm>>
      %dma_start3A_1339 = arith.constant 48 : i32
      %dma_start3A_1340 = arith.constant 0 : i32
      %dma_start3A_1341 = tpu.memref_slice %arg11[%dma_start3A_1339, %dma_start3A_1340] : memref<64x129xf32, #tpu.memory_space<vmem>> -> memref<8x128xf32, #tpu.memory_space<vmem>>
      tpu.enqueue_dma source(%dma_start3A_1341 : memref<8x128xf32, #tpu.memory_space<vmem>>) target(%dma_start3A_1338 : memref<8x128xf32, #tpu.memory_space<hbm>>) target_semaphore(%arg19 : memref<!tpu.dma_semaphore, #tpu.memory_space<semaphore_mem>>)
      %mul3A_1342 = arith.constant 8 : i32
      %mul3A_1343 = arith.muli %select_n3A_1178, %mul3A_1342 : i32
      %add3A_1344 = arith.constant 7 : i32
      %add3A_1345 = arith.addi %mul3A_1343, %add3A_1344 : i32
      %mul3A_1346 = arith.constant 128 : i32
      %mul3A_1347 = arith.muli %add3A_1345, %mul3A_1346 : i32
      %add3A_1348 = arith.addi %mul3A_1347, %select_n3A_1194 : i32
      %dma_start3A_1349 = arith.constant 56 : i32
      %dma_start3A_1350 = arith.constant 0 : i32
      %dma_start3A_1351 = tpu.memref_slice %arg11[%dma_start3A_1349, %dma_start3A_1350] : memref<64x129xf32, #tpu.memory_space<vmem>> -> memref<8x128xf32, #tpu.memory_space<vmem>>
      %dma_start3A_1352 = arith.constant 0 : i32
      %dma_start3A_1353 = arith.constant 0 : i32
      %dma_start3A_1354 = tpu.memref_slice %arg4[%add3A_1348, %dma_start3A_1352, %dma_start3A_1353] : memref<51200x8x128xf32, #tpu.memory_space<hbm>> -> memref<1x8x128xf32, #tpu.memory_space<hbm>>
      %dma_start3A_1355 = tpu.memref_squeeze %dma_start3A_1354 : memref<1x8x128xf32, #tpu.memory_space<hbm>> -> memref<8x128xf32, #tpu.memory_space<hbm>>
      %dma_start3A_1356 = arith.constant 0 : i32
      %dma_start3A_1357 = arith.constant 0 : i32
      %dma_start3A_1358 = tpu.memref_slice %arg4[%add3A_1348, %dma_start3A_1356, %dma_start3A_1357] : memref<51200x8x128xf32, #tpu.memory_space<hbm>> -> memref<1x8x128xf32, #tpu.memory_space<hbm>>
      %dma_start3A_1359 = tpu.memref_squeeze %dma_start3A_1358 : memref<1x8x128xf32, #tpu.memory_space<hbm>> -> memref<8x128xf32, #tpu.memory_space<hbm>>
      %dma_start3A_1360 = arith.constant 56 : i32
      %dma_start3A_1361 = arith.constant 0 : i32
      %dma_start3A_1362 = tpu.memref_slice %arg11[%dma_start3A_1360, %dma_start3A_1361] : memref<64x129xf32, #tpu.memory_space<vmem>> -> memref<8x128xf32, #tpu.memory_space<vmem>>
      tpu.enqueue_dma source(%dma_start3A_1362 : memref<8x128xf32, #tpu.memory_space<vmem>>) target(%dma_start3A_1359 : memref<8x128xf32, #tpu.memory_space<hbm>>) target_semaphore(%arg19 : memref<!tpu.dma_semaphore, #tpu.memory_space<semaphore_mem>>)
      %lt3A_1363 = arith.constant 49 : i32
      %lt3A_1364 = arith.cmpi slt, %scan3A_900, %lt3A_1363 : i32
      %convert_element_type3A_1365 = arith.extui %lt3A_1364 : i1 to i32
      %cond3A_1366 = arith.constant 0 : i32
      %cond3A_1367 = arith.cmpi ne, %convert_element_type3A_1365, %cond3A_1366 : i32
      scf.if %cond3A_1367 {
        %add3A_1838 = arith.constant 4 : i32
        %add3A_1839 = arith.addi %add3A_1136, %add3A_1838 : i32
        %dma_start3A_1840 = arith.constant 0 : i32
        %dma_start3A_1841 = tpu.memref_slice %arg5[%add3A_1839, %dma_start3A_1840] : memref<200x128xi32, #tpu.memory_space<vmem>> -> memref<1x128xi32, #tpu.memory_space<vmem>>
        %dma_start3A_1842 = tpu.memref_squeeze %dma_start3A_1841 : memref<1x128xi32, #tpu.memory_space<vmem>> -> memref<128xi32, #tpu.memory_space<vmem>>
        %dma_start3A_1843 = arith.constant 0 : i32
        %dma_start3A_1844 = arith.constant 0 : i32
        %dma_start3A_1845 = tpu.memref_slice %arg3[%dma_start3A_1843, %dma_start3A_1844] : memref<2000000x64xf32, #tpu.memory_space<hbm>> -> memref<2000000x64xf32, #tpu.memory_space<hbm>>
        tpu.enqueue_indirect_dma source(%dma_start3A_1845 : memref<2000000x64xf32, #tpu.memory_space<hbm>>) target(%arg7 : memref<128x64xf32, #tpu.memory_space<vmem>>) offsets(%dma_start3A_1842 : memref<128xi32, #tpu.memory_space<vmem>>) semaphore(%arg15 : memref<!tpu.dma_semaphore, #tpu.memory_space<semaphore_mem>>)
      } else {
      }
      %mul3A_1368 = arith.constant 4 : i32
      %mul3A_1369 = arith.muli %scan3A_900, %mul3A_1368 : i32
      %add3A_1370 = arith.constant 2 : i32
      %add3A_1371 = arith.addi %mul3A_1369, %add3A_1370 : i32
      %dma_wait3A_1372 = arith.constant 0 : i32
      %dma_wait3A_1373 = tpu.memref_slice %arg5[%add3A_1371, %dma_wait3A_1372] : memref<200x128xi32, #tpu.memory_space<vmem>> -> memref<1x128xi32, #tpu.memory_space<vmem>>
      %dma_wait3A_1374 = tpu.memref_squeeze %dma_wait3A_1373 : memref<1x128xi32, #tpu.memory_space<vmem>> -> memref<128xi32, #tpu.memory_space<vmem>>
      %dma_wait3A_1375 = arith.constant 0 : i32
      %dma_wait3A_1376 = arith.constant 0 : i32
      %dma_wait3A_1377 = tpu.memref_slice %arg3[%dma_wait3A_1375, %dma_wait3A_1376] : memref<2000000x64xf32, #tpu.memory_space<hbm>> -> memref<2000000x64xf32, #tpu.memory_space<hbm>>
      tpu.wait_indirect_dma semaphore(%arg16 : memref<!tpu.dma_semaphore, #tpu.memory_space<semaphore_mem>>) src(%dma_wait3A_1377 : memref<2000000x64xf32, #tpu.memory_space<hbm>>) dst(%arg8 : memref<128x64xf32, #tpu.memory_space<vmem>>)
      %gt3A_1378 = arith.constant 0 : i32
      %gt3A_1379 = arith.cmpi sgt, %scan3A_900, %gt3A_1378 : i32
      %convert_element_type3A_1380 = arith.extui %gt3A_1379 : i1 to i32
      %cond3A_1381 = arith.constant 0 : i32
      %cond3A_1382 = arith.cmpi ne, %convert_element_type3A_1380, %cond3A_1381 : i32
      scf.if %cond3A_1382 {
        %sub3A_1838 = arith.constant 4 : i32
        %sub3A_1839 = arith.subi %add3A_1371, %sub3A_1838 : i32
        %add3A_1840 = arith.addi %mul3A_2, %sub3A_1839 : i32
        %jit3A_1841 = arith.constant 128 : i32
        %div3A_1842 = arith.divsi %add3A_1840, %jit3A_1841 : i32
        %sign3A_1843 = arith.constant 0 : i32
        %sign3A_1844 = arith.cmpi sgt, %add3A_1840, %sign3A_1843 : i32
        %sign3A_1845 = arith.extui %sign3A_1844 : i1 to i32
        %sign3A_1846 = arith.constant 0 : i32
        %sign3A_1847 = arith.cmpi slt, %add3A_1840, %sign3A_1846 : i32
        %sign3A_1848 = arith.extui %sign3A_1847 : i1 to i32
        %sign3A_1849 = arith.subi %sign3A_1845, %sign3A_1848 : i32
        %sign3A_1850 = arith.constant 0 : i32
        %sign3A_1851 = arith.cmpi sgt, %jit3A_1841, %sign3A_1850 : i32
        %sign3A_1852 = arith.extui %sign3A_1851 : i1 to i32
        %sign3A_1853 = arith.constant 0 : i32
        %sign3A_1854 = arith.cmpi slt, %jit3A_1841, %sign3A_1853 : i32
        %sign3A_1855 = arith.extui %sign3A_1854 : i1 to i32
        %sign3A_1856 = arith.subi %sign3A_1852, %sign3A_1855 : i32
        %ne3A_1857 = arith.cmpi ne, %sign3A_1849, %sign3A_1856 : i32
        %rem3A_1858 = arith.remsi %add3A_1840, %jit3A_1841 : i32
        %ne3A_1859 = arith.constant 0 : i32
        %ne3A_1860 = arith.cmpi ne, %rem3A_1858, %ne3A_1859 : i32
        %and3A_1861 = arith.andi %ne3A_1857, %ne3A_1860 : i1
        %sub3A_1862 = arith.constant 1 : i32
        %sub3A_1863 = arith.subi %div3A_1842, %sub3A_1862 : i32
        %select_n3A_1864 = arith.select %and3A_1861, %sub3A_1863, %div3A_1842 : i32
        %jit3A_1865 = arith.constant 128 : i32
        %eq3A_1866 = arith.constant 0 : i32
        %eq3A_1867 = arith.cmpi eq, %jit3A_1865, %eq3A_1866 : i32
        %jit3A_1868 = arith.constant 1 : i32
        %select_n3A_1869 = arith.select %eq3A_1867, %jit3A_1868, %jit3A_1865 : i32
        %rem3A_1870 = arith.remsi %add3A_1840, %select_n3A_1869 : i32
        %ne3A_1871 = arith.constant 0 : i32
        %ne3A_1872 = arith.cmpi ne, %rem3A_1870, %ne3A_1871 : i32
        %lt3A_1873 = arith.constant 0 : i32
        %lt3A_1874 = arith.cmpi slt, %rem3A_1870, %lt3A_1873 : i32
        %lt3A_1875 = arith.constant 0 : i32
        %lt3A_1876 = arith.cmpi slt, %select_n3A_1869, %lt3A_1875 : i32
        %ne3A_1877 = arith.xori %lt3A_1874, %lt3A_1876 : i1
        %and3A_1878 = arith.andi %ne3A_1877, %ne3A_1872 : i1
        %add3A_1879 = arith.addi %rem3A_1870, %select_n3A_1869 : i32
        %select_n3A_1880 = arith.select %and3A_1878, %add3A_1879, %rem3A_1870 : i32
        %mul3A_1881 = arith.constant 8 : i32
        %mul3A_1882 = arith.muli %select_n3A_1864, %mul3A_1881 : i32
        %add3A_1883 = arith.constant 0 : i32
        %add3A_1884 = arith.addi %mul3A_1882, %add3A_1883 : i32
        %mul3A_1885 = arith.constant 128 : i32
        %mul3A_1886 = arith.muli %add3A_1884, %mul3A_1885 : i32
        %add3A_1887 = arith.addi %mul3A_1886, %select_n3A_1880 : i32
        %dma_wait3A_1888 = arith.constant 0 : i32
        %dma_wait3A_1889 = arith.constant 0 : i32
        %dma_wait3A_1890 = tpu.memref_slice %arg12[%dma_wait3A_1888, %dma_wait3A_1889] : memref<64x129xf32, #tpu.memory_space<vmem>> -> memref<8x128xf32, #tpu.memory_space<vmem>>
        %dma_wait3A_1891 = arith.constant 0 : i32
        %dma_wait3A_1892 = arith.constant 0 : i32
        %dma_wait3A_1893 = tpu.memref_slice %arg4[%add3A_1887, %dma_wait3A_1891, %dma_wait3A_1892] : memref<51200x8x128xf32, #tpu.memory_space<hbm>> -> memref<1x8x128xf32, #tpu.memory_space<hbm>>
        %dma_wait3A_1894 = tpu.memref_squeeze %dma_wait3A_1893 : memref<1x8x128xf32, #tpu.memory_space<hbm>> -> memref<8x128xf32, #tpu.memory_space<hbm>>
        %dma_wait3A_1895 = arith.constant 0 : i32
        %dma_wait3A_1896 = arith.constant 0 : i32
        %dma_wait3A_1897 = tpu.memref_slice %arg4[%add3A_1887, %dma_wait3A_1895, %dma_wait3A_1896] : memref<51200x8x128xf32, #tpu.memory_space<hbm>> -> memref<1x8x128xf32, #tpu.memory_space<hbm>>
        %dma_wait3A_1898 = tpu.memref_squeeze %dma_wait3A_1897 : memref<1x8x128xf32, #tpu.memory_space<hbm>> -> memref<8x128xf32, #tpu.memory_space<hbm>>
        %dma_wait3A_1899 = arith.constant 0 : i32
        %dma_wait3A_1900 = arith.constant 0 : i32
        %dma_wait3A_1901 = tpu.memref_slice %arg12[%dma_wait3A_1899, %dma_wait3A_1900] : memref<64x129xf32, #tpu.memory_space<vmem>> -> memref<8x128xf32, #tpu.memory_space<vmem>>
        tpu.wait_dma2 semaphore(%arg20 : memref<!tpu.dma_semaphore, #tpu.memory_space<semaphore_mem>>) src(%dma_wait3A_1901 : memref<8x128xf32, #tpu.memory_space<vmem>>) dst(%dma_wait3A_1898 : memref<8x128xf32, #tpu.memory_space<hbm>>)
        %mul3A_1902 = arith.constant 8 : i32
        %mul3A_1903 = arith.muli %select_n3A_1864, %mul3A_1902 : i32
        %add3A_1904 = arith.constant 1 : i32
        %add3A_1905 = arith.addi %mul3A_1903, %add3A_1904 : i32
        %mul3A_1906 = arith.constant 128 : i32
        %mul3A_1907 = arith.muli %add3A_1905, %mul3A_1906 : i32
        %add3A_1908 = arith.addi %mul3A_1907, %select_n3A_1880 : i32
        %dma_wait3A_1909 = arith.constant 8 : i32
        %dma_wait3A_1910 = arith.constant 0 : i32
        %dma_wait3A_1911 = tpu.memref_slice %arg12[%dma_wait3A_1909, %dma_wait3A_1910] : memref<64x129xf32, #tpu.memory_space<vmem>> -> memref<8x128xf32, #tpu.memory_space<vmem>>
        %dma_wait3A_1912 = arith.constant 0 : i32
        %dma_wait3A_1913 = arith.constant 0 : i32
        %dma_wait3A_1914 = tpu.memref_slice %arg4[%add3A_1908, %dma_wait3A_1912, %dma_wait3A_1913] : memref<51200x8x128xf32, #tpu.memory_space<hbm>> -> memref<1x8x128xf32, #tpu.memory_space<hbm>>
        %dma_wait3A_1915 = tpu.memref_squeeze %dma_wait3A_1914 : memref<1x8x128xf32, #tpu.memory_space<hbm>> -> memref<8x128xf32, #tpu.memory_space<hbm>>
        %dma_wait3A_1916 = arith.constant 0 : i32
        %dma_wait3A_1917 = arith.constant 0 : i32
        %dma_wait3A_1918 = tpu.memref_slice %arg4[%add3A_1908, %dma_wait3A_1916, %dma_wait3A_1917] : memref<51200x8x128xf32, #tpu.memory_space<hbm>> -> memref<1x8x128xf32, #tpu.memory_space<hbm>>
        %dma_wait3A_1919 = tpu.memref_squeeze %dma_wait3A_1918 : memref<1x8x128xf32, #tpu.memory_space<hbm>> -> memref<8x128xf32, #tpu.memory_space<hbm>>
        %dma_wait3A_1920 = arith.constant 8 : i32
        %dma_wait3A_1921 = arith.constant 0 : i32
        %dma_wait3A_1922 = tpu.memref_slice %arg12[%dma_wait3A_1920, %dma_wait3A_1921] : memref<64x129xf32, #tpu.memory_space<vmem>> -> memref<8x128xf32, #tpu.memory_space<vmem>>
        tpu.wait_dma2 semaphore(%arg20 : memref<!tpu.dma_semaphore, #tpu.memory_space<semaphore_mem>>) src(%dma_wait3A_1922 : memref<8x128xf32, #tpu.memory_space<vmem>>) dst(%dma_wait3A_1919 : memref<8x128xf32, #tpu.memory_space<hbm>>)
        %mul3A_1923 = arith.constant 8 : i32
        %mul3A_1924 = arith.muli %select_n3A_1864, %mul3A_1923 : i32
        %add3A_1925 = arith.constant 2 : i32
        %add3A_1926 = arith.addi %mul3A_1924, %add3A_1925 : i32
        %mul3A_1927 = arith.constant 128 : i32
        %mul3A_1928 = arith.muli %add3A_1926, %mul3A_1927 : i32
        %add3A_1929 = arith.addi %mul3A_1928, %select_n3A_1880 : i32
        %dma_wait3A_1930 = arith.constant 16 : i32
        %dma_wait3A_1931 = arith.constant 0 : i32
        %dma_wait3A_1932 = tpu.memref_slice %arg12[%dma_wait3A_1930, %dma_wait3A_1931] : memref<64x129xf32, #tpu.memory_space<vmem>> -> memref<8x128xf32, #tpu.memory_space<vmem>>
        %dma_wait3A_1933 = arith.constant 0 : i32
        %dma_wait3A_1934 = arith.constant 0 : i32
        %dma_wait3A_1935 = tpu.memref_slice %arg4[%add3A_1929, %dma_wait3A_1933, %dma_wait3A_1934] : memref<51200x8x128xf32, #tpu.memory_space<hbm>> -> memref<1x8x128xf32, #tpu.memory_space<hbm>>
        %dma_wait3A_1936 = tpu.memref_squeeze %dma_wait3A_1935 : memref<1x8x128xf32, #tpu.memory_space<hbm>> -> memref<8x128xf32, #tpu.memory_space<hbm>>
        %dma_wait3A_1937 = arith.constant 0 : i32
        %dma_wait3A_1938 = arith.constant 0 : i32
        %dma_wait3A_1939 = tpu.memref_slice %arg4[%add3A_1929, %dma_wait3A_1937, %dma_wait3A_1938] : memref<51200x8x128xf32, #tpu.memory_space<hbm>> -> memref<1x8x128xf32, #tpu.memory_space<hbm>>
        %dma_wait3A_1940 = tpu.memref_squeeze %dma_wait3A_1939 : memref<1x8x128xf32, #tpu.memory_space<hbm>> -> memref<8x128xf32, #tpu.memory_space<hbm>>
        %dma_wait3A_1941 = arith.constant 16 : i32
        %dma_wait3A_1942 = arith.constant 0 : i32
        %dma_wait3A_1943 = tpu.memref_slice %arg12[%dma_wait3A_1941, %dma_wait3A_1942] : memref<64x129xf32, #tpu.memory_space<vmem>> -> memref<8x128xf32, #tpu.memory_space<vmem>>
        tpu.wait_dma2 semaphore(%arg20 : memref<!tpu.dma_semaphore, #tpu.memory_space<semaphore_mem>>) src(%dma_wait3A_1943 : memref<8x128xf32, #tpu.memory_space<vmem>>) dst(%dma_wait3A_1940 : memref<8x128xf32, #tpu.memory_space<hbm>>)
        %mul3A_1944 = arith.constant 8 : i32
        %mul3A_1945 = arith.muli %select_n3A_1864, %mul3A_1944 : i32
        %add3A_1946 = arith.constant 3 : i32
        %add3A_1947 = arith.addi %mul3A_1945, %add3A_1946 : i32
        %mul3A_1948 = arith.constant 128 : i32
        %mul3A_1949 = arith.muli %add3A_1947, %mul3A_1948 : i32
        %add3A_1950 = arith.addi %mul3A_1949, %select_n3A_1880 : i32
        %dma_wait3A_1951 = arith.constant 24 : i32
        %dma_wait3A_1952 = arith.constant 0 : i32
        %dma_wait3A_1953 = tpu.memref_slice %arg12[%dma_wait3A_1951, %dma_wait3A_1952] : memref<64x129xf32, #tpu.memory_space<vmem>> -> memref<8x128xf32, #tpu.memory_space<vmem>>
        %dma_wait3A_1954 = arith.constant 0 : i32
        %dma_wait3A_1955 = arith.constant 0 : i32
        %dma_wait3A_1956 = tpu.memref_slice %arg4[%add3A_1950, %dma_wait3A_1954, %dma_wait3A_1955] : memref<51200x8x128xf32, #tpu.memory_space<hbm>> -> memref<1x8x128xf32, #tpu.memory_space<hbm>>
        %dma_wait3A_1957 = tpu.memref_squeeze %dma_wait3A_1956 : memref<1x8x128xf32, #tpu.memory_space<hbm>> -> memref<8x128xf32, #tpu.memory_space<hbm>>
        %dma_wait3A_1958 = arith.constant 0 : i32
        %dma_wait3A_1959 = arith.constant 0 : i32
        %dma_wait3A_1960 = tpu.memref_slice %arg4[%add3A_1950, %dma_wait3A_1958, %dma_wait3A_1959] : memref<51200x8x128xf32, #tpu.memory_space<hbm>> -> memref<1x8x128xf32, #tpu.memory_space<hbm>>
        %dma_wait3A_1961 = tpu.memref_squeeze %dma_wait3A_1960 : memref<1x8x128xf32, #tpu.memory_space<hbm>> -> memref<8x128xf32, #tpu.memory_space<hbm>>
        %dma_wait3A_1962 = arith.constant 24 : i32
        %dma_wait3A_1963 = arith.constant 0 : i32
        %dma_wait3A_1964 = tpu.memref_slice %arg12[%dma_wait3A_1962, %dma_wait3A_1963] : memref<64x129xf32, #tpu.memory_space<vmem>> -> memref<8x128xf32, #tpu.memory_space<vmem>>
        tpu.wait_dma2 semaphore(%arg20 : memref<!tpu.dma_semaphore, #tpu.memory_space<semaphore_mem>>) src(%dma_wait3A_1964 : memref<8x128xf32, #tpu.memory_space<vmem>>) dst(%dma_wait3A_1961 : memref<8x128xf32, #tpu.memory_space<hbm>>)
        %mul3A_1965 = arith.constant 8 : i32
        %mul3A_1966 = arith.muli %select_n3A_1864, %mul3A_1965 : i32
        %add3A_1967 = arith.constant 4 : i32
        %add3A_1968 = arith.addi %mul3A_1966, %add3A_1967 : i32
        %mul3A_1969 = arith.constant 128 : i32
        %mul3A_1970 = arith.muli %add3A_1968, %mul3A_1969 : i32
        %add3A_1971 = arith.addi %mul3A_1970, %select_n3A_1880 : i32
        %dma_wait3A_1972 = arith.constant 32 : i32
        %dma_wait3A_1973 = arith.constant 0 : i32
        %dma_wait3A_1974 = tpu.memref_slice %arg12[%dma_wait3A_1972, %dma_wait3A_1973] : memref<64x129xf32, #tpu.memory_space<vmem>> -> memref<8x128xf32, #tpu.memory_space<vmem>>
        %dma_wait3A_1975 = arith.constant 0 : i32
        %dma_wait3A_1976 = arith.constant 0 : i32
        %dma_wait3A_1977 = tpu.memref_slice %arg4[%add3A_1971, %dma_wait3A_1975, %dma_wait3A_1976] : memref<51200x8x128xf32, #tpu.memory_space<hbm>> -> memref<1x8x128xf32, #tpu.memory_space<hbm>>
        %dma_wait3A_1978 = tpu.memref_squeeze %dma_wait3A_1977 : memref<1x8x128xf32, #tpu.memory_space<hbm>> -> memref<8x128xf32, #tpu.memory_space<hbm>>
        %dma_wait3A_1979 = arith.constant 0 : i32
        %dma_wait3A_1980 = arith.constant 0 : i32
        %dma_wait3A_1981 = tpu.memref_slice %arg4[%add3A_1971, %dma_wait3A_1979, %dma_wait3A_1980] : memref<51200x8x128xf32, #tpu.memory_space<hbm>> -> memref<1x8x128xf32, #tpu.memory_space<hbm>>
        %dma_wait3A_1982 = tpu.memref_squeeze %dma_wait3A_1981 : memref<1x8x128xf32, #tpu.memory_space<hbm>> -> memref<8x128xf32, #tpu.memory_space<hbm>>
        %dma_wait3A_1983 = arith.constant 32 : i32
        %dma_wait3A_1984 = arith.constant 0 : i32
        %dma_wait3A_1985 = tpu.memref_slice %arg12[%dma_wait3A_1983, %dma_wait3A_1984] : memref<64x129xf32, #tpu.memory_space<vmem>> -> memref<8x128xf32, #tpu.memory_space<vmem>>
        tpu.wait_dma2 semaphore(%arg20 : memref<!tpu.dma_semaphore, #tpu.memory_space<semaphore_mem>>) src(%dma_wait3A_1985 : memref<8x128xf32, #tpu.memory_space<vmem>>) dst(%dma_wait3A_1982 : memref<8x128xf32, #tpu.memory_space<hbm>>)
        %mul3A_1986 = arith.constant 8 : i32
        %mul3A_1987 = arith.muli %select_n3A_1864, %mul3A_1986 : i32
        %add3A_1988 = arith.constant 5 : i32
        %add3A_1989 = arith.addi %mul3A_1987, %add3A_1988 : i32
        %mul3A_1990 = arith.constant 128 : i32
        %mul3A_1991 = arith.muli %add3A_1989, %mul3A_1990 : i32
        %add3A_1992 = arith.addi %mul3A_1991, %select_n3A_1880 : i32
        %dma_wait3A_1993 = arith.constant 40 : i32
        %dma_wait3A_1994 = arith.constant 0 : i32
        %dma_wait3A_1995 = tpu.memref_slice %arg12[%dma_wait3A_1993, %dma_wait3A_1994] : memref<64x129xf32, #tpu.memory_space<vmem>> -> memref<8x128xf32, #tpu.memory_space<vmem>>
        %dma_wait3A_1996 = arith.constant 0 : i32
        %dma_wait3A_1997 = arith.constant 0 : i32
        %dma_wait3A_1998 = tpu.memref_slice %arg4[%add3A_1992, %dma_wait3A_1996, %dma_wait3A_1997] : memref<51200x8x128xf32, #tpu.memory_space<hbm>> -> memref<1x8x128xf32, #tpu.memory_space<hbm>>
        %dma_wait3A_1999 = tpu.memref_squeeze %dma_wait3A_1998 : memref<1x8x128xf32, #tpu.memory_space<hbm>> -> memref<8x128xf32, #tpu.memory_space<hbm>>
        %dma_wait3A_2000 = arith.constant 0 : i32
        %dma_wait3A_2001 = arith.constant 0 : i32
        %dma_wait3A_2002 = tpu.memref_slice %arg4[%add3A_1992, %dma_wait3A_2000, %dma_wait3A_2001] : memref<51200x8x128xf32, #tpu.memory_space<hbm>> -> memref<1x8x128xf32, #tpu.memory_space<hbm>>
        %dma_wait3A_2003 = tpu.memref_squeeze %dma_wait3A_2002 : memref<1x8x128xf32, #tpu.memory_space<hbm>> -> memref<8x128xf32, #tpu.memory_space<hbm>>
        %dma_wait3A_2004 = arith.constant 40 : i32
        %dma_wait3A_2005 = arith.constant 0 : i32
        %dma_wait3A_2006 = tpu.memref_slice %arg12[%dma_wait3A_2004, %dma_wait3A_2005] : memref<64x129xf32, #tpu.memory_space<vmem>> -> memref<8x128xf32, #tpu.memory_space<vmem>>
        tpu.wait_dma2 semaphore(%arg20 : memref<!tpu.dma_semaphore, #tpu.memory_space<semaphore_mem>>) src(%dma_wait3A_2006 : memref<8x128xf32, #tpu.memory_space<vmem>>) dst(%dma_wait3A_2003 : memref<8x128xf32, #tpu.memory_space<hbm>>)
        %mul3A_2007 = arith.constant 8 : i32
        %mul3A_2008 = arith.muli %select_n3A_1864, %mul3A_2007 : i32
        %add3A_2009 = arith.constant 6 : i32
        %add3A_2010 = arith.addi %mul3A_2008, %add3A_2009 : i32
        %mul3A_2011 = arith.constant 128 : i32
        %mul3A_2012 = arith.muli %add3A_2010, %mul3A_2011 : i32
        %add3A_2013 = arith.addi %mul3A_2012, %select_n3A_1880 : i32
        %dma_wait3A_2014 = arith.constant 48 : i32
        %dma_wait3A_2015 = arith.constant 0 : i32
        %dma_wait3A_2016 = tpu.memref_slice %arg12[%dma_wait3A_2014, %dma_wait3A_2015] : memref<64x129xf32, #tpu.memory_space<vmem>> -> memref<8x128xf32, #tpu.memory_space<vmem>>
        %dma_wait3A_2017 = arith.constant 0 : i32
        %dma_wait3A_2018 = arith.constant 0 : i32
        %dma_wait3A_2019 = tpu.memref_slice %arg4[%add3A_2013, %dma_wait3A_2017, %dma_wait3A_2018] : memref<51200x8x128xf32, #tpu.memory_space<hbm>> -> memref<1x8x128xf32, #tpu.memory_space<hbm>>
        %dma_wait3A_2020 = tpu.memref_squeeze %dma_wait3A_2019 : memref<1x8x128xf32, #tpu.memory_space<hbm>> -> memref<8x128xf32, #tpu.memory_space<hbm>>
        %dma_wait3A_2021 = arith.constant 0 : i32
        %dma_wait3A_2022 = arith.constant 0 : i32
        %dma_wait3A_2023 = tpu.memref_slice %arg4[%add3A_2013, %dma_wait3A_2021, %dma_wait3A_2022] : memref<51200x8x128xf32, #tpu.memory_space<hbm>> -> memref<1x8x128xf32, #tpu.memory_space<hbm>>
        %dma_wait3A_2024 = tpu.memref_squeeze %dma_wait3A_2023 : memref<1x8x128xf32, #tpu.memory_space<hbm>> -> memref<8x128xf32, #tpu.memory_space<hbm>>
        %dma_wait3A_2025 = arith.constant 48 : i32
        %dma_wait3A_2026 = arith.constant 0 : i32
        %dma_wait3A_2027 = tpu.memref_slice %arg12[%dma_wait3A_2025, %dma_wait3A_2026] : memref<64x129xf32, #tpu.memory_space<vmem>> -> memref<8x128xf32, #tpu.memory_space<vmem>>
        tpu.wait_dma2 semaphore(%arg20 : memref<!tpu.dma_semaphore, #tpu.memory_space<semaphore_mem>>) src(%dma_wait3A_2027 : memref<8x128xf32, #tpu.memory_space<vmem>>) dst(%dma_wait3A_2024 : memref<8x128xf32, #tpu.memory_space<hbm>>)
        %mul3A_2028 = arith.constant 8 : i32
        %mul3A_2029 = arith.muli %select_n3A_1864, %mul3A_2028 : i32
        %add3A_2030 = arith.constant 7 : i32
        %add3A_2031 = arith.addi %mul3A_2029, %add3A_2030 : i32
        %mul3A_2032 = arith.constant 128 : i32
        %mul3A_2033 = arith.muli %add3A_2031, %mul3A_2032 : i32
        %add3A_2034 = arith.addi %mul3A_2033, %select_n3A_1880 : i32
        %dma_wait3A_2035 = arith.constant 56 : i32
        %dma_wait3A_2036 = arith.constant 0 : i32
        %dma_wait3A_2037 = tpu.memref_slice %arg12[%dma_wait3A_2035, %dma_wait3A_2036] : memref<64x129xf32, #tpu.memory_space<vmem>> -> memref<8x128xf32, #tpu.memory_space<vmem>>
        %dma_wait3A_2038 = arith.constant 0 : i32
        %dma_wait3A_2039 = arith.constant 0 : i32
        %dma_wait3A_2040 = tpu.memref_slice %arg4[%add3A_2034, %dma_wait3A_2038, %dma_wait3A_2039] : memref<51200x8x128xf32, #tpu.memory_space<hbm>> -> memref<1x8x128xf32, #tpu.memory_space<hbm>>
        %dma_wait3A_2041 = tpu.memref_squeeze %dma_wait3A_2040 : memref<1x8x128xf32, #tpu.memory_space<hbm>> -> memref<8x128xf32, #tpu.memory_space<hbm>>
        %dma_wait3A_2042 = arith.constant 0 : i32
        %dma_wait3A_2043 = arith.constant 0 : i32
        %dma_wait3A_2044 = tpu.memref_slice %arg4[%add3A_2034, %dma_wait3A_2042, %dma_wait3A_2043] : memref<51200x8x128xf32, #tpu.memory_space<hbm>> -> memref<1x8x128xf32, #tpu.memory_space<hbm>>
        %dma_wait3A_2045 = tpu.memref_squeeze %dma_wait3A_2044 : memref<1x8x128xf32, #tpu.memory_space<hbm>> -> memref<8x128xf32, #tpu.memory_space<hbm>>
        %dma_wait3A_2046 = arith.constant 56 : i32
        %dma_wait3A_2047 = arith.constant 0 : i32
        %dma_wait3A_2048 = tpu.memref_slice %arg12[%dma_wait3A_2046, %dma_wait3A_2047] : memref<64x129xf32, #tpu.memory_space<vmem>> -> memref<8x128xf32, #tpu.memory_space<vmem>>
        tpu.wait_dma2 semaphore(%arg20 : memref<!tpu.dma_semaphore, #tpu.memory_space<semaphore_mem>>) src(%dma_wait3A_2048 : memref<8x128xf32, #tpu.memory_space<vmem>>) dst(%dma_wait3A_2045 : memref<8x128xf32, #tpu.memory_space<hbm>>)
      } else {
      }
      %scan3A_1383 = arith.constant 0 : i32
      %scan3A_1384 = arith.constant 0 : i32
      %scan3A_1385 = arith.constant 32 : i32
      %scan3A_1386 = arith.addi %scan3A_1384, %scan3A_1385 : i32
      %scan3A_1387 = arith.constant 1 : i32
      scf.for %scan3A_1838 = %scan3A_1384 to %scan3A_1386 step %scan3A_1387  : i32 {
        %mul3A_1839 = arith.constant 4 : i32
        %mul3A_1840 = arith.muli %scan3A_1838, %mul3A_1839 : i32
        %add3A_1841 = arith.constant 0 : i32
        %add3A_1842 = arith.addi %mul3A_1840, %add3A_1841 : i32
        %broadcast_in_dim3A = arith.constant 0 : i32
        %broadcast_in_dim3A_1843 = vector.broadcast %broadcast_in_dim3A : i32 to vector<16xi32>
        %add3A_1844 = vector.broadcast %add3A_1842 : i32 to vector<16xi32>
        %add3A_1845 = arith.addi %broadcast_in_dim3A_1843, %add3A_1844 : vector<16xi32>
        %get3A = arith.index_cast %add3A_1842 : i32 to index
        %get3A_1846 = arith.constant 0 : index
        %get3A_1847 = tpu.vector_load %arg8[%get3A, %get3A_1846] {strides = array<i32>} : memref<128x64xf32, #tpu.memory_space<vmem>>, vector<16xf32>,
        %get3A_1848 = arith.index_cast %add3A_1842 : i32 to index
        %get3A_1849 = arith.constant 16 : index
        %get3A_1850 = tpu.vector_load %arg8[%get3A_1848, %get3A_1849] {strides = array<i32>} : memref<128x64xf32, #tpu.memory_space<vmem>>, vector<16xf32>,
        %get3A_1851 = arith.index_cast %add3A_1842 : i32 to index
        %get3A_1852 = arith.constant 32 : index
        %get3A_1853 = tpu.vector_load %arg8[%get3A_1851, %get3A_1852] {strides = array<i32>} : memref<128x64xf32, #tpu.memory_space<vmem>>, vector<16xf32>,
        %get3A_1854 = arith.index_cast %add3A_1842 : i32 to index
        %get3A_1855 = arith.constant 48 : index
        %get3A_1856 = tpu.vector_load %arg8[%get3A_1854, %get3A_1855] {strides = array<i32>} : memref<128x64xf32, #tpu.memory_space<vmem>>, vector<16xf32>,
        %mul3A_1857 = arith.constant 4 : i32
        %mul3A_1858 = arith.muli %scan3A_1838, %mul3A_1857 : i32
        %add3A_1859 = arith.constant 1 : i32
        %add3A_1860 = arith.addi %mul3A_1858, %add3A_1859 : i32
        %broadcast_in_dim3A_1861 = arith.constant 0 : i32
        %broadcast_in_dim3A_1862 = vector.broadcast %broadcast_in_dim3A_1861 : i32 to vector<16xi32>
        %add3A_1863 = vector.broadcast %add3A_1860 : i32 to vector<16xi32>
        %add3A_1864 = arith.addi %broadcast_in_dim3A_1862, %add3A_1863 : vector<16xi32>
        %get3A_1865 = arith.index_cast %add3A_1860 : i32 to index
        %get3A_1866 = arith.constant 0 : index
        %get3A_1867 = tpu.vector_load %arg8[%get3A_1865, %get3A_1866] {strides = array<i32>} : memref<128x64xf32, #tpu.memory_space<vmem>>, vector<16xf32>,
        %get3A_1868 = arith.index_cast %add3A_1860 : i32 to index
        %get3A_1869 = arith.constant 16 : index
        %get3A_1870 = tpu.vector_load %arg8[%get3A_1868, %get3A_1869] {strides = array<i32>} : memref<128x64xf32, #tpu.memory_space<vmem>>, vector<16xf32>,
        %get3A_1871 = arith.index_cast %add3A_1860 : i32 to index
        %get3A_1872 = arith.constant 32 : index
        %get3A_1873 = tpu.vector_load %arg8[%get3A_1871, %get3A_1872] {strides = array<i32>} : memref<128x64xf32, #tpu.memory_space<vmem>>, vector<16xf32>,
        %get3A_1874 = arith.index_cast %add3A_1860 : i32 to index
        %get3A_1875 = arith.constant 48 : index
        %get3A_1876 = tpu.vector_load %arg8[%get3A_1874, %get3A_1875] {strides = array<i32>} : memref<128x64xf32, #tpu.memory_space<vmem>>, vector<16xf32>,
        %mul3A_1877 = arith.constant 4 : i32
        %mul3A_1878 = arith.muli %scan3A_1838, %mul3A_1877 : i32
        %add3A_1879 = arith.constant 2 : i32
        %add3A_1880 = arith.addi %mul3A_1878, %add3A_1879 : i32
        %broadcast_in_dim3A_1881 = arith.constant 0 : i32
        %broadcast_in_dim3A_1882 = vector.broadcast %broadcast_in_dim3A_1881 : i32 to vector<16xi32>
        %add3A_1883 = vector.broadcast %add3A_1880 : i32 to vector<16xi32>
        %add3A_1884 = arith.addi %broadcast_in_dim3A_1882, %add3A_1883 : vector<16xi32>
        %get3A_1885 = arith.index_cast %add3A_1880 : i32 to index
        %get3A_1886 = arith.constant 0 : index
        %get3A_1887 = tpu.vector_load %arg8[%get3A_1885, %get3A_1886] {strides = array<i32>} : memref<128x64xf32, #tpu.memory_space<vmem>>, vector<16xf32>,
        %get3A_1888 = arith.index_cast %add3A_1880 : i32 to index
        %get3A_1889 = arith.constant 16 : index
        %get3A_1890 = tpu.vector_load %arg8[%get3A_1888, %get3A_1889] {strides = array<i32>} : memref<128x64xf32, #tpu.memory_space<vmem>>, vector<16xf32>,
        %get3A_1891 = arith.index_cast %add3A_1880 : i32 to index
        %get3A_1892 = arith.constant 32 : index
        %get3A_1893 = tpu.vector_load %arg8[%get3A_1891, %get3A_1892] {strides = array<i32>} : memref<128x64xf32, #tpu.memory_space<vmem>>, vector<16xf32>,
        %get3A_1894 = arith.index_cast %add3A_1880 : i32 to index
        %get3A_1895 = arith.constant 48 : index
        %get3A_1896 = tpu.vector_load %arg8[%get3A_1894, %get3A_1895] {strides = array<i32>} : memref<128x64xf32, #tpu.memory_space<vmem>>, vector<16xf32>,
        %mul3A_1897 = arith.constant 4 : i32
        %mul3A_1898 = arith.muli %scan3A_1838, %mul3A_1897 : i32
        %add3A_1899 = arith.constant 3 : i32
        %add3A_1900 = arith.addi %mul3A_1898, %add3A_1899 : i32
        %broadcast_in_dim3A_1901 = arith.constant 0 : i32
        %broadcast_in_dim3A_1902 = vector.broadcast %broadcast_in_dim3A_1901 : i32 to vector<16xi32>
        %add3A_1903 = vector.broadcast %add3A_1900 : i32 to vector<16xi32>
        %add3A_1904 = arith.addi %broadcast_in_dim3A_1902, %add3A_1903 : vector<16xi32>
        %get3A_1905 = arith.index_cast %add3A_1900 : i32 to index
        %get3A_1906 = arith.constant 0 : index
        %get3A_1907 = tpu.vector_load %arg8[%get3A_1905, %get3A_1906] {strides = array<i32>} : memref<128x64xf32, #tpu.memory_space<vmem>>, vector<16xf32>,
        %get3A_1908 = arith.index_cast %add3A_1900 : i32 to index
        %get3A_1909 = arith.constant 16 : index
        %get3A_1910 = tpu.vector_load %arg8[%get3A_1908, %get3A_1909] {strides = array<i32>} : memref<128x64xf32, #tpu.memory_space<vmem>>, vector<16xf32>,
        %get3A_1911 = arith.index_cast %add3A_1900 : i32 to index
        %get3A_1912 = arith.constant 32 : index
        %get3A_1913 = tpu.vector_load %arg8[%get3A_1911, %get3A_1912] {strides = array<i32>} : memref<128x64xf32, #tpu.memory_space<vmem>>, vector<16xf32>,
        %get3A_1914 = arith.index_cast %add3A_1900 : i32 to index
        %get3A_1915 = arith.constant 48 : index
        %get3A_1916 = tpu.vector_load %arg8[%get3A_1914, %get3A_1915] {strides = array<i32>} : memref<128x64xf32, #tpu.memory_space<vmem>>, vector<16xf32>,
        tpu.vector_store_idx %arg12[%add3A_29, %add3A_1845], %get3A_1847 : memref<64x129xf32, #tpu.memory_space<vmem>>[vector<16xi32>, vector<16xi32>], vector<16xf32>,
        tpu.vector_store_idx %arg12[%add3A_32, %add3A_1845], %get3A_1850 : memref<64x129xf32, #tpu.memory_space<vmem>>[vector<16xi32>, vector<16xi32>], vector<16xf32>,
        tpu.vector_store_idx %arg12[%add3A_35, %add3A_1845], %get3A_1853 : memref<64x129xf32, #tpu.memory_space<vmem>>[vector<16xi32>, vector<16xi32>], vector<16xf32>,
        tpu.vector_store_idx %arg12[%add3A_38, %add3A_1845], %get3A_1856 : memref<64x129xf32, #tpu.memory_space<vmem>>[vector<16xi32>, vector<16xi32>], vector<16xf32>,
        tpu.vector_store_idx %arg12[%add3A_29, %add3A_1864], %get3A_1867 : memref<64x129xf32, #tpu.memory_space<vmem>>[vector<16xi32>, vector<16xi32>], vector<16xf32>,
        tpu.vector_store_idx %arg12[%add3A_32, %add3A_1864], %get3A_1870 : memref<64x129xf32, #tpu.memory_space<vmem>>[vector<16xi32>, vector<16xi32>], vector<16xf32>,
        tpu.vector_store_idx %arg12[%add3A_35, %add3A_1864], %get3A_1873 : memref<64x129xf32, #tpu.memory_space<vmem>>[vector<16xi32>, vector<16xi32>], vector<16xf32>,
        tpu.vector_store_idx %arg12[%add3A_38, %add3A_1864], %get3A_1876 : memref<64x129xf32, #tpu.memory_space<vmem>>[vector<16xi32>, vector<16xi32>], vector<16xf32>,
        tpu.vector_store_idx %arg12[%add3A_29, %add3A_1884], %get3A_1887 : memref<64x129xf32, #tpu.memory_space<vmem>>[vector<16xi32>, vector<16xi32>], vector<16xf32>,
        tpu.vector_store_idx %arg12[%add3A_32, %add3A_1884], %get3A_1890 : memref<64x129xf32, #tpu.memory_space<vmem>>[vector<16xi32>, vector<16xi32>], vector<16xf32>,
        tpu.vector_store_idx %arg12[%add3A_35, %add3A_1884], %get3A_1893 : memref<64x129xf32, #tpu.memory_space<vmem>>[vector<16xi32>, vector<16xi32>], vector<16xf32>,
        tpu.vector_store_idx %arg12[%add3A_38, %add3A_1884], %get3A_1896 : memref<64x129xf32, #tpu.memory_space<vmem>>[vector<16xi32>, vector<16xi32>], vector<16xf32>,
        tpu.vector_store_idx %arg12[%add3A_29, %add3A_1904], %get3A_1907 : memref<64x129xf32, #tpu.memory_space<vmem>>[vector<16xi32>, vector<16xi32>], vector<16xf32>,
        tpu.vector_store_idx %arg12[%add3A_32, %add3A_1904], %get3A_1910 : memref<64x129xf32, #tpu.memory_space<vmem>>[vector<16xi32>, vector<16xi32>], vector<16xf32>,
        tpu.vector_store_idx %arg12[%add3A_35, %add3A_1904], %get3A_1913 : memref<64x129xf32, #tpu.memory_space<vmem>>[vector<16xi32>, vector<16xi32>], vector<16xf32>,
        tpu.vector_store_idx %arg12[%add3A_38, %add3A_1904], %get3A_1916 : memref<64x129xf32, #tpu.memory_space<vmem>>[vector<16xi32>, vector<16xi32>], vector<16xf32>,
      }
      %scan3A_1388 = arith.constant 32 : i32
      %add3A_1389 = arith.addi %mul3A_2, %add3A_1371 : i32
      %jit3A_1390 = arith.constant 128 : i32
      %div3A_1391 = arith.divsi %add3A_1389, %jit3A_1390 : i32
      %sign3A_1392 = arith.constant 0 : i32
      %sign3A_1393 = arith.cmpi sgt, %add3A_1389, %sign3A_1392 : i32
      %sign3A_1394 = arith.extui %sign3A_1393 : i1 to i32
      %sign3A_1395 = arith.constant 0 : i32
      %sign3A_1396 = arith.cmpi slt, %add3A_1389, %sign3A_1395 : i32
      %sign3A_1397 = arith.extui %sign3A_1396 : i1 to i32
      %sign3A_1398 = arith.subi %sign3A_1394, %sign3A_1397 : i32
      %sign3A_1399 = arith.constant 0 : i32
      %sign3A_1400 = arith.cmpi sgt, %jit3A_1390, %sign3A_1399 : i32
      %sign3A_1401 = arith.extui %sign3A_1400 : i1 to i32
      %sign3A_1402 = arith.constant 0 : i32
      %sign3A_1403 = arith.cmpi slt, %jit3A_1390, %sign3A_1402 : i32
      %sign3A_1404 = arith.extui %sign3A_1403 : i1 to i32
      %sign3A_1405 = arith.subi %sign3A_1401, %sign3A_1404 : i32
      %ne3A_1406 = arith.cmpi ne, %sign3A_1398, %sign3A_1405 : i32
      %rem3A_1407 = arith.remsi %add3A_1389, %jit3A_1390 : i32
      %ne3A_1408 = arith.constant 0 : i32
      %ne3A_1409 = arith.cmpi ne, %rem3A_1407, %ne3A_1408 : i32
      %and3A_1410 = arith.andi %ne3A_1406, %ne3A_1409 : i1
      %sub3A_1411 = arith.constant 1 : i32
      %sub3A_1412 = arith.subi %div3A_1391, %sub3A_1411 : i32
      %select_n3A_1413 = arith.select %and3A_1410, %sub3A_1412, %div3A_1391 : i32
      %jit3A_1414 = arith.constant 128 : i32
      %eq3A_1415 = arith.constant 0 : i32
      %eq3A_1416 = arith.cmpi eq, %jit3A_1414, %eq3A_1415 : i32
      %jit3A_1417 = arith.constant 1 : i32
      %select_n3A_1418 = arith.select %eq3A_1416, %jit3A_1417, %jit3A_1414 : i32
      %rem3A_1419 = arith.remsi %add3A_1389, %select_n3A_1418 : i32
      %ne3A_1420 = arith.constant 0 : i32
      %ne3A_1421 = arith.cmpi ne, %rem3A_1419, %ne3A_1420 : i32
      %lt3A_1422 = arith.constant 0 : i32
      %lt3A_1423 = arith.cmpi slt, %rem3A_1419, %lt3A_1422 : i32
      %lt3A_1424 = arith.constant 0 : i32
      %lt3A_1425 = arith.cmpi slt, %select_n3A_1418, %lt3A_1424 : i32
      %ne3A_1426 = arith.xori %lt3A_1423, %lt3A_1425 : i1
      %and3A_1427 = arith.andi %ne3A_1426, %ne3A_1421 : i1
      %add3A_1428 = arith.addi %rem3A_1419, %select_n3A_1418 : i32
      %select_n3A_1429 = arith.select %and3A_1427, %add3A_1428, %rem3A_1419 : i32
      %mul3A_1430 = arith.constant 8 : i32
      %mul3A_1431 = arith.muli %select_n3A_1413, %mul3A_1430 : i32
      %add3A_1432 = arith.constant 0 : i32
      %add3A_1433 = arith.addi %mul3A_1431, %add3A_1432 : i32
      %mul3A_1434 = arith.constant 128 : i32
      %mul3A_1435 = arith.muli %add3A_1433, %mul3A_1434 : i32
      %add3A_1436 = arith.addi %mul3A_1435, %select_n3A_1429 : i32
      %dma_start3A_1437 = arith.constant 0 : i32
      %dma_start3A_1438 = arith.constant 0 : i32
      %dma_start3A_1439 = tpu.memref_slice %arg12[%dma_start3A_1437, %dma_start3A_1438] : memref<64x129xf32, #tpu.memory_space<vmem>> -> memref<8x128xf32, #tpu.memory_space<vmem>>
      %dma_start3A_1440 = arith.constant 0 : i32
      %dma_start3A_1441 = arith.constant 0 : i32
      %dma_start3A_1442 = tpu.memref_slice %arg4[%add3A_1436, %dma_start3A_1440, %dma_start3A_1441] : memref<51200x8x128xf32, #tpu.memory_space<hbm>> -> memref<1x8x128xf32, #tpu.memory_space<hbm>>
      %dma_start3A_1443 = tpu.memref_squeeze %dma_start3A_1442 : memref<1x8x128xf32, #tpu.memory_space<hbm>> -> memref<8x128xf32, #tpu.memory_space<hbm>>
      %dma_start3A_1444 = arith.constant 0 : i32
      %dma_start3A_1445 = arith.constant 0 : i32
      %dma_start3A_1446 = tpu.memref_slice %arg4[%add3A_1436, %dma_start3A_1444, %dma_start3A_1445] : memref<51200x8x128xf32, #tpu.memory_space<hbm>> -> memref<1x8x128xf32, #tpu.memory_space<hbm>>
      %dma_start3A_1447 = tpu.memref_squeeze %dma_start3A_1446 : memref<1x8x128xf32, #tpu.memory_space<hbm>> -> memref<8x128xf32, #tpu.memory_space<hbm>>
      %dma_start3A_1448 = arith.constant 0 : i32
      %dma_start3A_1449 = arith.constant 0 : i32
      %dma_start3A_1450 = tpu.memref_slice %arg12[%dma_start3A_1448, %dma_start3A_1449] : memref<64x129xf32, #tpu.memory_space<vmem>> -> memref<8x128xf32, #tpu.memory_space<vmem>>
      tpu.enqueue_dma source(%dma_start3A_1450 : memref<8x128xf32, #tpu.memory_space<vmem>>) target(%dma_start3A_1447 : memref<8x128xf32, #tpu.memory_space<hbm>>) target_semaphore(%arg20 : memref<!tpu.dma_semaphore, #tpu.memory_space<semaphore_mem>>)
      %mul3A_1451 = arith.constant 8 : i32
      %mul3A_1452 = arith.muli %select_n3A_1413, %mul3A_1451 : i32
      %add3A_1453 = arith.constant 1 : i32
      %add3A_1454 = arith.addi %mul3A_1452, %add3A_1453 : i32
      %mul3A_1455 = arith.constant 128 : i32
      %mul3A_1456 = arith.muli %add3A_1454, %mul3A_1455 : i32
      %add3A_1457 = arith.addi %mul3A_1456, %select_n3A_1429 : i32
      %dma_start3A_1458 = arith.constant 8 : i32
      %dma_start3A_1459 = arith.constant 0 : i32
      %dma_start3A_1460 = tpu.memref_slice %arg12[%dma_start3A_1458, %dma_start3A_1459] : memref<64x129xf32, #tpu.memory_space<vmem>> -> memref<8x128xf32, #tpu.memory_space<vmem>>
      %dma_start3A_1461 = arith.constant 0 : i32
      %dma_start3A_1462 = arith.constant 0 : i32
      %dma_start3A_1463 = tpu.memref_slice %arg4[%add3A_1457, %dma_start3A_1461, %dma_start3A_1462] : memref<51200x8x128xf32, #tpu.memory_space<hbm>> -> memref<1x8x128xf32, #tpu.memory_space<hbm>>
      %dma_start3A_1464 = tpu.memref_squeeze %dma_start3A_1463 : memref<1x8x128xf32, #tpu.memory_space<hbm>> -> memref<8x128xf32, #tpu.memory_space<hbm>>
      %dma_start3A_1465 = arith.constant 0 : i32
      %dma_start3A_1466 = arith.constant 0 : i32
      %dma_start3A_1467 = tpu.memref_slice %arg4[%add3A_1457, %dma_start3A_1465, %dma_start3A_1466] : memref<51200x8x128xf32, #tpu.memory_space<hbm>> -> memref<1x8x128xf32, #tpu.memory_space<hbm>>
      %dma_start3A_1468 = tpu.memref_squeeze %dma_start3A_1467 : memref<1x8x128xf32, #tpu.memory_space<hbm>> -> memref<8x128xf32, #tpu.memory_space<hbm>>
      %dma_start3A_1469 = arith.constant 8 : i32
      %dma_start3A_1470 = arith.constant 0 : i32
      %dma_start3A_1471 = tpu.memref_slice %arg12[%dma_start3A_1469, %dma_start3A_1470] : memref<64x129xf32, #tpu.memory_space<vmem>> -> memref<8x128xf32, #tpu.memory_space<vmem>>
      tpu.enqueue_dma source(%dma_start3A_1471 : memref<8x128xf32, #tpu.memory_space<vmem>>) target(%dma_start3A_1468 : memref<8x128xf32, #tpu.memory_space<hbm>>) target_semaphore(%arg20 : memref<!tpu.dma_semaphore, #tpu.memory_space<semaphore_mem>>)
      %mul3A_1472 = arith.constant 8 : i32
      %mul3A_1473 = arith.muli %select_n3A_1413, %mul3A_1472 : i32
      %add3A_1474 = arith.constant 2 : i32
      %add3A_1475 = arith.addi %mul3A_1473, %add3A_1474 : i32
      %mul3A_1476 = arith.constant 128 : i32
      %mul3A_1477 = arith.muli %add3A_1475, %mul3A_1476 : i32
      %add3A_1478 = arith.addi %mul3A_1477, %select_n3A_1429 : i32
      %dma_start3A_1479 = arith.constant 16 : i32
      %dma_start3A_1480 = arith.constant 0 : i32
      %dma_start3A_1481 = tpu.memref_slice %arg12[%dma_start3A_1479, %dma_start3A_1480] : memref<64x129xf32, #tpu.memory_space<vmem>> -> memref<8x128xf32, #tpu.memory_space<vmem>>
      %dma_start3A_1482 = arith.constant 0 : i32
      %dma_start3A_1483 = arith.constant 0 : i32
      %dma_start3A_1484 = tpu.memref_slice %arg4[%add3A_1478, %dma_start3A_1482, %dma_start3A_1483] : memref<51200x8x128xf32, #tpu.memory_space<hbm>> -> memref<1x8x128xf32, #tpu.memory_space<hbm>>
      %dma_start3A_1485 = tpu.memref_squeeze %dma_start3A_1484 : memref<1x8x128xf32, #tpu.memory_space<hbm>> -> memref<8x128xf32, #tpu.memory_space<hbm>>
      %dma_start3A_1486 = arith.constant 0 : i32
      %dma_start3A_1487 = arith.constant 0 : i32
      %dma_start3A_1488 = tpu.memref_slice %arg4[%add3A_1478, %dma_start3A_1486, %dma_start3A_1487] : memref<51200x8x128xf32, #tpu.memory_space<hbm>> -> memref<1x8x128xf32, #tpu.memory_space<hbm>>
      %dma_start3A_1489 = tpu.memref_squeeze %dma_start3A_1488 : memref<1x8x128xf32, #tpu.memory_space<hbm>> -> memref<8x128xf32, #tpu.memory_space<hbm>>
      %dma_start3A_1490 = arith.constant 16 : i32
      %dma_start3A_1491 = arith.constant 0 : i32
      %dma_start3A_1492 = tpu.memref_slice %arg12[%dma_start3A_1490, %dma_start3A_1491] : memref<64x129xf32, #tpu.memory_space<vmem>> -> memref<8x128xf32, #tpu.memory_space<vmem>>
      tpu.enqueue_dma source(%dma_start3A_1492 : memref<8x128xf32, #tpu.memory_space<vmem>>) target(%dma_start3A_1489 : memref<8x128xf32, #tpu.memory_space<hbm>>) target_semaphore(%arg20 : memref<!tpu.dma_semaphore, #tpu.memory_space<semaphore_mem>>)
      %mul3A_1493 = arith.constant 8 : i32
      %mul3A_1494 = arith.muli %select_n3A_1413, %mul3A_1493 : i32
      %add3A_1495 = arith.constant 3 : i32
      %add3A_1496 = arith.addi %mul3A_1494, %add3A_1495 : i32
      %mul3A_1497 = arith.constant 128 : i32
      %mul3A_1498 = arith.muli %add3A_1496, %mul3A_1497 : i32
      %add3A_1499 = arith.addi %mul3A_1498, %select_n3A_1429 : i32
      %dma_start3A_1500 = arith.constant 24 : i32
      %dma_start3A_1501 = arith.constant 0 : i32
      %dma_start3A_1502 = tpu.memref_slice %arg12[%dma_start3A_1500, %dma_start3A_1501] : memref<64x129xf32, #tpu.memory_space<vmem>> -> memref<8x128xf32, #tpu.memory_space<vmem>>
      %dma_start3A_1503 = arith.constant 0 : i32
      %dma_start3A_1504 = arith.constant 0 : i32
      %dma_start3A_1505 = tpu.memref_slice %arg4[%add3A_1499, %dma_start3A_1503, %dma_start3A_1504] : memref<51200x8x128xf32, #tpu.memory_space<hbm>> -> memref<1x8x128xf32, #tpu.memory_space<hbm>>
      %dma_start3A_1506 = tpu.memref_squeeze %dma_start3A_1505 : memref<1x8x128xf32, #tpu.memory_space<hbm>> -> memref<8x128xf32, #tpu.memory_space<hbm>>
      %dma_start3A_1507 = arith.constant 0 : i32
      %dma_start3A_1508 = arith.constant 0 : i32
      %dma_start3A_1509 = tpu.memref_slice %arg4[%add3A_1499, %dma_start3A_1507, %dma_start3A_1508] : memref<51200x8x128xf32, #tpu.memory_space<hbm>> -> memref<1x8x128xf32, #tpu.memory_space<hbm>>
      %dma_start3A_1510 = tpu.memref_squeeze %dma_start3A_1509 : memref<1x8x128xf32, #tpu.memory_space<hbm>> -> memref<8x128xf32, #tpu.memory_space<hbm>>
      %dma_start3A_1511 = arith.constant 24 : i32
      %dma_start3A_1512 = arith.constant 0 : i32
      %dma_start3A_1513 = tpu.memref_slice %arg12[%dma_start3A_1511, %dma_start3A_1512] : memref<64x129xf32, #tpu.memory_space<vmem>> -> memref<8x128xf32, #tpu.memory_space<vmem>>
      tpu.enqueue_dma source(%dma_start3A_1513 : memref<8x128xf32, #tpu.memory_space<vmem>>) target(%dma_start3A_1510 : memref<8x128xf32, #tpu.memory_space<hbm>>) target_semaphore(%arg20 : memref<!tpu.dma_semaphore, #tpu.memory_space<semaphore_mem>>)
      %mul3A_1514 = arith.constant 8 : i32
      %mul3A_1515 = arith.muli %select_n3A_1413, %mul3A_1514 : i32
      %add3A_1516 = arith.constant 4 : i32
      %add3A_1517 = arith.addi %mul3A_1515, %add3A_1516 : i32
      %mul3A_1518 = arith.constant 128 : i32
      %mul3A_1519 = arith.muli %add3A_1517, %mul3A_1518 : i32
      %add3A_1520 = arith.addi %mul3A_1519, %select_n3A_1429 : i32
      %dma_start3A_1521 = arith.constant 32 : i32
      %dma_start3A_1522 = arith.constant 0 : i32
      %dma_start3A_1523 = tpu.memref_slice %arg12[%dma_start3A_1521, %dma_start3A_1522] : memref<64x129xf32, #tpu.memory_space<vmem>> -> memref<8x128xf32, #tpu.memory_space<vmem>>
      %dma_start3A_1524 = arith.constant 0 : i32
      %dma_start3A_1525 = arith.constant 0 : i32
      %dma_start3A_1526 = tpu.memref_slice %arg4[%add3A_1520, %dma_start3A_1524, %dma_start3A_1525] : memref<51200x8x128xf32, #tpu.memory_space<hbm>> -> memref<1x8x128xf32, #tpu.memory_space<hbm>>
      %dma_start3A_1527 = tpu.memref_squeeze %dma_start3A_1526 : memref<1x8x128xf32, #tpu.memory_space<hbm>> -> memref<8x128xf32, #tpu.memory_space<hbm>>
      %dma_start3A_1528 = arith.constant 0 : i32
      %dma_start3A_1529 = arith.constant 0 : i32
      %dma_start3A_1530 = tpu.memref_slice %arg4[%add3A_1520, %dma_start3A_1528, %dma_start3A_1529] : memref<51200x8x128xf32, #tpu.memory_space<hbm>> -> memref<1x8x128xf32, #tpu.memory_space<hbm>>
      %dma_start3A_1531 = tpu.memref_squeeze %dma_start3A_1530 : memref<1x8x128xf32, #tpu.memory_space<hbm>> -> memref<8x128xf32, #tpu.memory_space<hbm>>
      %dma_start3A_1532 = arith.constant 32 : i32
      %dma_start3A_1533 = arith.constant 0 : i32
      %dma_start3A_1534 = tpu.memref_slice %arg12[%dma_start3A_1532, %dma_start3A_1533] : memref<64x129xf32, #tpu.memory_space<vmem>> -> memref<8x128xf32, #tpu.memory_space<vmem>>
      tpu.enqueue_dma source(%dma_start3A_1534 : memref<8x128xf32, #tpu.memory_space<vmem>>) target(%dma_start3A_1531 : memref<8x128xf32, #tpu.memory_space<hbm>>) target_semaphore(%arg20 : memref<!tpu.dma_semaphore, #tpu.memory_space<semaphore_mem>>)
      %mul3A_1535 = arith.constant 8 : i32
      %mul3A_1536 = arith.muli %select_n3A_1413, %mul3A_1535 : i32
      %add3A_1537 = arith.constant 5 : i32
      %add3A_1538 = arith.addi %mul3A_1536, %add3A_1537 : i32
      %mul3A_1539 = arith.constant 128 : i32
      %mul3A_1540 = arith.muli %add3A_1538, %mul3A_1539 : i32
      %add3A_1541 = arith.addi %mul3A_1540, %select_n3A_1429 : i32
      %dma_start3A_1542 = arith.constant 40 : i32
      %dma_start3A_1543 = arith.constant 0 : i32
      %dma_start3A_1544 = tpu.memref_slice %arg12[%dma_start3A_1542, %dma_start3A_1543] : memref<64x129xf32, #tpu.memory_space<vmem>> -> memref<8x128xf32, #tpu.memory_space<vmem>>
      %dma_start3A_1545 = arith.constant 0 : i32
      %dma_start3A_1546 = arith.constant 0 : i32
      %dma_start3A_1547 = tpu.memref_slice %arg4[%add3A_1541, %dma_start3A_1545, %dma_start3A_1546] : memref<51200x8x128xf32, #tpu.memory_space<hbm>> -> memref<1x8x128xf32, #tpu.memory_space<hbm>>
      %dma_start3A_1548 = tpu.memref_squeeze %dma_start3A_1547 : memref<1x8x128xf32, #tpu.memory_space<hbm>> -> memref<8x128xf32, #tpu.memory_space<hbm>>
      %dma_start3A_1549 = arith.constant 0 : i32
      %dma_start3A_1550 = arith.constant 0 : i32
      %dma_start3A_1551 = tpu.memref_slice %arg4[%add3A_1541, %dma_start3A_1549, %dma_start3A_1550] : memref<51200x8x128xf32, #tpu.memory_space<hbm>> -> memref<1x8x128xf32, #tpu.memory_space<hbm>>
      %dma_start3A_1552 = tpu.memref_squeeze %dma_start3A_1551 : memref<1x8x128xf32, #tpu.memory_space<hbm>> -> memref<8x128xf32, #tpu.memory_space<hbm>>
      %dma_start3A_1553 = arith.constant 40 : i32
      %dma_start3A_1554 = arith.constant 0 : i32
      %dma_start3A_1555 = tpu.memref_slice %arg12[%dma_start3A_1553, %dma_start3A_1554] : memref<64x129xf32, #tpu.memory_space<vmem>> -> memref<8x128xf32, #tpu.memory_space<vmem>>
      tpu.enqueue_dma source(%dma_start3A_1555 : memref<8x128xf32, #tpu.memory_space<vmem>>) target(%dma_start3A_1552 : memref<8x128xf32, #tpu.memory_space<hbm>>) target_semaphore(%arg20 : memref<!tpu.dma_semaphore, #tpu.memory_space<semaphore_mem>>)
      %mul3A_1556 = arith.constant 8 : i32
      %mul3A_1557 = arith.muli %select_n3A_1413, %mul3A_1556 : i32
      %add3A_1558 = arith.constant 6 : i32
      %add3A_1559 = arith.addi %mul3A_1557, %add3A_1558 : i32
      %mul3A_1560 = arith.constant 128 : i32
      %mul3A_1561 = arith.muli %add3A_1559, %mul3A_1560 : i32
      %add3A_1562 = arith.addi %mul3A_1561, %select_n3A_1429 : i32
      %dma_start3A_1563 = arith.constant 48 : i32
      %dma_start3A_1564 = arith.constant 0 : i32
      %dma_start3A_1565 = tpu.memref_slice %arg12[%dma_start3A_1563, %dma_start3A_1564] : memref<64x129xf32, #tpu.memory_space<vmem>> -> memref<8x128xf32, #tpu.memory_space<vmem>>
      %dma_start3A_1566 = arith.constant 0 : i32
      %dma_start3A_1567 = arith.constant 0 : i32
      %dma_start3A_1568 = tpu.memref_slice %arg4[%add3A_1562, %dma_start3A_1566, %dma_start3A_1567] : memref<51200x8x128xf32, #tpu.memory_space<hbm>> -> memref<1x8x128xf32, #tpu.memory_space<hbm>>
      %dma_start3A_1569 = tpu.memref_squeeze %dma_start3A_1568 : memref<1x8x128xf32, #tpu.memory_space<hbm>> -> memref<8x128xf32, #tpu.memory_space<hbm>>
      %dma_start3A_1570 = arith.constant 0 : i32
      %dma_start3A_1571 = arith.constant 0 : i32
      %dma_start3A_1572 = tpu.memref_slice %arg4[%add3A_1562, %dma_start3A_1570, %dma_start3A_1571] : memref<51200x8x128xf32, #tpu.memory_space<hbm>> -> memref<1x8x128xf32, #tpu.memory_space<hbm>>
      %dma_start3A_1573 = tpu.memref_squeeze %dma_start3A_1572 : memref<1x8x128xf32, #tpu.memory_space<hbm>> -> memref<8x128xf32, #tpu.memory_space<hbm>>
      %dma_start3A_1574 = arith.constant 48 : i32
      %dma_start3A_1575 = arith.constant 0 : i32
      %dma_start3A_1576 = tpu.memref_slice %arg12[%dma_start3A_1574, %dma_start3A_1575] : memref<64x129xf32, #tpu.memory_space<vmem>> -> memref<8x128xf32, #tpu.memory_space<vmem>>
      tpu.enqueue_dma source(%dma_start3A_1576 : memref<8x128xf32, #tpu.memory_space<vmem>>) target(%dma_start3A_1573 : memref<8x128xf32, #tpu.memory_space<hbm>>) target_semaphore(%arg20 : memref<!tpu.dma_semaphore, #tpu.memory_space<semaphore_mem>>)
      %mul3A_1577 = arith.constant 8 : i32
      %mul3A_1578 = arith.muli %select_n3A_1413, %mul3A_1577 : i32
      %add3A_1579 = arith.constant 7 : i32
      %add3A_1580 = arith.addi %mul3A_1578, %add3A_1579 : i32
      %mul3A_1581 = arith.constant 128 : i32
      %mul3A_1582 = arith.muli %add3A_1580, %mul3A_1581 : i32
      %add3A_1583 = arith.addi %mul3A_1582, %select_n3A_1429 : i32
      %dma_start3A_1584 = arith.constant 56 : i32
      %dma_start3A_1585 = arith.constant 0 : i32
      %dma_start3A_1586 = tpu.memref_slice %arg12[%dma_start3A_1584, %dma_start3A_1585] : memref<64x129xf32, #tpu.memory_space<vmem>> -> memref<8x128xf32, #tpu.memory_space<vmem>>
      %dma_start3A_1587 = arith.constant 0 : i32
      %dma_start3A_1588 = arith.constant 0 : i32
      %dma_start3A_1589 = tpu.memref_slice %arg4[%add3A_1583, %dma_start3A_1587, %dma_start3A_1588] : memref<51200x8x128xf32, #tpu.memory_space<hbm>> -> memref<1x8x128xf32, #tpu.memory_space<hbm>>
      %dma_start3A_1590 = tpu.memref_squeeze %dma_start3A_1589 : memref<1x8x128xf32, #tpu.memory_space<hbm>> -> memref<8x128xf32, #tpu.memory_space<hbm>>
      %dma_start3A_1591 = arith.constant 0 : i32
      %dma_start3A_1592 = arith.constant 0 : i32
      %dma_start3A_1593 = tpu.memref_slice %arg4[%add3A_1583, %dma_start3A_1591, %dma_start3A_1592] : memref<51200x8x128xf32, #tpu.memory_space<hbm>> -> memref<1x8x128xf32, #tpu.memory_space<hbm>>
      %dma_start3A_1594 = tpu.memref_squeeze %dma_start3A_1593 : memref<1x8x128xf32, #tpu.memory_space<hbm>> -> memref<8x128xf32, #tpu.memory_space<hbm>>
      %dma_start3A_1595 = arith.constant 56 : i32
      %dma_start3A_1596 = arith.constant 0 : i32
      %dma_start3A_1597 = tpu.memref_slice %arg12[%dma_start3A_1595, %dma_start3A_1596] : memref<64x129xf32, #tpu.memory_space<vmem>> -> memref<8x128xf32, #tpu.memory_space<vmem>>
      tpu.enqueue_dma source(%dma_start3A_1597 : memref<8x128xf32, #tpu.memory_space<vmem>>) target(%dma_start3A_1594 : memref<8x128xf32, #tpu.memory_space<hbm>>) target_semaphore(%arg20 : memref<!tpu.dma_semaphore, #tpu.memory_space<semaphore_mem>>)
      %lt3A_1598 = arith.constant 49 : i32
      %lt3A_1599 = arith.cmpi slt, %scan3A_900, %lt3A_1598 : i32
      %convert_element_type3A_1600 = arith.extui %lt3A_1599 : i1 to i32
      %cond3A_1601 = arith.constant 0 : i32
      %cond3A_1602 = arith.cmpi ne, %convert_element_type3A_1600, %cond3A_1601 : i32
      scf.if %cond3A_1602 {
        %add3A_1838 = arith.constant 4 : i32
        %add3A_1839 = arith.addi %add3A_1371, %add3A_1838 : i32
        %dma_start3A_1840 = arith.constant 0 : i32
        %dma_start3A_1841 = tpu.memref_slice %arg5[%add3A_1839, %dma_start3A_1840] : memref<200x128xi32, #tpu.memory_space<vmem>> -> memref<1x128xi32, #tpu.memory_space<vmem>>
        %dma_start3A_1842 = tpu.memref_squeeze %dma_start3A_1841 : memref<1x128xi32, #tpu.memory_space<vmem>> -> memref<128xi32, #tpu.memory_space<vmem>>
        %dma_start3A_1843 = arith.constant 0 : i32
        %dma_start3A_1844 = arith.constant 0 : i32
        %dma_start3A_1845 = tpu.memref_slice %arg3[%dma_start3A_1843, %dma_start3A_1844] : memref<2000000x64xf32, #tpu.memory_space<hbm>> -> memref<2000000x64xf32, #tpu.memory_space<hbm>>
        tpu.enqueue_indirect_dma source(%dma_start3A_1845 : memref<2000000x64xf32, #tpu.memory_space<hbm>>) target(%arg8 : memref<128x64xf32, #tpu.memory_space<vmem>>) offsets(%dma_start3A_1842 : memref<128xi32, #tpu.memory_space<vmem>>) semaphore(%arg16 : memref<!tpu.dma_semaphore, #tpu.memory_space<semaphore_mem>>)
      } else {
      }
      %mul3A_1603 = arith.constant 4 : i32
      %mul3A_1604 = arith.muli %scan3A_900, %mul3A_1603 : i32
      %add3A_1605 = arith.constant 3 : i32
      %add3A_1606 = arith.addi %mul3A_1604, %add3A_1605 : i32
      %dma_wait3A_1607 = arith.constant 0 : i32
      %dma_wait3A_1608 = tpu.memref_slice %arg5[%add3A_1606, %dma_wait3A_1607] : memref<200x128xi32, #tpu.memory_space<vmem>> -> memref<1x128xi32, #tpu.memory_space<vmem>>
      %dma_wait3A_1609 = tpu.memref_squeeze %dma_wait3A_1608 : memref<1x128xi32, #tpu.memory_space<vmem>> -> memref<128xi32, #tpu.memory_space<vmem>>
      %dma_wait3A_1610 = arith.constant 0 : i32
      %dma_wait3A_1611 = arith.constant 0 : i32
      %dma_wait3A_1612 = tpu.memref_slice %arg3[%dma_wait3A_1610, %dma_wait3A_1611] : memref<2000000x64xf32, #tpu.memory_space<hbm>> -> memref<2000000x64xf32, #tpu.memory_space<hbm>>
      tpu.wait_indirect_dma semaphore(%arg17 : memref<!tpu.dma_semaphore, #tpu.memory_space<semaphore_mem>>) src(%dma_wait3A_1612 : memref<2000000x64xf32, #tpu.memory_space<hbm>>) dst(%arg9 : memref<128x64xf32, #tpu.memory_space<vmem>>)
      %gt3A_1613 = arith.constant 0 : i32
      %gt3A_1614 = arith.cmpi sgt, %scan3A_900, %gt3A_1613 : i32
      %convert_element_type3A_1615 = arith.extui %gt3A_1614 : i1 to i32
      %cond3A_1616 = arith.constant 0 : i32
      %cond3A_1617 = arith.cmpi ne, %convert_element_type3A_1615, %cond3A_1616 : i32
      scf.if %cond3A_1617 {
        %sub3A_1838 = arith.constant 4 : i32
        %sub3A_1839 = arith.subi %add3A_1606, %sub3A_1838 : i32
        %add3A_1840 = arith.addi %mul3A_2, %sub3A_1839 : i32
        %jit3A_1841 = arith.constant 128 : i32
        %div3A_1842 = arith.divsi %add3A_1840, %jit3A_1841 : i32
        %sign3A_1843 = arith.constant 0 : i32
        %sign3A_1844 = arith.cmpi sgt, %add3A_1840, %sign3A_1843 : i32
        %sign3A_1845 = arith.extui %sign3A_1844 : i1 to i32
        %sign3A_1846 = arith.constant 0 : i32
        %sign3A_1847 = arith.cmpi slt, %add3A_1840, %sign3A_1846 : i32
        %sign3A_1848 = arith.extui %sign3A_1847 : i1 to i32
        %sign3A_1849 = arith.subi %sign3A_1845, %sign3A_1848 : i32
        %sign3A_1850 = arith.constant 0 : i32
        %sign3A_1851 = arith.cmpi sgt, %jit3A_1841, %sign3A_1850 : i32
        %sign3A_1852 = arith.extui %sign3A_1851 : i1 to i32
        %sign3A_1853 = arith.constant 0 : i32
        %sign3A_1854 = arith.cmpi slt, %jit3A_1841, %sign3A_1853 : i32
        %sign3A_1855 = arith.extui %sign3A_1854 : i1 to i32
        %sign3A_1856 = arith.subi %sign3A_1852, %sign3A_1855 : i32
        %ne3A_1857 = arith.cmpi ne, %sign3A_1849, %sign3A_1856 : i32
        %rem3A_1858 = arith.remsi %add3A_1840, %jit3A_1841 : i32
        %ne3A_1859 = arith.constant 0 : i32
        %ne3A_1860 = arith.cmpi ne, %rem3A_1858, %ne3A_1859 : i32
        %and3A_1861 = arith.andi %ne3A_1857, %ne3A_1860 : i1
        %sub3A_1862 = arith.constant 1 : i32
        %sub3A_1863 = arith.subi %div3A_1842, %sub3A_1862 : i32
        %select_n3A_1864 = arith.select %and3A_1861, %sub3A_1863, %div3A_1842 : i32
        %jit3A_1865 = arith.constant 128 : i32
        %eq3A_1866 = arith.constant 0 : i32
        %eq3A_1867 = arith.cmpi eq, %jit3A_1865, %eq3A_1866 : i32
        %jit3A_1868 = arith.constant 1 : i32
        %select_n3A_1869 = arith.select %eq3A_1867, %jit3A_1868, %jit3A_1865 : i32
        %rem3A_1870 = arith.remsi %add3A_1840, %select_n3A_1869 : i32
        %ne3A_1871 = arith.constant 0 : i32
        %ne3A_1872 = arith.cmpi ne, %rem3A_1870, %ne3A_1871 : i32
        %lt3A_1873 = arith.constant 0 : i32
        %lt3A_1874 = arith.cmpi slt, %rem3A_1870, %lt3A_1873 : i32
        %lt3A_1875 = arith.constant 0 : i32
        %lt3A_1876 = arith.cmpi slt, %select_n3A_1869, %lt3A_1875 : i32
        %ne3A_1877 = arith.xori %lt3A_1874, %lt3A_1876 : i1
        %and3A_1878 = arith.andi %ne3A_1877, %ne3A_1872 : i1
        %add3A_1879 = arith.addi %rem3A_1870, %select_n3A_1869 : i32
        %select_n3A_1880 = arith.select %and3A_1878, %add3A_1879, %rem3A_1870 : i32
        %mul3A_1881 = arith.constant 8 : i32
        %mul3A_1882 = arith.muli %select_n3A_1864, %mul3A_1881 : i32
        %add3A_1883 = arith.constant 0 : i32
        %add3A_1884 = arith.addi %mul3A_1882, %add3A_1883 : i32
        %mul3A_1885 = arith.constant 128 : i32
        %mul3A_1886 = arith.muli %add3A_1884, %mul3A_1885 : i32
        %add3A_1887 = arith.addi %mul3A_1886, %select_n3A_1880 : i32
        %dma_wait3A_1888 = arith.constant 0 : i32
        %dma_wait3A_1889 = arith.constant 0 : i32
        %dma_wait3A_1890 = tpu.memref_slice %arg13[%dma_wait3A_1888, %dma_wait3A_1889] : memref<64x129xf32, #tpu.memory_space<vmem>> -> memref<8x128xf32, #tpu.memory_space<vmem>>
        %dma_wait3A_1891 = arith.constant 0 : i32
        %dma_wait3A_1892 = arith.constant 0 : i32
        %dma_wait3A_1893 = tpu.memref_slice %arg4[%add3A_1887, %dma_wait3A_1891, %dma_wait3A_1892] : memref<51200x8x128xf32, #tpu.memory_space<hbm>> -> memref<1x8x128xf32, #tpu.memory_space<hbm>>
        %dma_wait3A_1894 = tpu.memref_squeeze %dma_wait3A_1893 : memref<1x8x128xf32, #tpu.memory_space<hbm>> -> memref<8x128xf32, #tpu.memory_space<hbm>>
        %dma_wait3A_1895 = arith.constant 0 : i32
        %dma_wait3A_1896 = arith.constant 0 : i32
        %dma_wait3A_1897 = tpu.memref_slice %arg4[%add3A_1887, %dma_wait3A_1895, %dma_wait3A_1896] : memref<51200x8x128xf32, #tpu.memory_space<hbm>> -> memref<1x8x128xf32, #tpu.memory_space<hbm>>
        %dma_wait3A_1898 = tpu.memref_squeeze %dma_wait3A_1897 : memref<1x8x128xf32, #tpu.memory_space<hbm>> -> memref<8x128xf32, #tpu.memory_space<hbm>>
        %dma_wait3A_1899 = arith.constant 0 : i32
        %dma_wait3A_1900 = arith.constant 0 : i32
        %dma_wait3A_1901 = tpu.memref_slice %arg13[%dma_wait3A_1899, %dma_wait3A_1900] : memref<64x129xf32, #tpu.memory_space<vmem>> -> memref<8x128xf32, #tpu.memory_space<vmem>>
        tpu.wait_dma2 semaphore(%arg21 : memref<!tpu.dma_semaphore, #tpu.memory_space<semaphore_mem>>) src(%dma_wait3A_1901 : memref<8x128xf32, #tpu.memory_space<vmem>>) dst(%dma_wait3A_1898 : memref<8x128xf32, #tpu.memory_space<hbm>>)
        %mul3A_1902 = arith.constant 8 : i32
        %mul3A_1903 = arith.muli %select_n3A_1864, %mul3A_1902 : i32
        %add3A_1904 = arith.constant 1 : i32
        %add3A_1905 = arith.addi %mul3A_1903, %add3A_1904 : i32
        %mul3A_1906 = arith.constant 128 : i32
        %mul3A_1907 = arith.muli %add3A_1905, %mul3A_1906 : i32
        %add3A_1908 = arith.addi %mul3A_1907, %select_n3A_1880 : i32
        %dma_wait3A_1909 = arith.constant 8 : i32
        %dma_wait3A_1910 = arith.constant 0 : i32
        %dma_wait3A_1911 = tpu.memref_slice %arg13[%dma_wait3A_1909, %dma_wait3A_1910] : memref<64x129xf32, #tpu.memory_space<vmem>> -> memref<8x128xf32, #tpu.memory_space<vmem>>
        %dma_wait3A_1912 = arith.constant 0 : i32
        %dma_wait3A_1913 = arith.constant 0 : i32
        %dma_wait3A_1914 = tpu.memref_slice %arg4[%add3A_1908, %dma_wait3A_1912, %dma_wait3A_1913] : memref<51200x8x128xf32, #tpu.memory_space<hbm>> -> memref<1x8x128xf32, #tpu.memory_space<hbm>>
        %dma_wait3A_1915 = tpu.memref_squeeze %dma_wait3A_1914 : memref<1x8x128xf32, #tpu.memory_space<hbm>> -> memref<8x128xf32, #tpu.memory_space<hbm>>
        %dma_wait3A_1916 = arith.constant 0 : i32
        %dma_wait3A_1917 = arith.constant 0 : i32
        %dma_wait3A_1918 = tpu.memref_slice %arg4[%add3A_1908, %dma_wait3A_1916, %dma_wait3A_1917] : memref<51200x8x128xf32, #tpu.memory_space<hbm>> -> memref<1x8x128xf32, #tpu.memory_space<hbm>>
        %dma_wait3A_1919 = tpu.memref_squeeze %dma_wait3A_1918 : memref<1x8x128xf32, #tpu.memory_space<hbm>> -> memref<8x128xf32, #tpu.memory_space<hbm>>
        %dma_wait3A_1920 = arith.constant 8 : i32
        %dma_wait3A_1921 = arith.constant 0 : i32
        %dma_wait3A_1922 = tpu.memref_slice %arg13[%dma_wait3A_1920, %dma_wait3A_1921] : memref<64x129xf32, #tpu.memory_space<vmem>> -> memref<8x128xf32, #tpu.memory_space<vmem>>
        tpu.wait_dma2 semaphore(%arg21 : memref<!tpu.dma_semaphore, #tpu.memory_space<semaphore_mem>>) src(%dma_wait3A_1922 : memref<8x128xf32, #tpu.memory_space<vmem>>) dst(%dma_wait3A_1919 : memref<8x128xf32, #tpu.memory_space<hbm>>)
        %mul3A_1923 = arith.constant 8 : i32
        %mul3A_1924 = arith.muli %select_n3A_1864, %mul3A_1923 : i32
        %add3A_1925 = arith.constant 2 : i32
        %add3A_1926 = arith.addi %mul3A_1924, %add3A_1925 : i32
        %mul3A_1927 = arith.constant 128 : i32
        %mul3A_1928 = arith.muli %add3A_1926, %mul3A_1927 : i32
        %add3A_1929 = arith.addi %mul3A_1928, %select_n3A_1880 : i32
        %dma_wait3A_1930 = arith.constant 16 : i32
        %dma_wait3A_1931 = arith.constant 0 : i32
        %dma_wait3A_1932 = tpu.memref_slice %arg13[%dma_wait3A_1930, %dma_wait3A_1931] : memref<64x129xf32, #tpu.memory_space<vmem>> -> memref<8x128xf32, #tpu.memory_space<vmem>>
        %dma_wait3A_1933 = arith.constant 0 : i32
        %dma_wait3A_1934 = arith.constant 0 : i32
        %dma_wait3A_1935 = tpu.memref_slice %arg4[%add3A_1929, %dma_wait3A_1933, %dma_wait3A_1934] : memref<51200x8x128xf32, #tpu.memory_space<hbm>> -> memref<1x8x128xf32, #tpu.memory_space<hbm>>
        %dma_wait3A_1936 = tpu.memref_squeeze %dma_wait3A_1935 : memref<1x8x128xf32, #tpu.memory_space<hbm>> -> memref<8x128xf32, #tpu.memory_space<hbm>>
        %dma_wait3A_1937 = arith.constant 0 : i32
        %dma_wait3A_1938 = arith.constant 0 : i32
        %dma_wait3A_1939 = tpu.memref_slice %arg4[%add3A_1929, %dma_wait3A_1937, %dma_wait3A_1938] : memref<51200x8x128xf32, #tpu.memory_space<hbm>> -> memref<1x8x128xf32, #tpu.memory_space<hbm>>
        %dma_wait3A_1940 = tpu.memref_squeeze %dma_wait3A_1939 : memref<1x8x128xf32, #tpu.memory_space<hbm>> -> memref<8x128xf32, #tpu.memory_space<hbm>>
        %dma_wait3A_1941 = arith.constant 16 : i32
        %dma_wait3A_1942 = arith.constant 0 : i32
        %dma_wait3A_1943 = tpu.memref_slice %arg13[%dma_wait3A_1941, %dma_wait3A_1942] : memref<64x129xf32, #tpu.memory_space<vmem>> -> memref<8x128xf32, #tpu.memory_space<vmem>>
        tpu.wait_dma2 semaphore(%arg21 : memref<!tpu.dma_semaphore, #tpu.memory_space<semaphore_mem>>) src(%dma_wait3A_1943 : memref<8x128xf32, #tpu.memory_space<vmem>>) dst(%dma_wait3A_1940 : memref<8x128xf32, #tpu.memory_space<hbm>>)
        %mul3A_1944 = arith.constant 8 : i32
        %mul3A_1945 = arith.muli %select_n3A_1864, %mul3A_1944 : i32
        %add3A_1946 = arith.constant 3 : i32
        %add3A_1947 = arith.addi %mul3A_1945, %add3A_1946 : i32
        %mul3A_1948 = arith.constant 128 : i32
        %mul3A_1949 = arith.muli %add3A_1947, %mul3A_1948 : i32
        %add3A_1950 = arith.addi %mul3A_1949, %select_n3A_1880 : i32
        %dma_wait3A_1951 = arith.constant 24 : i32
        %dma_wait3A_1952 = arith.constant 0 : i32
        %dma_wait3A_1953 = tpu.memref_slice %arg13[%dma_wait3A_1951, %dma_wait3A_1952] : memref<64x129xf32, #tpu.memory_space<vmem>> -> memref<8x128xf32, #tpu.memory_space<vmem>>
        %dma_wait3A_1954 = arith.constant 0 : i32
        %dma_wait3A_1955 = arith.constant 0 : i32
        %dma_wait3A_1956 = tpu.memref_slice %arg4[%add3A_1950, %dma_wait3A_1954, %dma_wait3A_1955] : memref<51200x8x128xf32, #tpu.memory_space<hbm>> -> memref<1x8x128xf32, #tpu.memory_space<hbm>>
        %dma_wait3A_1957 = tpu.memref_squeeze %dma_wait3A_1956 : memref<1x8x128xf32, #tpu.memory_space<hbm>> -> memref<8x128xf32, #tpu.memory_space<hbm>>
        %dma_wait3A_1958 = arith.constant 0 : i32
        %dma_wait3A_1959 = arith.constant 0 : i32
        %dma_wait3A_1960 = tpu.memref_slice %arg4[%add3A_1950, %dma_wait3A_1958, %dma_wait3A_1959] : memref<51200x8x128xf32, #tpu.memory_space<hbm>> -> memref<1x8x128xf32, #tpu.memory_space<hbm>>
        %dma_wait3A_1961 = tpu.memref_squeeze %dma_wait3A_1960 : memref<1x8x128xf32, #tpu.memory_space<hbm>> -> memref<8x128xf32, #tpu.memory_space<hbm>>
        %dma_wait3A_1962 = arith.constant 24 : i32
        %dma_wait3A_1963 = arith.constant 0 : i32
        %dma_wait3A_1964 = tpu.memref_slice %arg13[%dma_wait3A_1962, %dma_wait3A_1963] : memref<64x129xf32, #tpu.memory_space<vmem>> -> memref<8x128xf32, #tpu.memory_space<vmem>>
        tpu.wait_dma2 semaphore(%arg21 : memref<!tpu.dma_semaphore, #tpu.memory_space<semaphore_mem>>) src(%dma_wait3A_1964 : memref<8x128xf32, #tpu.memory_space<vmem>>) dst(%dma_wait3A_1961 : memref<8x128xf32, #tpu.memory_space<hbm>>)
        %mul3A_1965 = arith.constant 8 : i32
        %mul3A_1966 = arith.muli %select_n3A_1864, %mul3A_1965 : i32
        %add3A_1967 = arith.constant 4 : i32
        %add3A_1968 = arith.addi %mul3A_1966, %add3A_1967 : i32
        %mul3A_1969 = arith.constant 128 : i32
        %mul3A_1970 = arith.muli %add3A_1968, %mul3A_1969 : i32
        %add3A_1971 = arith.addi %mul3A_1970, %select_n3A_1880 : i32
        %dma_wait3A_1972 = arith.constant 32 : i32
        %dma_wait3A_1973 = arith.constant 0 : i32
        %dma_wait3A_1974 = tpu.memref_slice %arg13[%dma_wait3A_1972, %dma_wait3A_1973] : memref<64x129xf32, #tpu.memory_space<vmem>> -> memref<8x128xf32, #tpu.memory_space<vmem>>
        %dma_wait3A_1975 = arith.constant 0 : i32
        %dma_wait3A_1976 = arith.constant 0 : i32
        %dma_wait3A_1977 = tpu.memref_slice %arg4[%add3A_1971, %dma_wait3A_1975, %dma_wait3A_1976] : memref<51200x8x128xf32, #tpu.memory_space<hbm>> -> memref<1x8x128xf32, #tpu.memory_space<hbm>>
        %dma_wait3A_1978 = tpu.memref_squeeze %dma_wait3A_1977 : memref<1x8x128xf32, #tpu.memory_space<hbm>> -> memref<8x128xf32, #tpu.memory_space<hbm>>
        %dma_wait3A_1979 = arith.constant 0 : i32
        %dma_wait3A_1980 = arith.constant 0 : i32
        %dma_wait3A_1981 = tpu.memref_slice %arg4[%add3A_1971, %dma_wait3A_1979, %dma_wait3A_1980] : memref<51200x8x128xf32, #tpu.memory_space<hbm>> -> memref<1x8x128xf32, #tpu.memory_space<hbm>>
        %dma_wait3A_1982 = tpu.memref_squeeze %dma_wait3A_1981 : memref<1x8x128xf32, #tpu.memory_space<hbm>> -> memref<8x128xf32, #tpu.memory_space<hbm>>
        %dma_wait3A_1983 = arith.constant 32 : i32
        %dma_wait3A_1984 = arith.constant 0 : i32
        %dma_wait3A_1985 = tpu.memref_slice %arg13[%dma_wait3A_1983, %dma_wait3A_1984] : memref<64x129xf32, #tpu.memory_space<vmem>> -> memref<8x128xf32, #tpu.memory_space<vmem>>
        tpu.wait_dma2 semaphore(%arg21 : memref<!tpu.dma_semaphore, #tpu.memory_space<semaphore_mem>>) src(%dma_wait3A_1985 : memref<8x128xf32, #tpu.memory_space<vmem>>) dst(%dma_wait3A_1982 : memref<8x128xf32, #tpu.memory_space<hbm>>)
        %mul3A_1986 = arith.constant 8 : i32
        %mul3A_1987 = arith.muli %select_n3A_1864, %mul3A_1986 : i32
        %add3A_1988 = arith.constant 5 : i32
        %add3A_1989 = arith.addi %mul3A_1987, %add3A_1988 : i32
        %mul3A_1990 = arith.constant 128 : i32
        %mul3A_1991 = arith.muli %add3A_1989, %mul3A_1990 : i32
        %add3A_1992 = arith.addi %mul3A_1991, %select_n3A_1880 : i32
        %dma_wait3A_1993 = arith.constant 40 : i32
        %dma_wait3A_1994 = arith.constant 0 : i32
        %dma_wait3A_1995 = tpu.memref_slice %arg13[%dma_wait3A_1993, %dma_wait3A_1994] : memref<64x129xf32, #tpu.memory_space<vmem>> -> memref<8x128xf32, #tpu.memory_space<vmem>>
        %dma_wait3A_1996 = arith.constant 0 : i32
        %dma_wait3A_1997 = arith.constant 0 : i32
        %dma_wait3A_1998 = tpu.memref_slice %arg4[%add3A_1992, %dma_wait3A_1996, %dma_wait3A_1997] : memref<51200x8x128xf32, #tpu.memory_space<hbm>> -> memref<1x8x128xf32, #tpu.memory_space<hbm>>
        %dma_wait3A_1999 = tpu.memref_squeeze %dma_wait3A_1998 : memref<1x8x128xf32, #tpu.memory_space<hbm>> -> memref<8x128xf32, #tpu.memory_space<hbm>>
        %dma_wait3A_2000 = arith.constant 0 : i32
        %dma_wait3A_2001 = arith.constant 0 : i32
        %dma_wait3A_2002 = tpu.memref_slice %arg4[%add3A_1992, %dma_wait3A_2000, %dma_wait3A_2001] : memref<51200x8x128xf32, #tpu.memory_space<hbm>> -> memref<1x8x128xf32, #tpu.memory_space<hbm>>
        %dma_wait3A_2003 = tpu.memref_squeeze %dma_wait3A_2002 : memref<1x8x128xf32, #tpu.memory_space<hbm>> -> memref<8x128xf32, #tpu.memory_space<hbm>>
        %dma_wait3A_2004 = arith.constant 40 : i32
        %dma_wait3A_2005 = arith.constant 0 : i32
        %dma_wait3A_2006 = tpu.memref_slice %arg13[%dma_wait3A_2004, %dma_wait3A_2005] : memref<64x129xf32, #tpu.memory_space<vmem>> -> memref<8x128xf32, #tpu.memory_space<vmem>>
        tpu.wait_dma2 semaphore(%arg21 : memref<!tpu.dma_semaphore, #tpu.memory_space<semaphore_mem>>) src(%dma_wait3A_2006 : memref<8x128xf32, #tpu.memory_space<vmem>>) dst(%dma_wait3A_2003 : memref<8x128xf32, #tpu.memory_space<hbm>>)
        %mul3A_2007 = arith.constant 8 : i32
        %mul3A_2008 = arith.muli %select_n3A_1864, %mul3A_2007 : i32
        %add3A_2009 = arith.constant 6 : i32
        %add3A_2010 = arith.addi %mul3A_2008, %add3A_2009 : i32
        %mul3A_2011 = arith.constant 128 : i32
        %mul3A_2012 = arith.muli %add3A_2010, %mul3A_2011 : i32
        %add3A_2013 = arith.addi %mul3A_2012, %select_n3A_1880 : i32
        %dma_wait3A_2014 = arith.constant 48 : i32
        %dma_wait3A_2015 = arith.constant 0 : i32
        %dma_wait3A_2016 = tpu.memref_slice %arg13[%dma_wait3A_2014, %dma_wait3A_2015] : memref<64x129xf32, #tpu.memory_space<vmem>> -> memref<8x128xf32, #tpu.memory_space<vmem>>
        %dma_wait3A_2017 = arith.constant 0 : i32
        %dma_wait3A_2018 = arith.constant 0 : i32
        %dma_wait3A_2019 = tpu.memref_slice %arg4[%add3A_2013, %dma_wait3A_2017, %dma_wait3A_2018] : memref<51200x8x128xf32, #tpu.memory_space<hbm>> -> memref<1x8x128xf32, #tpu.memory_space<hbm>>
        %dma_wait3A_2020 = tpu.memref_squeeze %dma_wait3A_2019 : memref<1x8x128xf32, #tpu.memory_space<hbm>> -> memref<8x128xf32, #tpu.memory_space<hbm>>
        %dma_wait3A_2021 = arith.constant 0 : i32
        %dma_wait3A_2022 = arith.constant 0 : i32
        %dma_wait3A_2023 = tpu.memref_slice %arg4[%add3A_2013, %dma_wait3A_2021, %dma_wait3A_2022] : memref<51200x8x128xf32, #tpu.memory_space<hbm>> -> memref<1x8x128xf32, #tpu.memory_space<hbm>>
        %dma_wait3A_2024 = tpu.memref_squeeze %dma_wait3A_2023 : memref<1x8x128xf32, #tpu.memory_space<hbm>> -> memref<8x128xf32, #tpu.memory_space<hbm>>
        %dma_wait3A_2025 = arith.constant 48 : i32
        %dma_wait3A_2026 = arith.constant 0 : i32
        %dma_wait3A_2027 = tpu.memref_slice %arg13[%dma_wait3A_2025, %dma_wait3A_2026] : memref<64x129xf32, #tpu.memory_space<vmem>> -> memref<8x128xf32, #tpu.memory_space<vmem>>
        tpu.wait_dma2 semaphore(%arg21 : memref<!tpu.dma_semaphore, #tpu.memory_space<semaphore_mem>>) src(%dma_wait3A_2027 : memref<8x128xf32, #tpu.memory_space<vmem>>) dst(%dma_wait3A_2024 : memref<8x128xf32, #tpu.memory_space<hbm>>)
        %mul3A_2028 = arith.constant 8 : i32
        %mul3A_2029 = arith.muli %select_n3A_1864, %mul3A_2028 : i32
        %add3A_2030 = arith.constant 7 : i32
        %add3A_2031 = arith.addi %mul3A_2029, %add3A_2030 : i32
        %mul3A_2032 = arith.constant 128 : i32
        %mul3A_2033 = arith.muli %add3A_2031, %mul3A_2032 : i32
        %add3A_2034 = arith.addi %mul3A_2033, %select_n3A_1880 : i32
        %dma_wait3A_2035 = arith.constant 56 : i32
        %dma_wait3A_2036 = arith.constant 0 : i32
        %dma_wait3A_2037 = tpu.memref_slice %arg13[%dma_wait3A_2035, %dma_wait3A_2036] : memref<64x129xf32, #tpu.memory_space<vmem>> -> memref<8x128xf32, #tpu.memory_space<vmem>>
        %dma_wait3A_2038 = arith.constant 0 : i32
        %dma_wait3A_2039 = arith.constant 0 : i32
        %dma_wait3A_2040 = tpu.memref_slice %arg4[%add3A_2034, %dma_wait3A_2038, %dma_wait3A_2039] : memref<51200x8x128xf32, #tpu.memory_space<hbm>> -> memref<1x8x128xf32, #tpu.memory_space<hbm>>
        %dma_wait3A_2041 = tpu.memref_squeeze %dma_wait3A_2040 : memref<1x8x128xf32, #tpu.memory_space<hbm>> -> memref<8x128xf32, #tpu.memory_space<hbm>>
        %dma_wait3A_2042 = arith.constant 0 : i32
        %dma_wait3A_2043 = arith.constant 0 : i32
        %dma_wait3A_2044 = tpu.memref_slice %arg4[%add3A_2034, %dma_wait3A_2042, %dma_wait3A_2043] : memref<51200x8x128xf32, #tpu.memory_space<hbm>> -> memref<1x8x128xf32, #tpu.memory_space<hbm>>
        %dma_wait3A_2045 = tpu.memref_squeeze %dma_wait3A_2044 : memref<1x8x128xf32, #tpu.memory_space<hbm>> -> memref<8x128xf32, #tpu.memory_space<hbm>>
        %dma_wait3A_2046 = arith.constant 56 : i32
        %dma_wait3A_2047 = arith.constant 0 : i32
        %dma_wait3A_2048 = tpu.memref_slice %arg13[%dma_wait3A_2046, %dma_wait3A_2047] : memref<64x129xf32, #tpu.memory_space<vmem>> -> memref<8x128xf32, #tpu.memory_space<vmem>>
        tpu.wait_dma2 semaphore(%arg21 : memref<!tpu.dma_semaphore, #tpu.memory_space<semaphore_mem>>) src(%dma_wait3A_2048 : memref<8x128xf32, #tpu.memory_space<vmem>>) dst(%dma_wait3A_2045 : memref<8x128xf32, #tpu.memory_space<hbm>>)
      } else {
      }
      %scan3A_1618 = arith.constant 0 : i32
      %scan3A_1619 = arith.constant 0 : i32
      %scan3A_1620 = arith.constant 32 : i32
      %scan3A_1621 = arith.addi %scan3A_1619, %scan3A_1620 : i32
      %scan3A_1622 = arith.constant 1 : i32
      scf.for %scan3A_1838 = %scan3A_1619 to %scan3A_1621 step %scan3A_1622  : i32 {
        %mul3A_1839 = arith.constant 4 : i32
        %mul3A_1840 = arith.muli %scan3A_1838, %mul3A_1839 : i32
        %add3A_1841 = arith.constant 0 : i32
        %add3A_1842 = arith.addi %mul3A_1840, %add3A_1841 : i32
        %broadcast_in_dim3A = arith.constant 0 : i32
        %broadcast_in_dim3A_1843 = vector.broadcast %broadcast_in_dim3A : i32 to vector<16xi32>
        %add3A_1844 = vector.broadcast %add3A_1842 : i32 to vector<16xi32>
        %add3A_1845 = arith.addi %broadcast_in_dim3A_1843, %add3A_1844 : vector<16xi32>
        %get3A = arith.index_cast %add3A_1842 : i32 to index
        %get3A_1846 = arith.constant 0 : index
        %get3A_1847 = tpu.vector_load %arg9[%get3A, %get3A_1846] {strides = array<i32>} : memref<128x64xf32, #tpu.memory_space<vmem>>, vector<16xf32>,
        %get3A_1848 = arith.index_cast %add3A_1842 : i32 to index
        %get3A_1849 = arith.constant 16 : index
        %get3A_1850 = tpu.vector_load %arg9[%get3A_1848, %get3A_1849] {strides = array<i32>} : memref<128x64xf32, #tpu.memory_space<vmem>>, vector<16xf32>,
        %get3A_1851 = arith.index_cast %add3A_1842 : i32 to index
        %get3A_1852 = arith.constant 32 : index
        %get3A_1853 = tpu.vector_load %arg9[%get3A_1851, %get3A_1852] {strides = array<i32>} : memref<128x64xf32, #tpu.memory_space<vmem>>, vector<16xf32>,
        %get3A_1854 = arith.index_cast %add3A_1842 : i32 to index
        %get3A_1855 = arith.constant 48 : index
        %get3A_1856 = tpu.vector_load %arg9[%get3A_1854, %get3A_1855] {strides = array<i32>} : memref<128x64xf32, #tpu.memory_space<vmem>>, vector<16xf32>,
        %mul3A_1857 = arith.constant 4 : i32
        %mul3A_1858 = arith.muli %scan3A_1838, %mul3A_1857 : i32
        %add3A_1859 = arith.constant 1 : i32
        %add3A_1860 = arith.addi %mul3A_1858, %add3A_1859 : i32
        %broadcast_in_dim3A_1861 = arith.constant 0 : i32
        %broadcast_in_dim3A_1862 = vector.broadcast %broadcast_in_dim3A_1861 : i32 to vector<16xi32>
        %add3A_1863 = vector.broadcast %add3A_1860 : i32 to vector<16xi32>
        %add3A_1864 = arith.addi %broadcast_in_dim3A_1862, %add3A_1863 : vector<16xi32>
        %get3A_1865 = arith.index_cast %add3A_1860 : i32 to index
        %get3A_1866 = arith.constant 0 : index
        %get3A_1867 = tpu.vector_load %arg9[%get3A_1865, %get3A_1866] {strides = array<i32>} : memref<128x64xf32, #tpu.memory_space<vmem>>, vector<16xf32>,
        %get3A_1868 = arith.index_cast %add3A_1860 : i32 to index
        %get3A_1869 = arith.constant 16 : index
        %get3A_1870 = tpu.vector_load %arg9[%get3A_1868, %get3A_1869] {strides = array<i32>} : memref<128x64xf32, #tpu.memory_space<vmem>>, vector<16xf32>,
        %get3A_1871 = arith.index_cast %add3A_1860 : i32 to index
        %get3A_1872 = arith.constant 32 : index
        %get3A_1873 = tpu.vector_load %arg9[%get3A_1871, %get3A_1872] {strides = array<i32>} : memref<128x64xf32, #tpu.memory_space<vmem>>, vector<16xf32>,
        %get3A_1874 = arith.index_cast %add3A_1860 : i32 to index
        %get3A_1875 = arith.constant 48 : index
        %get3A_1876 = tpu.vector_load %arg9[%get3A_1874, %get3A_1875] {strides = array<i32>} : memref<128x64xf32, #tpu.memory_space<vmem>>, vector<16xf32>,
        %mul3A_1877 = arith.constant 4 : i32
        %mul3A_1878 = arith.muli %scan3A_1838, %mul3A_1877 : i32
        %add3A_1879 = arith.constant 2 : i32
        %add3A_1880 = arith.addi %mul3A_1878, %add3A_1879 : i32
        %broadcast_in_dim3A_1881 = arith.constant 0 : i32
        %broadcast_in_dim3A_1882 = vector.broadcast %broadcast_in_dim3A_1881 : i32 to vector<16xi32>
        %add3A_1883 = vector.broadcast %add3A_1880 : i32 to vector<16xi32>
        %add3A_1884 = arith.addi %broadcast_in_dim3A_1882, %add3A_1883 : vector<16xi32>
        %get3A_1885 = arith.index_cast %add3A_1880 : i32 to index
        %get3A_1886 = arith.constant 0 : index
        %get3A_1887 = tpu.vector_load %arg9[%get3A_1885, %get3A_1886] {strides = array<i32>} : memref<128x64xf32, #tpu.memory_space<vmem>>, vector<16xf32>,
        %get3A_1888 = arith.index_cast %add3A_1880 : i32 to index
        %get3A_1889 = arith.constant 16 : index
        %get3A_1890 = tpu.vector_load %arg9[%get3A_1888, %get3A_1889] {strides = array<i32>} : memref<128x64xf32, #tpu.memory_space<vmem>>, vector<16xf32>,
        %get3A_1891 = arith.index_cast %add3A_1880 : i32 to index
        %get3A_1892 = arith.constant 32 : index
        %get3A_1893 = tpu.vector_load %arg9[%get3A_1891, %get3A_1892] {strides = array<i32>} : memref<128x64xf32, #tpu.memory_space<vmem>>, vector<16xf32>,
        %get3A_1894 = arith.index_cast %add3A_1880 : i32 to index
        %get3A_1895 = arith.constant 48 : index
        %get3A_1896 = tpu.vector_load %arg9[%get3A_1894, %get3A_1895] {strides = array<i32>} : memref<128x64xf32, #tpu.memory_space<vmem>>, vector<16xf32>,
        %mul3A_1897 = arith.constant 4 : i32
        %mul3A_1898 = arith.muli %scan3A_1838, %mul3A_1897 : i32
        %add3A_1899 = arith.constant 3 : i32
        %add3A_1900 = arith.addi %mul3A_1898, %add3A_1899 : i32
        %broadcast_in_dim3A_1901 = arith.constant 0 : i32
        %broadcast_in_dim3A_1902 = vector.broadcast %broadcast_in_dim3A_1901 : i32 to vector<16xi32>
        %add3A_1903 = vector.broadcast %add3A_1900 : i32 to vector<16xi32>
        %add3A_1904 = arith.addi %broadcast_in_dim3A_1902, %add3A_1903 : vector<16xi32>
        %get3A_1905 = arith.index_cast %add3A_1900 : i32 to index
        %get3A_1906 = arith.constant 0 : index
        %get3A_1907 = tpu.vector_load %arg9[%get3A_1905, %get3A_1906] {strides = array<i32>} : memref<128x64xf32, #tpu.memory_space<vmem>>, vector<16xf32>,
        %get3A_1908 = arith.index_cast %add3A_1900 : i32 to index
        %get3A_1909 = arith.constant 16 : index
        %get3A_1910 = tpu.vector_load %arg9[%get3A_1908, %get3A_1909] {strides = array<i32>} : memref<128x64xf32, #tpu.memory_space<vmem>>, vector<16xf32>,
        %get3A_1911 = arith.index_cast %add3A_1900 : i32 to index
        %get3A_1912 = arith.constant 32 : index
        %get3A_1913 = tpu.vector_load %arg9[%get3A_1911, %get3A_1912] {strides = array<i32>} : memref<128x64xf32, #tpu.memory_space<vmem>>, vector<16xf32>,
        %get3A_1914 = arith.index_cast %add3A_1900 : i32 to index
        %get3A_1915 = arith.constant 48 : index
        %get3A_1916 = tpu.vector_load %arg9[%get3A_1914, %get3A_1915] {strides = array<i32>} : memref<128x64xf32, #tpu.memory_space<vmem>>, vector<16xf32>,
        tpu.vector_store_idx %arg13[%add3A_29, %add3A_1845], %get3A_1847 : memref<64x129xf32, #tpu.memory_space<vmem>>[vector<16xi32>, vector<16xi32>], vector<16xf32>,
        tpu.vector_store_idx %arg13[%add3A_32, %add3A_1845], %get3A_1850 : memref<64x129xf32, #tpu.memory_space<vmem>>[vector<16xi32>, vector<16xi32>], vector<16xf32>,
        tpu.vector_store_idx %arg13[%add3A_35, %add3A_1845], %get3A_1853 : memref<64x129xf32, #tpu.memory_space<vmem>>[vector<16xi32>, vector<16xi32>], vector<16xf32>,
        tpu.vector_store_idx %arg13[%add3A_38, %add3A_1845], %get3A_1856 : memref<64x129xf32, #tpu.memory_space<vmem>>[vector<16xi32>, vector<16xi32>], vector<16xf32>,
        tpu.vector_store_idx %arg13[%add3A_29, %add3A_1864], %get3A_1867 : memref<64x129xf32, #tpu.memory_space<vmem>>[vector<16xi32>, vector<16xi32>], vector<16xf32>,
        tpu.vector_store_idx %arg13[%add3A_32, %add3A_1864], %get3A_1870 : memref<64x129xf32, #tpu.memory_space<vmem>>[vector<16xi32>, vector<16xi32>], vector<16xf32>,
        tpu.vector_store_idx %arg13[%add3A_35, %add3A_1864], %get3A_1873 : memref<64x129xf32, #tpu.memory_space<vmem>>[vector<16xi32>, vector<16xi32>], vector<16xf32>,
        tpu.vector_store_idx %arg13[%add3A_38, %add3A_1864], %get3A_1876 : memref<64x129xf32, #tpu.memory_space<vmem>>[vector<16xi32>, vector<16xi32>], vector<16xf32>,
        tpu.vector_store_idx %arg13[%add3A_29, %add3A_1884], %get3A_1887 : memref<64x129xf32, #tpu.memory_space<vmem>>[vector<16xi32>, vector<16xi32>], vector<16xf32>,
        tpu.vector_store_idx %arg13[%add3A_32, %add3A_1884], %get3A_1890 : memref<64x129xf32, #tpu.memory_space<vmem>>[vector<16xi32>, vector<16xi32>], vector<16xf32>,
        tpu.vector_store_idx %arg13[%add3A_35, %add3A_1884], %get3A_1893 : memref<64x129xf32, #tpu.memory_space<vmem>>[vector<16xi32>, vector<16xi32>], vector<16xf32>,
        tpu.vector_store_idx %arg13[%add3A_38, %add3A_1884], %get3A_1896 : memref<64x129xf32, #tpu.memory_space<vmem>>[vector<16xi32>, vector<16xi32>], vector<16xf32>,
        tpu.vector_store_idx %arg13[%add3A_29, %add3A_1904], %get3A_1907 : memref<64x129xf32, #tpu.memory_space<vmem>>[vector<16xi32>, vector<16xi32>], vector<16xf32>,
        tpu.vector_store_idx %arg13[%add3A_32, %add3A_1904], %get3A_1910 : memref<64x129xf32, #tpu.memory_space<vmem>>[vector<16xi32>, vector<16xi32>], vector<16xf32>,
        tpu.vector_store_idx %arg13[%add3A_35, %add3A_1904], %get3A_1913 : memref<64x129xf32, #tpu.memory_space<vmem>>[vector<16xi32>, vector<16xi32>], vector<16xf32>,
        tpu.vector_store_idx %arg13[%add3A_38, %add3A_1904], %get3A_1916 : memref<64x129xf32, #tpu.memory_space<vmem>>[vector<16xi32>, vector<16xi32>], vector<16xf32>,
      }
      %scan3A_1623 = arith.constant 32 : i32
      %add3A_1624 = arith.addi %mul3A_2, %add3A_1606 : i32
      %jit3A_1625 = arith.constant 128 : i32
      %div3A_1626 = arith.divsi %add3A_1624, %jit3A_1625 : i32
      %sign3A_1627 = arith.constant 0 : i32
      %sign3A_1628 = arith.cmpi sgt, %add3A_1624, %sign3A_1627 : i32
      %sign3A_1629 = arith.extui %sign3A_1628 : i1 to i32
      %sign3A_1630 = arith.constant 0 : i32
      %sign3A_1631 = arith.cmpi slt, %add3A_1624, %sign3A_1630 : i32
      %sign3A_1632 = arith.extui %sign3A_1631 : i1 to i32
      %sign3A_1633 = arith.subi %sign3A_1629, %sign3A_1632 : i32
      %sign3A_1634 = arith.constant 0 : i32
      %sign3A_1635 = arith.cmpi sgt, %jit3A_1625, %sign3A_1634 : i32
      %sign3A_1636 = arith.extui %sign3A_1635 : i1 to i32
      %sign3A_1637 = arith.constant 0 : i32
      %sign3A_1638 = arith.cmpi slt, %jit3A_1625, %sign3A_1637 : i32
      %sign3A_1639 = arith.extui %sign3A_1638 : i1 to i32
      %sign3A_1640 = arith.subi %sign3A_1636, %sign3A_1639 : i32
      %ne3A_1641 = arith.cmpi ne, %sign3A_1633, %sign3A_1640 : i32
      %rem3A_1642 = arith.remsi %add3A_1624, %jit3A_1625 : i32
      %ne3A_1643 = arith.constant 0 : i32
      %ne3A_1644 = arith.cmpi ne, %rem3A_1642, %ne3A_1643 : i32
      %and3A_1645 = arith.andi %ne3A_1641, %ne3A_1644 : i1
      %sub3A_1646 = arith.constant 1 : i32
      %sub3A_1647 = arith.subi %div3A_1626, %sub3A_1646 : i32
      %select_n3A_1648 = arith.select %and3A_1645, %sub3A_1647, %div3A_1626 : i32
      %jit3A_1649 = arith.constant 128 : i32
      %eq3A_1650 = arith.constant 0 : i32
      %eq3A_1651 = arith.cmpi eq, %jit3A_1649, %eq3A_1650 : i32
      %jit3A_1652 = arith.constant 1 : i32
      %select_n3A_1653 = arith.select %eq3A_1651, %jit3A_1652, %jit3A_1649 : i32
      %rem3A_1654 = arith.remsi %add3A_1624, %select_n3A_1653 : i32
      %ne3A_1655 = arith.constant 0 : i32
      %ne3A_1656 = arith.cmpi ne, %rem3A_1654, %ne3A_1655 : i32
      %lt3A_1657 = arith.constant 0 : i32
      %lt3A_1658 = arith.cmpi slt, %rem3A_1654, %lt3A_1657 : i32
      %lt3A_1659 = arith.constant 0 : i32
      %lt3A_1660 = arith.cmpi slt, %select_n3A_1653, %lt3A_1659 : i32
      %ne3A_1661 = arith.xori %lt3A_1658, %lt3A_1660 : i1
      %and3A_1662 = arith.andi %ne3A_1661, %ne3A_1656 : i1
      %add3A_1663 = arith.addi %rem3A_1654, %select_n3A_1653 : i32
      %select_n3A_1664 = arith.select %and3A_1662, %add3A_1663, %rem3A_1654 : i32
      %mul3A_1665 = arith.constant 8 : i32
      %mul3A_1666 = arith.muli %select_n3A_1648, %mul3A_1665 : i32
      %add3A_1667 = arith.constant 0 : i32
      %add3A_1668 = arith.addi %mul3A_1666, %add3A_1667 : i32
      %mul3A_1669 = arith.constant 128 : i32
      %mul3A_1670 = arith.muli %add3A_1668, %mul3A_1669 : i32
      %add3A_1671 = arith.addi %mul3A_1670, %select_n3A_1664 : i32
      %dma_start3A_1672 = arith.constant 0 : i32
      %dma_start3A_1673 = arith.constant 0 : i32
      %dma_start3A_1674 = tpu.memref_slice %arg13[%dma_start3A_1672, %dma_start3A_1673] : memref<64x129xf32, #tpu.memory_space<vmem>> -> memref<8x128xf32, #tpu.memory_space<vmem>>
      %dma_start3A_1675 = arith.constant 0 : i32
      %dma_start3A_1676 = arith.constant 0 : i32
      %dma_start3A_1677 = tpu.memref_slice %arg4[%add3A_1671, %dma_start3A_1675, %dma_start3A_1676] : memref<51200x8x128xf32, #tpu.memory_space<hbm>> -> memref<1x8x128xf32, #tpu.memory_space<hbm>>
      %dma_start3A_1678 = tpu.memref_squeeze %dma_start3A_1677 : memref<1x8x128xf32, #tpu.memory_space<hbm>> -> memref<8x128xf32, #tpu.memory_space<hbm>>
      %dma_start3A_1679 = arith.constant 0 : i32
      %dma_start3A_1680 = arith.constant 0 : i32
      %dma_start3A_1681 = tpu.memref_slice %arg4[%add3A_1671, %dma_start3A_1679, %dma_start3A_1680] : memref<51200x8x128xf32, #tpu.memory_space<hbm>> -> memref<1x8x128xf32, #tpu.memory_space<hbm>>
      %dma_start3A_1682 = tpu.memref_squeeze %dma_start3A_1681 : memref<1x8x128xf32, #tpu.memory_space<hbm>> -> memref<8x128xf32, #tpu.memory_space<hbm>>
      %dma_start3A_1683 = arith.constant 0 : i32
      %dma_start3A_1684 = arith.constant 0 : i32
      %dma_start3A_1685 = tpu.memref_slice %arg13[%dma_start3A_1683, %dma_start3A_1684] : memref<64x129xf32, #tpu.memory_space<vmem>> -> memref<8x128xf32, #tpu.memory_space<vmem>>
      tpu.enqueue_dma source(%dma_start3A_1685 : memref<8x128xf32, #tpu.memory_space<vmem>>) target(%dma_start3A_1682 : memref<8x128xf32, #tpu.memory_space<hbm>>) target_semaphore(%arg21 : memref<!tpu.dma_semaphore, #tpu.memory_space<semaphore_mem>>)
      %mul3A_1686 = arith.constant 8 : i32
      %mul3A_1687 = arith.muli %select_n3A_1648, %mul3A_1686 : i32
      %add3A_1688 = arith.constant 1 : i32
      %add3A_1689 = arith.addi %mul3A_1687, %add3A_1688 : i32
      %mul3A_1690 = arith.constant 128 : i32
      %mul3A_1691 = arith.muli %add3A_1689, %mul3A_1690 : i32
      %add3A_1692 = arith.addi %mul3A_1691, %select_n3A_1664 : i32
      %dma_start3A_1693 = arith.constant 8 : i32
      %dma_start3A_1694 = arith.constant 0 : i32
      %dma_start3A_1695 = tpu.memref_slice %arg13[%dma_start3A_1693, %dma_start3A_1694] : memref<64x129xf32, #tpu.memory_space<vmem>> -> memref<8x128xf32, #tpu.memory_space<vmem>>
      %dma_start3A_1696 = arith.constant 0 : i32
      %dma_start3A_1697 = arith.constant 0 : i32
      %dma_start3A_1698 = tpu.memref_slice %arg4[%add3A_1692, %dma_start3A_1696, %dma_start3A_1697] : memref<51200x8x128xf32, #tpu.memory_space<hbm>> -> memref<1x8x128xf32, #tpu.memory_space<hbm>>
      %dma_start3A_1699 = tpu.memref_squeeze %dma_start3A_1698 : memref<1x8x128xf32, #tpu.memory_space<hbm>> -> memref<8x128xf32, #tpu.memory_space<hbm>>
      %dma_start3A_1700 = arith.constant 0 : i32
      %dma_start3A_1701 = arith.constant 0 : i32
      %dma_start3A_1702 = tpu.memref_slice %arg4[%add3A_1692, %dma_start3A_1700, %dma_start3A_1701] : memref<51200x8x128xf32, #tpu.memory_space<hbm>> -> memref<1x8x128xf32, #tpu.memory_space<hbm>>
      %dma_start3A_1703 = tpu.memref_squeeze %dma_start3A_1702 : memref<1x8x128xf32, #tpu.memory_space<hbm>> -> memref<8x128xf32, #tpu.memory_space<hbm>>
      %dma_start3A_1704 = arith.constant 8 : i32
      %dma_start3A_1705 = arith.constant 0 : i32
      %dma_start3A_1706 = tpu.memref_slice %arg13[%dma_start3A_1704, %dma_start3A_1705] : memref<64x129xf32, #tpu.memory_space<vmem>> -> memref<8x128xf32, #tpu.memory_space<vmem>>
      tpu.enqueue_dma source(%dma_start3A_1706 : memref<8x128xf32, #tpu.memory_space<vmem>>) target(%dma_start3A_1703 : memref<8x128xf32, #tpu.memory_space<hbm>>) target_semaphore(%arg21 : memref<!tpu.dma_semaphore, #tpu.memory_space<semaphore_mem>>)
      %mul3A_1707 = arith.constant 8 : i32
      %mul3A_1708 = arith.muli %select_n3A_1648, %mul3A_1707 : i32
      %add3A_1709 = arith.constant 2 : i32
      %add3A_1710 = arith.addi %mul3A_1708, %add3A_1709 : i32
      %mul3A_1711 = arith.constant 128 : i32
      %mul3A_1712 = arith.muli %add3A_1710, %mul3A_1711 : i32
      %add3A_1713 = arith.addi %mul3A_1712, %select_n3A_1664 : i32
      %dma_start3A_1714 = arith.constant 16 : i32
      %dma_start3A_1715 = arith.constant 0 : i32
      %dma_start3A_1716 = tpu.memref_slice %arg13[%dma_start3A_1714, %dma_start3A_1715] : memref<64x129xf32, #tpu.memory_space<vmem>> -> memref<8x128xf32, #tpu.memory_space<vmem>>
      %dma_start3A_1717 = arith.constant 0 : i32
      %dma_start3A_1718 = arith.constant 0 : i32
      %dma_start3A_1719 = tpu.memref_slice %arg4[%add3A_1713, %dma_start3A_1717, %dma_start3A_1718] : memref<51200x8x128xf32, #tpu.memory_space<hbm>> -> memref<1x8x128xf32, #tpu.memory_space<hbm>>
      %dma_start3A_1720 = tpu.memref_squeeze %dma_start3A_1719 : memref<1x8x128xf32, #tpu.memory_space<hbm>> -> memref<8x128xf32, #tpu.memory_space<hbm>>
      %dma_start3A_1721 = arith.constant 0 : i32
      %dma_start3A_1722 = arith.constant 0 : i32
      %dma_start3A_1723 = tpu.memref_slice %arg4[%add3A_1713, %dma_start3A_1721, %dma_start3A_1722] : memref<51200x8x128xf32, #tpu.memory_space<hbm>> -> memref<1x8x128xf32, #tpu.memory_space<hbm>>
      %dma_start3A_1724 = tpu.memref_squeeze %dma_start3A_1723 : memref<1x8x128xf32, #tpu.memory_space<hbm>> -> memref<8x128xf32, #tpu.memory_space<hbm>>
      %dma_start3A_1725 = arith.constant 16 : i32
      %dma_start3A_1726 = arith.constant 0 : i32
      %dma_start3A_1727 = tpu.memref_slice %arg13[%dma_start3A_1725, %dma_start3A_1726] : memref<64x129xf32, #tpu.memory_space<vmem>> -> memref<8x128xf32, #tpu.memory_space<vmem>>
      tpu.enqueue_dma source(%dma_start3A_1727 : memref<8x128xf32, #tpu.memory_space<vmem>>) target(%dma_start3A_1724 : memref<8x128xf32, #tpu.memory_space<hbm>>) target_semaphore(%arg21 : memref<!tpu.dma_semaphore, #tpu.memory_space<semaphore_mem>>)
      %mul3A_1728 = arith.constant 8 : i32
      %mul3A_1729 = arith.muli %select_n3A_1648, %mul3A_1728 : i32
      %add3A_1730 = arith.constant 3 : i32
      %add3A_1731 = arith.addi %mul3A_1729, %add3A_1730 : i32
      %mul3A_1732 = arith.constant 128 : i32
      %mul3A_1733 = arith.muli %add3A_1731, %mul3A_1732 : i32
      %add3A_1734 = arith.addi %mul3A_1733, %select_n3A_1664 : i32
      %dma_start3A_1735 = arith.constant 24 : i32
      %dma_start3A_1736 = arith.constant 0 : i32
      %dma_start3A_1737 = tpu.memref_slice %arg13[%dma_start3A_1735, %dma_start3A_1736] : memref<64x129xf32, #tpu.memory_space<vmem>> -> memref<8x128xf32, #tpu.memory_space<vmem>>
      %dma_start3A_1738 = arith.constant 0 : i32
      %dma_start3A_1739 = arith.constant 0 : i32
      %dma_start3A_1740 = tpu.memref_slice %arg4[%add3A_1734, %dma_start3A_1738, %dma_start3A_1739] : memref<51200x8x128xf32, #tpu.memory_space<hbm>> -> memref<1x8x128xf32, #tpu.memory_space<hbm>>
      %dma_start3A_1741 = tpu.memref_squeeze %dma_start3A_1740 : memref<1x8x128xf32, #tpu.memory_space<hbm>> -> memref<8x128xf32, #tpu.memory_space<hbm>>
      %dma_start3A_1742 = arith.constant 0 : i32
      %dma_start3A_1743 = arith.constant 0 : i32
      %dma_start3A_1744 = tpu.memref_slice %arg4[%add3A_1734, %dma_start3A_1742, %dma_start3A_1743] : memref<51200x8x128xf32, #tpu.memory_space<hbm>> -> memref<1x8x128xf32, #tpu.memory_space<hbm>>
      %dma_start3A_1745 = tpu.memref_squeeze %dma_start3A_1744 : memref<1x8x128xf32, #tpu.memory_space<hbm>> -> memref<8x128xf32, #tpu.memory_space<hbm>>
      %dma_start3A_1746 = arith.constant 24 : i32
      %dma_start3A_1747 = arith.constant 0 : i32
      %dma_start3A_1748 = tpu.memref_slice %arg13[%dma_start3A_1746, %dma_start3A_1747] : memref<64x129xf32, #tpu.memory_space<vmem>> -> memref<8x128xf32, #tpu.memory_space<vmem>>
      tpu.enqueue_dma source(%dma_start3A_1748 : memref<8x128xf32, #tpu.memory_space<vmem>>) target(%dma_start3A_1745 : memref<8x128xf32, #tpu.memory_space<hbm>>) target_semaphore(%arg21 : memref<!tpu.dma_semaphore, #tpu.memory_space<semaphore_mem>>)
      %mul3A_1749 = arith.constant 8 : i32
      %mul3A_1750 = arith.muli %select_n3A_1648, %mul3A_1749 : i32
      %add3A_1751 = arith.constant 4 : i32
      %add3A_1752 = arith.addi %mul3A_1750, %add3A_1751 : i32
      %mul3A_1753 = arith.constant 128 : i32
      %mul3A_1754 = arith.muli %add3A_1752, %mul3A_1753 : i32
      %add3A_1755 = arith.addi %mul3A_1754, %select_n3A_1664 : i32
      %dma_start3A_1756 = arith.constant 32 : i32
      %dma_start3A_1757 = arith.constant 0 : i32
      %dma_start3A_1758 = tpu.memref_slice %arg13[%dma_start3A_1756, %dma_start3A_1757] : memref<64x129xf32, #tpu.memory_space<vmem>> -> memref<8x128xf32, #tpu.memory_space<vmem>>
      %dma_start3A_1759 = arith.constant 0 : i32
      %dma_start3A_1760 = arith.constant 0 : i32
      %dma_start3A_1761 = tpu.memref_slice %arg4[%add3A_1755, %dma_start3A_1759, %dma_start3A_1760] : memref<51200x8x128xf32, #tpu.memory_space<hbm>> -> memref<1x8x128xf32, #tpu.memory_space<hbm>>
      %dma_start3A_1762 = tpu.memref_squeeze %dma_start3A_1761 : memref<1x8x128xf32, #tpu.memory_space<hbm>> -> memref<8x128xf32, #tpu.memory_space<hbm>>
      %dma_start3A_1763 = arith.constant 0 : i32
      %dma_start3A_1764 = arith.constant 0 : i32
      %dma_start3A_1765 = tpu.memref_slice %arg4[%add3A_1755, %dma_start3A_1763, %dma_start3A_1764] : memref<51200x8x128xf32, #tpu.memory_space<hbm>> -> memref<1x8x128xf32, #tpu.memory_space<hbm>>
      %dma_start3A_1766 = tpu.memref_squeeze %dma_start3A_1765 : memref<1x8x128xf32, #tpu.memory_space<hbm>> -> memref<8x128xf32, #tpu.memory_space<hbm>>
      %dma_start3A_1767 = arith.constant 32 : i32
      %dma_start3A_1768 = arith.constant 0 : i32
      %dma_start3A_1769 = tpu.memref_slice %arg13[%dma_start3A_1767, %dma_start3A_1768] : memref<64x129xf32, #tpu.memory_space<vmem>> -> memref<8x128xf32, #tpu.memory_space<vmem>>
      tpu.enqueue_dma source(%dma_start3A_1769 : memref<8x128xf32, #tpu.memory_space<vmem>>) target(%dma_start3A_1766 : memref<8x128xf32, #tpu.memory_space<hbm>>) target_semaphore(%arg21 : memref<!tpu.dma_semaphore, #tpu.memory_space<semaphore_mem>>)
      %mul3A_1770 = arith.constant 8 : i32
      %mul3A_1771 = arith.muli %select_n3A_1648, %mul3A_1770 : i32
      %add3A_1772 = arith.constant 5 : i32
      %add3A_1773 = arith.addi %mul3A_1771, %add3A_1772 : i32
      %mul3A_1774 = arith.constant 128 : i32
      %mul3A_1775 = arith.muli %add3A_1773, %mul3A_1774 : i32
      %add3A_1776 = arith.addi %mul3A_1775, %select_n3A_1664 : i32
      %dma_start3A_1777 = arith.constant 40 : i32
      %dma_start3A_1778 = arith.constant 0 : i32
      %dma_start3A_1779 = tpu.memref_slice %arg13[%dma_start3A_1777, %dma_start3A_1778] : memref<64x129xf32, #tpu.memory_space<vmem>> -> memref<8x128xf32, #tpu.memory_space<vmem>>
      %dma_start3A_1780 = arith.constant 0 : i32
      %dma_start3A_1781 = arith.constant 0 : i32
      %dma_start3A_1782 = tpu.memref_slice %arg4[%add3A_1776, %dma_start3A_1780, %dma_start3A_1781] : memref<51200x8x128xf32, #tpu.memory_space<hbm>> -> memref<1x8x128xf32, #tpu.memory_space<hbm>>
      %dma_start3A_1783 = tpu.memref_squeeze %dma_start3A_1782 : memref<1x8x128xf32, #tpu.memory_space<hbm>> -> memref<8x128xf32, #tpu.memory_space<hbm>>
      %dma_start3A_1784 = arith.constant 0 : i32
      %dma_start3A_1785 = arith.constant 0 : i32
      %dma_start3A_1786 = tpu.memref_slice %arg4[%add3A_1776, %dma_start3A_1784, %dma_start3A_1785] : memref<51200x8x128xf32, #tpu.memory_space<hbm>> -> memref<1x8x128xf32, #tpu.memory_space<hbm>>
      %dma_start3A_1787 = tpu.memref_squeeze %dma_start3A_1786 : memref<1x8x128xf32, #tpu.memory_space<hbm>> -> memref<8x128xf32, #tpu.memory_space<hbm>>
      %dma_start3A_1788 = arith.constant 40 : i32
      %dma_start3A_1789 = arith.constant 0 : i32
      %dma_start3A_1790 = tpu.memref_slice %arg13[%dma_start3A_1788, %dma_start3A_1789] : memref<64x129xf32, #tpu.memory_space<vmem>> -> memref<8x128xf32, #tpu.memory_space<vmem>>
      tpu.enqueue_dma source(%dma_start3A_1790 : memref<8x128xf32, #tpu.memory_space<vmem>>) target(%dma_start3A_1787 : memref<8x128xf32, #tpu.memory_space<hbm>>) target_semaphore(%arg21 : memref<!tpu.dma_semaphore, #tpu.memory_space<semaphore_mem>>)
      %mul3A_1791 = arith.constant 8 : i32
      %mul3A_1792 = arith.muli %select_n3A_1648, %mul3A_1791 : i32
      %add3A_1793 = arith.constant 6 : i32
      %add3A_1794 = arith.addi %mul3A_1792, %add3A_1793 : i32
      %mul3A_1795 = arith.constant 128 : i32
      %mul3A_1796 = arith.muli %add3A_1794, %mul3A_1795 : i32
      %add3A_1797 = arith.addi %mul3A_1796, %select_n3A_1664 : i32
      %dma_start3A_1798 = arith.constant 48 : i32
      %dma_start3A_1799 = arith.constant 0 : i32
      %dma_start3A_1800 = tpu.memref_slice %arg13[%dma_start3A_1798, %dma_start3A_1799] : memref<64x129xf32, #tpu.memory_space<vmem>> -> memref<8x128xf32, #tpu.memory_space<vmem>>
      %dma_start3A_1801 = arith.constant 0 : i32
      %dma_start3A_1802 = arith.constant 0 : i32
      %dma_start3A_1803 = tpu.memref_slice %arg4[%add3A_1797, %dma_start3A_1801, %dma_start3A_1802] : memref<51200x8x128xf32, #tpu.memory_space<hbm>> -> memref<1x8x128xf32, #tpu.memory_space<hbm>>
      %dma_start3A_1804 = tpu.memref_squeeze %dma_start3A_1803 : memref<1x8x128xf32, #tpu.memory_space<hbm>> -> memref<8x128xf32, #tpu.memory_space<hbm>>
      %dma_start3A_1805 = arith.constant 0 : i32
      %dma_start3A_1806 = arith.constant 0 : i32
      %dma_start3A_1807 = tpu.memref_slice %arg4[%add3A_1797, %dma_start3A_1805, %dma_start3A_1806] : memref<51200x8x128xf32, #tpu.memory_space<hbm>> -> memref<1x8x128xf32, #tpu.memory_space<hbm>>
      %dma_start3A_1808 = tpu.memref_squeeze %dma_start3A_1807 : memref<1x8x128xf32, #tpu.memory_space<hbm>> -> memref<8x128xf32, #tpu.memory_space<hbm>>
      %dma_start3A_1809 = arith.constant 48 : i32
      %dma_start3A_1810 = arith.constant 0 : i32
      %dma_start3A_1811 = tpu.memref_slice %arg13[%dma_start3A_1809, %dma_start3A_1810] : memref<64x129xf32, #tpu.memory_space<vmem>> -> memref<8x128xf32, #tpu.memory_space<vmem>>
      tpu.enqueue_dma source(%dma_start3A_1811 : memref<8x128xf32, #tpu.memory_space<vmem>>) target(%dma_start3A_1808 : memref<8x128xf32, #tpu.memory_space<hbm>>) target_semaphore(%arg21 : memref<!tpu.dma_semaphore, #tpu.memory_space<semaphore_mem>>)
      %mul3A_1812 = arith.constant 8 : i32
      %mul3A_1813 = arith.muli %select_n3A_1648, %mul3A_1812 : i32
      %add3A_1814 = arith.constant 7 : i32
      %add3A_1815 = arith.addi %mul3A_1813, %add3A_1814 : i32
      %mul3A_1816 = arith.constant 128 : i32
      %mul3A_1817 = arith.muli %add3A_1815, %mul3A_1816 : i32
      %add3A_1818 = arith.addi %mul3A_1817, %select_n3A_1664 : i32
      %dma_start3A_1819 = arith.constant 56 : i32
      %dma_start3A_1820 = arith.constant 0 : i32
      %dma_start3A_1821 = tpu.memref_slice %arg13[%dma_start3A_1819, %dma_start3A_1820] : memref<64x129xf32, #tpu.memory_space<vmem>> -> memref<8x128xf32, #tpu.memory_space<vmem>>
      %dma_start3A_1822 = arith.constant 0 : i32
      %dma_start3A_1823 = arith.constant 0 : i32
      %dma_start3A_1824 = tpu.memref_slice %arg4[%add3A_1818, %dma_start3A_1822, %dma_start3A_1823] : memref<51200x8x128xf32, #tpu.memory_space<hbm>> -> memref<1x8x128xf32, #tpu.memory_space<hbm>>
      %dma_start3A_1825 = tpu.memref_squeeze %dma_start3A_1824 : memref<1x8x128xf32, #tpu.memory_space<hbm>> -> memref<8x128xf32, #tpu.memory_space<hbm>>
      %dma_start3A_1826 = arith.constant 0 : i32
      %dma_start3A_1827 = arith.constant 0 : i32
      %dma_start3A_1828 = tpu.memref_slice %arg4[%add3A_1818, %dma_start3A_1826, %dma_start3A_1827] : memref<51200x8x128xf32, #tpu.memory_space<hbm>> -> memref<1x8x128xf32, #tpu.memory_space<hbm>>
      %dma_start3A_1829 = tpu.memref_squeeze %dma_start3A_1828 : memref<1x8x128xf32, #tpu.memory_space<hbm>> -> memref<8x128xf32, #tpu.memory_space<hbm>>
      %dma_start3A_1830 = arith.constant 56 : i32
      %dma_start3A_1831 = arith.constant 0 : i32
      %dma_start3A_1832 = tpu.memref_slice %arg13[%dma_start3A_1830, %dma_start3A_1831] : memref<64x129xf32, #tpu.memory_space<vmem>> -> memref<8x128xf32, #tpu.memory_space<vmem>>
      tpu.enqueue_dma source(%dma_start3A_1832 : memref<8x128xf32, #tpu.memory_space<vmem>>) target(%dma_start3A_1829 : memref<8x128xf32, #tpu.memory_space<hbm>>) target_semaphore(%arg21 : memref<!tpu.dma_semaphore, #tpu.memory_space<semaphore_mem>>)
      %lt3A_1833 = arith.constant 49 : i32
      %lt3A_1834 = arith.cmpi slt, %scan3A_900, %lt3A_1833 : i32
      %convert_element_type3A_1835 = arith.extui %lt3A_1834 : i1 to i32
      %cond3A_1836 = arith.constant 0 : i32
      %cond3A_1837 = arith.cmpi ne, %convert_element_type3A_1835, %cond3A_1836 : i32
      scf.if %cond3A_1837 {
        %add3A_1838 = arith.constant 4 : i32
        %add3A_1839 = arith.addi %add3A_1606, %add3A_1838 : i32
        %dma_start3A_1840 = arith.constant 0 : i32
        %dma_start3A_1841 = tpu.memref_slice %arg5[%add3A_1839, %dma_start3A_1840] : memref<200x128xi32, #tpu.memory_space<vmem>> -> memref<1x128xi32, #tpu.memory_space<vmem>>
        %dma_start3A_1842 = tpu.memref_squeeze %dma_start3A_1841 : memref<1x128xi32, #tpu.memory_space<vmem>> -> memref<128xi32, #tpu.memory_space<vmem>>
        %dma_start3A_1843 = arith.constant 0 : i32
        %dma_start3A_1844 = arith.constant 0 : i32
        %dma_start3A_1845 = tpu.memref_slice %arg3[%dma_start3A_1843, %dma_start3A_1844] : memref<2000000x64xf32, #tpu.memory_space<hbm>> -> memref<2000000x64xf32, #tpu.memory_space<hbm>>
        tpu.enqueue_indirect_dma source(%dma_start3A_1845 : memref<2000000x64xf32, #tpu.memory_space<hbm>>) target(%arg9 : memref<128x64xf32, #tpu.memory_space<vmem>>) offsets(%dma_start3A_1842 : memref<128xi32, #tpu.memory_space<vmem>>) semaphore(%arg17 : memref<!tpu.dma_semaphore, #tpu.memory_space<semaphore_mem>>)
      } else {
      }
    }
    %scan3A_70 = arith.constant 50 : i32
    %add3A_71 = arith.constant 196 : i32
    %add3A_72 = arith.addi %mul3A_2, %add3A_71 : i32
    %jit3A = arith.constant 128 : i32
    %div3A = arith.divsi %add3A_72, %jit3A : i32
    %sign3A = arith.constant 0 : i32
    %sign3A_73 = arith.cmpi sgt, %add3A_72, %sign3A : i32
    %sign3A_74 = arith.extui %sign3A_73 : i1 to i32
    %sign3A_75 = arith.constant 0 : i32
    %sign3A_76 = arith.cmpi slt, %add3A_72, %sign3A_75 : i32
    %sign3A_77 = arith.extui %sign3A_76 : i1 to i32
    %sign3A_78 = arith.subi %sign3A_74, %sign3A_77 : i32
    %sign3A_79 = arith.constant 0 : i32
    %sign3A_80 = arith.cmpi sgt, %jit3A, %sign3A_79 : i32
    %sign3A_81 = arith.extui %sign3A_80 : i1 to i32
    %sign3A_82 = arith.constant 0 : i32
    %sign3A_83 = arith.cmpi slt, %jit3A, %sign3A_82 : i32
    %sign3A_84 = arith.extui %sign3A_83 : i1 to i32
    %sign3A_85 = arith.subi %sign3A_81, %sign3A_84 : i32
    %ne3A = arith.cmpi ne, %sign3A_78, %sign3A_85 : i32
    %rem3A = arith.remsi %add3A_72, %jit3A : i32
    %ne3A_86 = arith.constant 0 : i32
    %ne3A_87 = arith.cmpi ne, %rem3A, %ne3A_86 : i32
    %and3A = arith.andi %ne3A, %ne3A_87 : i1
    %sub3A = arith.constant 1 : i32
    %sub3A_88 = arith.subi %div3A, %sub3A : i32
    %select_n3A = arith.select %and3A, %sub3A_88, %div3A : i32
    %jit3A_89 = arith.constant 128 : i32
    %eq3A = arith.constant 0 : i32
    %eq3A_90 = arith.cmpi eq, %jit3A_89, %eq3A : i32
    %jit3A_91 = arith.constant 1 : i32
    %select_n3A_92 = arith.select %eq3A_90, %jit3A_91, %jit3A_89 : i32
    %rem3A_93 = arith.remsi %add3A_72, %select_n3A_92 : i32
    %ne3A_94 = arith.constant 0 : i32
    %ne3A_95 = arith.cmpi ne, %rem3A_93, %ne3A_94 : i32
    %lt3A = arith.constant 0 : i32
    %lt3A_96 = arith.cmpi slt, %rem3A_93, %lt3A : i32
    %lt3A_97 = arith.constant 0 : i32
    %lt3A_98 = arith.cmpi slt, %select_n3A_92, %lt3A_97 : i32
    %ne3A_99 = arith.xori %lt3A_96, %lt3A_98 : i1
    %and3A_100 = arith.andi %ne3A_99, %ne3A_95 : i1
    %add3A_101 = arith.addi %rem3A_93, %select_n3A_92 : i32
    %select_n3A_102 = arith.select %and3A_100, %add3A_101, %rem3A_93 : i32
    %mul3A_103 = arith.constant 8 : i32
    %mul3A_104 = arith.muli %select_n3A, %mul3A_103 : i32
    %add3A_105 = arith.constant 0 : i32
    %add3A_106 = arith.addi %mul3A_104, %add3A_105 : i32
    %mul3A_107 = arith.constant 128 : i32
    %mul3A_108 = arith.muli %add3A_106, %mul3A_107 : i32
    %add3A_109 = arith.addi %mul3A_108, %select_n3A_102 : i32
    %dma_wait3A = arith.constant 0 : i32
    %dma_wait3A_110 = arith.constant 0 : i32
    %dma_wait3A_111 = tpu.memref_slice %arg10[%dma_wait3A, %dma_wait3A_110] : memref<64x129xf32, #tpu.memory_space<vmem>> -> memref<8x128xf32, #tpu.memory_space<vmem>>
    %dma_wait3A_112 = arith.constant 0 : i32
    %dma_wait3A_113 = arith.constant 0 : i32
    %dma_wait3A_114 = tpu.memref_slice %arg4[%add3A_109, %dma_wait3A_112, %dma_wait3A_113] : memref<51200x8x128xf32, #tpu.memory_space<hbm>> -> memref<1x8x128xf32, #tpu.memory_space<hbm>>
    %dma_wait3A_115 = tpu.memref_squeeze %dma_wait3A_114 : memref<1x8x128xf32, #tpu.memory_space<hbm>> -> memref<8x128xf32, #tpu.memory_space<hbm>>
    %dma_wait3A_116 = arith.constant 0 : i32
    %dma_wait3A_117 = arith.constant 0 : i32
    %dma_wait3A_118 = tpu.memref_slice %arg4[%add3A_109, %dma_wait3A_116, %dma_wait3A_117] : memref<51200x8x128xf32, #tpu.memory_space<hbm>> -> memref<1x8x128xf32, #tpu.memory_space<hbm>>
    %dma_wait3A_119 = tpu.memref_squeeze %dma_wait3A_118 : memref<1x8x128xf32, #tpu.memory_space<hbm>> -> memref<8x128xf32, #tpu.memory_space<hbm>>
    %dma_wait3A_120 = arith.constant 0 : i32
    %dma_wait3A_121 = arith.constant 0 : i32
    %dma_wait3A_122 = tpu.memref_slice %arg10[%dma_wait3A_120, %dma_wait3A_121] : memref<64x129xf32, #tpu.memory_space<vmem>> -> memref<8x128xf32, #tpu.memory_space<vmem>>
    tpu.wait_dma2 semaphore(%arg18 : memref<!tpu.dma_semaphore, #tpu.memory_space<semaphore_mem>>) src(%dma_wait3A_122 : memref<8x128xf32, #tpu.memory_space<vmem>>) dst(%dma_wait3A_119 : memref<8x128xf32, #tpu.memory_space<hbm>>)
    %mul3A_123 = arith.constant 8 : i32
    %mul3A_124 = arith.muli %select_n3A, %mul3A_123 : i32
    %add3A_125 = arith.constant 1 : i32
    %add3A_126 = arith.addi %mul3A_124, %add3A_125 : i32
    %mul3A_127 = arith.constant 128 : i32
    %mul3A_128 = arith.muli %add3A_126, %mul3A_127 : i32
    %add3A_129 = arith.addi %mul3A_128, %select_n3A_102 : i32
    %dma_wait3A_130 = arith.constant 8 : i32
    %dma_wait3A_131 = arith.constant 0 : i32
    %dma_wait3A_132 = tpu.memref_slice %arg10[%dma_wait3A_130, %dma_wait3A_131] : memref<64x129xf32, #tpu.memory_space<vmem>> -> memref<8x128xf32, #tpu.memory_space<vmem>>
    %dma_wait3A_133 = arith.constant 0 : i32
    %dma_wait3A_134 = arith.constant 0 : i32
    %dma_wait3A_135 = tpu.memref_slice %arg4[%add3A_129, %dma_wait3A_133, %dma_wait3A_134] : memref<51200x8x128xf32, #tpu.memory_space<hbm>> -> memref<1x8x128xf32, #tpu.memory_space<hbm>>
    %dma_wait3A_136 = tpu.memref_squeeze %dma_wait3A_135 : memref<1x8x128xf32, #tpu.memory_space<hbm>> -> memref<8x128xf32, #tpu.memory_space<hbm>>
    %dma_wait3A_137 = arith.constant 0 : i32
    %dma_wait3A_138 = arith.constant 0 : i32
    %dma_wait3A_139 = tpu.memref_slice %arg4[%add3A_129, %dma_wait3A_137, %dma_wait3A_138] : memref<51200x8x128xf32, #tpu.memory_space<hbm>> -> memref<1x8x128xf32, #tpu.memory_space<hbm>>
    %dma_wait3A_140 = tpu.memref_squeeze %dma_wait3A_139 : memref<1x8x128xf32, #tpu.memory_space<hbm>> -> memref<8x128xf32, #tpu.memory_space<hbm>>
    %dma_wait3A_141 = arith.constant 8 : i32
    %dma_wait3A_142 = arith.constant 0 : i32
    %dma_wait3A_143 = tpu.memref_slice %arg10[%dma_wait3A_141, %dma_wait3A_142] : memref<64x129xf32, #tpu.memory_space<vmem>> -> memref<8x128xf32, #tpu.memory_space<vmem>>
    tpu.wait_dma2 semaphore(%arg18 : memref<!tpu.dma_semaphore, #tpu.memory_space<semaphore_mem>>) src(%dma_wait3A_143 : memref<8x128xf32, #tpu.memory_space<vmem>>) dst(%dma_wait3A_140 : memref<8x128xf32, #tpu.memory_space<hbm>>)
    %mul3A_144 = arith.constant 8 : i32
    %mul3A_145 = arith.muli %select_n3A, %mul3A_144 : i32
    %add3A_146 = arith.constant 2 : i32
    %add3A_147 = arith.addi %mul3A_145, %add3A_146 : i32
    %mul3A_148 = arith.constant 128 : i32
    %mul3A_149 = arith.muli %add3A_147, %mul3A_148 : i32
    %add3A_150 = arith.addi %mul3A_149, %select_n3A_102 : i32
    %dma_wait3A_151 = arith.constant 16 : i32
    %dma_wait3A_152 = arith.constant 0 : i32
    %dma_wait3A_153 = tpu.memref_slice %arg10[%dma_wait3A_151, %dma_wait3A_152] : memref<64x129xf32, #tpu.memory_space<vmem>> -> memref<8x128xf32, #tpu.memory_space<vmem>>
    %dma_wait3A_154 = arith.constant 0 : i32
    %dma_wait3A_155 = arith.constant 0 : i32
    %dma_wait3A_156 = tpu.memref_slice %arg4[%add3A_150, %dma_wait3A_154, %dma_wait3A_155] : memref<51200x8x128xf32, #tpu.memory_space<hbm>> -> memref<1x8x128xf32, #tpu.memory_space<hbm>>
    %dma_wait3A_157 = tpu.memref_squeeze %dma_wait3A_156 : memref<1x8x128xf32, #tpu.memory_space<hbm>> -> memref<8x128xf32, #tpu.memory_space<hbm>>
    %dma_wait3A_158 = arith.constant 0 : i32
    %dma_wait3A_159 = arith.constant 0 : i32
    %dma_wait3A_160 = tpu.memref_slice %arg4[%add3A_150, %dma_wait3A_158, %dma_wait3A_159] : memref<51200x8x128xf32, #tpu.memory_space<hbm>> -> memref<1x8x128xf32, #tpu.memory_space<hbm>>
    %dma_wait3A_161 = tpu.memref_squeeze %dma_wait3A_160 : memref<1x8x128xf32, #tpu.memory_space<hbm>> -> memref<8x128xf32, #tpu.memory_space<hbm>>
    %dma_wait3A_162 = arith.constant 16 : i32
    %dma_wait3A_163 = arith.constant 0 : i32
    %dma_wait3A_164 = tpu.memref_slice %arg10[%dma_wait3A_162, %dma_wait3A_163] : memref<64x129xf32, #tpu.memory_space<vmem>> -> memref<8x128xf32, #tpu.memory_space<vmem>>
    tpu.wait_dma2 semaphore(%arg18 : memref<!tpu.dma_semaphore, #tpu.memory_space<semaphore_mem>>) src(%dma_wait3A_164 : memref<8x128xf32, #tpu.memory_space<vmem>>) dst(%dma_wait3A_161 : memref<8x128xf32, #tpu.memory_space<hbm>>)
    %mul3A_165 = arith.constant 8 : i32
    %mul3A_166 = arith.muli %select_n3A, %mul3A_165 : i32
    %add3A_167 = arith.constant 3 : i32
    %add3A_168 = arith.addi %mul3A_166, %add3A_167 : i32
    %mul3A_169 = arith.constant 128 : i32
    %mul3A_170 = arith.muli %add3A_168, %mul3A_169 : i32
    %add3A_171 = arith.addi %mul3A_170, %select_n3A_102 : i32
    %dma_wait3A_172 = arith.constant 24 : i32
    %dma_wait3A_173 = arith.constant 0 : i32
    %dma_wait3A_174 = tpu.memref_slice %arg10[%dma_wait3A_172, %dma_wait3A_173] : memref<64x129xf32, #tpu.memory_space<vmem>> -> memref<8x128xf32, #tpu.memory_space<vmem>>
    %dma_wait3A_175 = arith.constant 0 : i32
    %dma_wait3A_176 = arith.constant 0 : i32
    %dma_wait3A_177 = tpu.memref_slice %arg4[%add3A_171, %dma_wait3A_175, %dma_wait3A_176] : memref<51200x8x128xf32, #tpu.memory_space<hbm>> -> memref<1x8x128xf32, #tpu.memory_space<hbm>>
    %dma_wait3A_178 = tpu.memref_squeeze %dma_wait3A_177 : memref<1x8x128xf32, #tpu.memory_space<hbm>> -> memref<8x128xf32, #tpu.memory_space<hbm>>
    %dma_wait3A_179 = arith.constant 0 : i32
    %dma_wait3A_180 = arith.constant 0 : i32
    %dma_wait3A_181 = tpu.memref_slice %arg4[%add3A_171, %dma_wait3A_179, %dma_wait3A_180] : memref<51200x8x128xf32, #tpu.memory_space<hbm>> -> memref<1x8x128xf32, #tpu.memory_space<hbm>>
    %dma_wait3A_182 = tpu.memref_squeeze %dma_wait3A_181 : memref<1x8x128xf32, #tpu.memory_space<hbm>> -> memref<8x128xf32, #tpu.memory_space<hbm>>
    %dma_wait3A_183 = arith.constant 24 : i32
    %dma_wait3A_184 = arith.constant 0 : i32
    %dma_wait3A_185 = tpu.memref_slice %arg10[%dma_wait3A_183, %dma_wait3A_184] : memref<64x129xf32, #tpu.memory_space<vmem>> -> memref<8x128xf32, #tpu.memory_space<vmem>>
    tpu.wait_dma2 semaphore(%arg18 : memref<!tpu.dma_semaphore, #tpu.memory_space<semaphore_mem>>) src(%dma_wait3A_185 : memref<8x128xf32, #tpu.memory_space<vmem>>) dst(%dma_wait3A_182 : memref<8x128xf32, #tpu.memory_space<hbm>>)
    %mul3A_186 = arith.constant 8 : i32
    %mul3A_187 = arith.muli %select_n3A, %mul3A_186 : i32
    %add3A_188 = arith.constant 4 : i32
    %add3A_189 = arith.addi %mul3A_187, %add3A_188 : i32
    %mul3A_190 = arith.constant 128 : i32
    %mul3A_191 = arith.muli %add3A_189, %mul3A_190 : i32
    %add3A_192 = arith.addi %mul3A_191, %select_n3A_102 : i32
    %dma_wait3A_193 = arith.constant 32 : i32
    %dma_wait3A_194 = arith.constant 0 : i32
    %dma_wait3A_195 = tpu.memref_slice %arg10[%dma_wait3A_193, %dma_wait3A_194] : memref<64x129xf32, #tpu.memory_space<vmem>> -> memref<8x128xf32, #tpu.memory_space<vmem>>
    %dma_wait3A_196 = arith.constant 0 : i32
    %dma_wait3A_197 = arith.constant 0 : i32
    %dma_wait3A_198 = tpu.memref_slice %arg4[%add3A_192, %dma_wait3A_196, %dma_wait3A_197] : memref<51200x8x128xf32, #tpu.memory_space<hbm>> -> memref<1x8x128xf32, #tpu.memory_space<hbm>>
    %dma_wait3A_199 = tpu.memref_squeeze %dma_wait3A_198 : memref<1x8x128xf32, #tpu.memory_space<hbm>> -> memref<8x128xf32, #tpu.memory_space<hbm>>
    %dma_wait3A_200 = arith.constant 0 : i32
    %dma_wait3A_201 = arith.constant 0 : i32
    %dma_wait3A_202 = tpu.memref_slice %arg4[%add3A_192, %dma_wait3A_200, %dma_wait3A_201] : memref<51200x8x128xf32, #tpu.memory_space<hbm>> -> memref<1x8x128xf32, #tpu.memory_space<hbm>>
    %dma_wait3A_203 = tpu.memref_squeeze %dma_wait3A_202 : memref<1x8x128xf32, #tpu.memory_space<hbm>> -> memref<8x128xf32, #tpu.memory_space<hbm>>
    %dma_wait3A_204 = arith.constant 32 : i32
    %dma_wait3A_205 = arith.constant 0 : i32
    %dma_wait3A_206 = tpu.memref_slice %arg10[%dma_wait3A_204, %dma_wait3A_205] : memref<64x129xf32, #tpu.memory_space<vmem>> -> memref<8x128xf32, #tpu.memory_space<vmem>>
    tpu.wait_dma2 semaphore(%arg18 : memref<!tpu.dma_semaphore, #tpu.memory_space<semaphore_mem>>) src(%dma_wait3A_206 : memref<8x128xf32, #tpu.memory_space<vmem>>) dst(%dma_wait3A_203 : memref<8x128xf32, #tpu.memory_space<hbm>>)
    %mul3A_207 = arith.constant 8 : i32
    %mul3A_208 = arith.muli %select_n3A, %mul3A_207 : i32
    %add3A_209 = arith.constant 5 : i32
    %add3A_210 = arith.addi %mul3A_208, %add3A_209 : i32
    %mul3A_211 = arith.constant 128 : i32
    %mul3A_212 = arith.muli %add3A_210, %mul3A_211 : i32
    %add3A_213 = arith.addi %mul3A_212, %select_n3A_102 : i32
    %dma_wait3A_214 = arith.constant 40 : i32
    %dma_wait3A_215 = arith.constant 0 : i32
    %dma_wait3A_216 = tpu.memref_slice %arg10[%dma_wait3A_214, %dma_wait3A_215] : memref<64x129xf32, #tpu.memory_space<vmem>> -> memref<8x128xf32, #tpu.memory_space<vmem>>
    %dma_wait3A_217 = arith.constant 0 : i32
    %dma_wait3A_218 = arith.constant 0 : i32
    %dma_wait3A_219 = tpu.memref_slice %arg4[%add3A_213, %dma_wait3A_217, %dma_wait3A_218] : memref<51200x8x128xf32, #tpu.memory_space<hbm>> -> memref<1x8x128xf32, #tpu.memory_space<hbm>>
    %dma_wait3A_220 = tpu.memref_squeeze %dma_wait3A_219 : memref<1x8x128xf32, #tpu.memory_space<hbm>> -> memref<8x128xf32, #tpu.memory_space<hbm>>
    %dma_wait3A_221 = arith.constant 0 : i32
    %dma_wait3A_222 = arith.constant 0 : i32
    %dma_wait3A_223 = tpu.memref_slice %arg4[%add3A_213, %dma_wait3A_221, %dma_wait3A_222] : memref<51200x8x128xf32, #tpu.memory_space<hbm>> -> memref<1x8x128xf32, #tpu.memory_space<hbm>>
    %dma_wait3A_224 = tpu.memref_squeeze %dma_wait3A_223 : memref<1x8x128xf32, #tpu.memory_space<hbm>> -> memref<8x128xf32, #tpu.memory_space<hbm>>
    %dma_wait3A_225 = arith.constant 40 : i32
    %dma_wait3A_226 = arith.constant 0 : i32
    %dma_wait3A_227 = tpu.memref_slice %arg10[%dma_wait3A_225, %dma_wait3A_226] : memref<64x129xf32, #tpu.memory_space<vmem>> -> memref<8x128xf32, #tpu.memory_space<vmem>>
    tpu.wait_dma2 semaphore(%arg18 : memref<!tpu.dma_semaphore, #tpu.memory_space<semaphore_mem>>) src(%dma_wait3A_227 : memref<8x128xf32, #tpu.memory_space<vmem>>) dst(%dma_wait3A_224 : memref<8x128xf32, #tpu.memory_space<hbm>>)
    %mul3A_228 = arith.constant 8 : i32
    %mul3A_229 = arith.muli %select_n3A, %mul3A_228 : i32
    %add3A_230 = arith.constant 6 : i32
    %add3A_231 = arith.addi %mul3A_229, %add3A_230 : i32
    %mul3A_232 = arith.constant 128 : i32
    %mul3A_233 = arith.muli %add3A_231, %mul3A_232 : i32
    %add3A_234 = arith.addi %mul3A_233, %select_n3A_102 : i32
    %dma_wait3A_235 = arith.constant 48 : i32
    %dma_wait3A_236 = arith.constant 0 : i32
    %dma_wait3A_237 = tpu.memref_slice %arg10[%dma_wait3A_235, %dma_wait3A_236] : memref<64x129xf32, #tpu.memory_space<vmem>> -> memref<8x128xf32, #tpu.memory_space<vmem>>
    %dma_wait3A_238 = arith.constant 0 : i32
    %dma_wait3A_239 = arith.constant 0 : i32
    %dma_wait3A_240 = tpu.memref_slice %arg4[%add3A_234, %dma_wait3A_238, %dma_wait3A_239] : memref<51200x8x128xf32, #tpu.memory_space<hbm>> -> memref<1x8x128xf32, #tpu.memory_space<hbm>>
    %dma_wait3A_241 = tpu.memref_squeeze %dma_wait3A_240 : memref<1x8x128xf32, #tpu.memory_space<hbm>> -> memref<8x128xf32, #tpu.memory_space<hbm>>
    %dma_wait3A_242 = arith.constant 0 : i32
    %dma_wait3A_243 = arith.constant 0 : i32
    %dma_wait3A_244 = tpu.memref_slice %arg4[%add3A_234, %dma_wait3A_242, %dma_wait3A_243] : memref<51200x8x128xf32, #tpu.memory_space<hbm>> -> memref<1x8x128xf32, #tpu.memory_space<hbm>>
    %dma_wait3A_245 = tpu.memref_squeeze %dma_wait3A_244 : memref<1x8x128xf32, #tpu.memory_space<hbm>> -> memref<8x128xf32, #tpu.memory_space<hbm>>
    %dma_wait3A_246 = arith.constant 48 : i32
    %dma_wait3A_247 = arith.constant 0 : i32
    %dma_wait3A_248 = tpu.memref_slice %arg10[%dma_wait3A_246, %dma_wait3A_247] : memref<64x129xf32, #tpu.memory_space<vmem>> -> memref<8x128xf32, #tpu.memory_space<vmem>>
    tpu.wait_dma2 semaphore(%arg18 : memref<!tpu.dma_semaphore, #tpu.memory_space<semaphore_mem>>) src(%dma_wait3A_248 : memref<8x128xf32, #tpu.memory_space<vmem>>) dst(%dma_wait3A_245 : memref<8x128xf32, #tpu.memory_space<hbm>>)
    %mul3A_249 = arith.constant 8 : i32
    %mul3A_250 = arith.muli %select_n3A, %mul3A_249 : i32
    %add3A_251 = arith.constant 7 : i32
    %add3A_252 = arith.addi %mul3A_250, %add3A_251 : i32
    %mul3A_253 = arith.constant 128 : i32
    %mul3A_254 = arith.muli %add3A_252, %mul3A_253 : i32
    %add3A_255 = arith.addi %mul3A_254, %select_n3A_102 : i32
    %dma_wait3A_256 = arith.constant 56 : i32
    %dma_wait3A_257 = arith.constant 0 : i32
    %dma_wait3A_258 = tpu.memref_slice %arg10[%dma_wait3A_256, %dma_wait3A_257] : memref<64x129xf32, #tpu.memory_space<vmem>> -> memref<8x128xf32, #tpu.memory_space<vmem>>
    %dma_wait3A_259 = arith.constant 0 : i32
    %dma_wait3A_260 = arith.constant 0 : i32
    %dma_wait3A_261 = tpu.memref_slice %arg4[%add3A_255, %dma_wait3A_259, %dma_wait3A_260] : memref<51200x8x128xf32, #tpu.memory_space<hbm>> -> memref<1x8x128xf32, #tpu.memory_space<hbm>>
    %dma_wait3A_262 = tpu.memref_squeeze %dma_wait3A_261 : memref<1x8x128xf32, #tpu.memory_space<hbm>> -> memref<8x128xf32, #tpu.memory_space<hbm>>
    %dma_wait3A_263 = arith.constant 0 : i32
    %dma_wait3A_264 = arith.constant 0 : i32
    %dma_wait3A_265 = tpu.memref_slice %arg4[%add3A_255, %dma_wait3A_263, %dma_wait3A_264] : memref<51200x8x128xf32, #tpu.memory_space<hbm>> -> memref<1x8x128xf32, #tpu.memory_space<hbm>>
    %dma_wait3A_266 = tpu.memref_squeeze %dma_wait3A_265 : memref<1x8x128xf32, #tpu.memory_space<hbm>> -> memref<8x128xf32, #tpu.memory_space<hbm>>
    %dma_wait3A_267 = arith.constant 56 : i32
    %dma_wait3A_268 = arith.constant 0 : i32
    %dma_wait3A_269 = tpu.memref_slice %arg10[%dma_wait3A_267, %dma_wait3A_268] : memref<64x129xf32, #tpu.memory_space<vmem>> -> memref<8x128xf32, #tpu.memory_space<vmem>>
    tpu.wait_dma2 semaphore(%arg18 : memref<!tpu.dma_semaphore, #tpu.memory_space<semaphore_mem>>) src(%dma_wait3A_269 : memref<8x128xf32, #tpu.memory_space<vmem>>) dst(%dma_wait3A_266 : memref<8x128xf32, #tpu.memory_space<hbm>>)
    %add3A_270 = arith.constant 197 : i32
    %add3A_271 = arith.addi %mul3A_2, %add3A_270 : i32
    %jit3A_272 = arith.constant 128 : i32
    %div3A_273 = arith.divsi %add3A_271, %jit3A_272 : i32
    %sign3A_274 = arith.constant 0 : i32
    %sign3A_275 = arith.cmpi sgt, %add3A_271, %sign3A_274 : i32
    %sign3A_276 = arith.extui %sign3A_275 : i1 to i32
    %sign3A_277 = arith.constant 0 : i32
    %sign3A_278 = arith.cmpi slt, %add3A_271, %sign3A_277 : i32
    %sign3A_279 = arith.extui %sign3A_278 : i1 to i32
    %sign3A_280 = arith.subi %sign3A_276, %sign3A_279 : i32
    %sign3A_281 = arith.constant 0 : i32
    %sign3A_282 = arith.cmpi sgt, %jit3A_272, %sign3A_281 : i32
    %sign3A_283 = arith.extui %sign3A_282 : i1 to i32
    %sign3A_284 = arith.constant 0 : i32
    %sign3A_285 = arith.cmpi slt, %jit3A_272, %sign3A_284 : i32
    %sign3A_286 = arith.extui %sign3A_285 : i1 to i32
    %sign3A_287 = arith.subi %sign3A_283, %sign3A_286 : i32
    %ne3A_288 = arith.cmpi ne, %sign3A_280, %sign3A_287 : i32
    %rem3A_289 = arith.remsi %add3A_271, %jit3A_272 : i32
    %ne3A_290 = arith.constant 0 : i32
    %ne3A_291 = arith.cmpi ne, %rem3A_289, %ne3A_290 : i32
    %and3A_292 = arith.andi %ne3A_288, %ne3A_291 : i1
    %sub3A_293 = arith.constant 1 : i32
    %sub3A_294 = arith.subi %div3A_273, %sub3A_293 : i32
    %select_n3A_295 = arith.select %and3A_292, %sub3A_294, %div3A_273 : i32
    %jit3A_296 = arith.constant 128 : i32
    %eq3A_297 = arith.constant 0 : i32
    %eq3A_298 = arith.cmpi eq, %jit3A_296, %eq3A_297 : i32
    %jit3A_299 = arith.constant 1 : i32
    %select_n3A_300 = arith.select %eq3A_298, %jit3A_299, %jit3A_296 : i32
    %rem3A_301 = arith.remsi %add3A_271, %select_n3A_300 : i32
    %ne3A_302 = arith.constant 0 : i32
    %ne3A_303 = arith.cmpi ne, %rem3A_301, %ne3A_302 : i32
    %lt3A_304 = arith.constant 0 : i32
    %lt3A_305 = arith.cmpi slt, %rem3A_301, %lt3A_304 : i32
    %lt3A_306 = arith.constant 0 : i32
    %lt3A_307 = arith.cmpi slt, %select_n3A_300, %lt3A_306 : i32
    %ne3A_308 = arith.xori %lt3A_305, %lt3A_307 : i1
    %and3A_309 = arith.andi %ne3A_308, %ne3A_303 : i1
    %add3A_310 = arith.addi %rem3A_301, %select_n3A_300 : i32
    %select_n3A_311 = arith.select %and3A_309, %add3A_310, %rem3A_301 : i32
    %mul3A_312 = arith.constant 8 : i32
    %mul3A_313 = arith.muli %select_n3A_295, %mul3A_312 : i32
    %add3A_314 = arith.constant 0 : i32
    %add3A_315 = arith.addi %mul3A_313, %add3A_314 : i32
    %mul3A_316 = arith.constant 128 : i32
    %mul3A_317 = arith.muli %add3A_315, %mul3A_316 : i32
    %add3A_318 = arith.addi %mul3A_317, %select_n3A_311 : i32
    %dma_wait3A_319 = arith.constant 0 : i32
    %dma_wait3A_320 = arith.constant 0 : i32
    %dma_wait3A_321 = tpu.memref_slice %arg11[%dma_wait3A_319, %dma_wait3A_320] : memref<64x129xf32, #tpu.memory_space<vmem>> -> memref<8x128xf32, #tpu.memory_space<vmem>>
    %dma_wait3A_322 = arith.constant 0 : i32
    %dma_wait3A_323 = arith.constant 0 : i32
    %dma_wait3A_324 = tpu.memref_slice %arg4[%add3A_318, %dma_wait3A_322, %dma_wait3A_323] : memref<51200x8x128xf32, #tpu.memory_space<hbm>> -> memref<1x8x128xf32, #tpu.memory_space<hbm>>
    %dma_wait3A_325 = tpu.memref_squeeze %dma_wait3A_324 : memref<1x8x128xf32, #tpu.memory_space<hbm>> -> memref<8x128xf32, #tpu.memory_space<hbm>>
    %dma_wait3A_326 = arith.constant 0 : i32
    %dma_wait3A_327 = arith.constant 0 : i32
    %dma_wait3A_328 = tpu.memref_slice %arg4[%add3A_318, %dma_wait3A_326, %dma_wait3A_327] : memref<51200x8x128xf32, #tpu.memory_space<hbm>> -> memref<1x8x128xf32, #tpu.memory_space<hbm>>
    %dma_wait3A_329 = tpu.memref_squeeze %dma_wait3A_328 : memref<1x8x128xf32, #tpu.memory_space<hbm>> -> memref<8x128xf32, #tpu.memory_space<hbm>>
    %dma_wait3A_330 = arith.constant 0 : i32
    %dma_wait3A_331 = arith.constant 0 : i32
    %dma_wait3A_332 = tpu.memref_slice %arg11[%dma_wait3A_330, %dma_wait3A_331] : memref<64x129xf32, #tpu.memory_space<vmem>> -> memref<8x128xf32, #tpu.memory_space<vmem>>
    tpu.wait_dma2 semaphore(%arg19 : memref<!tpu.dma_semaphore, #tpu.memory_space<semaphore_mem>>) src(%dma_wait3A_332 : memref<8x128xf32, #tpu.memory_space<vmem>>) dst(%dma_wait3A_329 : memref<8x128xf32, #tpu.memory_space<hbm>>)
    %mul3A_333 = arith.constant 8 : i32
    %mul3A_334 = arith.muli %select_n3A_295, %mul3A_333 : i32
    %add3A_335 = arith.constant 1 : i32
    %add3A_336 = arith.addi %mul3A_334, %add3A_335 : i32
    %mul3A_337 = arith.constant 128 : i32
    %mul3A_338 = arith.muli %add3A_336, %mul3A_337 : i32
    %add3A_339 = arith.addi %mul3A_338, %select_n3A_311 : i32
    %dma_wait3A_340 = arith.constant 8 : i32
    %dma_wait3A_341 = arith.constant 0 : i32
    %dma_wait3A_342 = tpu.memref_slice %arg11[%dma_wait3A_340, %dma_wait3A_341] : memref<64x129xf32, #tpu.memory_space<vmem>> -> memref<8x128xf32, #tpu.memory_space<vmem>>
    %dma_wait3A_343 = arith.constant 0 : i32
    %dma_wait3A_344 = arith.constant 0 : i32
    %dma_wait3A_345 = tpu.memref_slice %arg4[%add3A_339, %dma_wait3A_343, %dma_wait3A_344] : memref<51200x8x128xf32, #tpu.memory_space<hbm>> -> memref<1x8x128xf32, #tpu.memory_space<hbm>>
    %dma_wait3A_346 = tpu.memref_squeeze %dma_wait3A_345 : memref<1x8x128xf32, #tpu.memory_space<hbm>> -> memref<8x128xf32, #tpu.memory_space<hbm>>
    %dma_wait3A_347 = arith.constant 0 : i32
    %dma_wait3A_348 = arith.constant 0 : i32
    %dma_wait3A_349 = tpu.memref_slice %arg4[%add3A_339, %dma_wait3A_347, %dma_wait3A_348] : memref<51200x8x128xf32, #tpu.memory_space<hbm>> -> memref<1x8x128xf32, #tpu.memory_space<hbm>>
    %dma_wait3A_350 = tpu.memref_squeeze %dma_wait3A_349 : memref<1x8x128xf32, #tpu.memory_space<hbm>> -> memref<8x128xf32, #tpu.memory_space<hbm>>
    %dma_wait3A_351 = arith.constant 8 : i32
    %dma_wait3A_352 = arith.constant 0 : i32
    %dma_wait3A_353 = tpu.memref_slice %arg11[%dma_wait3A_351, %dma_wait3A_352] : memref<64x129xf32, #tpu.memory_space<vmem>> -> memref<8x128xf32, #tpu.memory_space<vmem>>
    tpu.wait_dma2 semaphore(%arg19 : memref<!tpu.dma_semaphore, #tpu.memory_space<semaphore_mem>>) src(%dma_wait3A_353 : memref<8x128xf32, #tpu.memory_space<vmem>>) dst(%dma_wait3A_350 : memref<8x128xf32, #tpu.memory_space<hbm>>)
    %mul3A_354 = arith.constant 8 : i32
    %mul3A_355 = arith.muli %select_n3A_295, %mul3A_354 : i32
    %add3A_356 = arith.constant 2 : i32
    %add3A_357 = arith.addi %mul3A_355, %add3A_356 : i32
    %mul3A_358 = arith.constant 128 : i32
    %mul3A_359 = arith.muli %add3A_357, %mul3A_358 : i32
    %add3A_360 = arith.addi %mul3A_359, %select_n3A_311 : i32
    %dma_wait3A_361 = arith.constant 16 : i32
    %dma_wait3A_362 = arith.constant 0 : i32
    %dma_wait3A_363 = tpu.memref_slice %arg11[%dma_wait3A_361, %dma_wait3A_362] : memref<64x129xf32, #tpu.memory_space<vmem>> -> memref<8x128xf32, #tpu.memory_space<vmem>>
    %dma_wait3A_364 = arith.constant 0 : i32
    %dma_wait3A_365 = arith.constant 0 : i32
    %dma_wait3A_366 = tpu.memref_slice %arg4[%add3A_360, %dma_wait3A_364, %dma_wait3A_365] : memref<51200x8x128xf32, #tpu.memory_space<hbm>> -> memref<1x8x128xf32, #tpu.memory_space<hbm>>
    %dma_wait3A_367 = tpu.memref_squeeze %dma_wait3A_366 : memref<1x8x128xf32, #tpu.memory_space<hbm>> -> memref<8x128xf32, #tpu.memory_space<hbm>>
    %dma_wait3A_368 = arith.constant 0 : i32
    %dma_wait3A_369 = arith.constant 0 : i32
    %dma_wait3A_370 = tpu.memref_slice %arg4[%add3A_360, %dma_wait3A_368, %dma_wait3A_369] : memref<51200x8x128xf32, #tpu.memory_space<hbm>> -> memref<1x8x128xf32, #tpu.memory_space<hbm>>
    %dma_wait3A_371 = tpu.memref_squeeze %dma_wait3A_370 : memref<1x8x128xf32, #tpu.memory_space<hbm>> -> memref<8x128xf32, #tpu.memory_space<hbm>>
    %dma_wait3A_372 = arith.constant 16 : i32
    %dma_wait3A_373 = arith.constant 0 : i32
    %dma_wait3A_374 = tpu.memref_slice %arg11[%dma_wait3A_372, %dma_wait3A_373] : memref<64x129xf32, #tpu.memory_space<vmem>> -> memref<8x128xf32, #tpu.memory_space<vmem>>
    tpu.wait_dma2 semaphore(%arg19 : memref<!tpu.dma_semaphore, #tpu.memory_space<semaphore_mem>>) src(%dma_wait3A_374 : memref<8x128xf32, #tpu.memory_space<vmem>>) dst(%dma_wait3A_371 : memref<8x128xf32, #tpu.memory_space<hbm>>)
    %mul3A_375 = arith.constant 8 : i32
    %mul3A_376 = arith.muli %select_n3A_295, %mul3A_375 : i32
    %add3A_377 = arith.constant 3 : i32
    %add3A_378 = arith.addi %mul3A_376, %add3A_377 : i32
    %mul3A_379 = arith.constant 128 : i32
    %mul3A_380 = arith.muli %add3A_378, %mul3A_379 : i32
    %add3A_381 = arith.addi %mul3A_380, %select_n3A_311 : i32
    %dma_wait3A_382 = arith.constant 24 : i32
    %dma_wait3A_383 = arith.constant 0 : i32
    %dma_wait3A_384 = tpu.memref_slice %arg11[%dma_wait3A_382, %dma_wait3A_383] : memref<64x129xf32, #tpu.memory_space<vmem>> -> memref<8x128xf32, #tpu.memory_space<vmem>>
    %dma_wait3A_385 = arith.constant 0 : i32
    %dma_wait3A_386 = arith.constant 0 : i32
    %dma_wait3A_387 = tpu.memref_slice %arg4[%add3A_381, %dma_wait3A_385, %dma_wait3A_386] : memref<51200x8x128xf32, #tpu.memory_space<hbm>> -> memref<1x8x128xf32, #tpu.memory_space<hbm>>
    %dma_wait3A_388 = tpu.memref_squeeze %dma_wait3A_387 : memref<1x8x128xf32, #tpu.memory_space<hbm>> -> memref<8x128xf32, #tpu.memory_space<hbm>>
    %dma_wait3A_389 = arith.constant 0 : i32
    %dma_wait3A_390 = arith.constant 0 : i32
    %dma_wait3A_391 = tpu.memref_slice %arg4[%add3A_381, %dma_wait3A_389, %dma_wait3A_390] : memref<51200x8x128xf32, #tpu.memory_space<hbm>> -> memref<1x8x128xf32, #tpu.memory_space<hbm>>
    %dma_wait3A_392 = tpu.memref_squeeze %dma_wait3A_391 : memref<1x8x128xf32, #tpu.memory_space<hbm>> -> memref<8x128xf32, #tpu.memory_space<hbm>>
    %dma_wait3A_393 = arith.constant 24 : i32
    %dma_wait3A_394 = arith.constant 0 : i32
    %dma_wait3A_395 = tpu.memref_slice %arg11[%dma_wait3A_393, %dma_wait3A_394] : memref<64x129xf32, #tpu.memory_space<vmem>> -> memref<8x128xf32, #tpu.memory_space<vmem>>
    tpu.wait_dma2 semaphore(%arg19 : memref<!tpu.dma_semaphore, #tpu.memory_space<semaphore_mem>>) src(%dma_wait3A_395 : memref<8x128xf32, #tpu.memory_space<vmem>>) dst(%dma_wait3A_392 : memref<8x128xf32, #tpu.memory_space<hbm>>)
    %mul3A_396 = arith.constant 8 : i32
    %mul3A_397 = arith.muli %select_n3A_295, %mul3A_396 : i32
    %add3A_398 = arith.constant 4 : i32
    %add3A_399 = arith.addi %mul3A_397, %add3A_398 : i32
    %mul3A_400 = arith.constant 128 : i32
    %mul3A_401 = arith.muli %add3A_399, %mul3A_400 : i32
    %add3A_402 = arith.addi %mul3A_401, %select_n3A_311 : i32
    %dma_wait3A_403 = arith.constant 32 : i32
    %dma_wait3A_404 = arith.constant 0 : i32
    %dma_wait3A_405 = tpu.memref_slice %arg11[%dma_wait3A_403, %dma_wait3A_404] : memref<64x129xf32, #tpu.memory_space<vmem>> -> memref<8x128xf32, #tpu.memory_space<vmem>>
    %dma_wait3A_406 = arith.constant 0 : i32
    %dma_wait3A_407 = arith.constant 0 : i32
    %dma_wait3A_408 = tpu.memref_slice %arg4[%add3A_402, %dma_wait3A_406, %dma_wait3A_407] : memref<51200x8x128xf32, #tpu.memory_space<hbm>> -> memref<1x8x128xf32, #tpu.memory_space<hbm>>
    %dma_wait3A_409 = tpu.memref_squeeze %dma_wait3A_408 : memref<1x8x128xf32, #tpu.memory_space<hbm>> -> memref<8x128xf32, #tpu.memory_space<hbm>>
    %dma_wait3A_410 = arith.constant 0 : i32
    %dma_wait3A_411 = arith.constant 0 : i32
    %dma_wait3A_412 = tpu.memref_slice %arg4[%add3A_402, %dma_wait3A_410, %dma_wait3A_411] : memref<51200x8x128xf32, #tpu.memory_space<hbm>> -> memref<1x8x128xf32, #tpu.memory_space<hbm>>
    %dma_wait3A_413 = tpu.memref_squeeze %dma_wait3A_412 : memref<1x8x128xf32, #tpu.memory_space<hbm>> -> memref<8x128xf32, #tpu.memory_space<hbm>>
    %dma_wait3A_414 = arith.constant 32 : i32
    %dma_wait3A_415 = arith.constant 0 : i32
    %dma_wait3A_416 = tpu.memref_slice %arg11[%dma_wait3A_414, %dma_wait3A_415] : memref<64x129xf32, #tpu.memory_space<vmem>> -> memref<8x128xf32, #tpu.memory_space<vmem>>
    tpu.wait_dma2 semaphore(%arg19 : memref<!tpu.dma_semaphore, #tpu.memory_space<semaphore_mem>>) src(%dma_wait3A_416 : memref<8x128xf32, #tpu.memory_space<vmem>>) dst(%dma_wait3A_413 : memref<8x128xf32, #tpu.memory_space<hbm>>)
    %mul3A_417 = arith.constant 8 : i32
    %mul3A_418 = arith.muli %select_n3A_295, %mul3A_417 : i32
    %add3A_419 = arith.constant 5 : i32
    %add3A_420 = arith.addi %mul3A_418, %add3A_419 : i32
    %mul3A_421 = arith.constant 128 : i32
    %mul3A_422 = arith.muli %add3A_420, %mul3A_421 : i32
    %add3A_423 = arith.addi %mul3A_422, %select_n3A_311 : i32
    %dma_wait3A_424 = arith.constant 40 : i32
    %dma_wait3A_425 = arith.constant 0 : i32
    %dma_wait3A_426 = tpu.memref_slice %arg11[%dma_wait3A_424, %dma_wait3A_425] : memref<64x129xf32, #tpu.memory_space<vmem>> -> memref<8x128xf32, #tpu.memory_space<vmem>>
    %dma_wait3A_427 = arith.constant 0 : i32
    %dma_wait3A_428 = arith.constant 0 : i32
    %dma_wait3A_429 = tpu.memref_slice %arg4[%add3A_423, %dma_wait3A_427, %dma_wait3A_428] : memref<51200x8x128xf32, #tpu.memory_space<hbm>> -> memref<1x8x128xf32, #tpu.memory_space<hbm>>
    %dma_wait3A_430 = tpu.memref_squeeze %dma_wait3A_429 : memref<1x8x128xf32, #tpu.memory_space<hbm>> -> memref<8x128xf32, #tpu.memory_space<hbm>>
    %dma_wait3A_431 = arith.constant 0 : i32
    %dma_wait3A_432 = arith.constant 0 : i32
    %dma_wait3A_433 = tpu.memref_slice %arg4[%add3A_423, %dma_wait3A_431, %dma_wait3A_432] : memref<51200x8x128xf32, #tpu.memory_space<hbm>> -> memref<1x8x128xf32, #tpu.memory_space<hbm>>
    %dma_wait3A_434 = tpu.memref_squeeze %dma_wait3A_433 : memref<1x8x128xf32, #tpu.memory_space<hbm>> -> memref<8x128xf32, #tpu.memory_space<hbm>>
    %dma_wait3A_435 = arith.constant 40 : i32
    %dma_wait3A_436 = arith.constant 0 : i32
    %dma_wait3A_437 = tpu.memref_slice %arg11[%dma_wait3A_435, %dma_wait3A_436] : memref<64x129xf32, #tpu.memory_space<vmem>> -> memref<8x128xf32, #tpu.memory_space<vmem>>
    tpu.wait_dma2 semaphore(%arg19 : memref<!tpu.dma_semaphore, #tpu.memory_space<semaphore_mem>>) src(%dma_wait3A_437 : memref<8x128xf32, #tpu.memory_space<vmem>>) dst(%dma_wait3A_434 : memref<8x128xf32, #tpu.memory_space<hbm>>)
    %mul3A_438 = arith.constant 8 : i32
    %mul3A_439 = arith.muli %select_n3A_295, %mul3A_438 : i32
    %add3A_440 = arith.constant 6 : i32
    %add3A_441 = arith.addi %mul3A_439, %add3A_440 : i32
    %mul3A_442 = arith.constant 128 : i32
    %mul3A_443 = arith.muli %add3A_441, %mul3A_442 : i32
    %add3A_444 = arith.addi %mul3A_443, %select_n3A_311 : i32
    %dma_wait3A_445 = arith.constant 48 : i32
    %dma_wait3A_446 = arith.constant 0 : i32
    %dma_wait3A_447 = tpu.memref_slice %arg11[%dma_wait3A_445, %dma_wait3A_446] : memref<64x129xf32, #tpu.memory_space<vmem>> -> memref<8x128xf32, #tpu.memory_space<vmem>>
    %dma_wait3A_448 = arith.constant 0 : i32
    %dma_wait3A_449 = arith.constant 0 : i32
    %dma_wait3A_450 = tpu.memref_slice %arg4[%add3A_444, %dma_wait3A_448, %dma_wait3A_449] : memref<51200x8x128xf32, #tpu.memory_space<hbm>> -> memref<1x8x128xf32, #tpu.memory_space<hbm>>
    %dma_wait3A_451 = tpu.memref_squeeze %dma_wait3A_450 : memref<1x8x128xf32, #tpu.memory_space<hbm>> -> memref<8x128xf32, #tpu.memory_space<hbm>>
    %dma_wait3A_452 = arith.constant 0 : i32
    %dma_wait3A_453 = arith.constant 0 : i32
    %dma_wait3A_454 = tpu.memref_slice %arg4[%add3A_444, %dma_wait3A_452, %dma_wait3A_453] : memref<51200x8x128xf32, #tpu.memory_space<hbm>> -> memref<1x8x128xf32, #tpu.memory_space<hbm>>
    %dma_wait3A_455 = tpu.memref_squeeze %dma_wait3A_454 : memref<1x8x128xf32, #tpu.memory_space<hbm>> -> memref<8x128xf32, #tpu.memory_space<hbm>>
    %dma_wait3A_456 = arith.constant 48 : i32
    %dma_wait3A_457 = arith.constant 0 : i32
    %dma_wait3A_458 = tpu.memref_slice %arg11[%dma_wait3A_456, %dma_wait3A_457] : memref<64x129xf32, #tpu.memory_space<vmem>> -> memref<8x128xf32, #tpu.memory_space<vmem>>
    tpu.wait_dma2 semaphore(%arg19 : memref<!tpu.dma_semaphore, #tpu.memory_space<semaphore_mem>>) src(%dma_wait3A_458 : memref<8x128xf32, #tpu.memory_space<vmem>>) dst(%dma_wait3A_455 : memref<8x128xf32, #tpu.memory_space<hbm>>)
    %mul3A_459 = arith.constant 8 : i32
    %mul3A_460 = arith.muli %select_n3A_295, %mul3A_459 : i32
    %add3A_461 = arith.constant 7 : i32
    %add3A_462 = arith.addi %mul3A_460, %add3A_461 : i32
    %mul3A_463 = arith.constant 128 : i32
    %mul3A_464 = arith.muli %add3A_462, %mul3A_463 : i32
    %add3A_465 = arith.addi %mul3A_464, %select_n3A_311 : i32
    %dma_wait3A_466 = arith.constant 56 : i32
    %dma_wait3A_467 = arith.constant 0 : i32
    %dma_wait3A_468 = tpu.memref_slice %arg11[%dma_wait3A_466, %dma_wait3A_467] : memref<64x129xf32, #tpu.memory_space<vmem>> -> memref<8x128xf32, #tpu.memory_space<vmem>>
    %dma_wait3A_469 = arith.constant 0 : i32
    %dma_wait3A_470 = arith.constant 0 : i32
    %dma_wait3A_471 = tpu.memref_slice %arg4[%add3A_465, %dma_wait3A_469, %dma_wait3A_470] : memref<51200x8x128xf32, #tpu.memory_space<hbm>> -> memref<1x8x128xf32, #tpu.memory_space<hbm>>
    %dma_wait3A_472 = tpu.memref_squeeze %dma_wait3A_471 : memref<1x8x128xf32, #tpu.memory_space<hbm>> -> memref<8x128xf32, #tpu.memory_space<hbm>>
    %dma_wait3A_473 = arith.constant 0 : i32
    %dma_wait3A_474 = arith.constant 0 : i32
    %dma_wait3A_475 = tpu.memref_slice %arg4[%add3A_465, %dma_wait3A_473, %dma_wait3A_474] : memref<51200x8x128xf32, #tpu.memory_space<hbm>> -> memref<1x8x128xf32, #tpu.memory_space<hbm>>
    %dma_wait3A_476 = tpu.memref_squeeze %dma_wait3A_475 : memref<1x8x128xf32, #tpu.memory_space<hbm>> -> memref<8x128xf32, #tpu.memory_space<hbm>>
    %dma_wait3A_477 = arith.constant 56 : i32
    %dma_wait3A_478 = arith.constant 0 : i32
    %dma_wait3A_479 = tpu.memref_slice %arg11[%dma_wait3A_477, %dma_wait3A_478] : memref<64x129xf32, #tpu.memory_space<vmem>> -> memref<8x128xf32, #tpu.memory_space<vmem>>
    tpu.wait_dma2 semaphore(%arg19 : memref<!tpu.dma_semaphore, #tpu.memory_space<semaphore_mem>>) src(%dma_wait3A_479 : memref<8x128xf32, #tpu.memory_space<vmem>>) dst(%dma_wait3A_476 : memref<8x128xf32, #tpu.memory_space<hbm>>)
    %add3A_480 = arith.constant 198 : i32
    %add3A_481 = arith.addi %mul3A_2, %add3A_480 : i32
    %jit3A_482 = arith.constant 128 : i32
    %div3A_483 = arith.divsi %add3A_481, %jit3A_482 : i32
    %sign3A_484 = arith.constant 0 : i32
    %sign3A_485 = arith.cmpi sgt, %add3A_481, %sign3A_484 : i32
    %sign3A_486 = arith.extui %sign3A_485 : i1 to i32
    %sign3A_487 = arith.constant 0 : i32
    %sign3A_488 = arith.cmpi slt, %add3A_481, %sign3A_487 : i32
    %sign3A_489 = arith.extui %sign3A_488 : i1 to i32
    %sign3A_490 = arith.subi %sign3A_486, %sign3A_489 : i32
    %sign3A_491 = arith.constant 0 : i32
    %sign3A_492 = arith.cmpi sgt, %jit3A_482, %sign3A_491 : i32
    %sign3A_493 = arith.extui %sign3A_492 : i1 to i32
    %sign3A_494 = arith.constant 0 : i32
    %sign3A_495 = arith.cmpi slt, %jit3A_482, %sign3A_494 : i32
    %sign3A_496 = arith.extui %sign3A_495 : i1 to i32
    %sign3A_497 = arith.subi %sign3A_493, %sign3A_496 : i32
    %ne3A_498 = arith.cmpi ne, %sign3A_490, %sign3A_497 : i32
    %rem3A_499 = arith.remsi %add3A_481, %jit3A_482 : i32
    %ne3A_500 = arith.constant 0 : i32
    %ne3A_501 = arith.cmpi ne, %rem3A_499, %ne3A_500 : i32
    %and3A_502 = arith.andi %ne3A_498, %ne3A_501 : i1
    %sub3A_503 = arith.constant 1 : i32
    %sub3A_504 = arith.subi %div3A_483, %sub3A_503 : i32
    %select_n3A_505 = arith.select %and3A_502, %sub3A_504, %div3A_483 : i32
    %jit3A_506 = arith.constant 128 : i32
    %eq3A_507 = arith.constant 0 : i32
    %eq3A_508 = arith.cmpi eq, %jit3A_506, %eq3A_507 : i32
    %jit3A_509 = arith.constant 1 : i32
    %select_n3A_510 = arith.select %eq3A_508, %jit3A_509, %jit3A_506 : i32
    %rem3A_511 = arith.remsi %add3A_481, %select_n3A_510 : i32
    %ne3A_512 = arith.constant 0 : i32
    %ne3A_513 = arith.cmpi ne, %rem3A_511, %ne3A_512 : i32
    %lt3A_514 = arith.constant 0 : i32
    %lt3A_515 = arith.cmpi slt, %rem3A_511, %lt3A_514 : i32
    %lt3A_516 = arith.constant 0 : i32
    %lt3A_517 = arith.cmpi slt, %select_n3A_510, %lt3A_516 : i32
    %ne3A_518 = arith.xori %lt3A_515, %lt3A_517 : i1
    %and3A_519 = arith.andi %ne3A_518, %ne3A_513 : i1
    %add3A_520 = arith.addi %rem3A_511, %select_n3A_510 : i32
    %select_n3A_521 = arith.select %and3A_519, %add3A_520, %rem3A_511 : i32
    %mul3A_522 = arith.constant 8 : i32
    %mul3A_523 = arith.muli %select_n3A_505, %mul3A_522 : i32
    %add3A_524 = arith.constant 0 : i32
    %add3A_525 = arith.addi %mul3A_523, %add3A_524 : i32
    %mul3A_526 = arith.constant 128 : i32
    %mul3A_527 = arith.muli %add3A_525, %mul3A_526 : i32
    %add3A_528 = arith.addi %mul3A_527, %select_n3A_521 : i32
    %dma_wait3A_529 = arith.constant 0 : i32
    %dma_wait3A_530 = arith.constant 0 : i32
    %dma_wait3A_531 = tpu.memref_slice %arg12[%dma_wait3A_529, %dma_wait3A_530] : memref<64x129xf32, #tpu.memory_space<vmem>> -> memref<8x128xf32, #tpu.memory_space<vmem>>
    %dma_wait3A_532 = arith.constant 0 : i32
    %dma_wait3A_533 = arith.constant 0 : i32
    %dma_wait3A_534 = tpu.memref_slice %arg4[%add3A_528, %dma_wait3A_532, %dma_wait3A_533] : memref<51200x8x128xf32, #tpu.memory_space<hbm>> -> memref<1x8x128xf32, #tpu.memory_space<hbm>>
    %dma_wait3A_535 = tpu.memref_squeeze %dma_wait3A_534 : memref<1x8x128xf32, #tpu.memory_space<hbm>> -> memref<8x128xf32, #tpu.memory_space<hbm>>
    %dma_wait3A_536 = arith.constant 0 : i32
    %dma_wait3A_537 = arith.constant 0 : i32
    %dma_wait3A_538 = tpu.memref_slice %arg4[%add3A_528, %dma_wait3A_536, %dma_wait3A_537] : memref<51200x8x128xf32, #tpu.memory_space<hbm>> -> memref<1x8x128xf32, #tpu.memory_space<hbm>>
    %dma_wait3A_539 = tpu.memref_squeeze %dma_wait3A_538 : memref<1x8x128xf32, #tpu.memory_space<hbm>> -> memref<8x128xf32, #tpu.memory_space<hbm>>
    %dma_wait3A_540 = arith.constant 0 : i32
    %dma_wait3A_541 = arith.constant 0 : i32
    %dma_wait3A_542 = tpu.memref_slice %arg12[%dma_wait3A_540, %dma_wait3A_541] : memref<64x129xf32, #tpu.memory_space<vmem>> -> memref<8x128xf32, #tpu.memory_space<vmem>>
    tpu.wait_dma2 semaphore(%arg20 : memref<!tpu.dma_semaphore, #tpu.memory_space<semaphore_mem>>) src(%dma_wait3A_542 : memref<8x128xf32, #tpu.memory_space<vmem>>) dst(%dma_wait3A_539 : memref<8x128xf32, #tpu.memory_space<hbm>>)
    %mul3A_543 = arith.constant 8 : i32
    %mul3A_544 = arith.muli %select_n3A_505, %mul3A_543 : i32
    %add3A_545 = arith.constant 1 : i32
    %add3A_546 = arith.addi %mul3A_544, %add3A_545 : i32
    %mul3A_547 = arith.constant 128 : i32
    %mul3A_548 = arith.muli %add3A_546, %mul3A_547 : i32
    %add3A_549 = arith.addi %mul3A_548, %select_n3A_521 : i32
    %dma_wait3A_550 = arith.constant 8 : i32
    %dma_wait3A_551 = arith.constant 0 : i32
    %dma_wait3A_552 = tpu.memref_slice %arg12[%dma_wait3A_550, %dma_wait3A_551] : memref<64x129xf32, #tpu.memory_space<vmem>> -> memref<8x128xf32, #tpu.memory_space<vmem>>
    %dma_wait3A_553 = arith.constant 0 : i32
    %dma_wait3A_554 = arith.constant 0 : i32
    %dma_wait3A_555 = tpu.memref_slice %arg4[%add3A_549, %dma_wait3A_553, %dma_wait3A_554] : memref<51200x8x128xf32, #tpu.memory_space<hbm>> -> memref<1x8x128xf32, #tpu.memory_space<hbm>>
    %dma_wait3A_556 = tpu.memref_squeeze %dma_wait3A_555 : memref<1x8x128xf32, #tpu.memory_space<hbm>> -> memref<8x128xf32, #tpu.memory_space<hbm>>
    %dma_wait3A_557 = arith.constant 0 : i32
    %dma_wait3A_558 = arith.constant 0 : i32
    %dma_wait3A_559 = tpu.memref_slice %arg4[%add3A_549, %dma_wait3A_557, %dma_wait3A_558] : memref<51200x8x128xf32, #tpu.memory_space<hbm>> -> memref<1x8x128xf32, #tpu.memory_space<hbm>>
    %dma_wait3A_560 = tpu.memref_squeeze %dma_wait3A_559 : memref<1x8x128xf32, #tpu.memory_space<hbm>> -> memref<8x128xf32, #tpu.memory_space<hbm>>
    %dma_wait3A_561 = arith.constant 8 : i32
    %dma_wait3A_562 = arith.constant 0 : i32
    %dma_wait3A_563 = tpu.memref_slice %arg12[%dma_wait3A_561, %dma_wait3A_562] : memref<64x129xf32, #tpu.memory_space<vmem>> -> memref<8x128xf32, #tpu.memory_space<vmem>>
    tpu.wait_dma2 semaphore(%arg20 : memref<!tpu.dma_semaphore, #tpu.memory_space<semaphore_mem>>) src(%dma_wait3A_563 : memref<8x128xf32, #tpu.memory_space<vmem>>) dst(%dma_wait3A_560 : memref<8x128xf32, #tpu.memory_space<hbm>>)
    %mul3A_564 = arith.constant 8 : i32
    %mul3A_565 = arith.muli %select_n3A_505, %mul3A_564 : i32
    %add3A_566 = arith.constant 2 : i32
    %add3A_567 = arith.addi %mul3A_565, %add3A_566 : i32
    %mul3A_568 = arith.constant 128 : i32
    %mul3A_569 = arith.muli %add3A_567, %mul3A_568 : i32
    %add3A_570 = arith.addi %mul3A_569, %select_n3A_521 : i32
    %dma_wait3A_571 = arith.constant 16 : i32
    %dma_wait3A_572 = arith.constant 0 : i32
    %dma_wait3A_573 = tpu.memref_slice %arg12[%dma_wait3A_571, %dma_wait3A_572] : memref<64x129xf32, #tpu.memory_space<vmem>> -> memref<8x128xf32, #tpu.memory_space<vmem>>
    %dma_wait3A_574 = arith.constant 0 : i32
    %dma_wait3A_575 = arith.constant 0 : i32
    %dma_wait3A_576 = tpu.memref_slice %arg4[%add3A_570, %dma_wait3A_574, %dma_wait3A_575] : memref<51200x8x128xf32, #tpu.memory_space<hbm>> -> memref<1x8x128xf32, #tpu.memory_space<hbm>>
    %dma_wait3A_577 = tpu.memref_squeeze %dma_wait3A_576 : memref<1x8x128xf32, #tpu.memory_space<hbm>> -> memref<8x128xf32, #tpu.memory_space<hbm>>
    %dma_wait3A_578 = arith.constant 0 : i32
    %dma_wait3A_579 = arith.constant 0 : i32
    %dma_wait3A_580 = tpu.memref_slice %arg4[%add3A_570, %dma_wait3A_578, %dma_wait3A_579] : memref<51200x8x128xf32, #tpu.memory_space<hbm>> -> memref<1x8x128xf32, #tpu.memory_space<hbm>>
    %dma_wait3A_581 = tpu.memref_squeeze %dma_wait3A_580 : memref<1x8x128xf32, #tpu.memory_space<hbm>> -> memref<8x128xf32, #tpu.memory_space<hbm>>
    %dma_wait3A_582 = arith.constant 16 : i32
    %dma_wait3A_583 = arith.constant 0 : i32
    %dma_wait3A_584 = tpu.memref_slice %arg12[%dma_wait3A_582, %dma_wait3A_583] : memref<64x129xf32, #tpu.memory_space<vmem>> -> memref<8x128xf32, #tpu.memory_space<vmem>>
    tpu.wait_dma2 semaphore(%arg20 : memref<!tpu.dma_semaphore, #tpu.memory_space<semaphore_mem>>) src(%dma_wait3A_584 : memref<8x128xf32, #tpu.memory_space<vmem>>) dst(%dma_wait3A_581 : memref<8x128xf32, #tpu.memory_space<hbm>>)
    %mul3A_585 = arith.constant 8 : i32
    %mul3A_586 = arith.muli %select_n3A_505, %mul3A_585 : i32
    %add3A_587 = arith.constant 3 : i32
    %add3A_588 = arith.addi %mul3A_586, %add3A_587 : i32
    %mul3A_589 = arith.constant 128 : i32
    %mul3A_590 = arith.muli %add3A_588, %mul3A_589 : i32
    %add3A_591 = arith.addi %mul3A_590, %select_n3A_521 : i32
    %dma_wait3A_592 = arith.constant 24 : i32
    %dma_wait3A_593 = arith.constant 0 : i32
    %dma_wait3A_594 = tpu.memref_slice %arg12[%dma_wait3A_592, %dma_wait3A_593] : memref<64x129xf32, #tpu.memory_space<vmem>> -> memref<8x128xf32, #tpu.memory_space<vmem>>
    %dma_wait3A_595 = arith.constant 0 : i32
    %dma_wait3A_596 = arith.constant 0 : i32
    %dma_wait3A_597 = tpu.memref_slice %arg4[%add3A_591, %dma_wait3A_595, %dma_wait3A_596] : memref<51200x8x128xf32, #tpu.memory_space<hbm>> -> memref<1x8x128xf32, #tpu.memory_space<hbm>>
    %dma_wait3A_598 = tpu.memref_squeeze %dma_wait3A_597 : memref<1x8x128xf32, #tpu.memory_space<hbm>> -> memref<8x128xf32, #tpu.memory_space<hbm>>
    %dma_wait3A_599 = arith.constant 0 : i32
    %dma_wait3A_600 = arith.constant 0 : i32
    %dma_wait3A_601 = tpu.memref_slice %arg4[%add3A_591, %dma_wait3A_599, %dma_wait3A_600] : memref<51200x8x128xf32, #tpu.memory_space<hbm>> -> memref<1x8x128xf32, #tpu.memory_space<hbm>>
    %dma_wait3A_602 = tpu.memref_squeeze %dma_wait3A_601 : memref<1x8x128xf32, #tpu.memory_space<hbm>> -> memref<8x128xf32, #tpu.memory_space<hbm>>
    %dma_wait3A_603 = arith.constant 24 : i32
    %dma_wait3A_604 = arith.constant 0 : i32
    %dma_wait3A_605 = tpu.memref_slice %arg12[%dma_wait3A_603, %dma_wait3A_604] : memref<64x129xf32, #tpu.memory_space<vmem>> -> memref<8x128xf32, #tpu.memory_space<vmem>>
    tpu.wait_dma2 semaphore(%arg20 : memref<!tpu.dma_semaphore, #tpu.memory_space<semaphore_mem>>) src(%dma_wait3A_605 : memref<8x128xf32, #tpu.memory_space<vmem>>) dst(%dma_wait3A_602 : memref<8x128xf32, #tpu.memory_space<hbm>>)
    %mul3A_606 = arith.constant 8 : i32
    %mul3A_607 = arith.muli %select_n3A_505, %mul3A_606 : i32
    %add3A_608 = arith.constant 4 : i32
    %add3A_609 = arith.addi %mul3A_607, %add3A_608 : i32
    %mul3A_610 = arith.constant 128 : i32
    %mul3A_611 = arith.muli %add3A_609, %mul3A_610 : i32
    %add3A_612 = arith.addi %mul3A_611, %select_n3A_521 : i32
    %dma_wait3A_613 = arith.constant 32 : i32
    %dma_wait3A_614 = arith.constant 0 : i32
    %dma_wait3A_615 = tpu.memref_slice %arg12[%dma_wait3A_613, %dma_wait3A_614] : memref<64x129xf32, #tpu.memory_space<vmem>> -> memref<8x128xf32, #tpu.memory_space<vmem>>
    %dma_wait3A_616 = arith.constant 0 : i32
    %dma_wait3A_617 = arith.constant 0 : i32
    %dma_wait3A_618 = tpu.memref_slice %arg4[%add3A_612, %dma_wait3A_616, %dma_wait3A_617] : memref<51200x8x128xf32, #tpu.memory_space<hbm>> -> memref<1x8x128xf32, #tpu.memory_space<hbm>>
    %dma_wait3A_619 = tpu.memref_squeeze %dma_wait3A_618 : memref<1x8x128xf32, #tpu.memory_space<hbm>> -> memref<8x128xf32, #tpu.memory_space<hbm>>
    %dma_wait3A_620 = arith.constant 0 : i32
    %dma_wait3A_621 = arith.constant 0 : i32
    %dma_wait3A_622 = tpu.memref_slice %arg4[%add3A_612, %dma_wait3A_620, %dma_wait3A_621] : memref<51200x8x128xf32, #tpu.memory_space<hbm>> -> memref<1x8x128xf32, #tpu.memory_space<hbm>>
    %dma_wait3A_623 = tpu.memref_squeeze %dma_wait3A_622 : memref<1x8x128xf32, #tpu.memory_space<hbm>> -> memref<8x128xf32, #tpu.memory_space<hbm>>
    %dma_wait3A_624 = arith.constant 32 : i32
    %dma_wait3A_625 = arith.constant 0 : i32
    %dma_wait3A_626 = tpu.memref_slice %arg12[%dma_wait3A_624, %dma_wait3A_625] : memref<64x129xf32, #tpu.memory_space<vmem>> -> memref<8x128xf32, #tpu.memory_space<vmem>>
    tpu.wait_dma2 semaphore(%arg20 : memref<!tpu.dma_semaphore, #tpu.memory_space<semaphore_mem>>) src(%dma_wait3A_626 : memref<8x128xf32, #tpu.memory_space<vmem>>) dst(%dma_wait3A_623 : memref<8x128xf32, #tpu.memory_space<hbm>>)
    %mul3A_627 = arith.constant 8 : i32
    %mul3A_628 = arith.muli %select_n3A_505, %mul3A_627 : i32
    %add3A_629 = arith.constant 5 : i32
    %add3A_630 = arith.addi %mul3A_628, %add3A_629 : i32
    %mul3A_631 = arith.constant 128 : i32
    %mul3A_632 = arith.muli %add3A_630, %mul3A_631 : i32
    %add3A_633 = arith.addi %mul3A_632, %select_n3A_521 : i32
    %dma_wait3A_634 = arith.constant 40 : i32
    %dma_wait3A_635 = arith.constant 0 : i32
    %dma_wait3A_636 = tpu.memref_slice %arg12[%dma_wait3A_634, %dma_wait3A_635] : memref<64x129xf32, #tpu.memory_space<vmem>> -> memref<8x128xf32, #tpu.memory_space<vmem>>
    %dma_wait3A_637 = arith.constant 0 : i32
    %dma_wait3A_638 = arith.constant 0 : i32
    %dma_wait3A_639 = tpu.memref_slice %arg4[%add3A_633, %dma_wait3A_637, %dma_wait3A_638] : memref<51200x8x128xf32, #tpu.memory_space<hbm>> -> memref<1x8x128xf32, #tpu.memory_space<hbm>>
    %dma_wait3A_640 = tpu.memref_squeeze %dma_wait3A_639 : memref<1x8x128xf32, #tpu.memory_space<hbm>> -> memref<8x128xf32, #tpu.memory_space<hbm>>
    %dma_wait3A_641 = arith.constant 0 : i32
    %dma_wait3A_642 = arith.constant 0 : i32
    %dma_wait3A_643 = tpu.memref_slice %arg4[%add3A_633, %dma_wait3A_641, %dma_wait3A_642] : memref<51200x8x128xf32, #tpu.memory_space<hbm>> -> memref<1x8x128xf32, #tpu.memory_space<hbm>>
    %dma_wait3A_644 = tpu.memref_squeeze %dma_wait3A_643 : memref<1x8x128xf32, #tpu.memory_space<hbm>> -> memref<8x128xf32, #tpu.memory_space<hbm>>
    %dma_wait3A_645 = arith.constant 40 : i32
    %dma_wait3A_646 = arith.constant 0 : i32
    %dma_wait3A_647 = tpu.memref_slice %arg12[%dma_wait3A_645, %dma_wait3A_646] : memref<64x129xf32, #tpu.memory_space<vmem>> -> memref<8x128xf32, #tpu.memory_space<vmem>>
    tpu.wait_dma2 semaphore(%arg20 : memref<!tpu.dma_semaphore, #tpu.memory_space<semaphore_mem>>) src(%dma_wait3A_647 : memref<8x128xf32, #tpu.memory_space<vmem>>) dst(%dma_wait3A_644 : memref<8x128xf32, #tpu.memory_space<hbm>>)
    %mul3A_648 = arith.constant 8 : i32
    %mul3A_649 = arith.muli %select_n3A_505, %mul3A_648 : i32
    %add3A_650 = arith.constant 6 : i32
    %add3A_651 = arith.addi %mul3A_649, %add3A_650 : i32
    %mul3A_652 = arith.constant 128 : i32
    %mul3A_653 = arith.muli %add3A_651, %mul3A_652 : i32
    %add3A_654 = arith.addi %mul3A_653, %select_n3A_521 : i32
    %dma_wait3A_655 = arith.constant 48 : i32
    %dma_wait3A_656 = arith.constant 0 : i32
    %dma_wait3A_657 = tpu.memref_slice %arg12[%dma_wait3A_655, %dma_wait3A_656] : memref<64x129xf32, #tpu.memory_space<vmem>> -> memref<8x128xf32, #tpu.memory_space<vmem>>
    %dma_wait3A_658 = arith.constant 0 : i32
    %dma_wait3A_659 = arith.constant 0 : i32
    %dma_wait3A_660 = tpu.memref_slice %arg4[%add3A_654, %dma_wait3A_658, %dma_wait3A_659] : memref<51200x8x128xf32, #tpu.memory_space<hbm>> -> memref<1x8x128xf32, #tpu.memory_space<hbm>>
    %dma_wait3A_661 = tpu.memref_squeeze %dma_wait3A_660 : memref<1x8x128xf32, #tpu.memory_space<hbm>> -> memref<8x128xf32, #tpu.memory_space<hbm>>
    %dma_wait3A_662 = arith.constant 0 : i32
    %dma_wait3A_663 = arith.constant 0 : i32
    %dma_wait3A_664 = tpu.memref_slice %arg4[%add3A_654, %dma_wait3A_662, %dma_wait3A_663] : memref<51200x8x128xf32, #tpu.memory_space<hbm>> -> memref<1x8x128xf32, #tpu.memory_space<hbm>>
    %dma_wait3A_665 = tpu.memref_squeeze %dma_wait3A_664 : memref<1x8x128xf32, #tpu.memory_space<hbm>> -> memref<8x128xf32, #tpu.memory_space<hbm>>
    %dma_wait3A_666 = arith.constant 48 : i32
    %dma_wait3A_667 = arith.constant 0 : i32
    %dma_wait3A_668 = tpu.memref_slice %arg12[%dma_wait3A_666, %dma_wait3A_667] : memref<64x129xf32, #tpu.memory_space<vmem>> -> memref<8x128xf32, #tpu.memory_space<vmem>>
    tpu.wait_dma2 semaphore(%arg20 : memref<!tpu.dma_semaphore, #tpu.memory_space<semaphore_mem>>) src(%dma_wait3A_668 : memref<8x128xf32, #tpu.memory_space<vmem>>) dst(%dma_wait3A_665 : memref<8x128xf32, #tpu.memory_space<hbm>>)
    %mul3A_669 = arith.constant 8 : i32
    %mul3A_670 = arith.muli %select_n3A_505, %mul3A_669 : i32
    %add3A_671 = arith.constant 7 : i32
    %add3A_672 = arith.addi %mul3A_670, %add3A_671 : i32
    %mul3A_673 = arith.constant 128 : i32
    %mul3A_674 = arith.muli %add3A_672, %mul3A_673 : i32
    %add3A_675 = arith.addi %mul3A_674, %select_n3A_521 : i32
    %dma_wait3A_676 = arith.constant 56 : i32
    %dma_wait3A_677 = arith.constant 0 : i32
    %dma_wait3A_678 = tpu.memref_slice %arg12[%dma_wait3A_676, %dma_wait3A_677] : memref<64x129xf32, #tpu.memory_space<vmem>> -> memref<8x128xf32, #tpu.memory_space<vmem>>
    %dma_wait3A_679 = arith.constant 0 : i32
    %dma_wait3A_680 = arith.constant 0 : i32
    %dma_wait3A_681 = tpu.memref_slice %arg4[%add3A_675, %dma_wait3A_679, %dma_wait3A_680] : memref<51200x8x128xf32, #tpu.memory_space<hbm>> -> memref<1x8x128xf32, #tpu.memory_space<hbm>>
    %dma_wait3A_682 = tpu.memref_squeeze %dma_wait3A_681 : memref<1x8x128xf32, #tpu.memory_space<hbm>> -> memref<8x128xf32, #tpu.memory_space<hbm>>
    %dma_wait3A_683 = arith.constant 0 : i32
    %dma_wait3A_684 = arith.constant 0 : i32
    %dma_wait3A_685 = tpu.memref_slice %arg4[%add3A_675, %dma_wait3A_683, %dma_wait3A_684] : memref<51200x8x128xf32, #tpu.memory_space<hbm>> -> memref<1x8x128xf32, #tpu.memory_space<hbm>>
    %dma_wait3A_686 = tpu.memref_squeeze %dma_wait3A_685 : memref<1x8x128xf32, #tpu.memory_space<hbm>> -> memref<8x128xf32, #tpu.memory_space<hbm>>
    %dma_wait3A_687 = arith.constant 56 : i32
    %dma_wait3A_688 = arith.constant 0 : i32
    %dma_wait3A_689 = tpu.memref_slice %arg12[%dma_wait3A_687, %dma_wait3A_688] : memref<64x129xf32, #tpu.memory_space<vmem>> -> memref<8x128xf32, #tpu.memory_space<vmem>>
    tpu.wait_dma2 semaphore(%arg20 : memref<!tpu.dma_semaphore, #tpu.memory_space<semaphore_mem>>) src(%dma_wait3A_689 : memref<8x128xf32, #tpu.memory_space<vmem>>) dst(%dma_wait3A_686 : memref<8x128xf32, #tpu.memory_space<hbm>>)
    %add3A_690 = arith.constant 199 : i32
    %add3A_691 = arith.addi %mul3A_2, %add3A_690 : i32
    %jit3A_692 = arith.constant 128 : i32
    %div3A_693 = arith.divsi %add3A_691, %jit3A_692 : i32
    %sign3A_694 = arith.constant 0 : i32
    %sign3A_695 = arith.cmpi sgt, %add3A_691, %sign3A_694 : i32
    %sign3A_696 = arith.extui %sign3A_695 : i1 to i32
    %sign3A_697 = arith.constant 0 : i32
    %sign3A_698 = arith.cmpi slt, %add3A_691, %sign3A_697 : i32
    %sign3A_699 = arith.extui %sign3A_698 : i1 to i32
    %sign3A_700 = arith.subi %sign3A_696, %sign3A_699 : i32
    %sign3A_701 = arith.constant 0 : i32
    %sign3A_702 = arith.cmpi sgt, %jit3A_692, %sign3A_701 : i32
    %sign3A_703 = arith.extui %sign3A_702 : i1 to i32
    %sign3A_704 = arith.constant 0 : i32
    %sign3A_705 = arith.cmpi slt, %jit3A_692, %sign3A_704 : i32
    %sign3A_706 = arith.extui %sign3A_705 : i1 to i32
    %sign3A_707 = arith.subi %sign3A_703, %sign3A_706 : i32
    %ne3A_708 = arith.cmpi ne, %sign3A_700, %sign3A_707 : i32
    %rem3A_709 = arith.remsi %add3A_691, %jit3A_692 : i32
    %ne3A_710 = arith.constant 0 : i32
    %ne3A_711 = arith.cmpi ne, %rem3A_709, %ne3A_710 : i32
    %and3A_712 = arith.andi %ne3A_708, %ne3A_711 : i1
    %sub3A_713 = arith.constant 1 : i32
    %sub3A_714 = arith.subi %div3A_693, %sub3A_713 : i32
    %select_n3A_715 = arith.select %and3A_712, %sub3A_714, %div3A_693 : i32
    %jit3A_716 = arith.constant 128 : i32
    %eq3A_717 = arith.constant 0 : i32
    %eq3A_718 = arith.cmpi eq, %jit3A_716, %eq3A_717 : i32
    %jit3A_719 = arith.constant 1 : i32
    %select_n3A_720 = arith.select %eq3A_718, %jit3A_719, %jit3A_716 : i32
    %rem3A_721 = arith.remsi %add3A_691, %select_n3A_720 : i32
    %ne3A_722 = arith.constant 0 : i32
    %ne3A_723 = arith.cmpi ne, %rem3A_721, %ne3A_722 : i32
    %lt3A_724 = arith.constant 0 : i32
    %lt3A_725 = arith.cmpi slt, %rem3A_721, %lt3A_724 : i32
    %lt3A_726 = arith.constant 0 : i32
    %lt3A_727 = arith.cmpi slt, %select_n3A_720, %lt3A_726 : i32
    %ne3A_728 = arith.xori %lt3A_725, %lt3A_727 : i1
    %and3A_729 = arith.andi %ne3A_728, %ne3A_723 : i1
    %add3A_730 = arith.addi %rem3A_721, %select_n3A_720 : i32
    %select_n3A_731 = arith.select %and3A_729, %add3A_730, %rem3A_721 : i32
    %mul3A_732 = arith.constant 8 : i32
    %mul3A_733 = arith.muli %select_n3A_715, %mul3A_732 : i32
    %add3A_734 = arith.constant 0 : i32
    %add3A_735 = arith.addi %mul3A_733, %add3A_734 : i32
    %mul3A_736 = arith.constant 128 : i32
    %mul3A_737 = arith.muli %add3A_735, %mul3A_736 : i32
    %add3A_738 = arith.addi %mul3A_737, %select_n3A_731 : i32
    %dma_wait3A_739 = arith.constant 0 : i32
    %dma_wait3A_740 = arith.constant 0 : i32
    %dma_wait3A_741 = tpu.memref_slice %arg13[%dma_wait3A_739, %dma_wait3A_740] : memref<64x129xf32, #tpu.memory_space<vmem>> -> memref<8x128xf32, #tpu.memory_space<vmem>>
    %dma_wait3A_742 = arith.constant 0 : i32
    %dma_wait3A_743 = arith.constant 0 : i32
    %dma_wait3A_744 = tpu.memref_slice %arg4[%add3A_738, %dma_wait3A_742, %dma_wait3A_743] : memref<51200x8x128xf32, #tpu.memory_space<hbm>> -> memref<1x8x128xf32, #tpu.memory_space<hbm>>
    %dma_wait3A_745 = tpu.memref_squeeze %dma_wait3A_744 : memref<1x8x128xf32, #tpu.memory_space<hbm>> -> memref<8x128xf32, #tpu.memory_space<hbm>>
    %dma_wait3A_746 = arith.constant 0 : i32
    %dma_wait3A_747 = arith.constant 0 : i32
    %dma_wait3A_748 = tpu.memref_slice %arg4[%add3A_738, %dma_wait3A_746, %dma_wait3A_747] : memref<51200x8x128xf32, #tpu.memory_space<hbm>> -> memref<1x8x128xf32, #tpu.memory_space<hbm>>
    %dma_wait3A_749 = tpu.memref_squeeze %dma_wait3A_748 : memref<1x8x128xf32, #tpu.memory_space<hbm>> -> memref<8x128xf32, #tpu.memory_space<hbm>>
    %dma_wait3A_750 = arith.constant 0 : i32
    %dma_wait3A_751 = arith.constant 0 : i32
    %dma_wait3A_752 = tpu.memref_slice %arg13[%dma_wait3A_750, %dma_wait3A_751] : memref<64x129xf32, #tpu.memory_space<vmem>> -> memref<8x128xf32, #tpu.memory_space<vmem>>
    tpu.wait_dma2 semaphore(%arg21 : memref<!tpu.dma_semaphore, #tpu.memory_space<semaphore_mem>>) src(%dma_wait3A_752 : memref<8x128xf32, #tpu.memory_space<vmem>>) dst(%dma_wait3A_749 : memref<8x128xf32, #tpu.memory_space<hbm>>)
    %mul3A_753 = arith.constant 8 : i32
    %mul3A_754 = arith.muli %select_n3A_715, %mul3A_753 : i32
    %add3A_755 = arith.constant 1 : i32
    %add3A_756 = arith.addi %mul3A_754, %add3A_755 : i32
    %mul3A_757 = arith.constant 128 : i32
    %mul3A_758 = arith.muli %add3A_756, %mul3A_757 : i32
    %add3A_759 = arith.addi %mul3A_758, %select_n3A_731 : i32
    %dma_wait3A_760 = arith.constant 8 : i32
    %dma_wait3A_761 = arith.constant 0 : i32
    %dma_wait3A_762 = tpu.memref_slice %arg13[%dma_wait3A_760, %dma_wait3A_761] : memref<64x129xf32, #tpu.memory_space<vmem>> -> memref<8x128xf32, #tpu.memory_space<vmem>>
    %dma_wait3A_763 = arith.constant 0 : i32
    %dma_wait3A_764 = arith.constant 0 : i32
    %dma_wait3A_765 = tpu.memref_slice %arg4[%add3A_759, %dma_wait3A_763, %dma_wait3A_764] : memref<51200x8x128xf32, #tpu.memory_space<hbm>> -> memref<1x8x128xf32, #tpu.memory_space<hbm>>
    %dma_wait3A_766 = tpu.memref_squeeze %dma_wait3A_765 : memref<1x8x128xf32, #tpu.memory_space<hbm>> -> memref<8x128xf32, #tpu.memory_space<hbm>>
    %dma_wait3A_767 = arith.constant 0 : i32
    %dma_wait3A_768 = arith.constant 0 : i32
    %dma_wait3A_769 = tpu.memref_slice %arg4[%add3A_759, %dma_wait3A_767, %dma_wait3A_768] : memref<51200x8x128xf32, #tpu.memory_space<hbm>> -> memref<1x8x128xf32, #tpu.memory_space<hbm>>
    %dma_wait3A_770 = tpu.memref_squeeze %dma_wait3A_769 : memref<1x8x128xf32, #tpu.memory_space<hbm>> -> memref<8x128xf32, #tpu.memory_space<hbm>>
    %dma_wait3A_771 = arith.constant 8 : i32
    %dma_wait3A_772 = arith.constant 0 : i32
    %dma_wait3A_773 = tpu.memref_slice %arg13[%dma_wait3A_771, %dma_wait3A_772] : memref<64x129xf32, #tpu.memory_space<vmem>> -> memref<8x128xf32, #tpu.memory_space<vmem>>
    tpu.wait_dma2 semaphore(%arg21 : memref<!tpu.dma_semaphore, #tpu.memory_space<semaphore_mem>>) src(%dma_wait3A_773 : memref<8x128xf32, #tpu.memory_space<vmem>>) dst(%dma_wait3A_770 : memref<8x128xf32, #tpu.memory_space<hbm>>)
    %mul3A_774 = arith.constant 8 : i32
    %mul3A_775 = arith.muli %select_n3A_715, %mul3A_774 : i32
    %add3A_776 = arith.constant 2 : i32
    %add3A_777 = arith.addi %mul3A_775, %add3A_776 : i32
    %mul3A_778 = arith.constant 128 : i32
    %mul3A_779 = arith.muli %add3A_777, %mul3A_778 : i32
    %add3A_780 = arith.addi %mul3A_779, %select_n3A_731 : i32
    %dma_wait3A_781 = arith.constant 16 : i32
    %dma_wait3A_782 = arith.constant 0 : i32
    %dma_wait3A_783 = tpu.memref_slice %arg13[%dma_wait3A_781, %dma_wait3A_782] : memref<64x129xf32, #tpu.memory_space<vmem>> -> memref<8x128xf32, #tpu.memory_space<vmem>>
    %dma_wait3A_784 = arith.constant 0 : i32
    %dma_wait3A_785 = arith.constant 0 : i32
    %dma_wait3A_786 = tpu.memref_slice %arg4[%add3A_780, %dma_wait3A_784, %dma_wait3A_785] : memref<51200x8x128xf32, #tpu.memory_space<hbm>> -> memref<1x8x128xf32, #tpu.memory_space<hbm>>
    %dma_wait3A_787 = tpu.memref_squeeze %dma_wait3A_786 : memref<1x8x128xf32, #tpu.memory_space<hbm>> -> memref<8x128xf32, #tpu.memory_space<hbm>>
    %dma_wait3A_788 = arith.constant 0 : i32
    %dma_wait3A_789 = arith.constant 0 : i32
    %dma_wait3A_790 = tpu.memref_slice %arg4[%add3A_780, %dma_wait3A_788, %dma_wait3A_789] : memref<51200x8x128xf32, #tpu.memory_space<hbm>> -> memref<1x8x128xf32, #tpu.memory_space<hbm>>
    %dma_wait3A_791 = tpu.memref_squeeze %dma_wait3A_790 : memref<1x8x128xf32, #tpu.memory_space<hbm>> -> memref<8x128xf32, #tpu.memory_space<hbm>>
    %dma_wait3A_792 = arith.constant 16 : i32
    %dma_wait3A_793 = arith.constant 0 : i32
    %dma_wait3A_794 = tpu.memref_slice %arg13[%dma_wait3A_792, %dma_wait3A_793] : memref<64x129xf32, #tpu.memory_space<vmem>> -> memref<8x128xf32, #tpu.memory_space<vmem>>
    tpu.wait_dma2 semaphore(%arg21 : memref<!tpu.dma_semaphore, #tpu.memory_space<semaphore_mem>>) src(%dma_wait3A_794 : memref<8x128xf32, #tpu.memory_space<vmem>>) dst(%dma_wait3A_791 : memref<8x128xf32, #tpu.memory_space<hbm>>)
    %mul3A_795 = arith.constant 8 : i32
    %mul3A_796 = arith.muli %select_n3A_715, %mul3A_795 : i32
    %add3A_797 = arith.constant 3 : i32
    %add3A_798 = arith.addi %mul3A_796, %add3A_797 : i32
    %mul3A_799 = arith.constant 128 : i32
    %mul3A_800 = arith.muli %add3A_798, %mul3A_799 : i32
    %add3A_801 = arith.addi %mul3A_800, %select_n3A_731 : i32
    %dma_wait3A_802 = arith.constant 24 : i32
    %dma_wait3A_803 = arith.constant 0 : i32
    %dma_wait3A_804 = tpu.memref_slice %arg13[%dma_wait3A_802, %dma_wait3A_803] : memref<64x129xf32, #tpu.memory_space<vmem>> -> memref<8x128xf32, #tpu.memory_space<vmem>>
    %dma_wait3A_805 = arith.constant 0 : i32
    %dma_wait3A_806 = arith.constant 0 : i32
    %dma_wait3A_807 = tpu.memref_slice %arg4[%add3A_801, %dma_wait3A_805, %dma_wait3A_806] : memref<51200x8x128xf32, #tpu.memory_space<hbm>> -> memref<1x8x128xf32, #tpu.memory_space<hbm>>
    %dma_wait3A_808 = tpu.memref_squeeze %dma_wait3A_807 : memref<1x8x128xf32, #tpu.memory_space<hbm>> -> memref<8x128xf32, #tpu.memory_space<hbm>>
    %dma_wait3A_809 = arith.constant 0 : i32
    %dma_wait3A_810 = arith.constant 0 : i32
    %dma_wait3A_811 = tpu.memref_slice %arg4[%add3A_801, %dma_wait3A_809, %dma_wait3A_810] : memref<51200x8x128xf32, #tpu.memory_space<hbm>> -> memref<1x8x128xf32, #tpu.memory_space<hbm>>
    %dma_wait3A_812 = tpu.memref_squeeze %dma_wait3A_811 : memref<1x8x128xf32, #tpu.memory_space<hbm>> -> memref<8x128xf32, #tpu.memory_space<hbm>>
    %dma_wait3A_813 = arith.constant 24 : i32
    %dma_wait3A_814 = arith.constant 0 : i32
    %dma_wait3A_815 = tpu.memref_slice %arg13[%dma_wait3A_813, %dma_wait3A_814] : memref<64x129xf32, #tpu.memory_space<vmem>> -> memref<8x128xf32, #tpu.memory_space<vmem>>
    tpu.wait_dma2 semaphore(%arg21 : memref<!tpu.dma_semaphore, #tpu.memory_space<semaphore_mem>>) src(%dma_wait3A_815 : memref<8x128xf32, #tpu.memory_space<vmem>>) dst(%dma_wait3A_812 : memref<8x128xf32, #tpu.memory_space<hbm>>)
    %mul3A_816 = arith.constant 8 : i32
    %mul3A_817 = arith.muli %select_n3A_715, %mul3A_816 : i32
    %add3A_818 = arith.constant 4 : i32
    %add3A_819 = arith.addi %mul3A_817, %add3A_818 : i32
    %mul3A_820 = arith.constant 128 : i32
    %mul3A_821 = arith.muli %add3A_819, %mul3A_820 : i32
    %add3A_822 = arith.addi %mul3A_821, %select_n3A_731 : i32
    %dma_wait3A_823 = arith.constant 32 : i32
    %dma_wait3A_824 = arith.constant 0 : i32
    %dma_wait3A_825 = tpu.memref_slice %arg13[%dma_wait3A_823, %dma_wait3A_824] : memref<64x129xf32, #tpu.memory_space<vmem>> -> memref<8x128xf32, #tpu.memory_space<vmem>>
    %dma_wait3A_826 = arith.constant 0 : i32
    %dma_wait3A_827 = arith.constant 0 : i32
    %dma_wait3A_828 = tpu.memref_slice %arg4[%add3A_822, %dma_wait3A_826, %dma_wait3A_827] : memref<51200x8x128xf32, #tpu.memory_space<hbm>> -> memref<1x8x128xf32, #tpu.memory_space<hbm>>
    %dma_wait3A_829 = tpu.memref_squeeze %dma_wait3A_828 : memref<1x8x128xf32, #tpu.memory_space<hbm>> -> memref<8x128xf32, #tpu.memory_space<hbm>>
    %dma_wait3A_830 = arith.constant 0 : i32
    %dma_wait3A_831 = arith.constant 0 : i32
    %dma_wait3A_832 = tpu.memref_slice %arg4[%add3A_822, %dma_wait3A_830, %dma_wait3A_831] : memref<51200x8x128xf32, #tpu.memory_space<hbm>> -> memref<1x8x128xf32, #tpu.memory_space<hbm>>
    %dma_wait3A_833 = tpu.memref_squeeze %dma_wait3A_832 : memref<1x8x128xf32, #tpu.memory_space<hbm>> -> memref<8x128xf32, #tpu.memory_space<hbm>>
    %dma_wait3A_834 = arith.constant 32 : i32
    %dma_wait3A_835 = arith.constant 0 : i32
    %dma_wait3A_836 = tpu.memref_slice %arg13[%dma_wait3A_834, %dma_wait3A_835] : memref<64x129xf32, #tpu.memory_space<vmem>> -> memref<8x128xf32, #tpu.memory_space<vmem>>
    tpu.wait_dma2 semaphore(%arg21 : memref<!tpu.dma_semaphore, #tpu.memory_space<semaphore_mem>>) src(%dma_wait3A_836 : memref<8x128xf32, #tpu.memory_space<vmem>>) dst(%dma_wait3A_833 : memref<8x128xf32, #tpu.memory_space<hbm>>)
    %mul3A_837 = arith.constant 8 : i32
    %mul3A_838 = arith.muli %select_n3A_715, %mul3A_837 : i32
    %add3A_839 = arith.constant 5 : i32
    %add3A_840 = arith.addi %mul3A_838, %add3A_839 : i32
    %mul3A_841 = arith.constant 128 : i32
    %mul3A_842 = arith.muli %add3A_840, %mul3A_841 : i32
    %add3A_843 = arith.addi %mul3A_842, %select_n3A_731 : i32
    %dma_wait3A_844 = arith.constant 40 : i32
    %dma_wait3A_845 = arith.constant 0 : i32
    %dma_wait3A_846 = tpu.memref_slice %arg13[%dma_wait3A_844, %dma_wait3A_845] : memref<64x129xf32, #tpu.memory_space<vmem>> -> memref<8x128xf32, #tpu.memory_space<vmem>>
    %dma_wait3A_847 = arith.constant 0 : i32
    %dma_wait3A_848 = arith.constant 0 : i32
    %dma_wait3A_849 = tpu.memref_slice %arg4[%add3A_843, %dma_wait3A_847, %dma_wait3A_848] : memref<51200x8x128xf32, #tpu.memory_space<hbm>> -> memref<1x8x128xf32, #tpu.memory_space<hbm>>
    %dma_wait3A_850 = tpu.memref_squeeze %dma_wait3A_849 : memref<1x8x128xf32, #tpu.memory_space<hbm>> -> memref<8x128xf32, #tpu.memory_space<hbm>>
    %dma_wait3A_851 = arith.constant 0 : i32
    %dma_wait3A_852 = arith.constant 0 : i32
    %dma_wait3A_853 = tpu.memref_slice %arg4[%add3A_843, %dma_wait3A_851, %dma_wait3A_852] : memref<51200x8x128xf32, #tpu.memory_space<hbm>> -> memref<1x8x128xf32, #tpu.memory_space<hbm>>
    %dma_wait3A_854 = tpu.memref_squeeze %dma_wait3A_853 : memref<1x8x128xf32, #tpu.memory_space<hbm>> -> memref<8x128xf32, #tpu.memory_space<hbm>>
    %dma_wait3A_855 = arith.constant 40 : i32
    %dma_wait3A_856 = arith.constant 0 : i32
    %dma_wait3A_857 = tpu.memref_slice %arg13[%dma_wait3A_855, %dma_wait3A_856] : memref<64x129xf32, #tpu.memory_space<vmem>> -> memref<8x128xf32, #tpu.memory_space<vmem>>
    tpu.wait_dma2 semaphore(%arg21 : memref<!tpu.dma_semaphore, #tpu.memory_space<semaphore_mem>>) src(%dma_wait3A_857 : memref<8x128xf32, #tpu.memory_space<vmem>>) dst(%dma_wait3A_854 : memref<8x128xf32, #tpu.memory_space<hbm>>)
    %mul3A_858 = arith.constant 8 : i32
    %mul3A_859 = arith.muli %select_n3A_715, %mul3A_858 : i32
    %add3A_860 = arith.constant 6 : i32
    %add3A_861 = arith.addi %mul3A_859, %add3A_860 : i32
    %mul3A_862 = arith.constant 128 : i32
    %mul3A_863 = arith.muli %add3A_861, %mul3A_862 : i32
    %add3A_864 = arith.addi %mul3A_863, %select_n3A_731 : i32
    %dma_wait3A_865 = arith.constant 48 : i32
    %dma_wait3A_866 = arith.constant 0 : i32
    %dma_wait3A_867 = tpu.memref_slice %arg13[%dma_wait3A_865, %dma_wait3A_866] : memref<64x129xf32, #tpu.memory_space<vmem>> -> memref<8x128xf32, #tpu.memory_space<vmem>>
    %dma_wait3A_868 = arith.constant 0 : i32
    %dma_wait3A_869 = arith.constant 0 : i32
    %dma_wait3A_870 = tpu.memref_slice %arg4[%add3A_864, %dma_wait3A_868, %dma_wait3A_869] : memref<51200x8x128xf32, #tpu.memory_space<hbm>> -> memref<1x8x128xf32, #tpu.memory_space<hbm>>
    %dma_wait3A_871 = tpu.memref_squeeze %dma_wait3A_870 : memref<1x8x128xf32, #tpu.memory_space<hbm>> -> memref<8x128xf32, #tpu.memory_space<hbm>>
    %dma_wait3A_872 = arith.constant 0 : i32
    %dma_wait3A_873 = arith.constant 0 : i32
    %dma_wait3A_874 = tpu.memref_slice %arg4[%add3A_864, %dma_wait3A_872, %dma_wait3A_873] : memref<51200x8x128xf32, #tpu.memory_space<hbm>> -> memref<1x8x128xf32, #tpu.memory_space<hbm>>
    %dma_wait3A_875 = tpu.memref_squeeze %dma_wait3A_874 : memref<1x8x128xf32, #tpu.memory_space<hbm>> -> memref<8x128xf32, #tpu.memory_space<hbm>>
    %dma_wait3A_876 = arith.constant 48 : i32
    %dma_wait3A_877 = arith.constant 0 : i32
    %dma_wait3A_878 = tpu.memref_slice %arg13[%dma_wait3A_876, %dma_wait3A_877] : memref<64x129xf32, #tpu.memory_space<vmem>> -> memref<8x128xf32, #tpu.memory_space<vmem>>
    tpu.wait_dma2 semaphore(%arg21 : memref<!tpu.dma_semaphore, #tpu.memory_space<semaphore_mem>>) src(%dma_wait3A_878 : memref<8x128xf32, #tpu.memory_space<vmem>>) dst(%dma_wait3A_875 : memref<8x128xf32, #tpu.memory_space<hbm>>)
    %mul3A_879 = arith.constant 8 : i32
    %mul3A_880 = arith.muli %select_n3A_715, %mul3A_879 : i32
    %add3A_881 = arith.constant 7 : i32
    %add3A_882 = arith.addi %mul3A_880, %add3A_881 : i32
    %mul3A_883 = arith.constant 128 : i32
    %mul3A_884 = arith.muli %add3A_882, %mul3A_883 : i32
    %add3A_885 = arith.addi %mul3A_884, %select_n3A_731 : i32
    %dma_wait3A_886 = arith.constant 56 : i32
    %dma_wait3A_887 = arith.constant 0 : i32
    %dma_wait3A_888 = tpu.memref_slice %arg13[%dma_wait3A_886, %dma_wait3A_887] : memref<64x129xf32, #tpu.memory_space<vmem>> -> memref<8x128xf32, #tpu.memory_space<vmem>>
    %dma_wait3A_889 = arith.constant 0 : i32
    %dma_wait3A_890 = arith.constant 0 : i32
    %dma_wait3A_891 = tpu.memref_slice %arg4[%add3A_885, %dma_wait3A_889, %dma_wait3A_890] : memref<51200x8x128xf32, #tpu.memory_space<hbm>> -> memref<1x8x128xf32, #tpu.memory_space<hbm>>
    %dma_wait3A_892 = tpu.memref_squeeze %dma_wait3A_891 : memref<1x8x128xf32, #tpu.memory_space<hbm>> -> memref<8x128xf32, #tpu.memory_space<hbm>>
    %dma_wait3A_893 = arith.constant 0 : i32
    %dma_wait3A_894 = arith.constant 0 : i32
    %dma_wait3A_895 = tpu.memref_slice %arg4[%add3A_885, %dma_wait3A_893, %dma_wait3A_894] : memref<51200x8x128xf32, #tpu.memory_space<hbm>> -> memref<1x8x128xf32, #tpu.memory_space<hbm>>
    %dma_wait3A_896 = tpu.memref_squeeze %dma_wait3A_895 : memref<1x8x128xf32, #tpu.memory_space<hbm>> -> memref<8x128xf32, #tpu.memory_space<hbm>>
    %dma_wait3A_897 = arith.constant 56 : i32
    %dma_wait3A_898 = arith.constant 0 : i32
    %dma_wait3A_899 = tpu.memref_slice %arg13[%dma_wait3A_897, %dma_wait3A_898] : memref<64x129xf32, #tpu.memory_space<vmem>> -> memref<8x128xf32, #tpu.memory_space<vmem>>
    tpu.wait_dma2 semaphore(%arg21 : memref<!tpu.dma_semaphore, #tpu.memory_space<semaphore_mem>>) src(%dma_wait3A_899 : memref<8x128xf32, #tpu.memory_space<vmem>>) dst(%dma_wait3A_896 : memref<8x128xf32, #tpu.memory_space<hbm>>)
    return
  }
}

</mosaic_0001>

<sc_bundles>
// kernel: kernel.3.cloned.1.call-start
scs
__scs_entry_jumppad:
0x0: {  	(pc) =	sbr.rel $0x88, $3  }
0x1: {  	(tag) =	ssettag $0x0;
	lr =	simm.s32 $0x1  }
0x2: {  	[smem:$0x3F9F] =	sst lr;
	_ =	strace $0xD0000000  }
0x3: {  	_ = 	snop  }
0x4: {  	_ = 	snop  }
0x5: {  	_ = 	snop  }
0x6: {  	_ = 	snop  }
0x7: {  	_ = 	snop  }
__scs_overlays_trampoline_lowered:
0x8: {  	[smem:$0x3FAE] =	sst s0  }
0x9: {  	[smem:$0x3FAF] =	sst s1  }
0xa: {  	[smem:$0x3FB0] =	sst s2  }
0xb: {  	[smem:$0x3FB1] =	sst s3  }
0xc: {  	[smem:$0x3FB2] =	sst s4  }
0xd: {  	[smem:$0x3FB3] =	sst s5  }
0xe: {  	[smem:$0x3FB4] =	sst s6  }
0xf: {  	[smem:$0x3FB5] =	sst s7  }
0x10: {  	[smem:$0x3FB6] =	sst s8  }
0x11: {  	[smem:$0x3FB7] =	sst s9;
	s0 =	simm.s32 @!p0 $0x0  }
0x12: {  	s1 =	sld [smem:$0x3F9D];
	s0 =	simm.s32 @p0 $0x1  }
0x13: {  	[smem:$0x3FB8] =	sst s0;
	s0 =	simm.s32 @!p1 $0x0  }
0x14: {  	s2 =	sld [smem:$0x3F9C];
	s0 =	simm.s32 @p1 $0x1  }
0x15: {  	[smem:$0x3FB9] =	sst s0;
	s0 =	simm.s32 @!p2 $0x0  }
0x16: {  	s3 =	sld [smem:$0x3FDB];
	s0 =	simm.s32 @p2 $0x1  }
0x17: {  	s4 =	simm.s32 $0x1BF5;
	[smem:$0x3FBB] =	sst s0  }
0x18: {  	s0 =	sld [smem:$0x3F9E];
	_ =	swait.ge [sflag:s4], $0x0  }
0x19: {  	s7 =	sld [smem:$0x3F9F]  }
0x1a: {  	s8 =	sadd.s32 $0xFFFFE003, lr  }
0x1b: {  	s9 =	sadd.s32 $0xFFFFFEF7, lr;
	s5 =	simm.s32 $0xFFFFFFFF;
	p2 =	slt.u32 s8, $0xFFFFF086  }
0x1c: {  	p1 =	slt.u32 s9, $0xF7A;
	s5 =	simm.s32 @!p2 $0x0  }
0x1d: {  	s5 =	simm.s32 @p1 $0x1;
	p0 =	seq.s32 s7, s2  }
0x1e: {  	s7 =	smul.u32 @!p0 $0xF7A, s2;
	p2 =	seq.s32 @!p0 s5, $0x0  }
0x1f: {  	s9 =	smul.u32 $0xF7A, s1;
	s8 =	simm.s32 @!p0 $0x1BF5;
	p2 =	por !p2, p0  }
0x20: {  	[sflag:s8] =	ssyncset.s32 @!p0 $0xFFFFF086;
	s6 =	sadd.s32 @!p0 s3, s7;
	s7 =	simm.s32 @!p0 $0x108  }
0x21: {  	s3 =	sadd.s32 s3, s9;
	s6 =	sadd.s32 @!p0 $0x88, s6;
	s7 =	simm.s32 @p2 $0x1082  }
0x22: {  	[simem:s7], [sflag:s8] =	dma.local @!p0 [hbm:s6], $0xF7A  }
0x23: {  	s9 =	sor.u32 $0xD0000000, s2;
	s6 =	simm.s32 $0x108;
	_ =	swait.ge @!p0 [sflag:s8], $0x0  }
0x24: {  	s3 =	sadd.s32 $0x88, s3;
	s6 =	simm.s32 @!p1 $0x1082;
	[sflag:s4] =	ssyncset.s32 $0xFFFFF086  }
0x25: {  	[simem:s6], [sflag:s4] =	dma.local [hbm:s3], $0xF7A  }
0x26: {  	[smem:$0x3F9F] =	sst s1;
	(tag) =	ssettag s2;
	_ =	strace s9  }
0x27: {  	s1 =	sld [smem:$0x3FAF]  }
0x28: {  	s2 =	sld [smem:$0x3FB0]  }
0x29: {  	s4 =	sld [smem:$0x3FB2]  }
0x2a: {  	p0 =	seq.s32 s5, $0x0;
	s5 =	sld [smem:$0x3FB3]  }
0x2b: {  	s6 =	sld [smem:$0x3FB4]  }
0x2c: {  	s7 =	sld [smem:$0x3FB5]  }
0x2d: {  	s3 =	simm.s32 $0x108;
	s8 =	sld [smem:$0x3FB6]  }
0x2e: {  	s3 =	simm.s32 @!p0 $0x1082;
	s9 =	sld [smem:$0x3FB7]  }
0x2f: {  	lr =	sadd.s32 s0, s3;
	s0 =	sld [smem:$0x3FAE]  }
0x30: {  	s3 =	sld [smem:$0x3FB1]  }
0x31: {  	[smem:$0x3FBA] =	sst s10  }
0x32: {  	s10 =	sld [smem:$0x3FB8];
	_ =	sdelay $0x3  }
0x33: {  	p0 =	seq.s32 s10, $0x1;
	s10 =	sld [smem:$0x3FBA];
	_ =	sdelay $0x3  }
0x34: {  	[smem:$0x3FBA] =	sst s10  }
0x35: {  	s10 =	sld [smem:$0x3FB9];
	_ =	sdelay $0x3  }
0x36: {  	p1 =	seq.s32 s10, $0x1;
	s10 =	sld [smem:$0x3FBA];
	_ =	sdelay $0x3  }
0x37: {  	[smem:$0x3FBA] =	sst s10  }
0x38: {  	s10 =	sld [smem:$0x3FBB]  }
0x39: {  	_ = 	snop;
	(pc) =	sbr.ind lr, $3  }
0x3a: {  	_ = 	snop  }
0x3b: {  	_ = 	snop  }
0x3c: {  	p2 =	seq.s32 s10, $0x1;
	s10 =	sld [smem:$0x3FBA]  }
0x3d: {  	_ =	shalt  }
0x3e: {  	_ =	shalt  }
0x3f: {  	_ =	shalt  }
0x40: {  	_ =	shalt  }
0x41: {  	_ =	shalt  }
0x42: {  	_ =	shalt  }
0x43: {  	_ =	shalt  }
0x44: {  	_ =	shalt  }
0x45: {  	_ =	shalt  }
0x46: {  	_ =	shalt  }
0x47: {  	_ =	shalt  }
0x48: {  	_ =	shalt  }
0x49: {  	_ =	shalt  }
0x4a: {  	_ =	shalt  }
0x4b: {  	_ =	shalt  }
0x4c: {  	_ =	shalt  }
0x4d: {  	_ =	shalt  }
0x4e: {  	_ =	shalt  }
0x4f: {  	_ =	shalt  }
0x50: {  	_ =	shalt  }
0x51: {  	_ =	shalt  }
0x52: {  	_ =	shalt  }
0x53: {  	_ =	shalt  }
0x54: {  	_ =	shalt  }
0x55: {  	_ =	shalt  }
0x56: {  	_ =	shalt  }
0x57: {  	_ =	shalt  }
0x58: {  	_ =	shalt  }
0x59: {  	_ =	shalt  }
0x5a: {  	_ =	shalt  }
0x5b: {  	_ =	shalt  }
0x5c: {  	_ =	shalt  }
0x5d: {  	_ =	shalt  }
0x5e: {  	_ =	shalt  }
0x5f: {  	_ =	shalt  }
0x60: {  	_ =	shalt  }
0x61: {  	_ =	shalt  }
0x62: {  	_ =	shalt  }
0x63: {  	_ =	shalt  }
0x64: {  	_ =	shalt  }
0x65: {  	_ =	shalt  }
0x66: {  	_ =	shalt  }
0x67: {  	_ =	shalt  }
0x68: {  	_ =	shalt  }
0x69: {  	_ =	shalt  }
0x6a: {  	_ =	shalt  }
0x6b: {  	_ =	shalt  }
0x6c: {  	_ =	shalt  }
0x6d: {  	_ =	shalt  }
0x6e: {  	_ =	shalt  }
0x6f: {  	_ =	shalt  }
0x70: {  	_ =	shalt  }
0x71: {  	_ =	shalt  }
0x72: {  	_ =	shalt  }
0x73: {  	_ =	shalt  }
0x74: {  	_ =	shalt  }
0x75: {  	_ =	shalt  }
0x76: {  	_ =	shalt  }
0x77: {  	_ =	shalt  }
0x78: {  	_ =	shalt  }
0x79: {  	_ =	shalt  }
0x7a: {  	_ =	shalt  }
0x7b: {  	_ =	shalt  }
0x7c: {  	_ =	shalt  }
0x7d: {  	_ =	shalt  }
0x7e: {  	_ =	shalt  }
0x7f: {  	_ =	shalt  }
0x80: {  	_ =	shalt  }
0x81: {  	_ =	shalt  }
0x82: {  	_ =	shalt  }
0x83: {  	_ =	shalt  }
0x84: {  	_ =	shalt  }
0x85: {  	_ =	shalt  }
0x86: {  	_ =	shalt  }
0x87: {  	_ =	shalt  }
.Lfunc_end0:
.L_simem_size_0:
called_computation.1_lowered:
.L_overlay_start_0:
0x88: {  	s2 =	sld [smem:$0x3FD9]  }
0x89: {  	s3 =	sld [smem:$0x3FFE];
	_ =	sdelay $0x1  }
0x8a: {  	s1 =	srdreg.scid  }
0x8b: {  	s0 =	sand.u32 $0x1, s1  }
0x8c: {  	s17 =	sshll.u32 s0, $0xA;
	s2 =	sadd.s32 s3, s2  }
0x8d: {  	s2 =	sadd.s32 s2, s17  }
0x8e: {  	[smem:$0x3FC6] =	sst s2  }
0x8f: {  	_ = 	snop  }
0x90: {  	s2 =	sld [smem:$0x3FD0];
	(tm) =	ssettm $0x1  }
0x91: {  	s18 =	sld [smem:$0x3FFB];
	_ =	sdelay $0x3  }
0x92: {  	_ =	strace s18  }
0x93: {  	s3 =	sld [smem:$0x3FFC];
	_ =	sdelay $0x3  }
0x94: {  	_ =	strace s3  }
0x95: {  	s3 =	sld [smem:$0x3FFD];
	_ =	sdelay $0x3  }
0x96: {  	_ =	strace s3  }
0x97: {  	_ =	strace $0x8FFFFFFF  }
0x98: {  	s19 =	sld [smem:$0x3FDB];
	_ =	sdelay $0x1  }
0x99: {  	s4 =	simm.s32 $_scs_section_size  }
0x9a: {  	s5 =	simm.s32 $_size__tile_overlayer_lowered;
	s6 =	simm.s32 $_tile_overlayer_lowered  }
0x9b: {  	s22 =	simm.s32 $0x1BFF;
	s21 =	sshll.u32 s6, $0x1;
	s3 =	sadd.s32 s4, s19  }
0x9c: {  	s7 =	simm.s32 $0x0;
	s20 =	sshll.u32 s5, $0x1;
	s5 =	sadd.s32 s21, s3  }
0x9d: {  	[timem:s7], [sflag:s22] =	dma.local [hbm:s5], s20  }
0x9e: {  	_ =	swait.ge [sflag:s22], s20  }
0x9f: {  	s4 =	ssub.s32 $0x0, s20;
	[sflag:s22] =	ssyncset.done $0x0  }
0xa0: {  	[sflag:s22] =	ssyncadd.s32 s4;
	_ =	sdelay $0x1  }
0xa1: {  	s23 =	simm.s32 $0x1B8B  }
0xa2: {  	_ =	swait.ge [sflag:s23], $0x1  }
0xa3: {  	[sflag:s23] =	ssyncset.done $0x0  }
0xa4: {  	s25 =	simm.s32 $0x1B8E;
	s24 =	sld [smem:$0x3FFE];
	[sflag:s23] =	ssyncadd.s32 $0xFFFFFFFF  }
0xa5: {  	s26 =	simm.s32 $execute0_lowered;
	[smem:$0x3FD2] =	sst s25  }
0xa6: {  	s5 =	sshll.u32 s26, $0x1;
	_ =	strace $0x80000049;
	[dreg:$0x1] =	wrdreg $0xFFFFFFFF  }
0xa7: {  	s28 =	simm.s32 $_size_execute0_lowered;
	s3 =	sadd.s32 s3, s5;
	[dreg:$0x0] =	wrdreg $0x0  }
0xa8: {  	s5 =	sshll.u32 s28, $0x1;
	[dreg:$0x2] =	wrdreg s3  }
0xa9: {  	[dreg:$0x3] =	wrdreg s5  }
0xaa: {  	[dreg:$0x4] =	wrdreg $0xC0  }
0xab: {  	_ =	task [dreg:s7], $0x5FFFF  }
0xac: {  	[dreg:$0x1] =	wrdreg $0xFFFFFFFF  }
0xad: {  	[dreg:$0x0] =	wrdreg $0x60  }
0xae: {  	[dreg:$0x2] =	wrdreg s24  }
0xaf: {  	[dreg:$0x3] =	wrdreg s2  }
0xb0: {  	[dreg:$0x4] =	wrdreg $0x9  }
0xb1: {  	_ =	task.clear_ibuf [dreg:s7], $0x5FFFF;
	_ =	strace $0x90000049  }
0xb2: {  	s29 =	simm.s32 $0x9;
	_ =	strace $0x8000004B  }
0xb3: {  	_ =	swait.ge [sflag:s29], $0x1  }
0xb4: {  	[sflag:s29] =	ssyncadd.s32 $0xFFFFFFFF  }
0xb5: {  	_ =	strace $0x9000004B  }
0xb6: {  	_ =	sfence  }
0xb7: {  	s30 =	sld [smem:$0x0];
	_ =	sdelay $0x2  }
0xb8: {  	s31 =	sshll.u32 s1, $0xD;
	s1 =	sshrl.u32 s1, $0x2  }
0xb9: {  	s3 =	sand.u32 $0x4000, s31;
	s1 =	sadd.s32 s1, s30  }
0xba: {  	s0 =	sor.u32 s3, s0;
	s1 =	sshll.u32 s1, $0x11  }
0xbb: {  	s0 =	sor.u32 s1, s0  }
0xbc: {  	s0 =	sadd.s32 $0x8F2B, s0  }
0xbd: {  	[sflag:s0] =	ssyncadd.remote.s32 $0x1  }
0xbe: {  	_ =	sfence.sel $0xFFFF  }
0xbf: {  	[dreg:$0x0] =	wrdreg $0xFFFFFFFF;
	(pc) =	sbr.abs _section_cstart, $3  }
0xc0: {  	[dreg:$0x1] =	wrdreg $0xFFFFFFFF  }
0xc1: {  	_ =	task.clear_ibuf [dreg:s7], $0x2FFFF;
	_ =	strace $0x9FFFFFFF  }
0xc2: {  	(tm) =	ssettm $0x7FFFFFFF  }
0xc3: {  	_ =	shalt  }
tec
execute0_lowered:
.L_overlay_start_1:
0x0: {  	(tag) =	ssettag $0x1  }
0x1: {  	s0 =	srdreg.scid  }
0x2: {  	s2 =	stileid.u32;
	s1 =	rddreg [dreg:$0x0]  }
0x3: {  	s23 =	simm.s32 $0x1;
	s24 =	simm.s32 $0xE400;
	s21 =	simm.s32 $0x2  }
0x4: {  	s25 =	simm.s32 $0x3;
	s26 =	simm.s32 $0x12800;
	s19 =	simm.s32 $0x4  }
0x5: {  	s20 =	simm.s32 $0x14A00;
	s16 =	simm.s32 $0x16A68;
	s14 =	simm.s32 $0x16AF0  }
0x6: {  	s15 =	simm.s32 $0x16B78;
	s17 =	simm.s32 $0x0;
	s18 =	simm.s32 $0x80  }
0x7: {  	s0 =	sand.u32 $0x1, s0;
	s3 =	sshll.u32 s2, $0x1;
	s2 =	rddreg [dreg:$0x1]  }
0x8: {  	s5 =	sor.u32 s0, s3;
	s3 =	simm.s32 $0x0;
	s0 =	ssub.s32 $0x2, s0  }
0x9: {  	s8 =	sadd.s32 $0x8000, s2;
	s9 =	sadd.s32 $0xC000, s2;
	s10 =	sadd.s32 $0x10000, s2  }
0xa: {  	s11 =	sadd.s32 $0x14000, s2;
	s12 =	sadd.s32 $0x18000, s2;
	s4 =	smul.u32 $0xC80, s5  }
.Ltmp0:
0xb: {  	s13 =	sadd.s32 $0x1C000, s2;
	s7 =	sshrl.u32 s0, $0x1;
	(pc) =	sbr.rel .LBB2_1-.Ltmp0, $4  }
0xc: {  	v0 =	vlaneseq.u32;
	[smem:$0x7FF] =	sst s3;
	s5 =	smul.u32 $0xC8, s5;
	s0 =	ssub.s32 s0, s7  }
0xd: {  	v0 =	vmul.u32 $0x88, v0;
	_ =	strace $0x8000004A;
	s6 =	sadd.s32 s4, s1;
	s0 =	smax.u32 s0, $0x1  }
0xe: {  	s7 =	sadd.s32 $0x4000, s2;
	s31 =	sadd.s32 $0xF42E00, s6;
	[dreg:$0x4] =	wrdreg s0  }
0xf: {  	v1 =	vadd.s32 $0x880, v0;
	v2 =	vadd.s32 $0x1100, v0;
	v3 =	vadd.s32 $0x1980, v0;
	s4 =	sadd.s32 $0xF5BE00, s1;
	s6 =	simm.s32 $0x10600;
	[dreg:$0x3] =	wrdreg s31  }
.LBB2_12:
0x10: {  	s0 =	simm.s32 $0x5  }
0x11: {  	_ =	swait.ge [sflag:s0], $0x400  }
0x12: {  	[sflag:s0] =	ssyncset.done $0x0  }
0x13: {  	[sflag:s0] =	ssyncadd.s32 $0xFFFFFC00  }
0x14: {  	_ =	swait.ge [sflag:s0], $0x400  }
0x15: {  	[sflag:s0] =	ssyncset.done $0x0  }
0x16: {  	[sflag:s0] =	ssyncadd.s32 $0xFFFFFC00  }
0x17: {  	_ =	swait.ge [sflag:s0], $0x400  }
0x18: {  	[sflag:s0] =	ssyncset.done $0x0  }
0x19: {  	[sflag:s0] =	ssyncadd.s32 $0xFFFFFC00  }
0x1a: {  	_ =	swait.ge [sflag:s0], $0x400  }
0x1b: {  	[sflag:s0] =	ssyncset.done $0x0  }
0x1c: {  	[sflag:s0] =	ssyncadd.s32 $0xFFFFFC00  }
0x1d: {  	_ =	swait.ge [sflag:s0], $0x400  }
0x1e: {  	[sflag:s0] =	ssyncset.done $0x0  }
0x1f: {  	[sflag:s0] =	ssyncadd.s32 $0xFFFFFC00  }
0x20: {  	_ =	swait.ge [sflag:s0], $0x400  }
0x21: {  	[sflag:s0] =	ssyncset.done $0x0  }
0x22: {  	[sflag:s0] =	ssyncadd.s32 $0xFFFFFC00  }
0x23: {  	_ =	swait.ge [sflag:s0], $0x400  }
0x24: {  	[sflag:s0] =	ssyncset.done $0x0  }
0x25: {  	[sflag:s0] =	ssyncadd.s32 $0xFFFFFC00  }
0x26: {  	_ =	swait.ge [sflag:s0], $0x400  }
0x27: {  	[sflag:s0] =	ssyncset.done $0x0  }
0x28: {  	s29 =	simm.s32 $0x6;
	[sflag:s0] =	ssyncadd.s32 $0xFFFFFC00  }
0x29: {  	_ =	swait.ge [sflag:s29], $0x400  }
0x2a: {  	[sflag:s29] =	ssyncset.done $0x0  }
0x2b: {  	[sflag:s29] =	ssyncadd.s32 $0xFFFFFC00  }
0x2c: {  	_ =	swait.ge [sflag:s29], $0x400  }
0x2d: {  	[sflag:s29] =	ssyncset.done $0x0  }
0x2e: {  	[sflag:s29] =	ssyncadd.s32 $0xFFFFFC00  }
0x2f: {  	_ =	swait.ge [sflag:s29], $0x400  }
0x30: {  	[sflag:s29] =	ssyncset.done $0x0  }
0x31: {  	[sflag:s29] =	ssyncadd.s32 $0xFFFFFC00  }
0x32: {  	_ =	swait.ge [sflag:s29], $0x400  }
0x33: {  	[sflag:s29] =	ssyncset.done $0x0  }
0x34: {  	[sflag:s29] =	ssyncadd.s32 $0xFFFFFC00  }
0x35: {  	_ =	swait.ge [sflag:s29], $0x400  }
0x36: {  	[sflag:s29] =	ssyncset.done $0x0  }
0x37: {  	[sflag:s29] =	ssyncadd.s32 $0xFFFFFC00  }
0x38: {  	_ =	swait.ge [sflag:s29], $0x400  }
0x39: {  	[sflag:s29] =	ssyncset.done $0x0  }
0x3a: {  	[sflag:s29] =	ssyncadd.s32 $0xFFFFFC00  }
0x3b: {  	_ =	swait.ge [sflag:s29], $0x400  }
0x3c: {  	[sflag:s29] =	ssyncset.done $0x0  }
0x3d: {  	[sflag:s29] =	ssyncadd.s32 $0xFFFFFC00  }
0x3e: {  	_ =	swait.ge [sflag:s29], $0x400  }
0x3f: {  	[sflag:s29] =	ssyncset.done $0x0  }
0x40: {  	s30 =	simm.s32 $0x7;
	[sflag:s29] =	ssyncadd.s32 $0xFFFFFC00  }
0x41: {  	_ =	swait.ge [sflag:s30], $0x400  }
0x42: {  	[sflag:s30] =	ssyncset.done $0x0  }
0x43: {  	[sflag:s30] =	ssyncadd.s32 $0xFFFFFC00  }
0x44: {  	_ =	swait.ge [sflag:s30], $0x400  }
0x45: {  	[sflag:s30] =	ssyncset.done $0x0  }
0x46: {  	[sflag:s30] =	ssyncadd.s32 $0xFFFFFC00  }
0x47: {  	_ =	swait.ge [sflag:s30], $0x400  }
0x48: {  	[sflag:s30] =	ssyncset.done $0x0  }
0x49: {  	[sflag:s30] =	ssyncadd.s32 $0xFFFFFC00  }
0x4a: {  	_ =	swait.ge [sflag:s30], $0x400  }
0x4b: {  	[sflag:s30] =	ssyncset.done $0x0  }
0x4c: {  	[sflag:s30] =	ssyncadd.s32 $0xFFFFFC00  }
0x4d: {  	_ =	swait.ge [sflag:s30], $0x400  }
0x4e: {  	[sflag:s30] =	ssyncset.done $0x0  }
0x4f: {  	[sflag:s30] =	ssyncadd.s32 $0xFFFFFC00  }
0x50: {  	_ =	swait.ge [sflag:s30], $0x400  }
0x51: {  	[sflag:s30] =	ssyncset.done $0x0  }
0x52: {  	[sflag:s30] =	ssyncadd.s32 $0xFFFFFC00  }
0x53: {  	_ =	swait.ge [sflag:s30], $0x400  }
0x54: {  	[sflag:s30] =	ssyncset.done $0x0  }
0x55: {  	[sflag:s30] =	ssyncadd.s32 $0xFFFFFC00  }
0x56: {  	_ =	swait.ge [sflag:s30], $0x400  }
0x57: {  	[sflag:s30] =	ssyncset.done $0x0  }
0x58: {  	s1 =	simm.s32 $0x8;
	[sflag:s30] =	ssyncadd.s32 $0xFFFFFC00  }
0x59: {  	_ =	swait.ge [sflag:s1], $0x400  }
0x5a: {  	[sflag:s1] =	ssyncset.done $0x0  }
0x5b: {  	[sflag:s1] =	ssyncadd.s32 $0xFFFFFC00  }
0x5c: {  	_ =	swait.ge [sflag:s1], $0x400  }
0x5d: {  	[sflag:s1] =	ssyncset.done $0x0  }
0x5e: {  	[sflag:s1] =	ssyncadd.s32 $0xFFFFFC00  }
0x5f: {  	_ =	swait.ge [sflag:s1], $0x400  }
0x60: {  	[sflag:s1] =	ssyncset.done $0x0  }
0x61: {  	[sflag:s1] =	ssyncadd.s32 $0xFFFFFC00  }
0x62: {  	_ =	swait.ge [sflag:s1], $0x400  }
0x63: {  	[sflag:s1] =	ssyncset.done $0x0  }
0x64: {  	[sflag:s1] =	ssyncadd.s32 $0xFFFFFC00  }
0x65: {  	_ =	swait.ge [sflag:s1], $0x400  }
0x66: {  	[sflag:s1] =	ssyncset.done $0x0  }
0x67: {  	[sflag:s1] =	ssyncadd.s32 $0xFFFFFC00  }
0x68: {  	_ =	swait.ge [sflag:s1], $0x400  }
0x69: {  	[sflag:s1] =	ssyncset.done $0x0  }
0x6a: {  	[sflag:s1] =	ssyncadd.s32 $0xFFFFFC00  }
0x6b: {  	_ =	swait.ge [sflag:s1], $0x400  }
0x6c: {  	[sflag:s1] =	ssyncset.done $0x0  }
0x6d: {  	[sflag:s1] =	ssyncadd.s32 $0xFFFFFC00  }
0x6e: {  	_ =	swait.ge [sflag:s1], $0x400  }
0x6f: {  	s17 =	rddreg [dreg:$0x5]  }
0x70: {  	s31 =	rddreg [dreg:$0x4];
	s17 =	sadd.s32 $0x1, s17  }
0x71: {  	p0 =	sne.s32 s17, s31  }
.Ltmp1:
0x72: {  	_ = 	snop;
	(pc) =	sbr.rel @!p0 .LBB2_13-.Ltmp1, $3  }
0x73: {  	_ =	sdelay $0x1  }
0x74: {  	[sflag:s1] =	ssyncset.done $0x0  }
0x75: {  	[sflag:s1] =	ssyncadd.s32 $0xFFFFFC00  }
.LBB2_1:
0x76: {  	[dreg:$0x5] =	wrdreg s17  }
0x77: {  	s0 =	rddreg [dreg:$0x3];
	s17 =	simm.s32 $0x9  }
0x78: {  	[tilespmem:s3], [sflag:$0x9] =	stream.linear.gather [hbm4b:s0+s3], $0x6400, $0x38;
	[tilespmem:$0x16C00] =	vst v63  }
0x79: {  	_ =	swait.ge [sflag:s17], $0x6400  }
0x7a: {  	[sflag:s17] =	ssyncset.done $0x0  }
0x7b: {  	s1 =	simm.s32 $0x6400;
	s0 =	simm.s32 $0x80;
	[sflag:s17] =	ssyncadd.s32 $0xFFFF9C00  }
0x7c: {  	[tilespmem:s1], [sflag:$0x1] =	stream.indirect.gather [hbm4b:s4+s0], $0x40, s3, s0, $0xb8;
	[tilespmem:$0x16C00] =	vst v63  }
0x7d: {  	s22 =	simm.s32 $0x8400  }
0x7e: {  	[tilespmem:s22], [sflag:$0x2] =	stream.indirect.gather [hbm4b:s4+s0], $0x40, s0, s0, $0xb8;
	[tilespmem:$0x16C00] =	vst v63  }
0x7f: {  	s28 =	simm.s32 $0x100;
	s29 =	simm.s32 $0xA400  }
0x80: {  	[tilespmem:s29], [sflag:$0x3] =	stream.indirect.gather [hbm4b:s4+s0], $0x40, s28, s0, $0xb8;
	[tilespmem:$0x16C00] =	vst v63  }
0x81: {  	s30 =	simm.s32 $0x180;
	s31 =	simm.s32 $0xC400;
	s22 =	simm.s32 $0x0  }
0x82: {  	[tilespmem:s31], [sflag:$0x4] =	stream.indirect.gather [hbm4b:s4+s0], $0x40, s30, s0, $0xb8;
	[tilespmem:$0x16C00] =	vst v63  }
.LBB2_2:
0x83: {  	_ =	swait.ge [sflag:s23], $0x2000  }
0x84: {  	p0 =	seq.s32 s22, $0x0;
	[sflag:s23] =	ssyncset.done $0x0  }
0x85: {  	s1 =	simm.s32 @!p0 $0x5;
	[sflag:s23] =	ssyncadd.s32 $0xFFFFE000  }
0x86: {  	_ =	swait.ge @!p0 [sflag:s1], $0x400  }
0x87: {  	[sflag:s1] =	ssyncset.done @!p0 $0x0  }
0x88: {  	[sflag:s1] =	ssyncadd.s32 @!p0 $0xFFFFFC00  }
0x89: {  	_ =	swait.ge @!p0 [sflag:s1], $0x400  }
0x8a: {  	[sflag:s1] =	ssyncset.done @!p0 $0x0  }
0x8b: {  	[sflag:s1] =	ssyncadd.s32 @!p0 $0xFFFFFC00  }
0x8c: {  	_ =	swait.ge @!p0 [sflag:s1], $0x400  }
0x8d: {  	[sflag:s1] =	ssyncset.done @!p0 $0x0  }
0x8e: {  	[sflag:s1] =	ssyncadd.s32 @!p0 $0xFFFFFC00  }
0x8f: {  	_ =	swait.ge @!p0 [sflag:s1], $0x400  }
0x90: {  	[sflag:s1] =	ssyncset.done @!p0 $0x0  }
0x91: {  	[sflag:s1] =	ssyncadd.s32 @!p0 $0xFFFFFC00  }
0x92: {  	_ =	swait.ge @!p0 [sflag:s1], $0x400  }
0x93: {  	[sflag:s1] =	ssyncset.done @!p0 $0x0  }
0x94: {  	[sflag:s1] =	ssyncadd.s32 @!p0 $0xFFFFFC00  }
0x95: {  	_ =	swait.ge @!p0 [sflag:s1], $0x400  }
0x96: {  	[sflag:s1] =	ssyncset.done @!p0 $0x0  }
0x97: {  	[sflag:s1] =	ssyncadd.s32 @!p0 $0xFFFFFC00  }
0x98: {  	_ =	swait.ge @!p0 [sflag:s1], $0x400  }
0x99: {  	[sflag:s1] =	ssyncset.done @!p0 $0x0  }
0x9a: {  	[sflag:s1] =	ssyncadd.s32 @!p0 $0xFFFFFC00  }
0x9b: {  	_ =	swait.ge @!p0 [sflag:s1], $0x400  }
0x9c: {  	[sflag:s1] =	ssyncset.done @!p0 $0x0  }
0x9d: {  	s29 =	simm.s32 $0x6480;
	[sflag:s1] =	ssyncadd.s32 @!p0 $0xFFFFFC00  }
0x9e: {  	v4 =	vld [tilespmem:s29+$0x70]  }
0x9f: {  	v6 =	vld [tilespmem:s29+$0x60]  }
0xa0: {  	v5 =	vld [tilespmem:s29+$0x50]  }
0xa1: {  	v7 =	vld [tilespmem:s29+$0x40]  }
0xa2: {  	v8 =	vld [tilespmem:s29+$0x30]  }
0xa3: {  	v9 =	vld [tilespmem:s29+$0x20]  }
0xa4: {  	v10 =	vld [tilespmem:s29+$0x10]  }
0xa5: {  	s31 =	simm.s32 $0x0;
	v11 =	vld [tilespmem:s29+$0x0]  }
0xa6: {  	v13 =	vmov s31;
	v12 =	vld [tilespmem:s29+$0xFFFFFFF0]  }
0xa7: {  	v13 =	vand.u32 $0x7C, v13;
	v14 =	vld [tilespmem:s29+$0xFFFFFFE0]  }
0xa8: {  	v17 =	vadd.s32 v0, v13;
	v16 =	vld [tilespmem:s29+$0xFFFFFF80]  }
0xa9: {  	s0 =	simm.s32 $0x1;
	v19 =	vadd.s32 v1, v13;
	v18 =	vld [tilespmem:s29+$0xFFFFFF90]  }
0xaa: {  	v21 =	vmov s0;
	v22 =	vadd.s32 v2, v13;
	v20 =	vld [tilespmem:s29+$0xFFFFFFA0]  }
0xab: {  	v21 =	vand.u32 $0x7D, v21;
	v13 =	vadd.s32 v3, v13;
	v23 =	vld [tilespmem:s29+$0xFFFFFFB0]  }
0xac: {  	v25 =	vadd.s32 v0, v21;
	v24 =	vld [tilespmem:s29+$0xFFFFFFC0]  }
0xad: {  	s17 =	simm.s32 $0x2;
	v51 =	vadd.s32 v1, v21;
	v15 =	vld [tilespmem:s29+$0xFFFFFFD0];
	[tilespmem:v17+s24+$0x0] =	vst.idx.msk $0xffff, v16  }
0xae: {  	v52 =	vmov s17;
	v53 =	vadd.s32 v2, v21;
	[tilespmem:v19+s24+$0x0] =	vst.idx.msk $0xffff, v18  }
0xaf: {  	v54 =	vadd.s32 v3, v21;
	v17 =	vand.u32 $0x7E, v52;
	[tilespmem:v22+s24+$0x0] =	vst.idx.msk $0xffff, v20  }
0xb0: {  	v55 =	vadd.s32 v0, v17;
	[tilespmem:v13+s24+$0x0] =	vst.idx.msk $0xffff, v23  }
0xb1: {  	s31 =	simm.s32 $0x3;
	v56 =	vadd.s32 v1, v17;
	[tilespmem:v25+s24+$0x0] =	vst.idx.msk $0xffff, v24  }
0xb2: {  	v57 =	vmov s31;
	v58 =	vadd.s32 v2, v17;
	[tilespmem:v51+s24+$0x0] =	vst.idx.msk $0xffff, v15  }
0xb3: {  	v60 =	vand.u32 $0x7F, v57;
	v59 =	vadd.s32 v3, v17;
	[tilespmem:v53+s24+$0x0] =	vst.idx.msk $0xffff, v14  }
0xb4: {  	v61 =	vadd.s32 v0, v60;
	[tilespmem:v54+s24+$0x0] =	vst.idx.msk $0xffff, v12  }
0xb5: {  	v62 =	vadd.s32 v1, v60;
	[tilespmem:v55+s24+$0x0] =	vst.idx.msk $0xffff, v11  }
0xb6: {  	[tilespmem:v56+s24+$0x0] =	vst.idx.msk $0xffff, v10  }
0xb7: {  	[tilespmem:v58+s24+$0x0] =	vst.idx.msk $0xffff, v9  }
0xb8: {  	v63 =	vadd.s32 v2, v60;
	[tilespmem:v59+s24+$0x0] =	vst.idx.msk $0xffff, v8  }
0xb9: {  	[tilespmem:v61+s24+$0x0] =	vst.idx.msk $0xffff, v7  }
0xba: {  	[tilespmem:v62+s24+$0x0] =	vst.idx.msk $0xffff, v5;
	v5 =	vadd.s32 v3, v60;
	_ =	sdelay $0x2  }
0xbb: {  	s28 =	sshll.u32 s22, $0x2;
	s30 =	simm.s32 $0x4;
	[tilespmem:v63+s24+$0x0] =	vst.idx.msk $0xffff, v6  }
.LBB2_3:
0xbc: {  	p1 =	sne.s32 s30, $0x7C  }
0xbd: {  	[tilespmem:v5+s24+$0x0] =	vst.idx.msk $0xffff, v4;
	s29 =	sadd.s32 $0x100, s29;
	s1 =	smov.u32 s30;
	s30 =	sadd.s32 $0x4, s30  }
0xbe: {  	v4 =	vld [tilespmem:s29+$0x70]  }
0xbf: {  	v6 =	vld [tilespmem:s29+$0x60]  }
0xc0: {  	v7 =	vld [tilespmem:s29+$0x50]  }
0xc1: {  	v8 =	vld [tilespmem:s29+$0x40]  }
0xc2: {  	v9 =	vld [tilespmem:s29+$0x30]  }
0xc3: {  	v5 =	vld [tilespmem:s29+$0x20]  }
0xc4: {  	v10 =	vld [tilespmem:s29+$0x10]  }
0xc5: {  	v11 =	vld [tilespmem:s29+$0x0]  }
0xc6: {  	v12 =	vld [tilespmem:s29+$0xFFFFFFF0]  }
0xc7: {  	v13 =	vmov s1;
	v14 =	vld [tilespmem:s29+$0xFFFFFFE0]  }
0xc8: {  	v13 =	vand.u32 $0x7C, v13;
	v15 =	vld [tilespmem:s29+$0xFFFFFFD0]  }
0xc9: {  	v17 =	vadd.s32 v0, v13;
	v16 =	vld [tilespmem:s29+$0xFFFFFF80]  }
0xca: {  	s31 =	sadd.s32 $0x1, s1;
	v19 =	vadd.s32 v1, v13;
	v18 =	vld [tilespmem:s29+$0xFFFFFF90]  }
0xcb: {  	v21 =	vmov s31;
	v22 =	vadd.s32 v2, v13;
	v20 =	vld [tilespmem:s29+$0xFFFFFFA0]  }
0xcc: {  	v13 =	vadd.s32 v3, v13;
	v21 =	vand.u32 $0x7D, v21;
	v23 =	vld [tilespmem:s29+$0xFFFFFFB0]  }
0xcd: {  	v25 =	vadd.s32 v0, v21;
	v24 =	vld [tilespmem:s29+$0xFFFFFFC0]  }
0xce: {  	s31 =	sadd.s32 $0x2, s1;
	[tilespmem:v17+s24+$0x0] =	vst.idx.msk $0xffff, v16;
	v16 =	vadd.s32 v1, v21  }
0xcf: {  	v17 =	vmov s31;
	[tilespmem:v19+s24+$0x0] =	vst.idx.msk $0xffff, v18;
	v18 =	vadd.s32 v2, v21  }
0xd0: {  	v19 =	vadd.s32 v3, v21;
	v17 =	vand.u32 $0x7E, v17;
	[tilespmem:v22+s24+$0x0] =	vst.idx.msk $0xffff, v20  }
0xd1: {  	[tilespmem:v13+s24+$0x0] =	vst.idx.msk $0xffff, v23;
	v13 =	vadd.s32 v0, v17  }
0xd2: {  	s1 =	sadd.s32 $0x3, s1;
	v20 =	vadd.s32 v1, v17;
	[tilespmem:v25+s24+$0x0] =	vst.idx.msk $0xffff, v24  }
0xd3: {  	v21 =	vmov s1;
	[tilespmem:v16+s24+$0x0] =	vst.idx.msk $0xffff, v15;
	v15 =	vadd.s32 v2, v17  }
0xd4: {  	v16 =	vand.u32 $0x7F, v21;
	[tilespmem:v18+s24+$0x0] =	vst.idx.msk $0xffff, v14;
	v14 =	vadd.s32 v3, v17  }
0xd5: {  	[tilespmem:v19+s24+$0x0] =	vst.idx.msk $0xffff, v12;
	v12 =	vadd.s32 v0, v16  }
0xd6: {  	[tilespmem:v13+s24+$0x0] =	vst.idx.msk $0xffff, v11;
	v11 =	vadd.s32 v1, v16  }
0xd7: {  	[tilespmem:v20+s24+$0x0] =	vst.idx.msk $0xffff, v10;
	v10 =	vadd.s32 v2, v16  }
.Ltmp2:
0xd8: {  	[tilespmem:v15+s24+$0x0] =	vst.idx.msk $0xffff, v5;
	v5 =	vadd.s32 v3, v16;
	(pc) =	sbr.rel @p1 .LBB2_3-.Ltmp2, $4  }
0xd9: {  	[tilespmem:v14+s24+$0x0] =	vst.idx.msk $0xffff, v9  }
0xda: {  	[tilespmem:v12+s24+$0x0] =	vst.idx.msk $0xffff, v8  }
0xdb: {  	[tilespmem:v11+s24+$0x0] =	vst.idx.msk $0xffff, v7  }
0xdc: {  	[tilespmem:v10+s24+$0x0] =	vst.idx.msk $0xffff, v6  }
0xdd: {  	s1 =	sadd.s32 s5, s28  }
0xde: {  	s29 =	sshll.u32 s1, $0xA;
	s1 =	sshll.u32 s1, $0x7  }
0xdf: {  	s29 =	sand.u32 $0x7FFE0000, s29;
	s1 =	sand.u32 $0x3E00, s1  }
0xe0: {  	s29 =	sor.u32 s1, s29  }
0xe1: {  	[tilespmem:v5+s24+$0x0] =	vst.idx.msk $0xffff, v4;
	s1 =	sadd.s32 s2, s29  }
0xe2: {  	[hbm4b:s1+s3] =	stream.linear.scatter [tilespmem:s24], [sflag:$0x5], $0x80, $0x38;
	[tilespmem:$0x16C00] =	vst v63  }
0xe3: {  	s0 =	simm.s32 $0xE488;
	s30 =	sadd.s32 $0x10, s1  }
0xe4: {  	[hbm4b:s30+s3] =	stream.linear.scatter [tilespmem:s0], [sflag:$0x5], $0x80, $0x38;
	[tilespmem:$0x16C00] =	vst v63  }
0xe5: {  	s17 =	simm.s32 $0xE510;
	s30 =	sadd.s32 $0x20, s1  }
0xe6: {  	[hbm4b:s30+s3] =	stream.linear.scatter [tilespmem:s17], [sflag:$0x5], $0x80, $0x38;
	[tilespmem:$0x16C00] =	vst v63  }
0xe7: {  	s30 =	sadd.s32 $0x30, s1;
	s17 =	simm.s32 $0xE598  }
0xe8: {  	[hbm4b:s30+s3] =	stream.linear.scatter [tilespmem:s17], [sflag:$0x5], $0x80, $0x38;
	[tilespmem:$0x16C00] =	vst v63  }
0xe9: {  	s30 =	sadd.s32 $0x40, s1;
	s17 =	simm.s32 $0xE620  }
0xea: {  	[hbm4b:s30+s3] =	stream.linear.scatter [tilespmem:s17], [sflag:$0x5], $0x80, $0x38;
	[tilespmem:$0x16C00] =	vst v63  }
0xeb: {  	s30 =	sadd.s32 $0x50, s1;
	s17 =	simm.s32 $0xE6A8  }
0xec: {  	[hbm4b:s30+s3] =	stream.linear.scatter [tilespmem:s17], [sflag:$0x5], $0x80, $0x38;
	[tilespmem:$0x16C00] =	vst v63  }
0xed: {  	s30 =	sadd.s32 $0x60, s1;
	s17 =	simm.s32 $0xE730  }
0xee: {  	[hbm4b:s30+s3] =	stream.linear.scatter [tilespmem:s17], [sflag:$0x5], $0x80, $0x38;
	[tilespmem:$0x16C00] =	vst v63  }
0xef: {  	s1 =	sadd.s32 $0x70, s1;
	s17 =	simm.s32 $0xE7B8  }
0xf0: {  	[hbm4b:s1+s3] =	stream.linear.scatter [tilespmem:s17], [sflag:$0x5], $0x80, $0x38;
	[tilespmem:$0x16C00] =	vst v63  }
0xf1: {  	s1 =	sadd.s32 s29, s7;
	s17 =	simm.s32 $0xE840  }
0xf2: {  	[hbm4b:s1+s3] =	stream.linear.scatter [tilespmem:s17], [sflag:$0x5], $0x80, $0x38;
	[tilespmem:$0x16C00] =	vst v63  }
0xf3: {  	s30 =	sadd.s32 $0x10, s1;
	s17 =	simm.s32 $0xE8C8  }
0xf4: {  	[hbm4b:s30+s3] =	stream.linear.scatter [tilespmem:s17], [sflag:$0x5], $0x80, $0x38;
	[tilespmem:$0x16C00] =	vst v63  }
0xf5: {  	s30 =	sadd.s32 $0x20, s1;
	s17 =	simm.s32 $0xE950  }
0xf6: {  	[hbm4b:s30+s3] =	stream.linear.scatter [tilespmem:s17], [sflag:$0x5], $0x80, $0x38;
	[tilespmem:$0x16C00] =	vst v63  }
0xf7: {  	s30 =	sadd.s32 $0x30, s1;
	s17 =	simm.s32 $0xE9D8  }
0xf8: {  	[hbm4b:s30+s3] =	stream.linear.scatter [tilespmem:s17], [sflag:$0x5], $0x80, $0x38;
	[tilespmem:$0x16C00] =	vst v63  }
0xf9: {  	s30 =	sadd.s32 $0x40, s1;
	s17 =	simm.s32 $0xEA60  }
0xfa: {  	[hbm4b:s30+s3] =	stream.linear.scatter [tilespmem:s17], [sflag:$0x5], $0x80, $0x38;
	[tilespmem:$0x16C00] =	vst v63  }
0xfb: {  	s30 =	sadd.s32 $0x50, s1;
	s17 =	simm.s32 $0xEAE8  }
0xfc: {  	[hbm4b:s30+s3] =	stream.linear.scatter [tilespmem:s17], [sflag:$0x5], $0x80, $0x38;
	[tilespmem:$0x16C00] =	vst v63  }
0xfd: {  	s30 =	sadd.s32 $0x60, s1;
	s17 =	simm.s32 $0xEB70  }
0xfe: {  	[hbm4b:s30+s3] =	stream.linear.scatter [tilespmem:s17], [sflag:$0x5], $0x80, $0x38;
	[tilespmem:$0x16C00] =	vst v63  }
0xff: {  	s1 =	sadd.s32 $0x70, s1;
	s17 =	simm.s32 $0xEBF8  }
0x100: {  	[hbm4b:s1+s3] =	stream.linear.scatter [tilespmem:s17], [sflag:$0x5], $0x80, $0x38;
	[tilespmem:$0x16C00] =	vst v63  }
0x101: {  	s1 =	sadd.s32 s29, s8;
	s17 =	simm.s32 $0xEC80  }
0x102: {  	[hbm4b:s1+s3] =	stream.linear.scatter [tilespmem:s17], [sflag:$0x5], $0x80, $0x38;
	[tilespmem:$0x16C00] =	vst v63  }
0x103: {  	s30 =	sadd.s32 $0x10, s1;
	s17 =	simm.s32 $0xED08  }
0x104: {  	[hbm4b:s30+s3] =	stream.linear.scatter [tilespmem:s17], [sflag:$0x5], $0x80, $0x38;
	[tilespmem:$0x16C00] =	vst v63  }
0x105: {  	s30 =	sadd.s32 $0x20, s1;
	s17 =	simm.s32 $0xED90  }
0x106: {  	[hbm4b:s30+s3] =	stream.linear.scatter [tilespmem:s17], [sflag:$0x5], $0x80, $0x38;
	[tilespmem:$0x16C00] =	vst v63  }
0x107: {  	s30 =	sadd.s32 $0x30, s1;
	s17 =	simm.s32 $0xEE18  }
0x108: {  	[hbm4b:s30+s3] =	stream.linear.scatter [tilespmem:s17], [sflag:$0x5], $0x80, $0x38;
	[tilespmem:$0x16C00] =	vst v63  }
0x109: {  	s30 =	sadd.s32 $0x40, s1;
	s17 =	simm.s32 $0xEEA0  }
0x10a: {  	[hbm4b:s30+s3] =	stream.linear.scatter [tilespmem:s17], [sflag:$0x5], $0x80, $0x38;
	[tilespmem:$0x16C00] =	vst v63  }
0x10b: {  	s30 =	sadd.s32 $0x50, s1;
	s17 =	simm.s32 $0xEF28  }
0x10c: {  	[hbm4b:s30+s3] =	stream.linear.scatter [tilespmem:s17], [sflag:$0x5], $0x80, $0x38;
	[tilespmem:$0x16C00] =	vst v63  }
0x10d: {  	s30 =	sadd.s32 $0x60, s1;
	s17 =	simm.s32 $0xEFB0  }
0x10e: {  	[hbm4b:s30+s3] =	stream.linear.scatter [tilespmem:s17], [sflag:$0x5], $0x80, $0x38;
	[tilespmem:$0x16C00] =	vst v63  }
0x10f: {  	s1 =	sadd.s32 $0x70, s1;
	s17 =	simm.s32 $0xF038  }
0x110: {  	[hbm4b:s1+s3] =	stream.linear.scatter [tilespmem:s17], [sflag:$0x5], $0x80, $0x38;
	[tilespmem:$0x16C00] =	vst v63  }
0x111: {  	s1 =	sadd.s32 s29, s9;
	s17 =	simm.s32 $0xF0C0  }
0x112: {  	[hbm4b:s1+s3] =	stream.linear.scatter [tilespmem:s17], [sflag:$0x5], $0x80, $0x38;
	[tilespmem:$0x16C00] =	vst v63  }
0x113: {  	s30 =	sadd.s32 $0x10, s1;
	s17 =	simm.s32 $0xF148  }
0x114: {  	[hbm4b:s30+s3] =	stream.linear.scatter [tilespmem:s17], [sflag:$0x5], $0x80, $0x38;
	[tilespmem:$0x16C00] =	vst v63  }
0x115: {  	s30 =	sadd.s32 $0x20, s1;
	s17 =	simm.s32 $0xF1D0  }
0x116: {  	[hbm4b:s30+s3] =	stream.linear.scatter [tilespmem:s17], [sflag:$0x5], $0x80, $0x38;
	[tilespmem:$0x16C00] =	vst v63  }
0x117: {  	s30 =	sadd.s32 $0x30, s1;
	s17 =	simm.s32 $0xF258  }
0x118: {  	[hbm4b:s30+s3] =	stream.linear.scatter [tilespmem:s17], [sflag:$0x5], $0x80, $0x38;
	[tilespmem:$0x16C00] =	vst v63  }
0x119: {  	s30 =	sadd.s32 $0x40, s1;
	s17 =	simm.s32 $0xF2E0  }
0x11a: {  	[hbm4b:s30+s3] =	stream.linear.scatter [tilespmem:s17], [sflag:$0x5], $0x80, $0x38;
	[tilespmem:$0x16C00] =	vst v63  }
0x11b: {  	s30 =	sadd.s32 $0x50, s1;
	s17 =	simm.s32 $0xF368  }
0x11c: {  	[hbm4b:s30+s3] =	stream.linear.scatter [tilespmem:s17], [sflag:$0x5], $0x80, $0x38;
	[tilespmem:$0x16C00] =	vst v63  }
0x11d: {  	s30 =	sadd.s32 $0x60, s1;
	s17 =	simm.s32 $0xF3F0  }
0x11e: {  	[hbm4b:s30+s3] =	stream.linear.scatter [tilespmem:s17], [sflag:$0x5], $0x80, $0x38;
	[tilespmem:$0x16C00] =	vst v63  }
0x11f: {  	s1 =	sadd.s32 $0x70, s1;
	s17 =	simm.s32 $0xF478  }
0x120: {  	[hbm4b:s1+s3] =	stream.linear.scatter [tilespmem:s17], [sflag:$0x5], $0x80, $0x38;
	[tilespmem:$0x16C00] =	vst v63  }
0x121: {  	s1 =	sadd.s32 s29, s10;
	s17 =	simm.s32 $0xF500  }
0x122: {  	[hbm4b:s1+s3] =	stream.linear.scatter [tilespmem:s17], [sflag:$0x5], $0x80, $0x38;
	[tilespmem:$0x16C00] =	vst v63  }
0x123: {  	s30 =	sadd.s32 $0x10, s1;
	s17 =	simm.s32 $0xF588  }
0x124: {  	[hbm4b:s30+s3] =	stream.linear.scatter [tilespmem:s17], [sflag:$0x5], $0x80, $0x38;
	[tilespmem:$0x16C00] =	vst v63  }
0x125: {  	s30 =	sadd.s32 $0x20, s1;
	s17 =	simm.s32 $0xF610  }
0x126: {  	[hbm4b:s30+s3] =	stream.linear.scatter [tilespmem:s17], [sflag:$0x5], $0x80, $0x38;
	[tilespmem:$0x16C00] =	vst v63  }
0x127: {  	s30 =	sadd.s32 $0x30, s1;
	s17 =	simm.s32 $0xF698  }
0x128: {  	[hbm4b:s30+s3] =	stream.linear.scatter [tilespmem:s17], [sflag:$0x5], $0x80, $0x38;
	[tilespmem:$0x16C00] =	vst v63  }
0x129: {  	s30 =	sadd.s32 $0x40, s1;
	s17 =	simm.s32 $0xF720  }
0x12a: {  	[hbm4b:s30+s3] =	stream.linear.scatter [tilespmem:s17], [sflag:$0x5], $0x80, $0x38;
	[tilespmem:$0x16C00] =	vst v63  }
0x12b: {  	s30 =	sadd.s32 $0x50, s1;
	s17 =	simm.s32 $0xF7A8  }
0x12c: {  	[hbm4b:s30+s3] =	stream.linear.scatter [tilespmem:s17], [sflag:$0x5], $0x80, $0x38;
	[tilespmem:$0x16C00] =	vst v63  }
0x12d: {  	s30 =	sadd.s32 $0x60, s1;
	s17 =	simm.s32 $0xF830  }
0x12e: {  	[hbm4b:s30+s3] =	stream.linear.scatter [tilespmem:s17], [sflag:$0x5], $0x80, $0x38;
	[tilespmem:$0x16C00] =	vst v63  }
0x12f: {  	s1 =	sadd.s32 $0x70, s1;
	s17 =	simm.s32 $0xF8B8  }
0x130: {  	[hbm4b:s1+s3] =	stream.linear.scatter [tilespmem:s17], [sflag:$0x5], $0x80, $0x38;
	[tilespmem:$0x16C00] =	vst v63  }
0x131: {  	s1 =	sadd.s32 s29, s11;
	s17 =	simm.s32 $0xF940  }
0x132: {  	[hbm4b:s1+s3] =	stream.linear.scatter [tilespmem:s17], [sflag:$0x5], $0x80, $0x38;
	[tilespmem:$0x16C00] =	vst v63  }
0x133: {  	s30 =	sadd.s32 $0x10, s1;
	s17 =	simm.s32 $0xF9C8  }
0x134: {  	[hbm4b:s30+s3] =	stream.linear.scatter [tilespmem:s17], [sflag:$0x5], $0x80, $0x38;
	[tilespmem:$0x16C00] =	vst v63  }
0x135: {  	s30 =	sadd.s32 $0x20, s1;
	s17 =	simm.s32 $0xFA50  }
0x136: {  	[hbm4b:s30+s3] =	stream.linear.scatter [tilespmem:s17], [sflag:$0x5], $0x80, $0x38;
	[tilespmem:$0x16C00] =	vst v63  }
0x137: {  	s30 =	sadd.s32 $0x30, s1;
	s17 =	simm.s32 $0xFAD8  }
0x138: {  	[hbm4b:s30+s3] =	stream.linear.scatter [tilespmem:s17], [sflag:$0x5], $0x80, $0x38;
	[tilespmem:$0x16C00] =	vst v63  }
0x139: {  	s30 =	sadd.s32 $0x40, s1;
	s17 =	simm.s32 $0xFB60  }
0x13a: {  	[hbm4b:s30+s3] =	stream.linear.scatter [tilespmem:s17], [sflag:$0x5], $0x80, $0x38;
	[tilespmem:$0x16C00] =	vst v63  }
0x13b: {  	s30 =	sadd.s32 $0x50, s1;
	s17 =	simm.s32 $0xFBE8  }
0x13c: {  	[hbm4b:s30+s3] =	stream.linear.scatter [tilespmem:s17], [sflag:$0x5], $0x80, $0x38;
	[tilespmem:$0x16C00] =	vst v63  }
0x13d: {  	s30 =	sadd.s32 $0x60, s1;
	s17 =	simm.s32 $0xFC70  }
0x13e: {  	[hbm4b:s30+s3] =	stream.linear.scatter [tilespmem:s17], [sflag:$0x5], $0x80, $0x38;
	[tilespmem:$0x16C00] =	vst v63  }
0x13f: {  	s1 =	sadd.s32 $0x70, s1;
	s17 =	simm.s32 $0xFCF8  }
0x140: {  	[hbm4b:s1+s3] =	stream.linear.scatter [tilespmem:s17], [sflag:$0x5], $0x80, $0x38;
	[tilespmem:$0x16C00] =	vst v63  }
0x141: {  	s1 =	sadd.s32 s29, s12;
	s17 =	simm.s32 $0xFD80  }
0x142: {  	[hbm4b:s1+s3] =	stream.linear.scatter [tilespmem:s17], [sflag:$0x5], $0x80, $0x38;
	[tilespmem:$0x16C00] =	vst v63  }
0x143: {  	s30 =	sadd.s32 $0x10, s1;
	s17 =	simm.s32 $0xFE08  }
0x144: {  	[hbm4b:s30+s3] =	stream.linear.scatter [tilespmem:s17], [sflag:$0x5], $0x80, $0x38;
	[tilespmem:$0x16C00] =	vst v63  }
0x145: {  	s30 =	sadd.s32 $0x20, s1;
	s17 =	simm.s32 $0xFE90  }
0x146: {  	[hbm4b:s30+s3] =	stream.linear.scatter [tilespmem:s17], [sflag:$0x5], $0x80, $0x38;
	[tilespmem:$0x16C00] =	vst v63  }
0x147: {  	s30 =	sadd.s32 $0x30, s1;
	s17 =	simm.s32 $0xFF18  }
0x148: {  	[hbm4b:s30+s3] =	stream.linear.scatter [tilespmem:s17], [sflag:$0x5], $0x80, $0x38;
	[tilespmem:$0x16C00] =	vst v63  }
0x149: {  	s30 =	sadd.s32 $0x40, s1;
	s17 =	simm.s32 $0xFFA0  }
0x14a: {  	[hbm4b:s30+s3] =	stream.linear.scatter [tilespmem:s17], [sflag:$0x5], $0x80, $0x38;
	[tilespmem:$0x16C00] =	vst v63  }
0x14b: {  	s30 =	sadd.s32 $0x50, s1;
	s17 =	simm.s32 $0x10028  }
0x14c: {  	[hbm4b:s30+s3] =	stream.linear.scatter [tilespmem:s17], [sflag:$0x5], $0x80, $0x38;
	[tilespmem:$0x16C00] =	vst v63  }
0x14d: {  	s30 =	sadd.s32 $0x60, s1;
	s17 =	simm.s32 $0x100B0  }
0x14e: {  	[hbm4b:s30+s3] =	stream.linear.scatter [tilespmem:s17], [sflag:$0x5], $0x80, $0x38;
	[tilespmem:$0x16C00] =	vst v63  }
0x14f: {  	s1 =	sadd.s32 $0x70, s1;
	s17 =	simm.s32 $0x10138  }
0x150: {  	[hbm4b:s1+s3] =	stream.linear.scatter [tilespmem:s17], [sflag:$0x5], $0x80, $0x38;
	[tilespmem:$0x16C00] =	vst v63  }
0x151: {  	s1 =	sadd.s32 s29, s13;
	s17 =	simm.s32 $0x101C0  }
0x152: {  	[hbm4b:s1+s3] =	stream.linear.scatter [tilespmem:s17], [sflag:$0x5], $0x80, $0x38;
	[tilespmem:$0x16C00] =	vst v63  }
0x153: {  	s29 =	sadd.s32 $0x10, s1;
	s17 =	simm.s32 $0x10248  }
0x154: {  	[hbm4b:s29+s3] =	stream.linear.scatter [tilespmem:s17], [sflag:$0x5], $0x80, $0x38;
	[tilespmem:$0x16C00] =	vst v63  }
0x155: {  	s29 =	sadd.s32 $0x20, s1;
	s17 =	simm.s32 $0x102D0  }
0x156: {  	[hbm4b:s29+s3] =	stream.linear.scatter [tilespmem:s17], [sflag:$0x5], $0x80, $0x38;
	[tilespmem:$0x16C00] =	vst v63  }
0x157: {  	s29 =	sadd.s32 $0x30, s1;
	s17 =	simm.s32 $0x10358  }
0x158: {  	[hbm4b:s29+s3] =	stream.linear.scatter [tilespmem:s17], [sflag:$0x5], $0x80, $0x38;
	[tilespmem:$0x16C00] =	vst v63  }
0x159: {  	s29 =	sadd.s32 $0x40, s1;
	s17 =	simm.s32 $0x103E0  }
0x15a: {  	[hbm4b:s29+s3] =	stream.linear.scatter [tilespmem:s17], [sflag:$0x5], $0x80, $0x38;
	[tilespmem:$0x16C00] =	vst v63  }
0x15b: {  	s29 =	sadd.s32 $0x50, s1;
	s17 =	simm.s32 $0x10468  }
0x15c: {  	[hbm4b:s29+s3] =	stream.linear.scatter [tilespmem:s17], [sflag:$0x5], $0x80, $0x38;
	[tilespmem:$0x16C00] =	vst v63  }
0x15d: {  	s29 =	sadd.s32 $0x60, s1;
	s17 =	simm.s32 $0x104F0  }
0x15e: {  	[hbm4b:s29+s3] =	stream.linear.scatter [tilespmem:s17], [sflag:$0x5], $0x80, $0x38;
	[tilespmem:$0x16C00] =	vst v63  }
0x15f: {  	p1 =	seq.s32 s22, $0x31;
	s1 =	sadd.s32 $0x70, s1;
	s17 =	simm.s32 $0x10578  }
0x160: {  	[hbm4b:s1+s3] =	stream.linear.scatter [tilespmem:s17], [sflag:$0x5], $0x80, $0x38;
	[tilespmem:$0x16C00] =	vst v63  }
0x161: {  	s1 =	sshll.u32 @!p1 s22, $0x9  }
0x162: {  	s29 =	sand.u32 @!p1 $0x3FFFFE00, s1  }
0x163: {  	s31 =	simm.s32 @!p1 $0x6400;
	s30 =	simm.s32 @!p1 $0x80;
	s1 =	sadd.s32 @!p1 $0x200, s29  }
0x164: {  	[tilespmem:s31], [sflag:$0x1] =	stream.indirect.gather @!p1 [hbm4b:s4+s30], $0x40, s1, s30, $0xb8;
	[tilespmem:$0x16C00] =	vst v63  }
0x165: {  	_ =	swait.ge [sflag:s21], $0x2000  }
0x166: {  	[sflag:s21] =	ssyncset.done $0x0  }
0x167: {  	s1 =	simm.s32 @!p0 $0x6;
	[sflag:s21] =	ssyncadd.s32 $0xFFFFE000  }
0x168: {  	_ =	swait.ge @!p0 [sflag:s1], $0x400  }
0x169: {  	[sflag:s1] =	ssyncset.done @!p0 $0x0  }
0x16a: {  	[sflag:s1] =	ssyncadd.s32 @!p0 $0xFFFFFC00  }
0x16b: {  	_ =	swait.ge @!p0 [sflag:s1], $0x400  }
0x16c: {  	[sflag:s1] =	ssyncset.done @!p0 $0x0  }
0x16d: {  	[sflag:s1] =	ssyncadd.s32 @!p0 $0xFFFFFC00  }
0x16e: {  	_ =	swait.ge @!p0 [sflag:s1], $0x400  }
0x16f: {  	[sflag:s1] =	ssyncset.done @!p0 $0x0  }
0x170: {  	[sflag:s1] =	ssyncadd.s32 @!p0 $0xFFFFFC00  }
0x171: {  	_ =	swait.ge @!p0 [sflag:s1], $0x400  }
0x172: {  	[sflag:s1] =	ssyncset.done @!p0 $0x0  }
0x173: {  	[sflag:s1] =	ssyncadd.s32 @!p0 $0xFFFFFC00  }
0x174: {  	_ =	swait.ge @!p0 [sflag:s1], $0x400  }
0x175: {  	[sflag:s1] =	ssyncset.done @!p0 $0x0  }
0x176: {  	[sflag:s1] =	ssyncadd.s32 @!p0 $0xFFFFFC00  }
0x177: {  	_ =	swait.ge @!p0 [sflag:s1], $0x400  }
0x178: {  	[sflag:s1] =	ssyncset.done @!p0 $0x0  }
0x179: {  	[sflag:s1] =	ssyncadd.s32 @!p0 $0xFFFFFC00  }
0x17a: {  	_ =	swait.ge @!p0 [sflag:s1], $0x400  }
0x17b: {  	[sflag:s1] =	ssyncset.done @!p0 $0x0  }
0x17c: {  	[sflag:s1] =	ssyncadd.s32 @!p0 $0xFFFFFC00  }
0x17d: {  	_ =	swait.ge @!p0 [sflag:s1], $0x400  }
0x17e: {  	[sflag:s1] =	ssyncset.done @!p0 $0x0  }
0x17f: {  	s30 =	simm.s32 $0x8480;
	[sflag:s1] =	ssyncadd.s32 @!p0 $0xFFFFFC00  }
0x180: {  	v4 =	vld [tilespmem:s30+$0x70]  }
0x181: {  	v6 =	vld [tilespmem:s30+$0x60]  }
0x182: {  	v5 =	vld [tilespmem:s30+$0x50]  }
0x183: {  	v7 =	vld [tilespmem:s30+$0x40]  }
0x184: {  	v8 =	vld [tilespmem:s30+$0x30]  }
0x185: {  	v9 =	vld [tilespmem:s30+$0x20]  }
0x186: {  	v10 =	vld [tilespmem:s30+$0x10]  }
0x187: {  	s0 =	simm.s32 $0x0;
	v11 =	vld [tilespmem:s30+$0x0]  }
0x188: {  	v13 =	vmov s0;
	v12 =	vld [tilespmem:s30+$0xFFFFFFF0]  }
0x189: {  	v13 =	vand.u32 $0x7C, v13;
	v14 =	vld [tilespmem:s30+$0xFFFFFFE0]  }
0x18a: {  	v17 =	vadd.s32 v0, v13;
	v16 =	vld [tilespmem:s30+$0xFFFFFF80]  }
0x18b: {  	v19 =	vadd.s32 v1, v13;
	s17 =	simm.s32 $0x1;
	v18 =	vld [tilespmem:s30+$0xFFFFFF90]  }
0x18c: {  	v22 =	vadd.s32 v2, v13;
	v21 =	vmov s17;
	v20 =	vld [tilespmem:s30+$0xFFFFFFA0]  }
0x18d: {  	v13 =	vadd.s32 v3, v13;
	v21 =	vand.u32 $0x7D, v21;
	v23 =	vld [tilespmem:s30+$0xFFFFFFB0]  }
0x18e: {  	v25 =	vadd.s32 v0, v21;
	v24 =	vld [tilespmem:s30+$0xFFFFFFC0]  }
0x18f: {  	s0 =	simm.s32 $0x2;
	v51 =	vadd.s32 v1, v21;
	v15 =	vld [tilespmem:s30+$0xFFFFFFD0];
	[tilespmem:v17+s6+$0x0] =	vst.idx.msk $0xffff, v16  }
0x190: {  	v52 =	vmov s0;
	v53 =	vadd.s32 v2, v21;
	[tilespmem:v19+s6+$0x0] =	vst.idx.msk $0xffff, v18  }
0x191: {  	v54 =	vadd.s32 v3, v21;
	v17 =	vand.u32 $0x7E, v52;
	[tilespmem:v22+s6+$0x0] =	vst.idx.msk $0xffff, v20  }
0x192: {  	v55 =	vadd.s32 v0, v17;
	[tilespmem:v13+s6+$0x0] =	vst.idx.msk $0xffff, v23  }
0x193: {  	s17 =	simm.s32 $0x3;
	v56 =	vadd.s32 v1, v17;
	[tilespmem:v25+s6+$0x0] =	vst.idx.msk $0xffff, v24  }
0x194: {  	v57 =	vmov s17;
	v58 =	vadd.s32 v2, v17;
	[tilespmem:v51+s6+$0x0] =	vst.idx.msk $0xffff, v15  }
0x195: {  	v60 =	vand.u32 $0x7F, v57;
	v59 =	vadd.s32 v3, v17;
	[tilespmem:v53+s6+$0x0] =	vst.idx.msk $0xffff, v14  }
0x196: {  	v61 =	vadd.s32 v0, v60;
	[tilespmem:v54+s6+$0x0] =	vst.idx.msk $0xffff, v12  }
0x197: {  	v62 =	vadd.s32 v1, v60;
	[tilespmem:v55+s6+$0x0] =	vst.idx.msk $0xffff, v11  }
0x198: {  	[tilespmem:v56+s6+$0x0] =	vst.idx.msk $0xffff, v10  }
0x199: {  	[tilespmem:v58+s6+$0x0] =	vst.idx.msk $0xffff, v9  }
0x19a: {  	v63 =	vadd.s32 v2, v60;
	[tilespmem:v59+s6+$0x0] =	vst.idx.msk $0xffff, v8  }
0x19b: {  	[tilespmem:v61+s6+$0x0] =	vst.idx.msk $0xffff, v7  }
0x19c: {  	[tilespmem:v62+s6+$0x0] =	vst.idx.msk $0xffff, v5;
	v5 =	vadd.s32 v3, v60;
	_ =	sdelay $0x2  }
0x19d: {  	s31 =	sor.u32 $0x1, s28;
	s1 =	simm.s32 $0x4;
	[tilespmem:v63+s6+$0x0] =	vst.idx.msk $0xffff, v6  }
.LBB2_5:
0x19e: {  	p2 =	sne.s32 s1, $0x7C  }
0x19f: {  	[tilespmem:v5+s6+$0x0] =	vst.idx.msk $0xffff, v4;
	s30 =	sadd.s32 $0x100, s30;
	s0 =	smov.u32 s1;
	s1 =	sadd.s32 $0x4, s1  }
0x1a0: {  	v4 =	vld [tilespmem:s30+$0x70]  }
0x1a1: {  	v6 =	vld [tilespmem:s30+$0x60]  }
0x1a2: {  	v7 =	vld [tilespmem:s30+$0x50]  }
0x1a3: {  	v8 =	vld [tilespmem:s30+$0x40]  }
0x1a4: {  	v9 =	vld [tilespmem:s30+$0x30]  }
0x1a5: {  	v5 =	vld [tilespmem:s30+$0x20]  }
0x1a6: {  	v10 =	vld [tilespmem:s30+$0x10]  }
0x1a7: {  	v11 =	vld [tilespmem:s30+$0x0]  }
0x1a8: {  	v12 =	vld [tilespmem:s30+$0xFFFFFFF0]  }
0x1a9: {  	v13 =	vmov s0;
	v14 =	vld [tilespmem:s30+$0xFFFFFFE0]  }
0x1aa: {  	v13 =	vand.u32 $0x7C, v13;
	v15 =	vld [tilespmem:s30+$0xFFFFFFD0]  }
0x1ab: {  	v17 =	vadd.s32 v0, v13;
	v16 =	vld [tilespmem:s30+$0xFFFFFF80]  }
0x1ac: {  	s17 =	sadd.s32 $0x1, s0;
	v19 =	vadd.s32 v1, v13;
	v18 =	vld [tilespmem:s30+$0xFFFFFF90]  }
0x1ad: {  	v21 =	vmov s17;
	v22 =	vadd.s32 v2, v13;
	v20 =	vld [tilespmem:s30+$0xFFFFFFA0]  }
0x1ae: {  	v13 =	vadd.s32 v3, v13;
	v21 =	vand.u32 $0x7D, v21;
	v23 =	vld [tilespmem:s30+$0xFFFFFFB0]  }
0x1af: {  	v25 =	vadd.s32 v0, v21;
	v24 =	vld [tilespmem:s30+$0xFFFFFFC0]  }
0x1b0: {  	s17 =	sadd.s32 $0x2, s0;
	[tilespmem:v17+s6+$0x0] =	vst.idx.msk $0xffff, v16;
	v16 =	vadd.s32 v1, v21  }
0x1b1: {  	v17 =	vmov s17;
	[tilespmem:v19+s6+$0x0] =	vst.idx.msk $0xffff, v18;
	v18 =	vadd.s32 v2, v21  }
0x1b2: {  	v19 =	vadd.s32 v3, v21;
	v17 =	vand.u32 $0x7E, v17;
	[tilespmem:v22+s6+$0x0] =	vst.idx.msk $0xffff, v20  }
0x1b3: {  	[tilespmem:v13+s6+$0x0] =	vst.idx.msk $0xffff, v23;
	v13 =	vadd.s32 v0, v17  }
0x1b4: {  	s0 =	sadd.s32 $0x3, s0;
	v20 =	vadd.s32 v1, v17;
	[tilespmem:v25+s6+$0x0] =	vst.idx.msk $0xffff, v24  }
0x1b5: {  	v21 =	vmov s0;
	[tilespmem:v16+s6+$0x0] =	vst.idx.msk $0xffff, v15;
	v15 =	vadd.s32 v2, v17  }
0x1b6: {  	v16 =	vand.u32 $0x7F, v21;
	[tilespmem:v18+s6+$0x0] =	vst.idx.msk $0xffff, v14;
	v14 =	vadd.s32 v3, v17  }
0x1b7: {  	[tilespmem:v19+s6+$0x0] =	vst.idx.msk $0xffff, v12;
	v12 =	vadd.s32 v0, v16  }
0x1b8: {  	[tilespmem:v13+s6+$0x0] =	vst.idx.msk $0xffff, v11;
	v11 =	vadd.s32 v1, v16  }
0x1b9: {  	[tilespmem:v20+s6+$0x0] =	vst.idx.msk $0xffff, v10;
	v10 =	vadd.s32 v2, v16  }
.Ltmp3:
0x1ba: {  	[tilespmem:v15+s6+$0x0] =	vst.idx.msk $0xffff, v5;
	v5 =	vadd.s32 v3, v16;
	(pc) =	sbr.rel @p2 .LBB2_5-.Ltmp3, $4  }
0x1bb: {  	[tilespmem:v14+s6+$0x0] =	vst.idx.msk $0xffff, v9  }
0x1bc: {  	[tilespmem:v12+s6+$0x0] =	vst.idx.msk $0xffff, v8  }
0x1bd: {  	[tilespmem:v11+s6+$0x0] =	vst.idx.msk $0xffff, v7  }
0x1be: {  	[tilespmem:v10+s6+$0x0] =	vst.idx.msk $0xffff, v6  }
0x1bf: {  	s0 =	sadd.s32 s5, s31  }
0x1c0: {  	s1 =	sshll.u32 s0, $0xA;
	s0 =	sshll.u32 s0, $0x7  }
0x1c1: {  	s1 =	sand.u32 $0x7FFE0000, s1;
	s0 =	sand.u32 $0x3E80, s0  }
0x1c2: {  	s30 =	sor.u32 s0, s1  }
0x1c3: {  	[tilespmem:v5+s6+$0x0] =	vst.idx.msk $0xffff, v4;
	s0 =	sadd.s32 s2, s30  }
0x1c4: {  	[hbm4b:s0+s3] =	stream.linear.scatter [tilespmem:s6], [sflag:$0x6], $0x80, $0x38;
	[tilespmem:$0x16C00] =	vst v63  }
0x1c5: {  	s17 =	simm.s32 $0x10688;
	s1 =	sadd.s32 $0x10, s0  }
0x1c6: {  	[hbm4b:s1+s3] =	stream.linear.scatter [tilespmem:s17], [sflag:$0x6], $0x80, $0x38;
	[tilespmem:$0x16C00] =	vst v63  }
0x1c7: {  	s1 =	sadd.s32 $0x20, s0;
	s17 =	simm.s32 $0x10710  }
0x1c8: {  	[hbm4b:s1+s3] =	stream.linear.scatter [tilespmem:s17], [sflag:$0x6], $0x80, $0x38;
	[tilespmem:$0x16C00] =	vst v63  }
0x1c9: {  	s1 =	sadd.s32 $0x30, s0;
	s17 =	simm.s32 $0x10798  }
0x1ca: {  	[hbm4b:s1+s3] =	stream.linear.scatter [tilespmem:s17], [sflag:$0x6], $0x80, $0x38;
	[tilespmem:$0x16C00] =	vst v63  }
0x1cb: {  	s1 =	sadd.s32 $0x40, s0;
	s17 =	simm.s32 $0x10820  }
0x1cc: {  	[hbm4b:s1+s3] =	stream.linear.scatter [tilespmem:s17], [sflag:$0x6], $0x80, $0x38;
	[tilespmem:$0x16C00] =	vst v63  }
0x1cd: {  	s1 =	sadd.s32 $0x50, s0;
	s17 =	simm.s32 $0x108A8  }
0x1ce: {  	[hbm4b:s1+s3] =	stream.linear.scatter [tilespmem:s17], [sflag:$0x6], $0x80, $0x38;
	[tilespmem:$0x16C00] =	vst v63  }
0x1cf: {  	s1 =	sadd.s32 $0x60, s0;
	s17 =	simm.s32 $0x10930  }
0x1d0: {  	[hbm4b:s1+s3] =	stream.linear.scatter [tilespmem:s17], [sflag:$0x6], $0x80, $0x38;
	[tilespmem:$0x16C00] =	vst v63  }
0x1d1: {  	s0 =	sadd.s32 $0x70, s0;
	s17 =	simm.s32 $0x109B8  }
0x1d2: {  	[hbm4b:s0+s3] =	stream.linear.scatter [tilespmem:s17], [sflag:$0x6], $0x80, $0x38;
	[tilespmem:$0x16C00] =	vst v63  }
0x1d3: {  	s0 =	sadd.s32 s30, s7;
	s17 =	simm.s32 $0x10A40  }
0x1d4: {  	[hbm4b:s0+s3] =	stream.linear.scatter [tilespmem:s17], [sflag:$0x6], $0x80, $0x38;
	[tilespmem:$0x16C00] =	vst v63  }
0x1d5: {  	s1 =	sadd.s32 $0x10, s0;
	s17 =	simm.s32 $0x10AC8  }
0x1d6: {  	[hbm4b:s1+s3] =	stream.linear.scatter [tilespmem:s17], [sflag:$0x6], $0x80, $0x38;
	[tilespmem:$0x16C00] =	vst v63  }
0x1d7: {  	s1 =	sadd.s32 $0x20, s0;
	s17 =	simm.s32 $0x10B50  }
0x1d8: {  	[hbm4b:s1+s3] =	stream.linear.scatter [tilespmem:s17], [sflag:$0x6], $0x80, $0x38;
	[tilespmem:$0x16C00] =	vst v63  }
0x1d9: {  	s1 =	sadd.s32 $0x30, s0;
	s17 =	simm.s32 $0x10BD8  }
0x1da: {  	[hbm4b:s1+s3] =	stream.linear.scatter [tilespmem:s17], [sflag:$0x6], $0x80, $0x38;
	[tilespmem:$0x16C00] =	vst v63  }
0x1db: {  	s1 =	sadd.s32 $0x40, s0;
	s17 =	simm.s32 $0x10C60  }
0x1dc: {  	[hbm4b:s1+s3] =	stream.linear.scatter [tilespmem:s17], [sflag:$0x6], $0x80, $0x38;
	[tilespmem:$0x16C00] =	vst v63  }
0x1dd: {  	s1 =	sadd.s32 $0x50, s0;
	s17 =	simm.s32 $0x10CE8  }
0x1de: {  	[hbm4b:s1+s3] =	stream.linear.scatter [tilespmem:s17], [sflag:$0x6], $0x80, $0x38;
	[tilespmem:$0x16C00] =	vst v63  }
0x1df: {  	s1 =	sadd.s32 $0x60, s0;
	s17 =	simm.s32 $0x10D70  }
0x1e0: {  	[hbm4b:s1+s3] =	stream.linear.scatter [tilespmem:s17], [sflag:$0x6], $0x80, $0x38;
	[tilespmem:$0x16C00] =	vst v63  }
0x1e1: {  	s0 =	sadd.s32 $0x70, s0;
	s17 =	simm.s32 $0x10DF8  }
0x1e2: {  	[hbm4b:s0+s3] =	stream.linear.scatter [tilespmem:s17], [sflag:$0x6], $0x80, $0x38;
	[tilespmem:$0x16C00] =	vst v63  }
0x1e3: {  	s0 =	sadd.s32 s30, s8;
	s17 =	simm.s32 $0x10E80  }
0x1e4: {  	[hbm4b:s0+s3] =	stream.linear.scatter [tilespmem:s17], [sflag:$0x6], $0x80, $0x38;
	[tilespmem:$0x16C00] =	vst v63  }
0x1e5: {  	s1 =	sadd.s32 $0x10, s0;
	s17 =	simm.s32 $0x10F08  }
0x1e6: {  	[hbm4b:s1+s3] =	stream.linear.scatter [tilespmem:s17], [sflag:$0x6], $0x80, $0x38;
	[tilespmem:$0x16C00] =	vst v63  }
0x1e7: {  	s1 =	sadd.s32 $0x20, s0;
	s17 =	simm.s32 $0x10F90  }
0x1e8: {  	[hbm4b:s1+s3] =	stream.linear.scatter [tilespmem:s17], [sflag:$0x6], $0x80, $0x38;
	[tilespmem:$0x16C00] =	vst v63  }
0x1e9: {  	s1 =	sadd.s32 $0x30, s0;
	s17 =	simm.s32 $0x11018  }
0x1ea: {  	[hbm4b:s1+s3] =	stream.linear.scatter [tilespmem:s17], [sflag:$0x6], $0x80, $0x38;
	[tilespmem:$0x16C00] =	vst v63  }
0x1eb: {  	s1 =	sadd.s32 $0x40, s0;
	s17 =	simm.s32 $0x110A0  }
0x1ec: {  	[hbm4b:s1+s3] =	stream.linear.scatter [tilespmem:s17], [sflag:$0x6], $0x80, $0x38;
	[tilespmem:$0x16C00] =	vst v63  }
0x1ed: {  	s1 =	sadd.s32 $0x50, s0;
	s17 =	simm.s32 $0x11128  }
0x1ee: {  	[hbm4b:s1+s3] =	stream.linear.scatter [tilespmem:s17], [sflag:$0x6], $0x80, $0x38;
	[tilespmem:$0x16C00] =	vst v63  }
0x1ef: {  	s1 =	sadd.s32 $0x60, s0;
	s17 =	simm.s32 $0x111B0  }
0x1f0: {  	[hbm4b:s1+s3] =	stream.linear.scatter [tilespmem:s17], [sflag:$0x6], $0x80, $0x38;
	[tilespmem:$0x16C00] =	vst v63  }
0x1f1: {  	s0 =	sadd.s32 $0x70, s0;
	s17 =	simm.s32 $0x11238  }
0x1f2: {  	[hbm4b:s0+s3] =	stream.linear.scatter [tilespmem:s17], [sflag:$0x6], $0x80, $0x38;
	[tilespmem:$0x16C00] =	vst v63  }
0x1f3: {  	s0 =	sadd.s32 s30, s9;
	s17 =	simm.s32 $0x112C0  }
0x1f4: {  	[hbm4b:s0+s3] =	stream.linear.scatter [tilespmem:s17], [sflag:$0x6], $0x80, $0x38;
	[tilespmem:$0x16C00] =	vst v63  }
0x1f5: {  	s1 =	sadd.s32 $0x10, s0;
	s17 =	simm.s32 $0x11348  }
0x1f6: {  	[hbm4b:s1+s3] =	stream.linear.scatter [tilespmem:s17], [sflag:$0x6], $0x80, $0x38;
	[tilespmem:$0x16C00] =	vst v63  }
0x1f7: {  	s1 =	sadd.s32 $0x20, s0;
	s17 =	simm.s32 $0x113D0  }
0x1f8: {  	[hbm4b:s1+s3] =	stream.linear.scatter [tilespmem:s17], [sflag:$0x6], $0x80, $0x38;
	[tilespmem:$0x16C00] =	vst v63  }
0x1f9: {  	s1 =	sadd.s32 $0x30, s0;
	s17 =	simm.s32 $0x11458  }
0x1fa: {  	[hbm4b:s1+s3] =	stream.linear.scatter [tilespmem:s17], [sflag:$0x6], $0x80, $0x38;
	[tilespmem:$0x16C00] =	vst v63  }
0x1fb: {  	s1 =	sadd.s32 $0x40, s0;
	s17 =	simm.s32 $0x114E0  }
0x1fc: {  	[hbm4b:s1+s3] =	stream.linear.scatter [tilespmem:s17], [sflag:$0x6], $0x80, $0x38;
	[tilespmem:$0x16C00] =	vst v63  }
0x1fd: {  	s1 =	sadd.s32 $0x50, s0;
	s17 =	simm.s32 $0x11568  }
0x1fe: {  	[hbm4b:s1+s3] =	stream.linear.scatter [tilespmem:s17], [sflag:$0x6], $0x80, $0x38;
	[tilespmem:$0x16C00] =	vst v63  }
0x1ff: {  	s1 =	sadd.s32 $0x60, s0;
	s17 =	simm.s32 $0x115F0  }
0x200: {  	[hbm4b:s1+s3] =	stream.linear.scatter [tilespmem:s17], [sflag:$0x6], $0x80, $0x38;
	[tilespmem:$0x16C00] =	vst v63  }
0x201: {  	s0 =	sadd.s32 $0x70, s0;
	s17 =	simm.s32 $0x11678  }
0x202: {  	[hbm4b:s0+s3] =	stream.linear.scatter [tilespmem:s17], [sflag:$0x6], $0x80, $0x38;
	[tilespmem:$0x16C00] =	vst v63  }
0x203: {  	s0 =	sadd.s32 s30, s10;
	s17 =	simm.s32 $0x11700  }
0x204: {  	[hbm4b:s0+s3] =	stream.linear.scatter [tilespmem:s17], [sflag:$0x6], $0x80, $0x38;
	[tilespmem:$0x16C00] =	vst v63  }
0x205: {  	s1 =	sadd.s32 $0x10, s0;
	s17 =	simm.s32 $0x11788  }
0x206: {  	[hbm4b:s1+s3] =	stream.linear.scatter [tilespmem:s17], [sflag:$0x6], $0x80, $0x38;
	[tilespmem:$0x16C00] =	vst v63  }
0x207: {  	s1 =	sadd.s32 $0x20, s0;
	s17 =	simm.s32 $0x11810  }
0x208: {  	[hbm4b:s1+s3] =	stream.linear.scatter [tilespmem:s17], [sflag:$0x6], $0x80, $0x38;
	[tilespmem:$0x16C00] =	vst v63  }
0x209: {  	s1 =	sadd.s32 $0x30, s0;
	s17 =	simm.s32 $0x11898  }
0x20a: {  	[hbm4b:s1+s3] =	stream.linear.scatter [tilespmem:s17], [sflag:$0x6], $0x80, $0x38;
	[tilespmem:$0x16C00] =	vst v63  }
0x20b: {  	s1 =	sadd.s32 $0x40, s0;
	s17 =	simm.s32 $0x11920  }
0x20c: {  	[hbm4b:s1+s3] =	stream.linear.scatter [tilespmem:s17], [sflag:$0x6], $0x80, $0x38;
	[tilespmem:$0x16C00] =	vst v63  }
0x20d: {  	s1 =	sadd.s32 $0x50, s0;
	s17 =	simm.s32 $0x119A8  }
0x20e: {  	[hbm4b:s1+s3] =	stream.linear.scatter [tilespmem:s17], [sflag:$0x6], $0x80, $0x38;
	[tilespmem:$0x16C00] =	vst v63  }
0x20f: {  	s1 =	sadd.s32 $0x60, s0;
	s17 =	simm.s32 $0x11A30  }
0x210: {  	[hbm4b:s1+s3] =	stream.linear.scatter [tilespmem:s17], [sflag:$0x6], $0x80, $0x38;
	[tilespmem:$0x16C00] =	vst v63  }
0x211: {  	s0 =	sadd.s32 $0x70, s0;
	s17 =	simm.s32 $0x11AB8  }
0x212: {  	[hbm4b:s0+s3] =	stream.linear.scatter [tilespmem:s17], [sflag:$0x6], $0x80, $0x38;
	[tilespmem:$0x16C00] =	vst v63  }
0x213: {  	s0 =	sadd.s32 s30, s11;
	s17 =	simm.s32 $0x11B40  }
0x214: {  	[hbm4b:s0+s3] =	stream.linear.scatter [tilespmem:s17], [sflag:$0x6], $0x80, $0x38;
	[tilespmem:$0x16C00] =	vst v63  }
0x215: {  	s1 =	sadd.s32 $0x10, s0;
	s17 =	simm.s32 $0x11BC8  }
0x216: {  	[hbm4b:s1+s3] =	stream.linear.scatter [tilespmem:s17], [sflag:$0x6], $0x80, $0x38;
	[tilespmem:$0x16C00] =	vst v63  }
0x217: {  	s1 =	sadd.s32 $0x20, s0;
	s17 =	simm.s32 $0x11C50  }
0x218: {  	[hbm4b:s1+s3] =	stream.linear.scatter [tilespmem:s17], [sflag:$0x6], $0x80, $0x38;
	[tilespmem:$0x16C00] =	vst v63  }
0x219: {  	s1 =	sadd.s32 $0x30, s0;
	s17 =	simm.s32 $0x11CD8  }
0x21a: {  	[hbm4b:s1+s3] =	stream.linear.scatter [tilespmem:s17], [sflag:$0x6], $0x80, $0x38;
	[tilespmem:$0x16C00] =	vst v63  }
0x21b: {  	s1 =	sadd.s32 $0x40, s0;
	s17 =	simm.s32 $0x11D60  }
0x21c: {  	[hbm4b:s1+s3] =	stream.linear.scatter [tilespmem:s17], [sflag:$0x6], $0x80, $0x38;
	[tilespmem:$0x16C00] =	vst v63  }
0x21d: {  	s1 =	sadd.s32 $0x50, s0;
	s17 =	simm.s32 $0x11DE8  }
0x21e: {  	[hbm4b:s1+s3] =	stream.linear.scatter [tilespmem:s17], [sflag:$0x6], $0x80, $0x38;
	[tilespmem:$0x16C00] =	vst v63  }
0x21f: {  	s1 =	sadd.s32 $0x60, s0;
	s17 =	simm.s32 $0x11E70  }
0x220: {  	[hbm4b:s1+s3] =	stream.linear.scatter [tilespmem:s17], [sflag:$0x6], $0x80, $0x38;
	[tilespmem:$0x16C00] =	vst v63  }
0x221: {  	s0 =	sadd.s32 $0x70, s0;
	s17 =	simm.s32 $0x11EF8  }
0x222: {  	[hbm4b:s0+s3] =	stream.linear.scatter [tilespmem:s17], [sflag:$0x6], $0x80, $0x38;
	[tilespmem:$0x16C00] =	vst v63  }
0x223: {  	s0 =	sadd.s32 s30, s12;
	s17 =	simm.s32 $0x11F80  }
0x224: {  	[hbm4b:s0+s3] =	stream.linear.scatter [tilespmem:s17], [sflag:$0x6], $0x80, $0x38;
	[tilespmem:$0x16C00] =	vst v63  }
0x225: {  	s1 =	sadd.s32 $0x10, s0;
	s17 =	simm.s32 $0x12008  }
0x226: {  	[hbm4b:s1+s3] =	stream.linear.scatter [tilespmem:s17], [sflag:$0x6], $0x80, $0x38;
	[tilespmem:$0x16C00] =	vst v63  }
0x227: {  	s1 =	sadd.s32 $0x20, s0;
	s17 =	simm.s32 $0x12090  }
0x228: {  	[hbm4b:s1+s3] =	stream.linear.scatter [tilespmem:s17], [sflag:$0x6], $0x80, $0x38;
	[tilespmem:$0x16C00] =	vst v63  }
0x229: {  	s1 =	sadd.s32 $0x30, s0;
	s17 =	simm.s32 $0x12118  }
0x22a: {  	[hbm4b:s1+s3] =	stream.linear.scatter [tilespmem:s17], [sflag:$0x6], $0x80, $0x38;
	[tilespmem:$0x16C00] =	vst v63  }
0x22b: {  	s1 =	sadd.s32 $0x40, s0;
	s17 =	simm.s32 $0x121A0  }
0x22c: {  	[hbm4b:s1+s3] =	stream.linear.scatter [tilespmem:s17], [sflag:$0x6], $0x80, $0x38;
	[tilespmem:$0x16C00] =	vst v63  }
0x22d: {  	s1 =	sadd.s32 $0x50, s0;
	s17 =	simm.s32 $0x12228  }
0x22e: {  	[hbm4b:s1+s3] =	stream.linear.scatter [tilespmem:s17], [sflag:$0x6], $0x80, $0x38;
	[tilespmem:$0x16C00] =	vst v63  }
0x22f: {  	s1 =	sadd.s32 $0x60, s0;
	s17 =	simm.s32 $0x122B0  }
0x230: {  	[hbm4b:s1+s3] =	stream.linear.scatter [tilespmem:s17], [sflag:$0x6], $0x80, $0x38;
	[tilespmem:$0x16C00] =	vst v63  }
0x231: {  	s0 =	sadd.s32 $0x70, s0;
	s17 =	simm.s32 $0x12338  }
0x232: {  	[hbm4b:s0+s3] =	stream.linear.scatter [tilespmem:s17], [sflag:$0x6], $0x80, $0x38;
	[tilespmem:$0x16C00] =	vst v63  }
0x233: {  	s0 =	sadd.s32 s30, s13;
	s17 =	simm.s32 $0x123C0  }
0x234: {  	[hbm4b:s0+s3] =	stream.linear.scatter [tilespmem:s17], [sflag:$0x6], $0x80, $0x38;
	[tilespmem:$0x16C00] =	vst v63  }
0x235: {  	s1 =	sadd.s32 $0x10, s0;
	s17 =	simm.s32 $0x12448  }
0x236: {  	[hbm4b:s1+s3] =	stream.linear.scatter [tilespmem:s17], [sflag:$0x6], $0x80, $0x38;
	[tilespmem:$0x16C00] =	vst v63  }
0x237: {  	s1 =	sadd.s32 $0x20, s0;
	s17 =	simm.s32 $0x124D0  }
0x238: {  	[hbm4b:s1+s3] =	stream.linear.scatter [tilespmem:s17], [sflag:$0x6], $0x80, $0x38;
	[tilespmem:$0x16C00] =	vst v63  }
0x239: {  	s1 =	sadd.s32 $0x30, s0;
	s17 =	simm.s32 $0x12558  }
0x23a: {  	[hbm4b:s1+s3] =	stream.linear.scatter [tilespmem:s17], [sflag:$0x6], $0x80, $0x38;
	[tilespmem:$0x16C00] =	vst v63  }
0x23b: {  	s1 =	sadd.s32 $0x40, s0;
	s17 =	simm.s32 $0x125E0  }
0x23c: {  	[hbm4b:s1+s3] =	stream.linear.scatter [tilespmem:s17], [sflag:$0x6], $0x80, $0x38;
	[tilespmem:$0x16C00] =	vst v63  }
0x23d: {  	s1 =	sadd.s32 $0x50, s0;
	s17 =	simm.s32 $0x12668  }
0x23e: {  	[hbm4b:s1+s3] =	stream.linear.scatter [tilespmem:s17], [sflag:$0x6], $0x80, $0x38;
	[tilespmem:$0x16C00] =	vst v63  }
0x23f: {  	s1 =	sadd.s32 $0x60, s0;
	s17 =	simm.s32 $0x126F0  }
0x240: {  	[hbm4b:s1+s3] =	stream.linear.scatter [tilespmem:s17], [sflag:$0x6], $0x80, $0x38;
	[tilespmem:$0x16C00] =	vst v63  }
0x241: {  	s0 =	sadd.s32 $0x70, s0;
	s17 =	simm.s32 $0x12778  }
0x242: {  	[hbm4b:s0+s3] =	stream.linear.scatter [tilespmem:s17], [sflag:$0x6], $0x80, $0x38;
	[tilespmem:$0x16C00] =	vst v63  }
0x243: {  	s1 =	simm.s32 @!p1 $0x80;
	s0 =	sadd.s32 @!p1 $0x280, s29;
	s17 =	simm.s32 @!p1 $0x8400  }
0x244: {  	[tilespmem:s17], [sflag:$0x2] =	stream.indirect.gather @!p1 [hbm4b:s4+s1], $0x40, s0, s1, $0xb8;
	[tilespmem:$0x16C00] =	vst v63  }
0x245: {  	_ =	swait.ge [sflag:s25], $0x2000  }
0x246: {  	[sflag:s25] =	ssyncset.done $0x0  }
0x247: {  	s0 =	simm.s32 @!p0 $0x7;
	[sflag:s25] =	ssyncadd.s32 $0xFFFFE000  }
0x248: {  	_ =	swait.ge @!p0 [sflag:s0], $0x400  }
0x249: {  	[sflag:s0] =	ssyncset.done @!p0 $0x0  }
0x24a: {  	[sflag:s0] =	ssyncadd.s32 @!p0 $0xFFFFFC00  }
0x24b: {  	_ =	swait.ge @!p0 [sflag:s0], $0x400  }
0x24c: {  	[sflag:s0] =	ssyncset.done @!p0 $0x0  }
0x24d: {  	[sflag:s0] =	ssyncadd.s32 @!p0 $0xFFFFFC00  }
0x24e: {  	_ =	swait.ge @!p0 [sflag:s0], $0x400  }
0x24f: {  	[sflag:s0] =	ssyncset.done @!p0 $0x0  }
0x250: {  	[sflag:s0] =	ssyncadd.s32 @!p0 $0xFFFFFC00  }
0x251: {  	_ =	swait.ge @!p0 [sflag:s0], $0x400  }
0x252: {  	[sflag:s0] =	ssyncset.done @!p0 $0x0  }
0x253: {  	[sflag:s0] =	ssyncadd.s32 @!p0 $0xFFFFFC00  }
0x254: {  	_ =	swait.ge @!p0 [sflag:s0], $0x400  }
0x255: {  	[sflag:s0] =	ssyncset.done @!p0 $0x0  }
0x256: {  	[sflag:s0] =	ssyncadd.s32 @!p0 $0xFFFFFC00  }
0x257: {  	_ =	swait.ge @!p0 [sflag:s0], $0x400  }
0x258: {  	[sflag:s0] =	ssyncset.done @!p0 $0x0  }
0x259: {  	[sflag:s0] =	ssyncadd.s32 @!p0 $0xFFFFFC00  }
0x25a: {  	_ =	swait.ge @!p0 [sflag:s0], $0x400  }
0x25b: {  	[sflag:s0] =	ssyncset.done @!p0 $0x0  }
0x25c: {  	[sflag:s0] =	ssyncadd.s32 @!p0 $0xFFFFFC00  }
0x25d: {  	_ =	swait.ge @!p0 [sflag:s0], $0x400  }
0x25e: {  	[sflag:s0] =	ssyncset.done @!p0 $0x0  }
0x25f: {  	s30 =	simm.s32 $0xA480;
	[sflag:s0] =	ssyncadd.s32 @!p0 $0xFFFFFC00  }
0x260: {  	v4 =	vld [tilespmem:s30+$0x70]  }
0x261: {  	v6 =	vld [tilespmem:s30+$0x60]  }
0x262: {  	v5 =	vld [tilespmem:s30+$0x50]  }
0x263: {  	v7 =	vld [tilespmem:s30+$0x40]  }
0x264: {  	v8 =	vld [tilespmem:s30+$0x30]  }
0x265: {  	v9 =	vld [tilespmem:s30+$0x20]  }
0x266: {  	v10 =	vld [tilespmem:s30+$0x10]  }
0x267: {  	s1 =	simm.s32 $0x0;
	v11 =	vld [tilespmem:s30+$0x0]  }
0x268: {  	v13 =	vmov s1;
	v12 =	vld [tilespmem:s30+$0xFFFFFFF0]  }
0x269: {  	v13 =	vand.u32 $0x7C, v13;
	v14 =	vld [tilespmem:s30+$0xFFFFFFE0]  }
0x26a: {  	v17 =	vadd.s32 v0, v13;
	v16 =	vld [tilespmem:s30+$0xFFFFFF80]  }
0x26b: {  	s17 =	simm.s32 $0x1;
	v19 =	vadd.s32 v1, v13;
	v18 =	vld [tilespmem:s30+$0xFFFFFF90]  }
0x26c: {  	v21 =	vmov s17;
	v22 =	vadd.s32 v2, v13;
	v20 =	vld [tilespmem:s30+$0xFFFFFFA0]  }
0x26d: {  	v21 =	vand.u32 $0x7D, v21;
	v13 =	vadd.s32 v3, v13;
	v23 =	vld [tilespmem:s30+$0xFFFFFFB0]  }
0x26e: {  	v25 =	vadd.s32 v0, v21;
	v24 =	vld [tilespmem:s30+$0xFFFFFFC0]  }
0x26f: {  	s1 =	simm.s32 $0x2;
	v51 =	vadd.s32 v1, v21;
	v15 =	vld [tilespmem:s30+$0xFFFFFFD0];
	[tilespmem:v17+s26+$0x0] =	vst.idx.msk $0xffff, v16  }
0x270: {  	v52 =	vmov s1;
	v53 =	vadd.s32 v2, v21;
	[tilespmem:v19+s26+$0x0] =	vst.idx.msk $0xffff, v18  }
0x271: {  	v54 =	vadd.s32 v3, v21;
	v17 =	vand.u32 $0x7E, v52;
	[tilespmem:v22+s26+$0x0] =	vst.idx.msk $0xffff, v20  }
0x272: {  	v55 =	vadd.s32 v0, v17;
	[tilespmem:v13+s26+$0x0] =	vst.idx.msk $0xffff, v23  }
0x273: {  	s17 =	simm.s32 $0x3;
	v56 =	vadd.s32 v1, v17;
	[tilespmem:v25+s26+$0x0] =	vst.idx.msk $0xffff, v24  }
0x274: {  	v57 =	vmov s17;
	v58 =	vadd.s32 v2, v17;
	[tilespmem:v51+s26+$0x0] =	vst.idx.msk $0xffff, v15  }
0x275: {  	v60 =	vand.u32 $0x7F, v57;
	v59 =	vadd.s32 v3, v17;
	[tilespmem:v53+s26+$0x0] =	vst.idx.msk $0xffff, v14  }
0x276: {  	v61 =	vadd.s32 v0, v60;
	[tilespmem:v54+s26+$0x0] =	vst.idx.msk $0xffff, v12  }
0x277: {  	v62 =	vadd.s32 v1, v60;
	[tilespmem:v55+s26+$0x0] =	vst.idx.msk $0xffff, v11  }
0x278: {  	[tilespmem:v56+s26+$0x0] =	vst.idx.msk $0xffff, v10  }
0x279: {  	[tilespmem:v58+s26+$0x0] =	vst.idx.msk $0xffff, v9  }
0x27a: {  	v63 =	vadd.s32 v2, v60;
	[tilespmem:v59+s26+$0x0] =	vst.idx.msk $0xffff, v8  }
0x27b: {  	[tilespmem:v61+s26+$0x0] =	vst.idx.msk $0xffff, v7  }
0x27c: {  	[tilespmem:v62+s26+$0x0] =	vst.idx.msk $0xffff, v5;
	v5 =	vadd.s32 v3, v60;
	_ =	sdelay $0x2  }
0x27d: {  	s31 =	sor.u32 $0x2, s28;
	s1 =	simm.s32 $0x4;
	[tilespmem:v63+s26+$0x0] =	vst.idx.msk $0xffff, v6  }
.LBB2_7:
0x27e: {  	p2 =	sne.s32 s1, $0x7C  }
0x27f: {  	[tilespmem:v5+s26+$0x0] =	vst.idx.msk $0xffff, v4;
	s30 =	sadd.s32 $0x100, s30;
	s0 =	smov.u32 s1;
	s1 =	sadd.s32 $0x4, s1  }
0x280: {  	v4 =	vld [tilespmem:s30+$0x70]  }
0x281: {  	v6 =	vld [tilespmem:s30+$0x60]  }
0x282: {  	v7 =	vld [tilespmem:s30+$0x50]  }
0x283: {  	v8 =	vld [tilespmem:s30+$0x40]  }
0x284: {  	v9 =	vld [tilespmem:s30+$0x30]  }
0x285: {  	v5 =	vld [tilespmem:s30+$0x20]  }
0x286: {  	v10 =	vld [tilespmem:s30+$0x10]  }
0x287: {  	v11 =	vld [tilespmem:s30+$0x0]  }
0x288: {  	v12 =	vld [tilespmem:s30+$0xFFFFFFF0]  }
0x289: {  	v13 =	vmov s0;
	v14 =	vld [tilespmem:s30+$0xFFFFFFE0]  }
0x28a: {  	v13 =	vand.u32 $0x7C, v13;
	v15 =	vld [tilespmem:s30+$0xFFFFFFD0]  }
0x28b: {  	v17 =	vadd.s32 v0, v13;
	v16 =	vld [tilespmem:s30+$0xFFFFFF80]  }
0x28c: {  	s17 =	sadd.s32 $0x1, s0;
	v19 =	vadd.s32 v1, v13;
	v18 =	vld [tilespmem:s30+$0xFFFFFF90]  }
0x28d: {  	v21 =	vmov s17;
	v22 =	vadd.s32 v2, v13;
	v20 =	vld [tilespmem:s30+$0xFFFFFFA0]  }
0x28e: {  	v13 =	vadd.s32 v3, v13;
	v21 =	vand.u32 $0x7D, v21;
	v23 =	vld [tilespmem:s30+$0xFFFFFFB0]  }
0x28f: {  	v25 =	vadd.s32 v0, v21;
	v24 =	vld [tilespmem:s30+$0xFFFFFFC0]  }
0x290: {  	s17 =	sadd.s32 $0x2, s0;
	[tilespmem:v17+s26+$0x0] =	vst.idx.msk $0xffff, v16;
	v16 =	vadd.s32 v1, v21  }
0x291: {  	v17 =	vmov s17;
	[tilespmem:v19+s26+$0x0] =	vst.idx.msk $0xffff, v18;
	v18 =	vadd.s32 v2, v21  }
0x292: {  	v19 =	vadd.s32 v3, v21;
	v17 =	vand.u32 $0x7E, v17;
	[tilespmem:v22+s26+$0x0] =	vst.idx.msk $0xffff, v20  }
0x293: {  	[tilespmem:v13+s26+$0x0] =	vst.idx.msk $0xffff, v23;
	v13 =	vadd.s32 v0, v17  }
0x294: {  	s0 =	sadd.s32 $0x3, s0;
	v20 =	vadd.s32 v1, v17;
	[tilespmem:v25+s26+$0x0] =	vst.idx.msk $0xffff, v24  }
0x295: {  	v21 =	vmov s0;
	[tilespmem:v16+s26+$0x0] =	vst.idx.msk $0xffff, v15;
	v15 =	vadd.s32 v2, v17  }
0x296: {  	v16 =	vand.u32 $0x7F, v21;
	[tilespmem:v18+s26+$0x0] =	vst.idx.msk $0xffff, v14;
	v14 =	vadd.s32 v3, v17  }
0x297: {  	[tilespmem:v19+s26+$0x0] =	vst.idx.msk $0xffff, v12;
	v12 =	vadd.s32 v0, v16  }
0x298: {  	[tilespmem:v13+s26+$0x0] =	vst.idx.msk $0xffff, v11;
	v11 =	vadd.s32 v1, v16  }
0x299: {  	[tilespmem:v20+s26+$0x0] =	vst.idx.msk $0xffff, v10;
	v10 =	vadd.s32 v2, v16  }
.Ltmp4:
0x29a: {  	[tilespmem:v15+s26+$0x0] =	vst.idx.msk $0xffff, v5;
	v5 =	vadd.s32 v3, v16;
	(pc) =	sbr.rel @p2 .LBB2_7-.Ltmp4, $4  }
0x29b: {  	[tilespmem:v14+s26+$0x0] =	vst.idx.msk $0xffff, v9  }
0x29c: {  	[tilespmem:v12+s26+$0x0] =	vst.idx.msk $0xffff, v8  }
0x29d: {  	[tilespmem:v11+s26+$0x0] =	vst.idx.msk $0xffff, v7  }
0x29e: {  	[tilespmem:v10+s26+$0x0] =	vst.idx.msk $0xffff, v6  }
0x29f: {  	s0 =	sadd.s32 s5, s31  }
0x2a0: {  	s1 =	sshll.u32 s0, $0xA;
	s0 =	sshll.u32 s0, $0x7  }
0x2a1: {  	s1 =	sand.u32 $0x7FFE0000, s1;
	s0 =	sand.u32 $0x3F00, s0  }
0x2a2: {  	s30 =	sor.u32 s0, s1  }
0x2a3: {  	[tilespmem:v5+s26+$0x0] =	vst.idx.msk $0xffff, v4;
	s0 =	sadd.s32 s2, s30  }
0x2a4: {  	[hbm4b:s0+s3] =	stream.linear.scatter [tilespmem:s26], [sflag:$0x7], $0x80, $0x38;
	[tilespmem:$0x16C00] =	vst v63  }
0x2a5: {  	s17 =	simm.s32 $0x12888;
	s31 =	sadd.s32 $0x10, s0  }
0x2a6: {  	[hbm4b:s31+s3] =	stream.linear.scatter [tilespmem:s17], [sflag:$0x7], $0x80, $0x38;
	[tilespmem:$0x16C00] =	vst v63  }
0x2a7: {  	s17 =	sadd.s32 $0x20, s0;
	s31 =	simm.s32 $0x12910  }
0x2a8: {  	[hbm4b:s17+s3] =	stream.linear.scatter [tilespmem:s31], [sflag:$0x7], $0x80, $0x38;
	[tilespmem:$0x16C00] =	vst v63  }
0x2a9: {  	s17 =	sadd.s32 $0x30, s0;
	s31 =	simm.s32 $0x12998  }
0x2aa: {  	[hbm4b:s17+s3] =	stream.linear.scatter [tilespmem:s31], [sflag:$0x7], $0x80, $0x38;
	[tilespmem:$0x16C00] =	vst v63  }
0x2ab: {  	s17 =	sadd.s32 $0x40, s0;
	s31 =	simm.s32 $0x12A20  }
0x2ac: {  	[hbm4b:s17+s3] =	stream.linear.scatter [tilespmem:s31], [sflag:$0x7], $0x80, $0x38;
	[tilespmem:$0x16C00] =	vst v63  }
0x2ad: {  	s17 =	sadd.s32 $0x50, s0;
	s31 =	simm.s32 $0x12AA8  }
0x2ae: {  	[hbm4b:s17+s3] =	stream.linear.scatter [tilespmem:s31], [sflag:$0x7], $0x80, $0x38;
	[tilespmem:$0x16C00] =	vst v63  }
0x2af: {  	s17 =	sadd.s32 $0x60, s0;
	s31 =	simm.s32 $0x12B30  }
0x2b0: {  	[hbm4b:s17+s3] =	stream.linear.scatter [tilespmem:s31], [sflag:$0x7], $0x80, $0x38;
	[tilespmem:$0x16C00] =	vst v63  }
0x2b1: {  	s0 =	sadd.s32 $0x70, s0;
	s17 =	simm.s32 $0x12BB8  }
0x2b2: {  	[hbm4b:s0+s3] =	stream.linear.scatter [tilespmem:s17], [sflag:$0x7], $0x80, $0x38;
	[tilespmem:$0x16C00] =	vst v63  }
0x2b3: {  	s31 =	simm.s32 $0x12C40;
	s0 =	sadd.s32 s30, s7  }
0x2b4: {  	[hbm4b:s0+s3] =	stream.linear.scatter [tilespmem:s31], [sflag:$0x7], $0x80, $0x38;
	[tilespmem:$0x16C00] =	vst v63  }
0x2b5: {  	s17 =	sadd.s32 $0x10, s0;
	s31 =	simm.s32 $0x12CC8  }
0x2b6: {  	[hbm4b:s17+s3] =	stream.linear.scatter [tilespmem:s31], [sflag:$0x7], $0x80, $0x38;
	[tilespmem:$0x16C00] =	vst v63  }
0x2b7: {  	s17 =	sadd.s32 $0x20, s0;
	s31 =	simm.s32 $0x12D50  }
0x2b8: {  	[hbm4b:s17+s3] =	stream.linear.scatter [tilespmem:s31], [sflag:$0x7], $0x80, $0x38;
	[tilespmem:$0x16C00] =	vst v63  }
0x2b9: {  	s17 =	sadd.s32 $0x30, s0;
	s31 =	simm.s32 $0x12DD8  }
0x2ba: {  	[hbm4b:s17+s3] =	stream.linear.scatter [tilespmem:s31], [sflag:$0x7], $0x80, $0x38;
	[tilespmem:$0x16C00] =	vst v63  }
0x2bb: {  	s17 =	sadd.s32 $0x40, s0;
	s31 =	simm.s32 $0x12E60  }
0x2bc: {  	[hbm4b:s17+s3] =	stream.linear.scatter [tilespmem:s31], [sflag:$0x7], $0x80, $0x38;
	[tilespmem:$0x16C00] =	vst v63  }
0x2bd: {  	s17 =	sadd.s32 $0x50, s0;
	s31 =	simm.s32 $0x12EE8  }
0x2be: {  	[hbm4b:s17+s3] =	stream.linear.scatter [tilespmem:s31], [sflag:$0x7], $0x80, $0x38;
	[tilespmem:$0x16C00] =	vst v63  }
0x2bf: {  	s17 =	sadd.s32 $0x60, s0;
	s31 =	simm.s32 $0x12F70  }
0x2c0: {  	[hbm4b:s17+s3] =	stream.linear.scatter [tilespmem:s31], [sflag:$0x7], $0x80, $0x38;
	[tilespmem:$0x16C00] =	vst v63  }
0x2c1: {  	s0 =	sadd.s32 $0x70, s0;
	s17 =	simm.s32 $0x12FF8  }
0x2c2: {  	[hbm4b:s0+s3] =	stream.linear.scatter [tilespmem:s17], [sflag:$0x7], $0x80, $0x38;
	[tilespmem:$0x16C00] =	vst v63  }
0x2c3: {  	s31 =	simm.s32 $0x13080;
	s0 =	sadd.s32 s30, s8  }
0x2c4: {  	[hbm4b:s0+s3] =	stream.linear.scatter [tilespmem:s31], [sflag:$0x7], $0x80, $0x38;
	[tilespmem:$0x16C00] =	vst v63  }
0x2c5: {  	s17 =	sadd.s32 $0x10, s0;
	s31 =	simm.s32 $0x13108  }
0x2c6: {  	[hbm4b:s17+s3] =	stream.linear.scatter [tilespmem:s31], [sflag:$0x7], $0x80, $0x38;
	[tilespmem:$0x16C00] =	vst v63  }
0x2c7: {  	s17 =	sadd.s32 $0x20, s0;
	s31 =	simm.s32 $0x13190  }
0x2c8: {  	[hbm4b:s17+s3] =	stream.linear.scatter [tilespmem:s31], [sflag:$0x7], $0x80, $0x38;
	[tilespmem:$0x16C00] =	vst v63  }
0x2c9: {  	s17 =	sadd.s32 $0x30, s0;
	s31 =	simm.s32 $0x13218  }
0x2ca: {  	[hbm4b:s17+s3] =	stream.linear.scatter [tilespmem:s31], [sflag:$0x7], $0x80, $0x38;
	[tilespmem:$0x16C00] =	vst v63  }
0x2cb: {  	s17 =	sadd.s32 $0x40, s0;
	s31 =	simm.s32 $0x132A0  }
0x2cc: {  	[hbm4b:s17+s3] =	stream.linear.scatter [tilespmem:s31], [sflag:$0x7], $0x80, $0x38;
	[tilespmem:$0x16C00] =	vst v63  }
0x2cd: {  	s17 =	sadd.s32 $0x50, s0;
	s31 =	simm.s32 $0x13328  }
0x2ce: {  	[hbm4b:s17+s3] =	stream.linear.scatter [tilespmem:s31], [sflag:$0x7], $0x80, $0x38;
	[tilespmem:$0x16C00] =	vst v63  }
0x2cf: {  	s17 =	sadd.s32 $0x60, s0;
	s31 =	simm.s32 $0x133B0  }
0x2d0: {  	[hbm4b:s17+s3] =	stream.linear.scatter [tilespmem:s31], [sflag:$0x7], $0x80, $0x38;
	[tilespmem:$0x16C00] =	vst v63  }
0x2d1: {  	s0 =	sadd.s32 $0x70, s0;
	s17 =	simm.s32 $0x13438  }
0x2d2: {  	[hbm4b:s0+s3] =	stream.linear.scatter [tilespmem:s17], [sflag:$0x7], $0x80, $0x38;
	[tilespmem:$0x16C00] =	vst v63  }
0x2d3: {  	s31 =	simm.s32 $0x134C0;
	s0 =	sadd.s32 s30, s9  }
0x2d4: {  	[hbm4b:s0+s3] =	stream.linear.scatter [tilespmem:s31], [sflag:$0x7], $0x80, $0x38;
	[tilespmem:$0x16C00] =	vst v63  }
0x2d5: {  	s17 =	sadd.s32 $0x10, s0;
	s31 =	simm.s32 $0x13548  }
0x2d6: {  	[hbm4b:s17+s3] =	stream.linear.scatter [tilespmem:s31], [sflag:$0x7], $0x80, $0x38;
	[tilespmem:$0x16C00] =	vst v63  }
0x2d7: {  	s17 =	sadd.s32 $0x20, s0;
	s31 =	simm.s32 $0x135D0  }
0x2d8: {  	[hbm4b:s17+s3] =	stream.linear.scatter [tilespmem:s31], [sflag:$0x7], $0x80, $0x38;
	[tilespmem:$0x16C00] =	vst v63  }
0x2d9: {  	s17 =	sadd.s32 $0x30, s0;
	s31 =	simm.s32 $0x13658  }
0x2da: {  	[hbm4b:s17+s3] =	stream.linear.scatter [tilespmem:s31], [sflag:$0x7], $0x80, $0x38;
	[tilespmem:$0x16C00] =	vst v63  }
0x2db: {  	s17 =	sadd.s32 $0x40, s0;
	s31 =	simm.s32 $0x136E0  }
0x2dc: {  	[hbm4b:s17+s3] =	stream.linear.scatter [tilespmem:s31], [sflag:$0x7], $0x80, $0x38;
	[tilespmem:$0x16C00] =	vst v63  }
0x2dd: {  	s17 =	sadd.s32 $0x50, s0;
	s31 =	simm.s32 $0x13768  }
0x2de: {  	[hbm4b:s17+s3] =	stream.linear.scatter [tilespmem:s31], [sflag:$0x7], $0x80, $0x38;
	[tilespmem:$0x16C00] =	vst v63  }
0x2df: {  	s17 =	sadd.s32 $0x60, s0;
	s31 =	simm.s32 $0x137F0  }
0x2e0: {  	[hbm4b:s17+s3] =	stream.linear.scatter [tilespmem:s31], [sflag:$0x7], $0x80, $0x38;
	[tilespmem:$0x16C00] =	vst v63  }
0x2e1: {  	s0 =	sadd.s32 $0x70, s0;
	s17 =	simm.s32 $0x13878  }
0x2e2: {  	[hbm4b:s0+s3] =	stream.linear.scatter [tilespmem:s17], [sflag:$0x7], $0x80, $0x38;
	[tilespmem:$0x16C00] =	vst v63  }
0x2e3: {  	s31 =	simm.s32 $0x13900;
	s0 =	sadd.s32 s30, s10  }
0x2e4: {  	[hbm4b:s0+s3] =	stream.linear.scatter [tilespmem:s31], [sflag:$0x7], $0x80, $0x38;
	[tilespmem:$0x16C00] =	vst v63  }
0x2e5: {  	s17 =	sadd.s32 $0x10, s0;
	s31 =	simm.s32 $0x13988  }
0x2e6: {  	[hbm4b:s17+s3] =	stream.linear.scatter [tilespmem:s31], [sflag:$0x7], $0x80, $0x38;
	[tilespmem:$0x16C00] =	vst v63  }
0x2e7: {  	s17 =	sadd.s32 $0x20, s0;
	s31 =	simm.s32 $0x13A10  }
0x2e8: {  	[hbm4b:s17+s3] =	stream.linear.scatter [tilespmem:s31], [sflag:$0x7], $0x80, $0x38;
	[tilespmem:$0x16C00] =	vst v63  }
0x2e9: {  	s17 =	sadd.s32 $0x30, s0;
	s31 =	simm.s32 $0x13A98  }
0x2ea: {  	[hbm4b:s17+s3] =	stream.linear.scatter [tilespmem:s31], [sflag:$0x7], $0x80, $0x38;
	[tilespmem:$0x16C00] =	vst v63  }
0x2eb: {  	s17 =	sadd.s32 $0x40, s0;
	s31 =	simm.s32 $0x13B20  }
0x2ec: {  	[hbm4b:s17+s3] =	stream.linear.scatter [tilespmem:s31], [sflag:$0x7], $0x80, $0x38;
	[tilespmem:$0x16C00] =	vst v63  }
0x2ed: {  	s17 =	sadd.s32 $0x50, s0;
	s31 =	simm.s32 $0x13BA8  }
0x2ee: {  	[hbm4b:s17+s3] =	stream.linear.scatter [tilespmem:s31], [sflag:$0x7], $0x80, $0x38;
	[tilespmem:$0x16C00] =	vst v63  }
0x2ef: {  	s17 =	sadd.s32 $0x60, s0;
	s31 =	simm.s32 $0x13C30  }
0x2f0: {  	[hbm4b:s17+s3] =	stream.linear.scatter [tilespmem:s31], [sflag:$0x7], $0x80, $0x38;
	[tilespmem:$0x16C00] =	vst v63  }
0x2f1: {  	s0 =	sadd.s32 $0x70, s0;
	s17 =	simm.s32 $0x13CB8  }
0x2f2: {  	[hbm4b:s0+s3] =	stream.linear.scatter [tilespmem:s17], [sflag:$0x7], $0x80, $0x38;
	[tilespmem:$0x16C00] =	vst v63  }
0x2f3: {  	s31 =	simm.s32 $0x13D40;
	s0 =	sadd.s32 s30, s11  }
0x2f4: {  	[hbm4b:s0+s3] =	stream.linear.scatter [tilespmem:s31], [sflag:$0x7], $0x80, $0x38;
	[tilespmem:$0x16C00] =	vst v63  }
0x2f5: {  	s17 =	sadd.s32 $0x10, s0;
	s31 =	simm.s32 $0x13DC8  }
0x2f6: {  	[hbm4b:s17+s3] =	stream.linear.scatter [tilespmem:s31], [sflag:$0x7], $0x80, $0x38;
	[tilespmem:$0x16C00] =	vst v63  }
0x2f7: {  	s17 =	sadd.s32 $0x20, s0;
	s31 =	simm.s32 $0x13E50  }
0x2f8: {  	[hbm4b:s17+s3] =	stream.linear.scatter [tilespmem:s31], [sflag:$0x7], $0x80, $0x38;
	[tilespmem:$0x16C00] =	vst v63  }
0x2f9: {  	s17 =	sadd.s32 $0x30, s0;
	s31 =	simm.s32 $0x13ED8  }
0x2fa: {  	[hbm4b:s17+s3] =	stream.linear.scatter [tilespmem:s31], [sflag:$0x7], $0x80, $0x38;
	[tilespmem:$0x16C00] =	vst v63  }
0x2fb: {  	s17 =	sadd.s32 $0x40, s0;
	s31 =	simm.s32 $0x13F60  }
0x2fc: {  	[hbm4b:s17+s3] =	stream.linear.scatter [tilespmem:s31], [sflag:$0x7], $0x80, $0x38;
	[tilespmem:$0x16C00] =	vst v63  }
0x2fd: {  	s17 =	sadd.s32 $0x50, s0;
	s31 =	simm.s32 $0x13FE8  }
0x2fe: {  	[hbm4b:s17+s3] =	stream.linear.scatter [tilespmem:s31], [sflag:$0x7], $0x80, $0x38;
	[tilespmem:$0x16C00] =	vst v63  }
0x2ff: {  	s17 =	sadd.s32 $0x60, s0;
	s31 =	simm.s32 $0x14070  }
0x300: {  	[hbm4b:s17+s3] =	stream.linear.scatter [tilespmem:s31], [sflag:$0x7], $0x80, $0x38;
	[tilespmem:$0x16C00] =	vst v63  }
0x301: {  	s0 =	sadd.s32 $0x70, s0;
	s17 =	simm.s32 $0x140F8  }
0x302: {  	[hbm4b:s0+s3] =	stream.linear.scatter [tilespmem:s17], [sflag:$0x7], $0x80, $0x38;
	[tilespmem:$0x16C00] =	vst v63  }
0x303: {  	s31 =	simm.s32 $0x14180;
	s0 =	sadd.s32 s30, s12  }
0x304: {  	[hbm4b:s0+s3] =	stream.linear.scatter [tilespmem:s31], [sflag:$0x7], $0x80, $0x38;
	[tilespmem:$0x16C00] =	vst v63  }
0x305: {  	s17 =	sadd.s32 $0x10, s0;
	s31 =	simm.s32 $0x14208  }
0x306: {  	[hbm4b:s17+s3] =	stream.linear.scatter [tilespmem:s31], [sflag:$0x7], $0x80, $0x38;
	[tilespmem:$0x16C00] =	vst v63  }
0x307: {  	s17 =	sadd.s32 $0x20, s0;
	s31 =	simm.s32 $0x14290  }
0x308: {  	[hbm4b:s17+s3] =	stream.linear.scatter [tilespmem:s31], [sflag:$0x7], $0x80, $0x38;
	[tilespmem:$0x16C00] =	vst v63  }
0x309: {  	s17 =	sadd.s32 $0x30, s0;
	s31 =	simm.s32 $0x14318  }
0x30a: {  	[hbm4b:s17+s3] =	stream.linear.scatter [tilespmem:s31], [sflag:$0x7], $0x80, $0x38;
	[tilespmem:$0x16C00] =	vst v63  }
0x30b: {  	s17 =	sadd.s32 $0x40, s0;
	s31 =	simm.s32 $0x143A0  }
0x30c: {  	[hbm4b:s17+s3] =	stream.linear.scatter [tilespmem:s31], [sflag:$0x7], $0x80, $0x38;
	[tilespmem:$0x16C00] =	vst v63  }
0x30d: {  	s17 =	sadd.s32 $0x50, s0;
	s31 =	simm.s32 $0x14428  }
0x30e: {  	[hbm4b:s17+s3] =	stream.linear.scatter [tilespmem:s31], [sflag:$0x7], $0x80, $0x38;
	[tilespmem:$0x16C00] =	vst v63  }
0x30f: {  	s17 =	sadd.s32 $0x60, s0;
	s31 =	simm.s32 $0x144B0  }
0x310: {  	[hbm4b:s17+s3] =	stream.linear.scatter [tilespmem:s31], [sflag:$0x7], $0x80, $0x38;
	[tilespmem:$0x16C00] =	vst v63  }
0x311: {  	s0 =	sadd.s32 $0x70, s0;
	s31 =	simm.s32 $0x14538  }
0x312: {  	[hbm4b:s0+s3] =	stream.linear.scatter [tilespmem:s31], [sflag:$0x7], $0x80, $0x38;
	[tilespmem:$0x16C00] =	vst v63  }
0x313: {  	s17 =	simm.s32 $0x145C0;
	s0 =	sadd.s32 s30, s13  }
0x314: {  	[hbm4b:s0+s3] =	stream.linear.scatter [tilespmem:s17], [sflag:$0x7], $0x80, $0x38;
	[tilespmem:$0x16C00] =	vst v63  }
0x315: {  	s31 =	simm.s32 $0x14648;
	s30 =	sadd.s32 $0x10, s0  }
0x316: {  	[hbm4b:s30+s3] =	stream.linear.scatter [tilespmem:s31], [sflag:$0x7], $0x80, $0x38;
	[tilespmem:$0x16C00] =	vst v63  }
0x317: {  	s30 =	sadd.s32 $0x20, s0;
	s31 =	simm.s32 $0x146D0  }
0x318: {  	[hbm4b:s30+s3] =	stream.linear.scatter [tilespmem:s31], [sflag:$0x7], $0x80, $0x38;
	[tilespmem:$0x16C00] =	vst v63  }
0x319: {  	s30 =	sadd.s32 $0x30, s0;
	s31 =	simm.s32 $0x14758  }
0x31a: {  	[hbm4b:s30+s3] =	stream.linear.scatter [tilespmem:s31], [sflag:$0x7], $0x80, $0x38;
	[tilespmem:$0x16C00] =	vst v63  }
0x31b: {  	s30 =	sadd.s32 $0x40, s0;
	s31 =	simm.s32 $0x147E0  }
0x31c: {  	[hbm4b:s30+s3] =	stream.linear.scatter [tilespmem:s31], [sflag:$0x7], $0x80, $0x38;
	[tilespmem:$0x16C00] =	vst v63  }
0x31d: {  	s30 =	sadd.s32 $0x50, s0;
	s31 =	simm.s32 $0x14868  }
0x31e: {  	[hbm4b:s30+s3] =	stream.linear.scatter [tilespmem:s31], [sflag:$0x7], $0x80, $0x38;
	[tilespmem:$0x16C00] =	vst v63  }
0x31f: {  	s17 =	sadd.s32 $0x60, s0;
	s30 =	simm.s32 $0x148F0  }
0x320: {  	[hbm4b:s17+s3] =	stream.linear.scatter [tilespmem:s30], [sflag:$0x7], $0x80, $0x38;
	[tilespmem:$0x16C00] =	vst v63  }
0x321: {  	s0 =	sadd.s32 $0x70, s0;
	s31 =	simm.s32 $0x14978  }
0x322: {  	[hbm4b:s0+s3] =	stream.linear.scatter [tilespmem:s31], [sflag:$0x7], $0x80, $0x38;
	[tilespmem:$0x16C00] =	vst v63  }
0x323: {  	s1 =	simm.s32 @!p1 $0x80;
	s17 =	simm.s32 @!p1 $0xA400;
	s0 =	sadd.s32 @!p1 $0x300, s29  }
0x324: {  	[tilespmem:s17], [sflag:$0x3] =	stream.indirect.gather @!p1 [hbm4b:s4+s1], $0x40, s0, s1, $0xb8;
	[tilespmem:$0x16C00] =	vst v63  }
0x325: {  	_ =	swait.ge [sflag:s19], $0x2000  }
0x326: {  	[sflag:s19] =	ssyncset.done $0x0  }
0x327: {  	s0 =	simm.s32 @!p0 $0x8;
	[sflag:s19] =	ssyncadd.s32 $0xFFFFE000  }
0x328: {  	_ =	swait.ge @!p0 [sflag:s0], $0x400  }
0x329: {  	[sflag:s0] =	ssyncset.done @!p0 $0x0  }
0x32a: {  	[sflag:s0] =	ssyncadd.s32 @!p0 $0xFFFFFC00  }
0x32b: {  	_ =	swait.ge @!p0 [sflag:s0], $0x400  }
0x32c: {  	[sflag:s0] =	ssyncset.done @!p0 $0x0  }
0x32d: {  	[sflag:s0] =	ssyncadd.s32 @!p0 $0xFFFFFC00  }
0x32e: {  	_ =	swait.ge @!p0 [sflag:s0], $0x400  }
0x32f: {  	[sflag:s0] =	ssyncset.done @!p0 $0x0  }
0x330: {  	[sflag:s0] =	ssyncadd.s32 @!p0 $0xFFFFFC00  }
0x331: {  	_ =	swait.ge @!p0 [sflag:s0], $0x400  }
0x332: {  	[sflag:s0] =	ssyncset.done @!p0 $0x0  }
0x333: {  	[sflag:s0] =	ssyncadd.s32 @!p0 $0xFFFFFC00  }
0x334: {  	_ =	swait.ge @!p0 [sflag:s0], $0x400  }
0x335: {  	[sflag:s0] =	ssyncset.done @!p0 $0x0  }
0x336: {  	[sflag:s0] =	ssyncadd.s32 @!p0 $0xFFFFFC00  }
0x337: {  	_ =	swait.ge @!p0 [sflag:s0], $0x400  }
0x338: {  	[sflag:s0] =	ssyncset.done @!p0 $0x0  }
0x339: {  	[sflag:s0] =	ssyncadd.s32 @!p0 $0xFFFFFC00  }
0x33a: {  	_ =	swait.ge @!p0 [sflag:s0], $0x400  }
0x33b: {  	[sflag:s0] =	ssyncset.done @!p0 $0x0  }
0x33c: {  	[sflag:s0] =	ssyncadd.s32 @!p0 $0xFFFFFC00  }
0x33d: {  	_ =	swait.ge @!p0 [sflag:s0], $0x400  }
0x33e: {  	[sflag:s0] =	ssyncset.done @!p0 $0x0  }
0x33f: {  	s29 =	simm.s32 $0xC480;
	[sflag:s0] =	ssyncadd.s32 @!p0 $0xFFFFFC00  }
0x340: {  	v4 =	vld [tilespmem:s29+$0x70]  }
0x341: {  	v6 =	vld [tilespmem:s29+$0x60]  }
0x342: {  	v5 =	vld [tilespmem:s29+$0x50]  }
0x343: {  	v7 =	vld [tilespmem:s29+$0x40]  }
0x344: {  	v8 =	vld [tilespmem:s29+$0x30]  }
0x345: {  	v9 =	vld [tilespmem:s29+$0x20]  }
0x346: {  	v10 =	vld [tilespmem:s29+$0x10]  }
0x347: {  	s1 =	simm.s32 $0x0;
	v11 =	vld [tilespmem:s29+$0x0]  }
0x348: {  	v13 =	vmov s1;
	v12 =	vld [tilespmem:s29+$0xFFFFFFF0]  }
0x349: {  	v13 =	vand.u32 $0x7C, v13;
	v14 =	vld [tilespmem:s29+$0xFFFFFFE0]  }
0x34a: {  	v17 =	vadd.s32 v0, v13;
	v16 =	vld [tilespmem:s29+$0xFFFFFF80]  }
0x34b: {  	s17 =	simm.s32 $0x1;
	v19 =	vadd.s32 v1, v13;
	v18 =	vld [tilespmem:s29+$0xFFFFFF90]  }
0x34c: {  	v21 =	vmov s17;
	v22 =	vadd.s32 v2, v13;
	v20 =	vld [tilespmem:s29+$0xFFFFFFA0]  }
0x34d: {  	v21 =	vand.u32 $0x7D, v21;
	v13 =	vadd.s32 v3, v13;
	v23 =	vld [tilespmem:s29+$0xFFFFFFB0]  }
0x34e: {  	v25 =	vadd.s32 v0, v21;
	v24 =	vld [tilespmem:s29+$0xFFFFFFC0]  }
0x34f: {  	s30 =	simm.s32 $0x2;
	v51 =	vadd.s32 v1, v21;
	v15 =	vld [tilespmem:s29+$0xFFFFFFD0];
	[tilespmem:v17+s20+$0x0] =	vst.idx.msk $0xffff, v16  }
0x350: {  	v52 =	vmov s30;
	v53 =	vadd.s32 v2, v21;
	[tilespmem:v19+s20+$0x0] =	vst.idx.msk $0xffff, v18  }
0x351: {  	v54 =	vadd.s32 v3, v21;
	v17 =	vand.u32 $0x7E, v52;
	[tilespmem:v22+s20+$0x0] =	vst.idx.msk $0xffff, v20  }
0x352: {  	v55 =	vadd.s32 v0, v17;
	[tilespmem:v13+s20+$0x0] =	vst.idx.msk $0xffff, v23  }
0x353: {  	s31 =	simm.s32 $0x3;
	v56 =	vadd.s32 v1, v17;
	[tilespmem:v25+s20+$0x0] =	vst.idx.msk $0xffff, v24  }
0x354: {  	v57 =	vmov s31;
	v58 =	vadd.s32 v2, v17;
	[tilespmem:v51+s20+$0x0] =	vst.idx.msk $0xffff, v15  }
0x355: {  	v60 =	vand.u32 $0x7F, v57;
	v59 =	vadd.s32 v3, v17;
	[tilespmem:v53+s20+$0x0] =	vst.idx.msk $0xffff, v14  }
0x356: {  	v61 =	vadd.s32 v0, v60;
	[tilespmem:v54+s20+$0x0] =	vst.idx.msk $0xffff, v12  }
0x357: {  	v62 =	vadd.s32 v1, v60;
	[tilespmem:v55+s20+$0x0] =	vst.idx.msk $0xffff, v11  }
0x358: {  	[tilespmem:v56+s20+$0x0] =	vst.idx.msk $0xffff, v10  }
0x359: {  	[tilespmem:v58+s20+$0x0] =	vst.idx.msk $0xffff, v9  }
0x35a: {  	v63 =	vadd.s32 v2, v60;
	[tilespmem:v59+s20+$0x0] =	vst.idx.msk $0xffff, v8  }
0x35b: {  	[tilespmem:v61+s20+$0x0] =	vst.idx.msk $0xffff, v7  }
0x35c: {  	[tilespmem:v62+s20+$0x0] =	vst.idx.msk $0xffff, v5;
	v5 =	vadd.s32 v3, v60;
	_ =	sdelay $0x2  }
0x35d: {  	s28 =	sor.u32 $0x3, s28;
	s1 =	simm.s32 $0x4;
	[tilespmem:v63+s20+$0x0] =	vst.idx.msk $0xffff, v6  }
.LBB2_9:
0x35e: {  	p0 =	sne.s32 s1, $0x7C  }
0x35f: {  	[tilespmem:v5+s20+$0x0] =	vst.idx.msk $0xffff, v4;
	s29 =	sadd.s32 $0x100, s29;
	s0 =	smov.u32 s1;
	s1 =	sadd.s32 $0x4, s1  }
0x360: {  	v4 =	vld [tilespmem:s29+$0x70]  }
0x361: {  	v6 =	vld [tilespmem:s29+$0x60]  }
0x362: {  	v7 =	vld [tilespmem:s29+$0x50]  }
0x363: {  	v8 =	vld [tilespmem:s29+$0x40]  }
0x364: {  	v9 =	vld [tilespmem:s29+$0x30]  }
0x365: {  	v5 =	vld [tilespmem:s29+$0x20]  }
0x366: {  	v10 =	vld [tilespmem:s29+$0x10]  }
0x367: {  	v11 =	vld [tilespmem:s29+$0x0]  }
0x368: {  	v12 =	vld [tilespmem:s29+$0xFFFFFFF0]  }
0x369: {  	v13 =	vmov s0;
	v14 =	vld [tilespmem:s29+$0xFFFFFFE0]  }
0x36a: {  	v13 =	vand.u32 $0x7C, v13;
	v15 =	vld [tilespmem:s29+$0xFFFFFFD0]  }
0x36b: {  	v17 =	vadd.s32 v0, v13;
	v16 =	vld [tilespmem:s29+$0xFFFFFF80]  }
0x36c: {  	s17 =	sadd.s32 $0x1, s0;
	v19 =	vadd.s32 v1, v13;
	v18 =	vld [tilespmem:s29+$0xFFFFFF90]  }
0x36d: {  	v21 =	vmov s17;
	v22 =	vadd.s32 v2, v13;
	v20 =	vld [tilespmem:s29+$0xFFFFFFA0]  }
0x36e: {  	v13 =	vadd.s32 v3, v13;
	v21 =	vand.u32 $0x7D, v21;
	v23 =	vld [tilespmem:s29+$0xFFFFFFB0]  }
0x36f: {  	v25 =	vadd.s32 v0, v21;
	v24 =	vld [tilespmem:s29+$0xFFFFFFC0]  }
0x370: {  	s17 =	sadd.s32 $0x2, s0;
	[tilespmem:v17+s20+$0x0] =	vst.idx.msk $0xffff, v16;
	v16 =	vadd.s32 v1, v21  }
0x371: {  	v17 =	vmov s17;
	[tilespmem:v19+s20+$0x0] =	vst.idx.msk $0xffff, v18;
	v18 =	vadd.s32 v2, v21  }
0x372: {  	v19 =	vadd.s32 v3, v21;
	v17 =	vand.u32 $0x7E, v17;
	[tilespmem:v22+s20+$0x0] =	vst.idx.msk $0xffff, v20  }
0x373: {  	[tilespmem:v13+s20+$0x0] =	vst.idx.msk $0xffff, v23;
	v13 =	vadd.s32 v0, v17  }
0x374: {  	s0 =	sadd.s32 $0x3, s0;
	v20 =	vadd.s32 v1, v17;
	[tilespmem:v25+s20+$0x0] =	vst.idx.msk $0xffff, v24  }
0x375: {  	v21 =	vmov s0;
	[tilespmem:v16+s20+$0x0] =	vst.idx.msk $0xffff, v15;
	v15 =	vadd.s32 v2, v17  }
0x376: {  	v16 =	vand.u32 $0x7F, v21;
	[tilespmem:v18+s20+$0x0] =	vst.idx.msk $0xffff, v14;
	v14 =	vadd.s32 v3, v17  }
0x377: {  	[tilespmem:v19+s20+$0x0] =	vst.idx.msk $0xffff, v12;
	v12 =	vadd.s32 v0, v16  }
0x378: {  	[tilespmem:v13+s20+$0x0] =	vst.idx.msk $0xffff, v11;
	v11 =	vadd.s32 v1, v16  }
0x379: {  	[tilespmem:v20+s20+$0x0] =	vst.idx.msk $0xffff, v10;
	v10 =	vadd.s32 v2, v16  }
.Ltmp5:
0x37a: {  	[tilespmem:v15+s20+$0x0] =	vst.idx.msk $0xffff, v5;
	v5 =	vadd.s32 v3, v16;
	(pc) =	sbr.rel @p0 .LBB2_9-.Ltmp5, $4  }
0x37b: {  	[tilespmem:v14+s20+$0x0] =	vst.idx.msk $0xffff, v9  }
0x37c: {  	[tilespmem:v12+s20+$0x0] =	vst.idx.msk $0xffff, v8  }
0x37d: {  	[tilespmem:v11+s20+$0x0] =	vst.idx.msk $0xffff, v7  }
0x37e: {  	[tilespmem:v10+s20+$0x0] =	vst.idx.msk $0xffff, v6  }
0x37f: {  	s0 =	sadd.s32 s5, s28  }
0x380: {  	s1 =	sshll.u32 s0, $0xA;
	s0 =	sshll.u32 s0, $0x7  }
0x381: {  	s1 =	sand.u32 $0x7FFE0000, s1;
	s0 =	sand.u32 $0x3F80, s0  }
0x382: {  	s28 =	sor.u32 s0, s1  }
0x383: {  	[tilespmem:v5+s20+$0x0] =	vst.idx.msk $0xffff, v4;
	s0 =	sadd.s32 s2, s28  }
0x384: {  	[hbm4b:s0+s3] =	stream.linear.scatter [tilespmem:s20], [sflag:$0x8], $0x80, $0x38;
	[tilespmem:$0x16C00] =	vst v63  }
0x385: {  	s17 =	simm.s32 $0x14A88;
	s29 =	sadd.s32 $0x10, s0  }
0x386: {  	[hbm4b:s29+s3] =	stream.linear.scatter [tilespmem:s17], [sflag:$0x8], $0x80, $0x38;
	[tilespmem:$0x16C00] =	vst v63  }
0x387: {  	s31 =	simm.s32 $0x14B10;
	s30 =	sadd.s32 $0x20, s0  }
0x388: {  	[hbm4b:s30+s3] =	stream.linear.scatter [tilespmem:s31], [sflag:$0x8], $0x80, $0x38;
	[tilespmem:$0x16C00] =	vst v63  }
0x389: {  	s17 =	sadd.s32 $0x30, s0;
	s29 =	simm.s32 $0x14B98  }
0x38a: {  	[hbm4b:s17+s3] =	stream.linear.scatter [tilespmem:s29], [sflag:$0x8], $0x80, $0x38;
	[tilespmem:$0x16C00] =	vst v63  }
0x38b: {  	s30 =	sadd.s32 $0x40, s0;
	s31 =	simm.s32 $0x14C20  }
0x38c: {  	[hbm4b:s30+s3] =	stream.linear.scatter [tilespmem:s31], [sflag:$0x8], $0x80, $0x38;
	[tilespmem:$0x16C00] =	vst v63  }
0x38d: {  	s17 =	sadd.s32 $0x50, s0;
	s29 =	simm.s32 $0x14CA8  }
0x38e: {  	[hbm4b:s17+s3] =	stream.linear.scatter [tilespmem:s29], [sflag:$0x8], $0x80, $0x38;
	[tilespmem:$0x16C00] =	vst v63  }
0x38f: {  	s30 =	sadd.s32 $0x60, s0;
	s31 =	simm.s32 $0x14D30  }
0x390: {  	[hbm4b:s30+s3] =	stream.linear.scatter [tilespmem:s31], [sflag:$0x8], $0x80, $0x38;
	[tilespmem:$0x16C00] =	vst v63  }
0x391: {  	s0 =	sadd.s32 $0x70, s0;
	s17 =	simm.s32 $0x14DB8  }
0x392: {  	[hbm4b:s0+s3] =	stream.linear.scatter [tilespmem:s17], [sflag:$0x8], $0x80, $0x38;
	[tilespmem:$0x16C00] =	vst v63  }
0x393: {  	s29 =	simm.s32 $0x14E40;
	s0 =	sadd.s32 s28, s7  }
0x394: {  	[hbm4b:s0+s3] =	stream.linear.scatter [tilespmem:s29], [sflag:$0x8], $0x80, $0x38;
	[tilespmem:$0x16C00] =	vst v63  }
0x395: {  	s31 =	simm.s32 $0x14EC8;
	s30 =	sadd.s32 $0x10, s0  }
0x396: {  	[hbm4b:s30+s3] =	stream.linear.scatter [tilespmem:s31], [sflag:$0x8], $0x80, $0x38;
	[tilespmem:$0x16C00] =	vst v63  }
0x397: {  	s17 =	sadd.s32 $0x20, s0;
	s29 =	simm.s32 $0x14F50  }
0x398: {  	[hbm4b:s17+s3] =	stream.linear.scatter [tilespmem:s29], [sflag:$0x8], $0x80, $0x38;
	[tilespmem:$0x16C00] =	vst v63  }
0x399: {  	s30 =	sadd.s32 $0x30, s0;
	s31 =	simm.s32 $0x14FD8  }
0x39a: {  	[hbm4b:s30+s3] =	stream.linear.scatter [tilespmem:s31], [sflag:$0x8], $0x80, $0x38;
	[tilespmem:$0x16C00] =	vst v63  }
0x39b: {  	s17 =	sadd.s32 $0x40, s0;
	s29 =	simm.s32 $0x15060  }
0x39c: {  	[hbm4b:s17+s3] =	stream.linear.scatter [tilespmem:s29], [sflag:$0x8], $0x80, $0x38;
	[tilespmem:$0x16C00] =	vst v63  }
0x39d: {  	s30 =	sadd.s32 $0x50, s0;
	s31 =	simm.s32 $0x150E8  }
0x39e: {  	[hbm4b:s30+s3] =	stream.linear.scatter [tilespmem:s31], [sflag:$0x8], $0x80, $0x38;
	[tilespmem:$0x16C00] =	vst v63  }
0x39f: {  	s17 =	sadd.s32 $0x60, s0;
	s29 =	simm.s32 $0x15170  }
0x3a0: {  	[hbm4b:s17+s3] =	stream.linear.scatter [tilespmem:s29], [sflag:$0x8], $0x80, $0x38;
	[tilespmem:$0x16C00] =	vst v63  }
0x3a1: {  	s0 =	sadd.s32 $0x70, s0;
	s30 =	simm.s32 $0x151F8  }
0x3a2: {  	[hbm4b:s0+s3] =	stream.linear.scatter [tilespmem:s30], [sflag:$0x8], $0x80, $0x38;
	[tilespmem:$0x16C00] =	vst v63  }
0x3a3: {  	s31 =	simm.s32 $0x15280;
	s0 =	sadd.s32 s28, s8  }
0x3a4: {  	[hbm4b:s0+s3] =	stream.linear.scatter [tilespmem:s31], [sflag:$0x8], $0x80, $0x38;
	[tilespmem:$0x16C00] =	vst v63  }
0x3a5: {  	s29 =	simm.s32 $0x15308;
	s17 =	sadd.s32 $0x10, s0  }
0x3a6: {  	[hbm4b:s17+s3] =	stream.linear.scatter [tilespmem:s29], [sflag:$0x8], $0x80, $0x38;
	[tilespmem:$0x16C00] =	vst v63  }
0x3a7: {  	s30 =	sadd.s32 $0x20, s0;
	s31 =	simm.s32 $0x15390  }
0x3a8: {  	[hbm4b:s30+s3] =	stream.linear.scatter [tilespmem:s31], [sflag:$0x8], $0x80, $0x38;
	[tilespmem:$0x16C00] =	vst v63  }
0x3a9: {  	s17 =	sadd.s32 $0x30, s0;
	s29 =	simm.s32 $0x15418  }
0x3aa: {  	[hbm4b:s17+s3] =	stream.linear.scatter [tilespmem:s29], [sflag:$0x8], $0x80, $0x38;
	[tilespmem:$0x16C00] =	vst v63  }
0x3ab: {  	s30 =	sadd.s32 $0x40, s0;
	s31 =	simm.s32 $0x154A0  }
0x3ac: {  	[hbm4b:s30+s3] =	stream.linear.scatter [tilespmem:s31], [sflag:$0x8], $0x80, $0x38;
	[tilespmem:$0x16C00] =	vst v63  }
0x3ad: {  	s17 =	sadd.s32 $0x50, s0;
	s29 =	simm.s32 $0x15528  }
0x3ae: {  	[hbm4b:s17+s3] =	stream.linear.scatter [tilespmem:s29], [sflag:$0x8], $0x80, $0x38;
	[tilespmem:$0x16C00] =	vst v63  }
0x3af: {  	s30 =	sadd.s32 $0x60, s0;
	s31 =	simm.s32 $0x155B0  }
0x3b0: {  	[hbm4b:s30+s3] =	stream.linear.scatter [tilespmem:s31], [sflag:$0x8], $0x80, $0x38;
	[tilespmem:$0x16C00] =	vst v63  }
0x3b1: {  	s0 =	sadd.s32 $0x70, s0;
	s17 =	simm.s32 $0x15638  }
0x3b2: {  	[hbm4b:s0+s3] =	stream.linear.scatter [tilespmem:s17], [sflag:$0x8], $0x80, $0x38;
	[tilespmem:$0x16C00] =	vst v63  }
0x3b3: {  	s29 =	simm.s32 $0x156C0;
	s0 =	sadd.s32 s28, s9  }
0x3b4: {  	[hbm4b:s0+s3] =	stream.linear.scatter [tilespmem:s29], [sflag:$0x8], $0x80, $0x38;
	[tilespmem:$0x16C00] =	vst v63  }
0x3b5: {  	s31 =	simm.s32 $0x15748;
	s30 =	sadd.s32 $0x10, s0  }
0x3b6: {  	[hbm4b:s30+s3] =	stream.linear.scatter [tilespmem:s31], [sflag:$0x8], $0x80, $0x38;
	[tilespmem:$0x16C00] =	vst v63  }
0x3b7: {  	s17 =	sadd.s32 $0x20, s0;
	s29 =	simm.s32 $0x157D0  }
0x3b8: {  	[hbm4b:s17+s3] =	stream.linear.scatter [tilespmem:s29], [sflag:$0x8], $0x80, $0x38;
	[tilespmem:$0x16C00] =	vst v63  }
0x3b9: {  	s30 =	sadd.s32 $0x30, s0;
	s31 =	simm.s32 $0x15858  }
0x3ba: {  	[hbm4b:s30+s3] =	stream.linear.scatter [tilespmem:s31], [sflag:$0x8], $0x80, $0x38;
	[tilespmem:$0x16C00] =	vst v63  }
0x3bb: {  	s17 =	sadd.s32 $0x40, s0;
	s29 =	simm.s32 $0x158E0  }
0x3bc: {  	[hbm4b:s17+s3] =	stream.linear.scatter [tilespmem:s29], [sflag:$0x8], $0x80, $0x38;
	[tilespmem:$0x16C00] =	vst v63  }
0x3bd: {  	s30 =	sadd.s32 $0x50, s0;
	s31 =	simm.s32 $0x15968  }
0x3be: {  	[hbm4b:s30+s3] =	stream.linear.scatter [tilespmem:s31], [sflag:$0x8], $0x80, $0x38;
	[tilespmem:$0x16C00] =	vst v63  }
0x3bf: {  	s17 =	sadd.s32 $0x60, s0;
	s29 =	simm.s32 $0x159F0  }
0x3c0: {  	[hbm4b:s17+s3] =	stream.linear.scatter [tilespmem:s29], [sflag:$0x8], $0x80, $0x38;
	[tilespmem:$0x16C00] =	vst v63  }
0x3c1: {  	s0 =	sadd.s32 $0x70, s0;
	s30 =	simm.s32 $0x15A78  }
0x3c2: {  	[hbm4b:s0+s3] =	stream.linear.scatter [tilespmem:s30], [sflag:$0x8], $0x80, $0x38;
	[tilespmem:$0x16C00] =	vst v63  }
0x3c3: {  	s31 =	simm.s32 $0x15B00;
	s0 =	sadd.s32 s28, s10  }
0x3c4: {  	[hbm4b:s0+s3] =	stream.linear.scatter [tilespmem:s31], [sflag:$0x8], $0x80, $0x38;
	[tilespmem:$0x16C00] =	vst v63  }
0x3c5: {  	s29 =	simm.s32 $0x15B88;
	s17 =	sadd.s32 $0x10, s0  }
0x3c6: {  	[hbm4b:s17+s3] =	stream.linear.scatter [tilespmem:s29], [sflag:$0x8], $0x80, $0x38;
	[tilespmem:$0x16C00] =	vst v63  }
0x3c7: {  	s30 =	sadd.s32 $0x20, s0;
	s31 =	simm.s32 $0x15C10  }
0x3c8: {  	[hbm4b:s30+s3] =	stream.linear.scatter [tilespmem:s31], [sflag:$0x8], $0x80, $0x38;
	[tilespmem:$0x16C00] =	vst v63  }
0x3c9: {  	s17 =	sadd.s32 $0x30, s0;
	s29 =	simm.s32 $0x15C98  }
0x3ca: {  	[hbm4b:s17+s3] =	stream.linear.scatter [tilespmem:s29], [sflag:$0x8], $0x80, $0x38;
	[tilespmem:$0x16C00] =	vst v63  }
0x3cb: {  	s30 =	sadd.s32 $0x40, s0;
	s31 =	simm.s32 $0x15D20  }
0x3cc: {  	[hbm4b:s30+s3] =	stream.linear.scatter [tilespmem:s31], [sflag:$0x8], $0x80, $0x38;
	[tilespmem:$0x16C00] =	vst v63  }
0x3cd: {  	s17 =	sadd.s32 $0x50, s0;
	s29 =	simm.s32 $0x15DA8  }
0x3ce: {  	[hbm4b:s17+s3] =	stream.linear.scatter [tilespmem:s29], [sflag:$0x8], $0x80, $0x38;
	[tilespmem:$0x16C00] =	vst v63  }
0x3cf: {  	s30 =	sadd.s32 $0x60, s0;
	s31 =	simm.s32 $0x15E30  }
0x3d0: {  	[hbm4b:s30+s3] =	stream.linear.scatter [tilespmem:s31], [sflag:$0x8], $0x80, $0x38;
	[tilespmem:$0x16C00] =	vst v63  }
0x3d1: {  	s0 =	sadd.s32 $0x70, s0;
	s17 =	simm.s32 $0x15EB8  }
0x3d2: {  	[hbm4b:s0+s3] =	stream.linear.scatter [tilespmem:s17], [sflag:$0x8], $0x80, $0x38;
	[tilespmem:$0x16C00] =	vst v63  }
0x3d3: {  	s29 =	simm.s32 $0x15F40;
	s0 =	sadd.s32 s28, s11  }
0x3d4: {  	[hbm4b:s0+s3] =	stream.linear.scatter [tilespmem:s29], [sflag:$0x8], $0x80, $0x38;
	[tilespmem:$0x16C00] =	vst v63  }
0x3d5: {  	s31 =	simm.s32 $0x15FC8;
	s30 =	sadd.s32 $0x10, s0  }
0x3d6: {  	[hbm4b:s30+s3] =	stream.linear.scatter [tilespmem:s31], [sflag:$0x8], $0x80, $0x38;
	[tilespmem:$0x16C00] =	vst v63  }
0x3d7: {  	s17 =	sadd.s32 $0x20, s0;
	s29 =	simm.s32 $0x16050  }
0x3d8: {  	[hbm4b:s17+s3] =	stream.linear.scatter [tilespmem:s29], [sflag:$0x8], $0x80, $0x38;
	[tilespmem:$0x16C00] =	vst v63  }
0x3d9: {  	s30 =	sadd.s32 $0x30, s0;
	s31 =	simm.s32 $0x160D8  }
0x3da: {  	[hbm4b:s30+s3] =	stream.linear.scatter [tilespmem:s31], [sflag:$0x8], $0x80, $0x38;
	[tilespmem:$0x16C00] =	vst v63  }
0x3db: {  	s17 =	sadd.s32 $0x40, s0;
	s29 =	simm.s32 $0x16160  }
0x3dc: {  	[hbm4b:s17+s3] =	stream.linear.scatter [tilespmem:s29], [sflag:$0x8], $0x80, $0x38;
	[tilespmem:$0x16C00] =	vst v63  }
0x3dd: {  	s30 =	sadd.s32 $0x50, s0;
	s31 =	simm.s32 $0x161E8  }
0x3de: {  	[hbm4b:s30+s3] =	stream.linear.scatter [tilespmem:s31], [sflag:$0x8], $0x80, $0x38;
	[tilespmem:$0x16C00] =	vst v63  }
0x3df: {  	s17 =	sadd.s32 $0x60, s0;
	s29 =	simm.s32 $0x16270  }
0x3e0: {  	[hbm4b:s17+s3] =	stream.linear.scatter [tilespmem:s29], [sflag:$0x8], $0x80, $0x38;
	[tilespmem:$0x16C00] =	vst v63  }
0x3e1: {  	s0 =	sadd.s32 $0x70, s0;
	s30 =	simm.s32 $0x162F8  }
0x3e2: {  	[hbm4b:s0+s3] =	stream.linear.scatter [tilespmem:s30], [sflag:$0x8], $0x80, $0x38;
	[tilespmem:$0x16C00] =	vst v63  }
0x3e3: {  	s31 =	simm.s32 $0x16380;
	s0 =	sadd.s32 s28, s12  }
0x3e4: {  	[hbm4b:s0+s3] =	stream.linear.scatter [tilespmem:s31], [sflag:$0x8], $0x80, $0x38;
	[tilespmem:$0x16C00] =	vst v63  }
0x3e5: {  	s29 =	simm.s32 $0x16408;
	s17 =	sadd.s32 $0x10, s0  }
0x3e6: {  	[hbm4b:s17+s3] =	stream.linear.scatter [tilespmem:s29], [sflag:$0x8], $0x80, $0x38;
	[tilespmem:$0x16C00] =	vst v63  }
0x3e7: {  	s30 =	sadd.s32 $0x20, s0;
	s31 =	simm.s32 $0x16490  }
0x3e8: {  	[hbm4b:s30+s3] =	stream.linear.scatter [tilespmem:s31], [sflag:$0x8], $0x80, $0x38;
	[tilespmem:$0x16C00] =	vst v63  }
0x3e9: {  	s17 =	sadd.s32 $0x30, s0;
	s29 =	simm.s32 $0x16518  }
0x3ea: {  	[hbm4b:s17+s3] =	stream.linear.scatter [tilespmem:s29], [sflag:$0x8], $0x80, $0x38;
	[tilespmem:$0x16C00] =	vst v63  }
0x3eb: {  	s30 =	sadd.s32 $0x40, s0;
	s31 =	simm.s32 $0x165A0  }
0x3ec: {  	[hbm4b:s30+s3] =	stream.linear.scatter [tilespmem:s31], [sflag:$0x8], $0x80, $0x38;
	[tilespmem:$0x16C00] =	vst v63  }
0x3ed: {  	s17 =	sadd.s32 $0x50, s0;
	s29 =	simm.s32 $0x16628  }
0x3ee: {  	[hbm4b:s17+s3] =	stream.linear.scatter [tilespmem:s29], [sflag:$0x8], $0x80, $0x38;
	[tilespmem:$0x16C00] =	vst v63  }
0x3ef: {  	s30 =	sadd.s32 $0x60, s0;
	s31 =	simm.s32 $0x166B0  }
0x3f0: {  	[hbm4b:s30+s3] =	stream.linear.scatter [tilespmem:s31], [sflag:$0x8], $0x80, $0x38;
	[tilespmem:$0x16C00] =	vst v63  }
0x3f1: {  	s0 =	sadd.s32 $0x70, s0;
	s17 =	simm.s32 $0x16738  }
0x3f2: {  	[hbm4b:s0+s3] =	stream.linear.scatter [tilespmem:s17], [sflag:$0x8], $0x80, $0x38;
	[tilespmem:$0x16C00] =	vst v63  }
0x3f3: {  	s29 =	simm.s32 $0x167C0;
	s0 =	sadd.s32 s28, s13  }
0x3f4: {  	[hbm4b:s0+s3] =	stream.linear.scatter [tilespmem:s29], [sflag:$0x8], $0x80, $0x38;
	[tilespmem:$0x16C00] =	vst v63  }
0x3f5: {  	s31 =	simm.s32 $0x16848;
	s30 =	sadd.s32 $0x10, s0  }
0x3f6: {  	[hbm4b:s30+s3] =	stream.linear.scatter [tilespmem:s31], [sflag:$0x8], $0x80, $0x38;
	[tilespmem:$0x16C00] =	vst v63  }
0x3f7: {  	s28 =	sadd.s32 $0x20, s0;
	s29 =	simm.s32 $0x168D0  }
0x3f8: {  	[hbm4b:s28+s3] =	stream.linear.scatter [tilespmem:s29], [sflag:$0x8], $0x80, $0x38;
	[tilespmem:$0x16C00] =	vst v63  }
0x3f9: {  	s30 =	sadd.s32 $0x30, s0;
	s31 =	simm.s32 $0x16958  }
0x3fa: {  	[hbm4b:s30+s3] =	stream.linear.scatter [tilespmem:s31], [sflag:$0x8], $0x80, $0x38;
	[tilespmem:$0x16C00] =	vst v63  }
0x3fb: {  	s28 =	sadd.s32 $0x40, s0;
	s29 =	simm.s32 $0x169E0  }
0x3fc: {  	[hbm4b:s28+s3] =	stream.linear.scatter [tilespmem:s29], [sflag:$0x8], $0x80, $0x38;
	[tilespmem:$0x16C00] =	vst v63  }
0x3fd: {  	s30 =	sadd.s32 $0x50, s0  }
0x3fe: {  	[hbm4b:s30+s3] =	stream.linear.scatter [tilespmem:s16], [sflag:$0x8], $0x80, $0x38;
	[tilespmem:$0x16C00] =	vst v63  }
.Ltmp6:
0x3ff: {  	_ = 	snop;
	(pc) =	sbr.rel @p1 .LBB2_12-.Ltmp6, $4  }
0x400: {  	s31 =	sadd.s32 $0x60, s0  }
0x401: {  	[hbm4b:s31+s3] =	stream.linear.scatter [tilespmem:s14], [sflag:$0x8], $0x80, $0x38;
	[tilespmem:$0x16C00] =	vst v63  }
0x402: {  	s0 =	sadd.s32 $0x70, s0  }
0x403: {  	[hbm4b:s0+s3] =	stream.linear.scatter [tilespmem:s15], [sflag:$0x8], $0x80, $0x38;
	[tilespmem:$0x16C00] =	vst v63  }
.Ltmp7:
0x404: {  	(pc) =	sbr.rel .LBB2_2-.Ltmp7, $4  }
0x405: {  	s0 =	sshll.u32 s22, $0x9  }
0x406: {  	s0 =	sand.u32 $0x3FFFFE00, s0  }
0x407: {  	s1 =	simm.s32 $0xC400;
	s22 =	sadd.s32 $0x1, s22;
	s0 =	sadd.s32 $0x380, s0  }
0x408: {  	[tilespmem:s1], [sflag:$0x4] =	stream.indirect.gather [hbm4b:s4+s18], $0x40, s0, s18, $0xb8;
	[tilespmem:$0x16C00] =	vst v63  }
.LBB2_13:
0x409: {  	_ =	sfence.sel $0x180000  }
0x40a: {  	[bflag:$0x0] =	sbarrier.arrive $0xFFFF  }
0x40b: {  	_ =	strace $0x9000004A  }
0x40c: {  	s0 =	stileid.u32;
	[bflag:$0x2] =	sbarrier.arrive $0xFFFF  }
0x40d: {  	p0 =	sne.s32 s0, $0x0;
	s0 =	rddreg [dreg:$0x2]  }
0x40e: {  	s0 =	sadd.s32 @!p0 $0x100000, s0  }
0x40f: {  	[sflag:s0] =	ssyncadd.tile.s32 @!p0 $0x1;
	_ =	shalt  }
.Lfunc_end2:
_tile_overlayer_lowered:
.L_overlay_start_2:
0x410: {  	(tag) =	ssettag $0x2  }
0x411: {  	s0 =	rddreg [dreg:$0x0];
	s2 =	stileid.u32  }
0x412: {  	s1 =	rddreg [dreg:$0x1];
	p0 =	sne.s32 s2, $0x0  }
0x413: {  	s3 =	rddreg [dreg:$0x2];
	[bflag:$0x3] =	sbarrier.arrive $0xFFFF;
	s2 =	simm.s32 @!p0 $0x1C09  }
0x414: {  	[timem:s3], [sflag:s2] =	dma.local @!p0 [hbm:s0], s1  }
0x415: {  	s0 =	simm.s32 @!p0 $0x9  }
0x416: {  	_ =	swait.ge @!p0 [sflag:s0], s1  }
0x417: {  	s1 =	ssub.s32 @!p0 $0x0, s1;
	[sflag:s0] =	ssyncset.done @!p0 $0x0  }
0x418: {  	[sflag:s0] =	ssyncadd.s32 @!p0 s1  }
0x419: {  	[bflag:$0x3] =	sbarrier.arrive $0xFFFF  }
0x41a: {  	_ =	shalt  }

// kernel: sparse-core-data-format-call.cloned.1.call-start
scs
called_computation_lowered:
.L_overlay_start_0:
0x0: {  	s2 =	sld [smem:$0x3FD9]  }
0x1: {  	s3 =	sld [smem:$0x3FFE];
	_ =	sdelay $0x1  }
0x2: {  	s1 =	srdreg.scid  }
0x3: {  	s0 =	sand.u32 $0x1, s1  }
0x4: {  	s18 =	sshll.u32 s0, $0xA;
	s2 =	sadd.s32 s3, s2  }
0x5: {  	s2 =	sadd.s32 s2, s18  }
0x6: {  	[smem:$0x3FC6] =	sst s2  }
0x7: {  	_ = 	snop  }
0x8: {  	s2 =	sld [smem:$0x3FC8];
	(tm) =	ssettm $0x1  }
0x9: {  	s19 =	sld [smem:$0x3FFB];
	_ =	sdelay $0x3  }
0xa: {  	_ =	strace s19  }
0xb: {  	s3 =	sld [smem:$0x3FFC];
	_ =	sdelay $0x3  }
0xc: {  	_ =	strace s3  }
0xd: {  	s3 =	sld [smem:$0x3FFD];
	_ =	sdelay $0x3  }
0xe: {  	_ =	strace s3  }
0xf: {  	_ =	strace $0x8FFFFFFF  }
0x10: {  	s20 =	sld [smem:$0x3FDB];
	_ =	sdelay $0x1  }
0x11: {  	s4 =	simm.s32 $_scs_section_size  }
0x12: {  	s5 =	simm.s32 $_size__tile_overlayer_lowered;
	s6 =	simm.s32 $_tile_overlayer_lowered  }
0x13: {  	s23 =	simm.s32 $0x1BFF;
	s22 =	sshll.u32 s6, $0x1;
	s3 =	sadd.s32 s4, s20  }
0x14: {  	s7 =	simm.s32 $0x0;
	s21 =	sshll.u32 s5, $0x1;
	s5 =	sadd.s32 s22, s3  }
0x15: {  	[timem:s7], [sflag:s23] =	dma.local [hbm:s5], s21  }
0x16: {  	_ =	swait.ge [sflag:s23], s21  }
0x17: {  	s4 =	ssub.s32 $0x0, s21;
	[sflag:s23] =	ssyncset.done $0x0  }
0x18: {  	[sflag:s23] =	ssyncadd.s32 s4;
	_ =	sdelay $0x1  }
0x19: {  	s24 =	simm.s32 $0x1B8B  }
0x1a: {  	_ =	swait.ge [sflag:s24], $0x1  }
0x1b: {  	[sflag:s24] =	ssyncset.done $0x0  }
0x1c: {  	s26 =	simm.s32 $0x1B8E;
	s25 =	sld [smem:$0x3FFE];
	[sflag:s24] =	ssyncadd.s32 $0xFFFFFFFF  }
0x1d: {  	s27 =	simm.s32 $execute0_lowered;
	[smem:$0x3FD2] =	sst s26  }
0x1e: {  	s5 =	sshll.u32 s27, $0x1;
	_ =	strace $0x80000046;
	[dreg:$0x1] =	wrdreg $0xFFFFFFFF  }
0x1f: {  	s28 =	simm.s32 $_size_execute0_lowered;
	s3 =	sadd.s32 s3, s5;
	[dreg:$0x0] =	wrdreg $0x0  }
0x20: {  	s5 =	sshll.u32 s28, $0x1;
	[dreg:$0x2] =	wrdreg s3  }
0x21: {  	[dreg:$0x3] =	wrdreg s5  }
0x22: {  	[dreg:$0x4] =	wrdreg $0xC0  }
0x23: {  	_ =	task [dreg:s7], $0x5FFFF  }
0x24: {  	[dreg:$0x1] =	wrdreg $0xFFFFFFFF  }
0x25: {  	[dreg:$0x0] =	wrdreg $0x60  }
0x26: {  	[dreg:$0x2] =	wrdreg s2  }
0x27: {  	[dreg:$0x3] =	wrdreg s25  }
0x28: {  	[dreg:$0x4] =	wrdreg $0x9  }
0x29: {  	_ =	task.clear_ibuf [dreg:s7], $0x5FFFF;
	_ =	strace $0x90000046  }
0x2a: {  	s29 =	simm.s32 $0x9;
	_ =	strace $0x80000048  }
0x2b: {  	_ =	swait.ge [sflag:s29], $0x1  }
0x2c: {  	[sflag:s29] =	ssyncadd.s32 $0xFFFFFFFF  }
0x2d: {  	_ =	strace $0x90000048  }
0x2e: {  	_ =	sfence  }
0x2f: {  	s30 =	sld [smem:$0x0];
	_ =	sdelay $0x2  }
0x30: {  	s31 =	sshll.u32 s1, $0xD;
	s1 =	sshrl.u32 s1, $0x2  }
0x31: {  	s3 =	sand.u32 $0x4000, s31;
	s1 =	sadd.s32 s1, s30  }
0x32: {  	s0 =	sor.u32 s3, s0;
	s1 =	sshll.u32 s1, $0x11  }
0x33: {  	s0 =	sor.u32 s1, s0  }
0x34: {  	s0 =	sadd.s32 $0x8F2B, s0  }
0x35: {  	[sflag:s0] =	ssyncadd.remote.s32 $0x1  }
0x36: {  	_ =	sfence.sel $0xFFFF  }
0x37: {  	[dreg:$0x0] =	wrdreg $0xFFFFFFFF;
	(pc) =	sbr.abs _section_cstart, $3  }
0x38: {  	[dreg:$0x1] =	wrdreg $0xFFFFFFFF  }
0x39: {  	_ =	task.clear_ibuf [dreg:s7], $0x2FFFF;
	_ =	strace $0x9FFFFFFF  }
0x3a: {  	(tm) =	ssettm $0x7FFFFFFF  }
0x3b: {  	_ =	shalt  }
tec
execute0_lowered:
.L_overlay_start_1:
0x0: {  	(tag) =	ssettag $0x1  }
0x1: {  	s0 =	srdreg.scid;
	s2 =	rddreg [dreg:$0x0]  }
0x2: {  	s5 =	rddreg [dreg:$0x1];
	s1 =	stileid.u32  }
0x3: {  	s4 =	simm.s32 $0x1;
	s6 =	simm.s32 $0x2;
	s15 =	simm.s32 $0x0  }
0x4: {  	p0 =	por $0x0, $0x0;
	s8 =	simm.s32 $0x80;
	s0 =	sshll.u32 s0, $0x4  }
0x5: {  	s14 =	simm.s32 $0x0;
	s9 =	simm.s32 $0x0;
	s3 =	sand.u32 $0x10, s0  }
.Ltmp0:
0x6: {  	s10 =	simm.s32 $0x0;
	s3 =	sor.u32 s1, s3;
	(pc) =	sbr.rel .LBB1_1-.Ltmp0, $4  }
0x7: {  	s0 =	rddreg [dreg:$0x2];
	_ =	strace $0x80000047;
	s3 =	sshll.u32 s3, $0x7  }
0x8: {  	s12 =	simm.s32 $0x0;
	[sflag:s4] =	ssyncpa.u1 $0x0;
	s7 =	ssub.s32 $0xF4200, s3  }
0x9: {  	s13 =	simm.s32 $0x0;
	[sflag:s6] =	ssyncpa.u1 $0x0;
	s6 =	sshrl.u32 s7, $0xC  }
0xa: {  	s5 =	sadd.s32 $0xA00, s5;
	s11 =	smov.u32 s3;
	s7 =	sadd.s32 $0x2, s6  }
.LBB1_5:
0xb: {  	p1 =	slt.u32 s13, $0x2  }
0xc: {  	s17 =	smov.u32 s15;
	p2 =	sgt.s32 @!p1 s15, $0xF41C0;
	s16 =	sshra.s32 @!p1 s15, $0x1F  }
0xd: {  	p3 =	sgt.s32 @!p1 s14, $0x40;
	s18 =	sshra.s32 @!p1 s14, $0x1F;
	p2 =	por !p2, p1  }
0xe: {  	s15 =	sand.u32 @!p1 s16, s15;
	p3 =	por !p3, p1;
	s16 =	smov.u32 s14  }
0xf: {  	s14 =	sand.u32 @!p1 s18, s14;
	s17 =	simm.s32 @p2 $0xF41C0;
	s16 =	simm.s32 @p3 $0x40  }
0x10: {  	s15 =	ssub.s32 @!p1 s17, s15;
	s14 =	ssub.s32 @!p1 s16, s14  }
0x11: {  	s18 =	smov.u32 s12;
	s16 =	sadd.s32 @!p1 $0xFFF0BE40, s15;
	s17 =	sadd.s32 @!p1 $0xFFFFFFC0, s14  }
0x12: {  	s15 =	ssub.s32 @!p1 $0xF4240, s15;
	p2 =	sgt.s32 @!p1 s16, $0x7F;
	p3 =	sgt.s32 @!p1 s17, $0x3F  }
0x13: {  	s14 =	ssub.s32 @!p1 $0x80, s14;
	p2 =	por !p2, p1;
	p3 =	por !p3, p1  }
0x14: {  	s16 =	sadd.s32 $0x1000, s11;
	s15 =	simm.s32 @!p2 $0x0;
	s14 =	simm.s32 @!p3 $0x0  }
0x15: {  	p2 =	sgt.s32 s16, $0xF423F;
	s14 =	smul.u32 @!p1 s14, s15;
	s15 =	sadd.s32 $0x40, s12  }
0x16: {  	s18 =	smov.u32 @p2 s15  }
0x17: {  	s16 =	smov.u32 @p2 s3;
	p2 =	sgt.s32 s18, $0x3F  }
0x18: {  	s18 =	simm.s32 @p2 $0x0;
	p2 =	sne.s32 s13, s7  }
.Ltmp1:
0x19: {  	p0 =	por !p0, !p0;
	s17 =	simm.s32 @!p1 $0x2;
	(pc) =	sbr.rel @!p2 .LBB1_6-.Ltmp1, $4  }
0x1a: {  	s15 =	smov.u32 s9;
	s9 =	smov.u32 s11;
	s14 =	sand.u32 @!p1 $0x3FFFFFFF, s14  }
0x1b: {  	s11 =	smov.u32 s16;
	_ =	swait.ge @!p1 [sflag:s17], s14;
	s19 =	ssub.s32 @!p1 $0x0, s14  }
0x1c: {  	s14 =	smov.u32 s10;
	s13 =	sadd.s32 $0x1, s13;
	[sflag:s17] =	ssyncset.done @!p1 $0x0  }
0x1d: {  	s10 =	smov.u32 s12;
	s12 =	smov.u32 s18;
	[sflag:s17] =	ssyncadd.s32 @!p1 s19  }
.LBB1_1:
0x1e: {  	p1 =	sgt.u32 s13, s6  }
0x1f: {  	s16 =	sshrl.u32 @!p1 s12, $0x3  }
0x20: {  	s17 =	sshll.u32 @!p1 s11, $0x3;
	s16 =	smul.u32 @!p1 $0x7A1400, s16  }
0x21: {  	s18 =	sshll.u32 @!p1 s12, $0x7;
	s17 =	sand.u32 @!p1 $0xFFFFFC00, s17  }
0x22: {  	s16 =	sadd.s32 @!p1 s16, s17;
	s17 =	sand.u32 @!p1 $0x380, s18  }
0x23: {  	s18 =	sand.u32 @!p1 $0x7F, s11;
	s16 =	sor.u32 @!p1 s17, s16  }
0x24: {  	s17 =	sor.u32 @!p1 s18, s16  }
0x25: {  	s18 =	smulhi.u32 @!p1 $0x218D6287, s17;
	_ =	sdelay $0x1  }
0x26: {  	s16 =	smulhi.u32 @!p1 $0x218D6287, s16;
	s18 =	sshrl.u32 @!p1 s18, $0x11  }
0x27: {  	s18 =	smul.u32 @!p1 $0xF4280, s18  }
0x28: {  	s19 =	sxor.u32 @!p1 $0xFFFFFFFF, s13;
	s16 =	sshrl.u32 @!p1 s16, $0x11  }
0x29: {  	s19 =	sshll.u32 @!p1 s19, $0xD;
	s16 =	sand.u32 @!p1 $0x3F, s16;
	s17 =	ssub.s32 @!p1 s17, s18  }
0x2a: {  	s16 =	smul.u32 @!p1 $0x1E850, s16;
	s18 =	sshrl.u32 @!p1 s17, $0x3;
	s17 =	sand.u32 @!p1 $0x7, s17  }
0x2b: {  	s19 =	sand.u32 @!p1 $0x2000, s19;
	s18 =	sadd.s32 @!p1 s2, s18;
	s17 =	sshll.u32 @!p1 s17, $0x12  }
0x2c: {  	s16 =	sadd.s32 @!p1 s16, s18;
	s17 =	sor.u32 @!p1 $0x400, s17;
	s18 =	simm.s32 @!p1 $0x7A1400  }
0x2d: {  	[tilespmem:s19], [sflag:$0x1] =	stream.strided.gather @!p1 [hbm4b:s16+s17], $0x2000, s18, s17, $0x38;
	[tilespmem:$0x8100] =	vst v63  }
0x2e: {  	p1 =	seq.s32 s13, $0x0  }
0x2f: {  	p2 =	sge.u32 @!p1 s13, s7  }
0x30: {  	p1 =	por p1, p2  }
.Ltmp2:
0x31: {  	_ = 	snop;
	(pc) =	sbr.rel @p1 .LBB1_5-.Ltmp2, $1  }
0x32: {  	_ =	sdelay $0x3  }
0x33: {  	s16 =	simm.s32 $0x1  }
0x34: {  	_ =	swait.ge [sflag:s4], $0x2000;
	s16 =	simm.s32 @!p0 $0x0  }
0x35: {  	[sflag:s4] =	ssyncset.done $0x0;
	s17 =	sshll.u32 s16, $0xD  }
0x36: {  	[sflag:s4] =	ssyncadd.s32 $0xFFFFE000;
	s17 =	sor.u32 $0x40, s17  }
0x37: {  	s16 =	smul.u32 $0x8200, s16;
	v0 =	vld [tilespmem:s17+$0x30]  }
0x38: {  	v1 =	vld [tilespmem:s17+$0xFFFFFFD0]  }
0x39: {  	s16 =	sshrl.u32 s16, $0x2;
	v5 =	vld [tilespmem:s17+$0xFFFFFFE0]  }
0x3a: {  	v6 =	vld [tilespmem:s17+$0xFFFFFFF0];
	s19 =	sor.u32 $0x4000, s16  }
0x3b: {  	s31 =	sand.u32 $0x1, s13;
	v4 =	vld [tilespmem:s17+$0x0];
	s18 =	sadd.s32 $0x0, s19  }
0x3c: {  	v3 =	vld [tilespmem:s17+$0x10];
	s16 =	smul.u32 $0x8200, s31;
	[tilespmem:s18+$0x1C70 ss:$0x41] =	vst.msk $0xffff, v0  }
0x3d: {  	v2 =	vld [tilespmem:s17+$0x20];
	[tilespmem:s18+$0x410 ss:$0x41] =	vst.msk $0xffff, v1  }
0x3e: {  	s16 =	sshrl.u32 s16, $0x2;
	v1 =	vld [tilespmem:s17+$0xFFFFFFC0];
	[tilespmem:s18+$0x820 ss:$0x41] =	vst.msk $0xffff, v5;
	s17 =	sadd.s32 $0x80, s17  }
0x3f: {  	s20 =	simm.s32 $0x4;
	s21 =	simm.s32 $0x8;
	s16 =	sor.u32 $0x4000, s16;
	[tilespmem:s18+$0xC30 ss:$0x41] =	vst.msk $0xffff, v6;
	v0 =	vld [tilespmem:s17+$0x30]  }
.LBB1_3:
0x40: {  	p1 =	sne.s32 s21, $0xFC;
	v5 =	vld [tilespmem:s17+$0xFFFFFFD0];
	[tilespmem:s18+$0x1040 ss:$0x41] =	vst.msk $0xffff, v4  }
0x41: {  	v6 =	vld [tilespmem:s17+$0xFFFFFFE0];
	[tilespmem:s18+$0x1450 ss:$0x41] =	vst.msk $0xffff, v3  }
0x42: {  	s22 =	sshra.s32 s20, $0x2;
	s20 =	smov.u32 s21;
	v7 =	vld [tilespmem:s17+$0xFFFFFFF0];
	[tilespmem:s18+$0x1860 ss:$0x41] =	vst.msk $0xffff, v2  }
.Ltmp3:
0x43: {  	v4 =	vld [tilespmem:s17+$0x0];
	[tilespmem:s18+$0x0 ss:$0x41] =	vst.msk $0xffff, v1;
	s18 =	sadd.s32 s22, s19;
	(pc) =	sbr.rel @p1 .LBB1_3-.Ltmp3, $4  }
0x44: {  	v3 =	vld [tilespmem:s17+$0x10];
	[tilespmem:s18+$0x1C70 ss:$0x41] =	vst.msk $0xffff, v0  }
0x45: {  	[tilespmem:s18+$0x410 ss:$0x41] =	vst.msk $0xffff, v5;
	v2 =	vld [tilespmem:s17+$0x20]  }
0x46: {  	v1 =	vld [tilespmem:s17+$0xFFFFFFC0];
	[tilespmem:s18+$0x820 ss:$0x41] =	vst.msk $0xffff, v6;
	s17 =	sadd.s32 $0x80, s17  }
0x47: {  	s21 =	sadd.s32 $0x4, s21;
	v0 =	vld [tilespmem:s17+$0x30];
	[tilespmem:s18+$0xC30 ss:$0x41] =	vst.msk $0xffff, v7  }
0x48: {  	s21 =	sshll.u32 s9, $0x7;
	s22 =	sshll.u32 s10, $0x3;
	s20 =	sshra.s32 s20, $0x2  }
0x49: {  	p1 =	sgt.s32 s9, $0xF41C0;
	s30 =	sshra.s32 s9, $0x1F;
	s25 =	sshra.s32 s10, $0x1F  }
0x4a: {  	v5 =	vld [tilespmem:s17+$0xFFFFFFD0];
	s28 =	sshrl.u32 s10, $0x3;
	s23 =	sand.u32 $0xFFFFFC00, s21;
	s22 =	sand.u32 $0xFFFFFC00, s22  }
0x4b: {  	[tilespmem:s18+$0x1040 ss:$0x41] =	vst.msk $0xffff, v4;
	v58 =	vld [tilespmem:s17+$0xFFFFFFE0];
	s21 =	sand.u32 $0x380, s21;
	s19 =	sadd.s32 s20, s19;
	s22 =	sadd.s32 s22, s23  }
0x4c: {  	v59 =	vld [tilespmem:s17+$0xFFFFFFF0];
	[tilespmem:s18+$0x1450 ss:$0x41] =	vst.msk $0xffff, v3;
	s29 =	sor.u32 s21, s22;
	s21 =	smov.u32 s9;
	s22 =	sand.u32 s30, s9  }
0x4d: {  	v60 =	vld [tilespmem:s17+$0x0];
	[tilespmem:s18+$0x1860 ss:$0x41] =	vst.msk $0xffff, v2;
	s30 =	sand.u32 $0x7, s10;
	s20 =	sshrl.u32 s29, $0x7;
	s21 =	simm.s32 @!p1 $0xF41C0  }
0x4e: {  	v61 =	vld [tilespmem:s17+$0x10];
	[tilespmem:s18+$0x0 ss:$0x41] =	vst.msk $0xffff, v1;
	p1 =	sgt.s32 s10, $0x40;
	s24 =	ssub.s32 s21, s22;
	s21 =	smov.u32 s10  }
0x4f: {  	v62 =	vld [tilespmem:s17+$0x20];
	[tilespmem:s19+$0x1C70 ss:$0x41] =	vst.msk $0xffff, v0;
	s31 =	smulhi.u32 $0x218DEF5, s20;
	s22 =	sand.u32 s25, s10;
	s21 =	simm.s32 @!p1 $0x40  }
0x50: {  	v63 =	vld [tilespmem:s17+$0xFFFFFFC0];
	[tilespmem:s19+$0x410 ss:$0x41] =	vst.msk $0xffff, v5;
	s26 =	sadd.s32 $0xFFF0BE40, s24;
	s17 =	ssub.s32 $0xF4240, s24;
	s21 =	ssub.s32 s21, s22  }
0x51: {  	[tilespmem:s19+$0x820 ss:$0x41] =	vst.msk $0xffff, v58;
	s23 =	sshrl.u32 s31, $0xD;
	p1 =	sgt.s32 s26, $0x7F;
	s27 =	sadd.s32 $0xFFFFFFC0, s21  }
0x52: {  	[tilespmem:s19+$0xC30 ss:$0x41] =	vst.msk $0xffff, v59;
	s23 =	smul.u32 $0xF4240, s23;
	s18 =	ssub.s32 $0x80, s21;
	p2 =	sgt.s32 s27, $0x3F  }
.Ltmp4:
0x53: {  	[tilespmem:s19+$0x1040 ss:$0x41] =	vst.msk $0xffff, v60;
	s17 =	simm.s32 @p1 $0x0;
	s18 =	simm.s32 @p2 $0x0;
	(pc) =	sbr.rel .LBB1_5-.Ltmp4, $4  }
0x54: {  	s29 =	sand.u32 $0xF, s28;
	[tilespmem:s19+$0x1450 ss:$0x41] =	vst.msk $0xffff, v61;
	s20 =	ssub.s32 s20, s23;
	s17 =	smul.u32 s18, s17  }
0x55: {  	[tilespmem:s19+$0x1860 ss:$0x41] =	vst.msk $0xffff, v62;
	s21 =	sshll.u32 s30, $0x12;
	s20 =	sshll.u32 s20, $0x4;
	s18 =	sadd.s32 s5, s29  }
0x56: {  	[tilespmem:s19+$0x0 ss:$0x41] =	vst.msk $0xffff, v63;
	s31 =	sor.u32 $0x40, s21;
	s18 =	sadd.s32 s20, s18;
	s17 =	sand.u32 $0x3FFFFFFF, s17  }
0x57: {  	[hbm4b:s18+s31] =	stream.strided.scatter [tilespmem:s16], [sflag:$0x2], s17, s8, s31, $0x18;
	[tilespmem:$0x8100] =	vst v63  }
.LBB1_6:
0x58: {  	_ =	sfence.sel $0x180000  }
0x59: {  	s2 =	simm.s32 $0x1;
	[bflag:$0x0] =	sbarrier.arrive $0xFFFF  }
0x5a: {  	s31 =	simm.s32 $0x2;
	[sflag:s2] =	ssyncpa.u1 $0x1  }
0x5b: {  	[sflag:s31] =	ssyncpa.u1 $0x1  }
0x5c: {  	p0 =	sne.s32 s1, $0x0;
	_ =	strace $0x90000047  }
0x5d: {  	s0 =	sadd.s32 @!p0 $0x100000, s0;
	[bflag:$0x2] =	sbarrier.arrive $0xFFFF  }
0x5e: {  	[sflag:s0] =	ssyncadd.tile.s32 @!p0 $0x1;
	_ =	shalt  }
.Lfunc_end1:
_tile_overlayer_lowered:
.L_overlay_start_2:
0x5f: {  	(tag) =	ssettag $0x2  }
0x60: {  	s0 =	rddreg [dreg:$0x0];
	s2 =	stileid.u32  }
0x61: {  	s1 =	rddreg [dreg:$0x1];
	p0 =	sne.s32 s2, $0x0  }
0x62: {  	s3 =	rddreg [dreg:$0x2];
	[bflag:$0x3] =	sbarrier.arrive $0xFFFF;
	s2 =	simm.s32 @!p0 $0x1C01  }
0x63: {  	[timem:s3], [sflag:s2] =	dma.local @!p0 [hbm:s0], s1  }
0x64: {  	s0 =	simm.s32 @!p0 $0x1  }
0x65: {  	_ =	swait.ge @!p0 [sflag:s0], s1  }
0x66: {  	s1 =	ssub.s32 @!p0 $0x0, s1;
	[sflag:s0] =	ssyncset.done @!p0 $0x0  }
0x67: {  	[sflag:s0] =	ssyncadd.s32 @!p0 s1  }
0x68: {  	[bflag:$0x3] =	sbarrier.arrive $0xFFFF  }
0x69: {  	_ =	shalt  }

</sc_bundles>
